<compile_context>
chip_gen: v7x
topology: tpu7x:2x2x1
jax: 0.10.2.dev20260603
libtpu: 0.0.44.dev20260713+nightly
codegen_flags: <defaults>
</compile_context>

<pallas_src>
import functools

import jax
import jax.numpy as jnp
from jax import lax
from jax.experimental import pallas as pl
from jax.experimental.pallas import tpu as pltpu
from jax.experimental.pallas import tpu_sc as plsc

N = 10000
NP = 10240
E = 320000
D = 128

NC = 2
NS = 16
NW = NC * NS
K = 40
ROWS = E // K
RPT = ROWS // NW
DK = 80
DROWS = E // DK
DRPT = DROWS // NW
NPT = NP // NS
DEGW = 16

_SC_PARAMS = pltpu.CompilerParams(use_tc_tiling_on_sc=False)
_MESH = dict(core_axis_name="c", subcore_axis_name="s")


def _zero_2d(ref, nrows, ncols):
    def row(r, carry):
        for j in range(ncols // 16):
            ref[r, pl.ds(j * 16, 16)] = jnp.zeros((16,), jnp.float32)
        return carry
    lax.fori_loop(0, nrows, row, 0)


def _sc_agg_body(h_hbm, src_hbm, dst_hbm, part_hbm, srcbuf, dstbuf, rows_all,
                 acc, gsem0, gsem1, gsem2, gsem3, gsem4, ssem0):
    NB = 5
    bufs = [rows_all.at[pl.ds(b * K, K)] for b in range(NB)]
    gsem = (gsem0, gsem1, gsem2, gsem3, gsem4)
    rows0 = bufs[0]

    c = lax.axis_index("c")
    s = lax.axis_index("s")
    wid = c * NS + s

    _zero_2d(rows0, K, D)
    pltpu.async_copy(src_hbm.at[wid], srcbuf, gsem0)
    pltpu.async_copy(dst_hbm.at[wid], dstbuf, gsem1)
    for r in range(NPT // 40):
        pltpu.async_copy(rows0.at[pl.ds(0, 40)],
                         acc.at[pl.ds(s * NPT + r * 40, 40)], ssem0)
    pltpu.make_async_copy(src_hbm.at[wid], srcbuf, gsem0).wait()
    pltpu.make_async_copy(dst_hbm.at[wid], dstbuf, gsem1).wait()
    for r in range(NPT // 40):
        pltpu.make_async_copy(rows0.at[pl.ds(0, 40)],
                              acc.at[pl.ds(s * NPT, 40)], ssem0).wait()
    plsc.subcore_barrier()

    for b in range(NB):
        pltpu.async_copy(h_hbm.at[srcbuf.at[b]], bufs[b], gsem[b])

    def step(i, carry):
        for b in range(NB):
            j = i * NB + b
            pltpu.make_async_copy(h_hbm.at[srcbuf.at[j]], bufs[b],
                                  gsem[b]).wait()
            pltpu.sync_copy(bufs[b], acc.at[dstbuf.at[j]], add=True)

            @pl.when(j + NB < RPT)
            def _():
                pltpu.async_copy(h_hbm.at[srcbuf.at[j + NB]], bufs[b],
                                 gsem[b])
        return carry
    lax.fori_loop(0, RPT // NB, step, 0)

    plsc.subcore_barrier()

    pltpu.sync_copy(acc.at[pl.ds(s * NPT, NPT)],
                    part_hbm.at[c, pl.ds(s * NPT, NPT)])


def _make_sc_agg():
    return pl.kernel(
        _sc_agg_body,
        out_type=jax.ShapeDtypeStruct((NC, NP, D), jnp.float32),
        mesh=plsc.VectorSubcoreMesh(**_MESH),
        scratch_types=(
            pltpu.VMEM((RPT, K), jnp.int32),
            pltpu.VMEM((RPT, K), jnp.int32),
            pltpu.VMEM((5 * K, D), jnp.float32),
            pltpu.VMEM_SHARED((NP, D), jnp.float32),
        ) + tuple(pltpu.SemaphoreType.DMA for _ in range(6)),
        compiler_params=_SC_PARAMS,
    )


def _sc_deg_body(dst_hbm, degp_hbm, dstbuf, onesb, degacc, sem):
    c = lax.axis_index("c")
    s = lax.axis_index("s")
    wid = c * NS + s

    pltpu.sync_copy(dst_hbm.at[wid], dstbuf)

    _zero_2d(onesb, DK, DEGW)
    for r in range(NPT // DK):
        pltpu.sync_copy(onesb, degacc.at[pl.ds(s * NPT + r * DK, DK)])

    def orow(r, carry):
        onesb[r, pl.ds(0, 16)] = jnp.ones((16,), jnp.float32)
        return carry
    lax.fori_loop(0, DK, orow, 0)
    plsc.subcore_barrier()

    def fire(j, carry):
        pltpu.async_copy(onesb, degacc.at[dstbuf.at[j]], sem, add=True)
        return carry
    lax.fori_loop(0, DRPT, fire, 0)

    def drain(j, carry):
        pltpu.make_async_copy(onesb, degacc.at[dstbuf.at[0]], sem).wait()
        return carry
    lax.fori_loop(0, DRPT, drain, 0)

    plsc.subcore_barrier()
    pltpu.sync_copy(degacc.at[pl.ds(s * NPT, NPT)],
                    degp_hbm.at[c, pl.ds(s * NPT, NPT)])


def _make_sc_deg():
    return pl.kernel(
        _sc_deg_body,
        out_type=jax.ShapeDtypeStruct((NC, NP, DEGW), jnp.float32),
        mesh=plsc.VectorSubcoreMesh(**_MESH),
        scratch_types=(
            pltpu.VMEM((DRPT, DK), jnp.int32),
            pltpu.VMEM((DK, DEGW), jnp.float32),
            pltpu.VMEM_SHARED((NP, DEGW), jnp.float32),
            pltpu.SemaphoreType.DMA,
        ),
        compiler_params=_SC_PARAMS,
    )


def _tc_block_body(residual, p_ref, degp_ref, h_ref, w_ref, b_ref, o_ref):
    deg = degp_ref[0, :, 0:1] + degp_ref[1, :, 0:1]
    agg = (p_ref[0] + p_ref[1]) / jnp.maximum(deg, 1.0)
    y = jnp.dot(agg, w_ref[...], preferred_element_type=jnp.float32)
    y = jnp.maximum(y + b_ref[...], 0.0)
    if residual:
        y = y + h_ref[...]
    o_ref[...] = y


def _make_tc_block(residual):
    BN = 1000
    return pl.pallas_call(
        functools.partial(_tc_block_body, residual),
        grid=(N // BN,),
        in_specs=[
            pl.BlockSpec((NC, BN, D), lambda i: (0, i, 0)),
            pl.BlockSpec((NC, BN, DEGW), lambda i: (0, i, 0)),
            pl.BlockSpec((BN, D), lambda i: (i, 0)),
            pl.BlockSpec((D, D), lambda i: (0, 0)),
            pl.BlockSpec((1, D), lambda i: (0, 0)),
        ],
        out_specs=pl.BlockSpec((BN, D), lambda i: (i, 0)),
        out_shape=jax.ShapeDtypeStruct((N, D), jnp.float32),
    )


def kernel(h, W1, b1, W2, b2, W3, b3, edge_index):
    src = edge_index[0].astype(jnp.int32).reshape(NW, RPT, K)
    dst = edge_index[1].astype(jnp.int32).reshape(NW, RPT, K)
    dstd = edge_index[1].astype(jnp.int32).reshape(NW, DRPT, DK)

    deg_k = _make_sc_deg()
    agg = _make_sc_agg()
    blk_res = _make_tc_block(True)
    blk_last = _make_tc_block(False)

    degp = deg_k(dstd)

    part = agg(h, src, dst)
    h1 = blk_res(part, degp, h, W1, b1.reshape(1, D))
    part = agg(h1, src, dst)
    h2 = blk_res(part, degp, h1, W2, b2.reshape(1, D))
    part = agg(h2, src, dst)
    h3 = blk_last(part, degp, h2, W3, b3.reshape(1, D))
    return h3

# --- scband reference (transcript-rebuilt; emitter-appended) ---
"""Pipeline reference for scband-stacked-spatial-gcns-26826365731389 (READ-ONLY COPY).

The authoritative reference and input builder live on the scoring server;
editing this copy changes nothing except your own understanding.
"""

import jax, jax.numpy as jnp
import numpy as np

N = 10000
E = 320000
D = 128


def gcn_block(h, edge_index, W, b):
    # spatial GCN block: mean-aggregate neighbor messages, then linear + ReLU
    src = edge_index[0]
    dst = edge_index[1]
    msgs = jnp.take(h, src, axis=0)                      # gather  [E, D]
    agg = jax.ops.segment_sum(msgs, dst, num_segments=h.shape[0])  # scatter-add [N, D]
    deg = jax.ops.segment_sum(jnp.ones((src.shape[0],), dtype=h.dtype), dst,
                              num_segments=h.shape[0])
    agg = agg / jnp.maximum(deg, 1.0)[:, None]
    return jax.nn.relu(agg @ W + b)


def setup_inputs(seed: int = 0):
    key = jax.random.key(seed)
    ks = jax.random.split(key, 8)
    h = jax.random.normal(ks[0], (N, D), dtype=jnp.float32)
    edge_index = jax.random.randint(ks[1], (2, E), 0, N)
    W1 = jax.random.normal(ks[2], (D, D), dtype=jnp.float32) * 0.05
    b1 = jnp.zeros((D,), dtype=jnp.float32)
    W2 = jax.random.normal(ks[3], (D, D), dtype=jnp.float32) * 0.05
    b2 = jnp.zeros((D,), dtype=jnp.float32)
    W3 = jax.random.normal(ks[4], (D, D), dtype=jnp.float32) * 0.05
    b3 = jnp.zeros((D,), dtype=jnp.float32)
    return {"h": h, "W1": W1, "b1": b1, "W2": W2, "b2": b2, "W3": W3, "b3": b3,
            "edge_index": edge_index}


def reference(h, W1, b1, W2, b2, W3, b3, edge_index):
    # stackedSpatialGCNs: residual add between all blocks except the last
    h = h + gcn_block(h, edge_index, W1, b1)
    h = h + gcn_block(h, edge_index, W2, b2)
    h = gcn_block(h, edge_index, W3, b3)
    return h

if __name__ == "__main__":
    import jax
    _d = setup_inputs()
    print(jax.jit(kernel)(*tuple(_d.values())))

</pallas_src>

<mosaic_0001>
#map = affine_map<(d0, d1) -> (0, 0, 0)>
module attributes {stable_mosaic.version = 14 : i64} {
  func.func @_sc_deg_body(%arg0: i32, %arg1: i32, %arg2: memref<32x125x80xi32, #tpu.memory_space<hbm>>, %arg3: memref<2x10240x16xf32, #tpu.memory_space<hbm>>, %arg4: memref<125x80xi32, #tpu.memory_space<vmem>>, %arg5: memref<80x16xf32, #tpu.memory_space<vmem>>, %arg6: memref<10240x16xf32, #tpu.memory_space<vmem_shared>>, %arg7: memref<!tpu.dma_semaphore, #tpu.memory_space<semaphore_mem>>) attributes {dimension_semantics = [#tpu.dimension_semantics<core_parallel>, #tpu.dimension_semantics<subcore_parallel>], iteration_bounds = array<i64: 2, 16>, scalar_prefetch = 0 : i64, scratch_operands = 4 : i64, tpu.core_type = #tpu.core_type<sc_vector_subcore>, window_params = [{transform_indices = #map}, {transform_indices = #map}]} {
    %mul3A = arith.constant 16 : i32
    %mul3A_0 = arith.muli %arg0, %mul3A : i32
    %add3A = arith.addi %mul3A_0, %arg1 : i32
    "tpu.region"() ({
      %run_scoped3A = tpu.sem_alloc : memref<!tpu.dma_semaphore, #tpu.memory_space<semaphore_mem>>
      %dma_start3A = arith.constant 0 : i32
      %dma_start3A_61 = arith.constant 0 : i32
      %dma_start3A_62 = tpu.memref_slice %arg2[%add3A, %dma_start3A, %dma_start3A_61] : memref<32x125x80xi32, #tpu.memory_space<hbm>> -> memref<1x125x80xi32, #tpu.memory_space<hbm>>
      %dma_start3A_63 = tpu.memref_squeeze %dma_start3A_62 : memref<1x125x80xi32, #tpu.memory_space<hbm>> -> memref<125x80xi32, #tpu.memory_space<hbm>>
      %dma_start3A_64 = arith.constant 0 : i32
      %dma_start3A_65 = arith.constant 0 : i32
      %dma_start3A_66 = tpu.memref_slice %arg2[%add3A, %dma_start3A_64, %dma_start3A_65] : memref<32x125x80xi32, #tpu.memory_space<hbm>> -> memref<1x125x80xi32, #tpu.memory_space<hbm>>
      %dma_start3A_67 = tpu.memref_squeeze %dma_start3A_66 : memref<1x125x80xi32, #tpu.memory_space<hbm>> -> memref<125x80xi32, #tpu.memory_space<hbm>>
      tpu.enqueue_dma source(%dma_start3A_67 : memref<125x80xi32, #tpu.memory_space<hbm>>) target(%arg4 : memref<125x80xi32, #tpu.memory_space<vmem>>) target_semaphore(%run_scoped3A : memref<!tpu.dma_semaphore, #tpu.memory_space<semaphore_mem>>)
      %dma_wait3A = arith.constant 0 : i32
      %dma_wait3A_68 = arith.constant 0 : i32
      %dma_wait3A_69 = tpu.memref_slice %arg2[%add3A, %dma_wait3A, %dma_wait3A_68] : memref<32x125x80xi32, #tpu.memory_space<hbm>> -> memref<1x125x80xi32, #tpu.memory_space<hbm>>
      %dma_wait3A_70 = tpu.memref_squeeze %dma_wait3A_69 : memref<1x125x80xi32, #tpu.memory_space<hbm>> -> memref<125x80xi32, #tpu.memory_space<hbm>>
      %dma_wait3A_71 = arith.constant 0 : i32
      %dma_wait3A_72 = arith.constant 0 : i32
      %dma_wait3A_73 = tpu.memref_slice %arg2[%add3A, %dma_wait3A_71, %dma_wait3A_72] : memref<32x125x80xi32, #tpu.memory_space<hbm>> -> memref<1x125x80xi32, #tpu.memory_space<hbm>>
      %dma_wait3A_74 = tpu.memref_squeeze %dma_wait3A_73 : memref<1x125x80xi32, #tpu.memory_space<hbm>> -> memref<125x80xi32, #tpu.memory_space<hbm>>
      tpu.wait_dma2 semaphore(%run_scoped3A : memref<!tpu.dma_semaphore, #tpu.memory_space<semaphore_mem>>) src(%dma_wait3A_74 : memref<125x80xi32, #tpu.memory_space<hbm>>) dst(%arg4 : memref<125x80xi32, #tpu.memory_space<vmem>>)
      tpu.yield
    }) : () -> ()
    %scan3A = arith.constant 0 : i32
    %scan3A_1 = arith.constant 0 : i32
    %scan3A_2 = arith.constant 80 : i32
    %scan3A_3 = arith.addi %scan3A_1, %scan3A_2 : i32
    %scan3A_4 = arith.constant 1 : i32
    scf.for %scan3A_61 = %scan3A_1 to %scan3A_3 step %scan3A_4  : i32 {
      %broadcast_in_dim3A = arith.constant 0.000000e+00 : f32
      %broadcast_in_dim3A_62 = vector.broadcast %broadcast_in_dim3A : f32 to vector<16xf32>
      %swap3A = arith.index_cast %scan3A_61 : i32 to index
      %swap3A_63 = arith.constant 0 : index
      %swap3A_64 = tpu.vector_load %arg5[%swap3A, %swap3A_63] {strides = array<i32>} : memref<80x16xf32, #tpu.memory_space<vmem>>, vector<1x16xf32>,
      %swap3A_65 = vector.shape_cast %swap3A_64 : vector<1x16xf32> to vector<16xf32>
      %swap3A_66 = vector.shape_cast %broadcast_in_dim3A_62 : vector<16xf32> to vector<1x16xf32>
      tpu.vector_store %arg5[%swap3A, %swap3A_63], %swap3A_66 {strides = array<i32>} : memref<80x16xf32, #tpu.memory_space<vmem>>, vector<1x16xf32>,
    }
    %scan3A_5 = arith.constant 80 : i32
    %mul3A_6 = arith.constant 640 : i32
    %mul3A_7 = arith.muli %arg1, %mul3A_6 : i32
    %add3A_8 = arith.constant 0 : i32
    %add3A_9 = arith.addi %mul3A_7, %add3A_8 : i32
    "tpu.region"() ({
      %run_scoped3A = tpu.sem_alloc : memref<!tpu.dma_semaphore, #tpu.memory_space<semaphore_mem>>
      %dma_start3A = arith.constant 0 : i32
      %dma_start3A_61 = tpu.memref_slice %arg6[%add3A_9, %dma_start3A] : memref<10240x16xf32, #tpu.memory_space<vmem_shared>> -> memref<80x16xf32, #tpu.memory_space<vmem_shared>>
      %dma_start3A_62 = arith.constant 0 : i32
      %dma_start3A_63 = tpu.memref_slice %arg6[%add3A_9, %dma_start3A_62] : memref<10240x16xf32, #tpu.memory_space<vmem_shared>> -> memref<80x16xf32, #tpu.memory_space<vmem_shared>>
      tpu.enqueue_dma source(%arg5 : memref<80x16xf32, #tpu.memory_space<vmem>>) target(%dma_start3A_63 : memref<80x16xf32, #tpu.memory_space<vmem_shared>>) target_semaphore(%run_scoped3A : memref<!tpu.dma_semaphore, #tpu.memory_space<semaphore_mem>>)
      %dma_wait3A = arith.constant 0 : i32
      %dma_wait3A_64 = tpu.memref_slice %arg6[%add3A_9, %dma_wait3A] : memref<10240x16xf32, #tpu.memory_space<vmem_shared>> -> memref<80x16xf32, #tpu.memory_space<vmem_shared>>
      %dma_wait3A_65 = arith.constant 0 : i32
      %dma_wait3A_66 = tpu.memref_slice %arg6[%add3A_9, %dma_wait3A_65] : memref<10240x16xf32, #tpu.memory_space<vmem_shared>> -> memref<80x16xf32, #tpu.memory_space<vmem_shared>>
      tpu.wait_dma2 semaphore(%run_scoped3A : memref<!tpu.dma_semaphore, #tpu.memory_space<semaphore_mem>>) src(%arg5 : memref<80x16xf32, #tpu.memory_space<vmem>>) dst(%dma_wait3A_66 : memref<80x16xf32, #tpu.memory_space<vmem_shared>>)
      tpu.yield
    }) : () -> ()
    %mul3A_10 = arith.constant 640 : i32
    %mul3A_11 = arith.muli %arg1, %mul3A_10 : i32
    %add3A_12 = arith.constant 80 : i32
    %add3A_13 = arith.addi %mul3A_11, %add3A_12 : i32
    "tpu.region"() ({
      %run_scoped3A = tpu.sem_alloc : memref<!tpu.dma_semaphore, #tpu.memory_space<semaphore_mem>>
      %dma_start3A = arith.constant 0 : i32
      %dma_start3A_61 = tpu.memref_slice %arg6[%add3A_13, %dma_start3A] : memref<10240x16xf32, #tpu.memory_space<vmem_shared>> -> memref<80x16xf32, #tpu.memory_space<vmem_shared>>
      %dma_start3A_62 = arith.constant 0 : i32
      %dma_start3A_63 = tpu.memref_slice %arg6[%add3A_13, %dma_start3A_62] : memref<10240x16xf32, #tpu.memory_space<vmem_shared>> -> memref<80x16xf32, #tpu.memory_space<vmem_shared>>
      tpu.enqueue_dma source(%arg5 : memref<80x16xf32, #tpu.memory_space<vmem>>) target(%dma_start3A_63 : memref<80x16xf32, #tpu.memory_space<vmem_shared>>) target_semaphore(%run_scoped3A : memref<!tpu.dma_semaphore, #tpu.memory_space<semaphore_mem>>)
      %dma_wait3A = arith.constant 0 : i32
      %dma_wait3A_64 = tpu.memref_slice %arg6[%add3A_13, %dma_wait3A] : memref<10240x16xf32, #tpu.memory_space<vmem_shared>> -> memref<80x16xf32, #tpu.memory_space<vmem_shared>>
      %dma_wait3A_65 = arith.constant 0 : i32
      %dma_wait3A_66 = tpu.memref_slice %arg6[%add3A_13, %dma_wait3A_65] : memref<10240x16xf32, #tpu.memory_space<vmem_shared>> -> memref<80x16xf32, #tpu.memory_space<vmem_shared>>
      tpu.wait_dma2 semaphore(%run_scoped3A : memref<!tpu.dma_semaphore, #tpu.memory_space<semaphore_mem>>) src(%arg5 : memref<80x16xf32, #tpu.memory_space<vmem>>) dst(%dma_wait3A_66 : memref<80x16xf32, #tpu.memory_space<vmem_shared>>)
      tpu.yield
    }) : () -> ()
    %mul3A_14 = arith.constant 640 : i32
    %mul3A_15 = arith.muli %arg1, %mul3A_14 : i32
    %add3A_16 = arith.constant 160 : i32
    %add3A_17 = arith.addi %mul3A_15, %add3A_16 : i32
    "tpu.region"() ({
      %run_scoped3A = tpu.sem_alloc : memref<!tpu.dma_semaphore, #tpu.memory_space<semaphore_mem>>
      %dma_start3A = arith.constant 0 : i32
      %dma_start3A_61 = tpu.memref_slice %arg6[%add3A_17, %dma_start3A] : memref<10240x16xf32, #tpu.memory_space<vmem_shared>> -> memref<80x16xf32, #tpu.memory_space<vmem_shared>>
      %dma_start3A_62 = arith.constant 0 : i32
      %dma_start3A_63 = tpu.memref_slice %arg6[%add3A_17, %dma_start3A_62] : memref<10240x16xf32, #tpu.memory_space<vmem_shared>> -> memref<80x16xf32, #tpu.memory_space<vmem_shared>>
      tpu.enqueue_dma source(%arg5 : memref<80x16xf32, #tpu.memory_space<vmem>>) target(%dma_start3A_63 : memref<80x16xf32, #tpu.memory_space<vmem_shared>>) target_semaphore(%run_scoped3A : memref<!tpu.dma_semaphore, #tpu.memory_space<semaphore_mem>>)
      %dma_wait3A = arith.constant 0 : i32
      %dma_wait3A_64 = tpu.memref_slice %arg6[%add3A_17, %dma_wait3A] : memref<10240x16xf32, #tpu.memory_space<vmem_shared>> -> memref<80x16xf32, #tpu.memory_space<vmem_shared>>
      %dma_wait3A_65 = arith.constant 0 : i32
      %dma_wait3A_66 = tpu.memref_slice %arg6[%add3A_17, %dma_wait3A_65] : memref<10240x16xf32, #tpu.memory_space<vmem_shared>> -> memref<80x16xf32, #tpu.memory_space<vmem_shared>>
      tpu.wait_dma2 semaphore(%run_scoped3A : memref<!tpu.dma_semaphore, #tpu.memory_space<semaphore_mem>>) src(%arg5 : memref<80x16xf32, #tpu.memory_space<vmem>>) dst(%dma_wait3A_66 : memref<80x16xf32, #tpu.memory_space<vmem_shared>>)
      tpu.yield
    }) : () -> ()
    %mul3A_18 = arith.constant 640 : i32
    %mul3A_19 = arith.muli %arg1, %mul3A_18 : i32
    %add3A_20 = arith.constant 240 : i32
    %add3A_21 = arith.addi %mul3A_19, %add3A_20 : i32
    "tpu.region"() ({
      %run_scoped3A = tpu.sem_alloc : memref<!tpu.dma_semaphore, #tpu.memory_space<semaphore_mem>>
      %dma_start3A = arith.constant 0 : i32
      %dma_start3A_61 = tpu.memref_slice %arg6[%add3A_21, %dma_start3A] : memref<10240x16xf32, #tpu.memory_space<vmem_shared>> -> memref<80x16xf32, #tpu.memory_space<vmem_shared>>
      %dma_start3A_62 = arith.constant 0 : i32
      %dma_start3A_63 = tpu.memref_slice %arg6[%add3A_21, %dma_start3A_62] : memref<10240x16xf32, #tpu.memory_space<vmem_shared>> -> memref<80x16xf32, #tpu.memory_space<vmem_shared>>
      tpu.enqueue_dma source(%arg5 : memref<80x16xf32, #tpu.memory_space<vmem>>) target(%dma_start3A_63 : memref<80x16xf32, #tpu.memory_space<vmem_shared>>) target_semaphore(%run_scoped3A : memref<!tpu.dma_semaphore, #tpu.memory_space<semaphore_mem>>)
      %dma_wait3A = arith.constant 0 : i32
      %dma_wait3A_64 = tpu.memref_slice %arg6[%add3A_21, %dma_wait3A] : memref<10240x16xf32, #tpu.memory_space<vmem_shared>> -> memref<80x16xf32, #tpu.memory_space<vmem_shared>>
      %dma_wait3A_65 = arith.constant 0 : i32
      %dma_wait3A_66 = tpu.memref_slice %arg6[%add3A_21, %dma_wait3A_65] : memref<10240x16xf32, #tpu.memory_space<vmem_shared>> -> memref<80x16xf32, #tpu.memory_space<vmem_shared>>
      tpu.wait_dma2 semaphore(%run_scoped3A : memref<!tpu.dma_semaphore, #tpu.memory_space<semaphore_mem>>) src(%arg5 : memref<80x16xf32, #tpu.memory_space<vmem>>) dst(%dma_wait3A_66 : memref<80x16xf32, #tpu.memory_space<vmem_shared>>)
      tpu.yield
    }) : () -> ()
    %mul3A_22 = arith.constant 640 : i32
    %mul3A_23 = arith.muli %arg1, %mul3A_22 : i32
    %add3A_24 = arith.constant 320 : i32
    %add3A_25 = arith.addi %mul3A_23, %add3A_24 : i32
    "tpu.region"() ({
      %run_scoped3A = tpu.sem_alloc : memref<!tpu.dma_semaphore, #tpu.memory_space<semaphore_mem>>
      %dma_start3A = arith.constant 0 : i32
      %dma_start3A_61 = tpu.memref_slice %arg6[%add3A_25, %dma_start3A] : memref<10240x16xf32, #tpu.memory_space<vmem_shared>> -> memref<80x16xf32, #tpu.memory_space<vmem_shared>>
      %dma_start3A_62 = arith.constant 0 : i32
      %dma_start3A_63 = tpu.memref_slice %arg6[%add3A_25, %dma_start3A_62] : memref<10240x16xf32, #tpu.memory_space<vmem_shared>> -> memref<80x16xf32, #tpu.memory_space<vmem_shared>>
      tpu.enqueue_dma source(%arg5 : memref<80x16xf32, #tpu.memory_space<vmem>>) target(%dma_start3A_63 : memref<80x16xf32, #tpu.memory_space<vmem_shared>>) target_semaphore(%run_scoped3A : memref<!tpu.dma_semaphore, #tpu.memory_space<semaphore_mem>>)
      %dma_wait3A = arith.constant 0 : i32
      %dma_wait3A_64 = tpu.memref_slice %arg6[%add3A_25, %dma_wait3A] : memref<10240x16xf32, #tpu.memory_space<vmem_shared>> -> memref<80x16xf32, #tpu.memory_space<vmem_shared>>
      %dma_wait3A_65 = arith.constant 0 : i32
      %dma_wait3A_66 = tpu.memref_slice %arg6[%add3A_25, %dma_wait3A_65] : memref<10240x16xf32, #tpu.memory_space<vmem_shared>> -> memref<80x16xf32, #tpu.memory_space<vmem_shared>>
      tpu.wait_dma2 semaphore(%run_scoped3A : memref<!tpu.dma_semaphore, #tpu.memory_space<semaphore_mem>>) src(%arg5 : memref<80x16xf32, #tpu.memory_space<vmem>>) dst(%dma_wait3A_66 : memref<80x16xf32, #tpu.memory_space<vmem_shared>>)
      tpu.yield
    }) : () -> ()
    %mul3A_26 = arith.constant 640 : i32
    %mul3A_27 = arith.muli %arg1, %mul3A_26 : i32
    %add3A_28 = arith.constant 400 : i32
    %add3A_29 = arith.addi %mul3A_27, %add3A_28 : i32
    "tpu.region"() ({
      %run_scoped3A = tpu.sem_alloc : memref<!tpu.dma_semaphore, #tpu.memory_space<semaphore_mem>>
      %dma_start3A = arith.constant 0 : i32
      %dma_start3A_61 = tpu.memref_slice %arg6[%add3A_29, %dma_start3A] : memref<10240x16xf32, #tpu.memory_space<vmem_shared>> -> memref<80x16xf32, #tpu.memory_space<vmem_shared>>
      %dma_start3A_62 = arith.constant 0 : i32
      %dma_start3A_63 = tpu.memref_slice %arg6[%add3A_29, %dma_start3A_62] : memref<10240x16xf32, #tpu.memory_space<vmem_shared>> -> memref<80x16xf32, #tpu.memory_space<vmem_shared>>
      tpu.enqueue_dma source(%arg5 : memref<80x16xf32, #tpu.memory_space<vmem>>) target(%dma_start3A_63 : memref<80x16xf32, #tpu.memory_space<vmem_shared>>) target_semaphore(%run_scoped3A : memref<!tpu.dma_semaphore, #tpu.memory_space<semaphore_mem>>)
      %dma_wait3A = arith.constant 0 : i32
      %dma_wait3A_64 = tpu.memref_slice %arg6[%add3A_29, %dma_wait3A] : memref<10240x16xf32, #tpu.memory_space<vmem_shared>> -> memref<80x16xf32, #tpu.memory_space<vmem_shared>>
      %dma_wait3A_65 = arith.constant 0 : i32
      %dma_wait3A_66 = tpu.memref_slice %arg6[%add3A_29, %dma_wait3A_65] : memref<10240x16xf32, #tpu.memory_space<vmem_shared>> -> memref<80x16xf32, #tpu.memory_space<vmem_shared>>
      tpu.wait_dma2 semaphore(%run_scoped3A : memref<!tpu.dma_semaphore, #tpu.memory_space<semaphore_mem>>) src(%arg5 : memref<80x16xf32, #tpu.memory_space<vmem>>) dst(%dma_wait3A_66 : memref<80x16xf32, #tpu.memory_space<vmem_shared>>)
      tpu.yield
    }) : () -> ()
    %mul3A_30 = arith.constant 640 : i32
    %mul3A_31 = arith.muli %arg1, %mul3A_30 : i32
    %add3A_32 = arith.constant 480 : i32
    %add3A_33 = arith.addi %mul3A_31, %add3A_32 : i32
    "tpu.region"() ({
      %run_scoped3A = tpu.sem_alloc : memref<!tpu.dma_semaphore, #tpu.memory_space<semaphore_mem>>
      %dma_start3A = arith.constant 0 : i32
      %dma_start3A_61 = tpu.memref_slice %arg6[%add3A_33, %dma_start3A] : memref<10240x16xf32, #tpu.memory_space<vmem_shared>> -> memref<80x16xf32, #tpu.memory_space<vmem_shared>>
      %dma_start3A_62 = arith.constant 0 : i32
      %dma_start3A_63 = tpu.memref_slice %arg6[%add3A_33, %dma_start3A_62] : memref<10240x16xf32, #tpu.memory_space<vmem_shared>> -> memref<80x16xf32, #tpu.memory_space<vmem_shared>>
      tpu.enqueue_dma source(%arg5 : memref<80x16xf32, #tpu.memory_space<vmem>>) target(%dma_start3A_63 : memref<80x16xf32, #tpu.memory_space<vmem_shared>>) target_semaphore(%run_scoped3A : memref<!tpu.dma_semaphore, #tpu.memory_space<semaphore_mem>>)
      %dma_wait3A = arith.constant 0 : i32
      %dma_wait3A_64 = tpu.memref_slice %arg6[%add3A_33, %dma_wait3A] : memref<10240x16xf32, #tpu.memory_space<vmem_shared>> -> memref<80x16xf32, #tpu.memory_space<vmem_shared>>
      %dma_wait3A_65 = arith.constant 0 : i32
      %dma_wait3A_66 = tpu.memref_slice %arg6[%add3A_33, %dma_wait3A_65] : memref<10240x16xf32, #tpu.memory_space<vmem_shared>> -> memref<80x16xf32, #tpu.memory_space<vmem_shared>>
      tpu.wait_dma2 semaphore(%run_scoped3A : memref<!tpu.dma_semaphore, #tpu.memory_space<semaphore_mem>>) src(%arg5 : memref<80x16xf32, #tpu.memory_space<vmem>>) dst(%dma_wait3A_66 : memref<80x16xf32, #tpu.memory_space<vmem_shared>>)
      tpu.yield
    }) : () -> ()
    %mul3A_34 = arith.constant 640 : i32
    %mul3A_35 = arith.muli %arg1, %mul3A_34 : i32
    %add3A_36 = arith.constant 560 : i32
    %add3A_37 = arith.addi %mul3A_35, %add3A_36 : i32
    "tpu.region"() ({
      %run_scoped3A = tpu.sem_alloc : memref<!tpu.dma_semaphore, #tpu.memory_space<semaphore_mem>>
      %dma_start3A = arith.constant 0 : i32
      %dma_start3A_61 = tpu.memref_slice %arg6[%add3A_37, %dma_start3A] : memref<10240x16xf32, #tpu.memory_space<vmem_shared>> -> memref<80x16xf32, #tpu.memory_space<vmem_shared>>
      %dma_start3A_62 = arith.constant 0 : i32
      %dma_start3A_63 = tpu.memref_slice %arg6[%add3A_37, %dma_start3A_62] : memref<10240x16xf32, #tpu.memory_space<vmem_shared>> -> memref<80x16xf32, #tpu.memory_space<vmem_shared>>
      tpu.enqueue_dma source(%arg5 : memref<80x16xf32, #tpu.memory_space<vmem>>) target(%dma_start3A_63 : memref<80x16xf32, #tpu.memory_space<vmem_shared>>) target_semaphore(%run_scoped3A : memref<!tpu.dma_semaphore, #tpu.memory_space<semaphore_mem>>)
      %dma_wait3A = arith.constant 0 : i32
      %dma_wait3A_64 = tpu.memref_slice %arg6[%add3A_37, %dma_wait3A] : memref<10240x16xf32, #tpu.memory_space<vmem_shared>> -> memref<80x16xf32, #tpu.memory_space<vmem_shared>>
      %dma_wait3A_65 = arith.constant 0 : i32
      %dma_wait3A_66 = tpu.memref_slice %arg6[%add3A_37, %dma_wait3A_65] : memref<10240x16xf32, #tpu.memory_space<vmem_shared>> -> memref<80x16xf32, #tpu.memory_space<vmem_shared>>
      tpu.wait_dma2 semaphore(%run_scoped3A : memref<!tpu.dma_semaphore, #tpu.memory_space<semaphore_mem>>) src(%arg5 : memref<80x16xf32, #tpu.memory_space<vmem>>) dst(%dma_wait3A_66 : memref<80x16xf32, #tpu.memory_space<vmem_shared>>)
      tpu.yield
    }) : () -> ()
    %scan3A_38 = arith.constant 0 : i32
    %scan3A_39 = arith.constant 0 : i32
    %scan3A_40 = arith.constant 80 : i32
    %scan3A_41 = arith.addi %scan3A_39, %scan3A_40 : i32
    %scan3A_42 = arith.constant 1 : i32
    scf.for %scan3A_61 = %scan3A_39 to %scan3A_41 step %scan3A_42  : i32 {
      %broadcast_in_dim3A = arith.constant 1.000000e+00 : f32
      %broadcast_in_dim3A_62 = vector.broadcast %broadcast_in_dim3A : f32 to vector<16xf32>
      %swap3A = arith.index_cast %scan3A_61 : i32 to index
      %swap3A_63 = arith.constant 0 : index
      %swap3A_64 = tpu.vector_load %arg5[%swap3A, %swap3A_63] {strides = array<i32>} : memref<80x16xf32, #tpu.memory_space<vmem>>, vector<1x16xf32>,
      %swap3A_65 = vector.shape_cast %swap3A_64 : vector<1x16xf32> to vector<16xf32>
      %swap3A_66 = vector.shape_cast %broadcast_in_dim3A_62 : vector<16xf32> to vector<1x16xf32>
      tpu.vector_store %arg5[%swap3A, %swap3A_63], %swap3A_66 {strides = array<i32>} : memref<80x16xf32, #tpu.memory_space<vmem>>, vector<1x16xf32>,
    }
    %scan3A_43 = arith.constant 80 : i32
    %barrier3A = arith.constant 0 : index
    tpu.barrier barrier_id(%barrier3A)
    %scan3A_44 = arith.constant 0 : i32
    %scan3A_45 = arith.constant 0 : i32
    %scan3A_46 = arith.constant 125 : i32
    %scan3A_47 = arith.addi %scan3A_45, %scan3A_46 : i32
    %scan3A_48 = arith.constant 1 : i32
    scf.for %scan3A_61 = %scan3A_45 to %scan3A_47 step %scan3A_48  : i32 {
      %dma_start3A = arith.constant 0 : i32
      %dma_start3A_62 = tpu.memref_slice %arg4[%scan3A_61, %dma_start3A] : memref<125x80xi32, #tpu.memory_space<vmem>> -> memref<1x80xi32, #tpu.memory_space<vmem>>
      %dma_start3A_63 = tpu.memref_squeeze %dma_start3A_62 : memref<1x80xi32, #tpu.memory_space<vmem>> -> memref<80xi32, #tpu.memory_space<vmem>>
      %dma_start3A_64 = arith.constant 0 : i32
      %dma_start3A_65 = arith.constant 0 : i32
      %dma_start3A_66 = tpu.memref_slice %arg6[%dma_start3A_64, %dma_start3A_65] : memref<10240x16xf32, #tpu.memory_space<vmem_shared>> -> memref<10240x16xf32, #tpu.memory_space<vmem_shared>>
      tpu.enqueue_indirect_dma source(%arg5 : memref<80x16xf32, #tpu.memory_space<vmem>>) target(%dma_start3A_66 : memref<10240x16xf32, #tpu.memory_space<vmem_shared>>) offsets(%dma_start3A_63 : memref<80xi32, #tpu.memory_space<vmem>>) semaphore(%arg7 : memref<!tpu.dma_semaphore, #tpu.memory_space<semaphore_mem>>) {add = true}
    }
    %scan3A_49 = arith.constant 125 : i32
    %scan3A_50 = arith.constant 0 : i32
    %scan3A_51 = arith.constant 0 : i32
    %scan3A_52 = arith.constant 125 : i32
    %scan3A_53 = arith.addi %scan3A_51, %scan3A_52 : i32
    %scan3A_54 = arith.constant 1 : i32
    scf.for %scan3A_61 = %scan3A_51 to %scan3A_53 step %scan3A_54  : i32 {
      %dma_wait3A = arith.constant 0 : i32
      %dma_wait3A_62 = arith.constant 0 : i32
      %dma_wait3A_63 = tpu.memref_slice %arg4[%dma_wait3A, %dma_wait3A_62] : memref<125x80xi32, #tpu.memory_space<vmem>> -> memref<1x80xi32, #tpu.memory_space<vmem>>
      %dma_wait3A_64 = tpu.memref_squeeze %dma_wait3A_63 : memref<1x80xi32, #tpu.memory_space<vmem>> -> memref<80xi32, #tpu.memory_space<vmem>>
      %dma_wait3A_65 = arith.constant 0 : i32
      %dma_wait3A_66 = arith.constant 0 : i32
      %dma_wait3A_67 = tpu.memref_slice %arg6[%dma_wait3A_65, %dma_wait3A_66] : memref<10240x16xf32, #tpu.memory_space<vmem_shared>> -> memref<10240x16xf32, #tpu.memory_space<vmem_shared>>
      tpu.wait_indirect_dma semaphore(%arg7 : memref<!tpu.dma_semaphore, #tpu.memory_space<semaphore_mem>>) src(%arg5 : memref<80x16xf32, #tpu.memory_space<vmem>>) dst(%dma_wait3A_67 : memref<10240x16xf32, #tpu.memory_space<vmem_shared>>)
    }
    %scan3A_55 = arith.constant 125 : i32
    %barrier3A_56 = arith.constant 0 : index
    tpu.barrier barrier_id(%barrier3A_56)
    %mul3A_57 = arith.constant 640 : i32
    %mul3A_58 = arith.muli %arg1, %mul3A_57 : i32
    %mul3A_59 = arith.constant 640 : i32
    %mul3A_60 = arith.muli %arg1, %mul3A_59 : i32
    "tpu.region"() ({
      %run_scoped3A = tpu.sem_alloc : memref<!tpu.dma_semaphore, #tpu.memory_space<semaphore_mem>>
      %dma_start3A = arith.constant 0 : i32
      %dma_start3A_61 = tpu.memref_slice %arg3[%arg0, %mul3A_60, %dma_start3A] : memref<2x10240x16xf32, #tpu.memory_space<hbm>> -> memref<1x640x16xf32, #tpu.memory_space<hbm>>
      %dma_start3A_62 = tpu.memref_squeeze %dma_start3A_61 : memref<1x640x16xf32, #tpu.memory_space<hbm>> -> memref<640x16xf32, #tpu.memory_space<hbm>>
      %dma_start3A_63 = arith.constant 0 : i32
      %dma_start3A_64 = tpu.memref_slice %arg6[%mul3A_58, %dma_start3A_63] : memref<10240x16xf32, #tpu.memory_space<vmem_shared>> -> memref<640x16xf32, #tpu.memory_space<vmem_shared>>
      tpu.enqueue_dma source(%dma_start3A_64 : memref<640x16xf32, #tpu.memory_space<vmem_shared>>) target(%dma_start3A_62 : memref<640x16xf32, #tpu.memory_space<hbm>>) target_semaphore(%run_scoped3A : memref<!tpu.dma_semaphore, #tpu.memory_space<semaphore_mem>>)
      %dma_wait3A = arith.constant 0 : i32
      %dma_wait3A_65 = tpu.memref_slice %arg3[%arg0, %mul3A_60, %dma_wait3A] : memref<2x10240x16xf32, #tpu.memory_space<hbm>> -> memref<1x640x16xf32, #tpu.memory_space<hbm>>
      %dma_wait3A_66 = tpu.memref_squeeze %dma_wait3A_65 : memref<1x640x16xf32, #tpu.memory_space<hbm>> -> memref<640x16xf32, #tpu.memory_space<hbm>>
      %dma_wait3A_67 = arith.constant 0 : i32
      %dma_wait3A_68 = tpu.memref_slice %arg6[%mul3A_58, %dma_wait3A_67] : memref<10240x16xf32, #tpu.memory_space<vmem_shared>> -> memref<640x16xf32, #tpu.memory_space<vmem_shared>>
      tpu.wait_dma2 semaphore(%run_scoped3A : memref<!tpu.dma_semaphore, #tpu.memory_space<semaphore_mem>>) src(%dma_wait3A_68 : memref<640x16xf32, #tpu.memory_space<vmem_shared>>) dst(%dma_wait3A_66 : memref<640x16xf32, #tpu.memory_space<hbm>>)
      tpu.yield
    }) : () -> ()
    return
  }
}

#map = affine_map<(d0, d1) -> (0, 0)>
#map1 = affine_map<(d0, d1) -> (0, 0, 0)>
module attributes {stable_mosaic.version = 14 : i64} {
  func.func @_sc_agg_body(%arg0: i32, %arg1: i32, %arg2: memref<10000x128xf32, #tpu.memory_space<hbm>>, %arg3: memref<32x250x40xi32, #tpu.memory_space<hbm>>, %arg4: memref<32x250x40xi32, #tpu.memory_space<hbm>>, %arg5: memref<2x10240x128xf32, #tpu.memory_space<hbm>>, %arg6: memref<250x40xi32, #tpu.memory_space<vmem>>, %arg7: memref<250x40xi32, #tpu.memory_space<vmem>>, %arg8: memref<200x128xf32, #tpu.memory_space<vmem>>, %arg9: memref<10240x128xf32, #tpu.memory_space<vmem_shared>>, %arg10: memref<!tpu.dma_semaphore, #tpu.memory_space<semaphore_mem>>, %arg11: memref<!tpu.dma_semaphore, #tpu.memory_space<semaphore_mem>>, %arg12: memref<!tpu.dma_semaphore, #tpu.memory_space<semaphore_mem>>, %arg13: memref<!tpu.dma_semaphore, #tpu.memory_space<semaphore_mem>>, %arg14: memref<!tpu.dma_semaphore, #tpu.memory_space<semaphore_mem>>, %arg15: memref<!tpu.dma_semaphore, #tpu.memory_space<semaphore_mem>>) attributes {dimension_semantics = [#tpu.dimension_semantics<core_parallel>, #tpu.dimension_semantics<subcore_parallel>], iteration_bounds = array<i64: 2, 16>, scalar_prefetch = 0 : i64, scratch_operands = 10 : i64, tpu.core_type = #tpu.core_type<sc_vector_subcore>, window_params = [{transform_indices = #map}, {transform_indices = #map1}, {transform_indices = #map1}, {transform_indices = #map1}]} {
    %mul3A = arith.constant 16 : i32
    %mul3A_0 = arith.muli %arg0, %mul3A : i32
    %add3A = arith.addi %mul3A_0, %arg1 : i32
    %scan3A = arith.constant 0 : i32
    %scan3A_1 = arith.constant 0 : i32
    %scan3A_2 = arith.constant 40 : i32
    %scan3A_3 = arith.addi %scan3A_1, %scan3A_2 : i32
    %scan3A_4 = arith.constant 1 : i32
    scf.for %scan3A_705 = %scan3A_1 to %scan3A_3 step %scan3A_4  : i32 {
      %broadcast_in_dim3A = arith.constant 0.000000e+00 : f32
      %broadcast_in_dim3A_706 = vector.broadcast %broadcast_in_dim3A : f32 to vector<16xf32>
      %swap3A = arith.constant 0 : i32
      %swap3A_707 = arith.constant 0 : i32
      %swap3A_708 = tpu.memref_slice %arg8[%swap3A, %swap3A_707] : memref<200x128xf32, #tpu.memory_space<vmem>> -> memref<40x128xf32, #tpu.memory_space<vmem>>
      %swap3A_709 = arith.index_cast %scan3A_705 : i32 to index
      %swap3A_710 = arith.constant 0 : index
      %swap3A_711 = tpu.vector_load %swap3A_708[%swap3A_709, %swap3A_710] {strides = array<i32>} : memref<40x128xf32, #tpu.memory_space<vmem>>, vector<1x16xf32>,
      %swap3A_712 = vector.shape_cast %swap3A_711 : vector<1x16xf32> to vector<16xf32>
      %swap3A_713 = vector.shape_cast %broadcast_in_dim3A_706 : vector<16xf32> to vector<1x16xf32>
      tpu.vector_store %swap3A_708[%swap3A_709, %swap3A_710], %swap3A_713 {strides = array<i32>} : memref<40x128xf32, #tpu.memory_space<vmem>>, vector<1x16xf32>,
      %broadcast_in_dim3A_714 = arith.constant 0.000000e+00 : f32
      %broadcast_in_dim3A_715 = vector.broadcast %broadcast_in_dim3A_714 : f32 to vector<16xf32>
      %swap3A_716 = arith.constant 0 : i32
      %swap3A_717 = arith.constant 0 : i32
      %swap3A_718 = tpu.memref_slice %arg8[%swap3A_716, %swap3A_717] : memref<200x128xf32, #tpu.memory_space<vmem>> -> memref<40x128xf32, #tpu.memory_space<vmem>>
      %swap3A_719 = arith.index_cast %scan3A_705 : i32 to index
      %swap3A_720 = arith.constant 16 : index
      %swap3A_721 = tpu.vector_load %swap3A_718[%swap3A_719, %swap3A_720] {strides = array<i32>} : memref<40x128xf32, #tpu.memory_space<vmem>>, vector<1x16xf32>,
      %swap3A_722 = vector.shape_cast %swap3A_721 : vector<1x16xf32> to vector<16xf32>
      %swap3A_723 = vector.shape_cast %broadcast_in_dim3A_715 : vector<16xf32> to vector<1x16xf32>
      tpu.vector_store %swap3A_718[%swap3A_719, %swap3A_720], %swap3A_723 {strides = array<i32>} : memref<40x128xf32, #tpu.memory_space<vmem>>, vector<1x16xf32>,
      %broadcast_in_dim3A_724 = arith.constant 0.000000e+00 : f32
      %broadcast_in_dim3A_725 = vector.broadcast %broadcast_in_dim3A_724 : f32 to vector<16xf32>
      %swap3A_726 = arith.constant 0 : i32
      %swap3A_727 = arith.constant 0 : i32
      %swap3A_728 = tpu.memref_slice %arg8[%swap3A_726, %swap3A_727] : memref<200x128xf32, #tpu.memory_space<vmem>> -> memref<40x128xf32, #tpu.memory_space<vmem>>
      %swap3A_729 = arith.index_cast %scan3A_705 : i32 to index
      %swap3A_730 = arith.constant 32 : index
      %swap3A_731 = tpu.vector_load %swap3A_728[%swap3A_729, %swap3A_730] {strides = array<i32>} : memref<40x128xf32, #tpu.memory_space<vmem>>, vector<1x16xf32>,
      %swap3A_732 = vector.shape_cast %swap3A_731 : vector<1x16xf32> to vector<16xf32>
      %swap3A_733 = vector.shape_cast %broadcast_in_dim3A_725 : vector<16xf32> to vector<1x16xf32>
      tpu.vector_store %swap3A_728[%swap3A_729, %swap3A_730], %swap3A_733 {strides = array<i32>} : memref<40x128xf32, #tpu.memory_space<vmem>>, vector<1x16xf32>,
      %broadcast_in_dim3A_734 = arith.constant 0.000000e+00 : f32
      %broadcast_in_dim3A_735 = vector.broadcast %broadcast_in_dim3A_734 : f32 to vector<16xf32>
      %swap3A_736 = arith.constant 0 : i32
      %swap3A_737 = arith.constant 0 : i32
      %swap3A_738 = tpu.memref_slice %arg8[%swap3A_736, %swap3A_737] : memref<200x128xf32, #tpu.memory_space<vmem>> -> memref<40x128xf32, #tpu.memory_space<vmem>>
      %swap3A_739 = arith.index_cast %scan3A_705 : i32 to index
      %swap3A_740 = arith.constant 48 : index
      %swap3A_741 = tpu.vector_load %swap3A_738[%swap3A_739, %swap3A_740] {strides = array<i32>} : memref<40x128xf32, #tpu.memory_space<vmem>>, vector<1x16xf32>,
      %swap3A_742 = vector.shape_cast %swap3A_741 : vector<1x16xf32> to vector<16xf32>
      %swap3A_743 = vector.shape_cast %broadcast_in_dim3A_735 : vector<16xf32> to vector<1x16xf32>
      tpu.vector_store %swap3A_738[%swap3A_739, %swap3A_740], %swap3A_743 {strides = array<i32>} : memref<40x128xf32, #tpu.memory_space<vmem>>, vector<1x16xf32>,
      %broadcast_in_dim3A_744 = arith.constant 0.000000e+00 : f32
      %broadcast_in_dim3A_745 = vector.broadcast %broadcast_in_dim3A_744 : f32 to vector<16xf32>
      %swap3A_746 = arith.constant 0 : i32
      %swap3A_747 = arith.constant 0 : i32
      %swap3A_748 = tpu.memref_slice %arg8[%swap3A_746, %swap3A_747] : memref<200x128xf32, #tpu.memory_space<vmem>> -> memref<40x128xf32, #tpu.memory_space<vmem>>
      %swap3A_749 = arith.index_cast %scan3A_705 : i32 to index
      %swap3A_750 = arith.constant 64 : index
      %swap3A_751 = tpu.vector_load %swap3A_748[%swap3A_749, %swap3A_750] {strides = array<i32>} : memref<40x128xf32, #tpu.memory_space<vmem>>, vector<1x16xf32>,
      %swap3A_752 = vector.shape_cast %swap3A_751 : vector<1x16xf32> to vector<16xf32>
      %swap3A_753 = vector.shape_cast %broadcast_in_dim3A_745 : vector<16xf32> to vector<1x16xf32>
      tpu.vector_store %swap3A_748[%swap3A_749, %swap3A_750], %swap3A_753 {strides = array<i32>} : memref<40x128xf32, #tpu.memory_space<vmem>>, vector<1x16xf32>,
      %broadcast_in_dim3A_754 = arith.constant 0.000000e+00 : f32
      %broadcast_in_dim3A_755 = vector.broadcast %broadcast_in_dim3A_754 : f32 to vector<16xf32>
      %swap3A_756 = arith.constant 0 : i32
      %swap3A_757 = arith.constant 0 : i32
      %swap3A_758 = tpu.memref_slice %arg8[%swap3A_756, %swap3A_757] : memref<200x128xf32, #tpu.memory_space<vmem>> -> memref<40x128xf32, #tpu.memory_space<vmem>>
      %swap3A_759 = arith.index_cast %scan3A_705 : i32 to index
      %swap3A_760 = arith.constant 80 : index
      %swap3A_761 = tpu.vector_load %swap3A_758[%swap3A_759, %swap3A_760] {strides = array<i32>} : memref<40x128xf32, #tpu.memory_space<vmem>>, vector<1x16xf32>,
      %swap3A_762 = vector.shape_cast %swap3A_761 : vector<1x16xf32> to vector<16xf32>
      %swap3A_763 = vector.shape_cast %broadcast_in_dim3A_755 : vector<16xf32> to vector<1x16xf32>
      tpu.vector_store %swap3A_758[%swap3A_759, %swap3A_760], %swap3A_763 {strides = array<i32>} : memref<40x128xf32, #tpu.memory_space<vmem>>, vector<1x16xf32>,
      %broadcast_in_dim3A_764 = arith.constant 0.000000e+00 : f32
      %broadcast_in_dim3A_765 = vector.broadcast %broadcast_in_dim3A_764 : f32 to vector<16xf32>
      %swap3A_766 = arith.constant 0 : i32
      %swap3A_767 = arith.constant 0 : i32
      %swap3A_768 = tpu.memref_slice %arg8[%swap3A_766, %swap3A_767] : memref<200x128xf32, #tpu.memory_space<vmem>> -> memref<40x128xf32, #tpu.memory_space<vmem>>
      %swap3A_769 = arith.index_cast %scan3A_705 : i32 to index
      %swap3A_770 = arith.constant 96 : index
      %swap3A_771 = tpu.vector_load %swap3A_768[%swap3A_769, %swap3A_770] {strides = array<i32>} : memref<40x128xf32, #tpu.memory_space<vmem>>, vector<1x16xf32>,
      %swap3A_772 = vector.shape_cast %swap3A_771 : vector<1x16xf32> to vector<16xf32>
      %swap3A_773 = vector.shape_cast %broadcast_in_dim3A_765 : vector<16xf32> to vector<1x16xf32>
      tpu.vector_store %swap3A_768[%swap3A_769, %swap3A_770], %swap3A_773 {strides = array<i32>} : memref<40x128xf32, #tpu.memory_space<vmem>>, vector<1x16xf32>,
      %broadcast_in_dim3A_774 = arith.constant 0.000000e+00 : f32
      %broadcast_in_dim3A_775 = vector.broadcast %broadcast_in_dim3A_774 : f32 to vector<16xf32>
      %swap3A_776 = arith.constant 0 : i32
      %swap3A_777 = arith.constant 0 : i32
      %swap3A_778 = tpu.memref_slice %arg8[%swap3A_776, %swap3A_777] : memref<200x128xf32, #tpu.memory_space<vmem>> -> memref<40x128xf32, #tpu.memory_space<vmem>>
      %swap3A_779 = arith.index_cast %scan3A_705 : i32 to index
      %swap3A_780 = arith.constant 112 : index
      %swap3A_781 = tpu.vector_load %swap3A_778[%swap3A_779, %swap3A_780] {strides = array<i32>} : memref<40x128xf32, #tpu.memory_space<vmem>>, vector<1x16xf32>,
      %swap3A_782 = vector.shape_cast %swap3A_781 : vector<1x16xf32> to vector<16xf32>
      %swap3A_783 = vector.shape_cast %broadcast_in_dim3A_775 : vector<16xf32> to vector<1x16xf32>
      tpu.vector_store %swap3A_778[%swap3A_779, %swap3A_780], %swap3A_783 {strides = array<i32>} : memref<40x128xf32, #tpu.memory_space<vmem>>, vector<1x16xf32>,
    }
    %scan3A_5 = arith.constant 40 : i32
    %dma_start3A = arith.constant 0 : i32
    %dma_start3A_6 = arith.constant 0 : i32
    %dma_start3A_7 = tpu.memref_slice %arg3[%add3A, %dma_start3A, %dma_start3A_6] : memref<32x250x40xi32, #tpu.memory_space<hbm>> -> memref<1x250x40xi32, #tpu.memory_space<hbm>>
    %dma_start3A_8 = tpu.memref_squeeze %dma_start3A_7 : memref<1x250x40xi32, #tpu.memory_space<hbm>> -> memref<250x40xi32, #tpu.memory_space<hbm>>
    %dma_start3A_9 = arith.constant 0 : i32
    %dma_start3A_10 = arith.constant 0 : i32
    %dma_start3A_11 = tpu.memref_slice %arg3[%add3A, %dma_start3A_9, %dma_start3A_10] : memref<32x250x40xi32, #tpu.memory_space<hbm>> -> memref<1x250x40xi32, #tpu.memory_space<hbm>>
    %dma_start3A_12 = tpu.memref_squeeze %dma_start3A_11 : memref<1x250x40xi32, #tpu.memory_space<hbm>> -> memref<250x40xi32, #tpu.memory_space<hbm>>
    tpu.enqueue_dma source(%dma_start3A_12 : memref<250x40xi32, #tpu.memory_space<hbm>>) target(%arg6 : memref<250x40xi32, #tpu.memory_space<vmem>>) target_semaphore(%arg10 : memref<!tpu.dma_semaphore, #tpu.memory_space<semaphore_mem>>)
    %dma_start3A_13 = arith.constant 0 : i32
    %dma_start3A_14 = arith.constant 0 : i32
    %dma_start3A_15 = tpu.memref_slice %arg4[%add3A, %dma_start3A_13, %dma_start3A_14] : memref<32x250x40xi32, #tpu.memory_space<hbm>> -> memref<1x250x40xi32, #tpu.memory_space<hbm>>
    %dma_start3A_16 = tpu.memref_squeeze %dma_start3A_15 : memref<1x250x40xi32, #tpu.memory_space<hbm>> -> memref<250x40xi32, #tpu.memory_space<hbm>>
    %dma_start3A_17 = arith.constant 0 : i32
    %dma_start3A_18 = arith.constant 0 : i32
    %dma_start3A_19 = tpu.memref_slice %arg4[%add3A, %dma_start3A_17, %dma_start3A_18] : memref<32x250x40xi32, #tpu.memory_space<hbm>> -> memref<1x250x40xi32, #tpu.memory_space<hbm>>
    %dma_start3A_20 = tpu.memref_squeeze %dma_start3A_19 : memref<1x250x40xi32, #tpu.memory_space<hbm>> -> memref<250x40xi32, #tpu.memory_space<hbm>>
    tpu.enqueue_dma source(%dma_start3A_20 : memref<250x40xi32, #tpu.memory_space<hbm>>) target(%arg7 : memref<250x40xi32, #tpu.memory_space<vmem>>) target_semaphore(%arg11 : memref<!tpu.dma_semaphore, #tpu.memory_space<semaphore_mem>>)
    %mul3A_21 = arith.constant 640 : i32
    %mul3A_22 = arith.muli %arg1, %mul3A_21 : i32
    %add3A_23 = arith.constant 0 : i32
    %add3A_24 = arith.addi %mul3A_22, %add3A_23 : i32
    %dma_start3A_25 = arith.constant 0 : i32
    %dma_start3A_26 = arith.constant 0 : i32
    %dma_start3A_27 = tpu.memref_slice %arg8[%dma_start3A_25, %dma_start3A_26] : memref<200x128xf32, #tpu.memory_space<vmem>> -> memref<40x128xf32, #tpu.memory_space<vmem>>
    %dma_start3A_28 = arith.constant 0 : i32
    %dma_start3A_29 = arith.constant 0 : i32
    %dma_start3A_30 = tpu.memref_slice %dma_start3A_27[%dma_start3A_28, %dma_start3A_29] : memref<40x128xf32, #tpu.memory_space<vmem>> -> memref<40x128xf32, #tpu.memory_space<vmem>>
    %dma_start3A_31 = arith.constant 0 : i32
    %dma_start3A_32 = tpu.memref_slice %arg9[%add3A_24, %dma_start3A_31] : memref<10240x128xf32, #tpu.memory_space<vmem_shared>> -> memref<40x128xf32, #tpu.memory_space<vmem_shared>>
    %dma_start3A_33 = arith.constant 0 : i32
    %dma_start3A_34 = tpu.memref_slice %arg9[%add3A_24, %dma_start3A_33] : memref<10240x128xf32, #tpu.memory_space<vmem_shared>> -> memref<40x128xf32, #tpu.memory_space<vmem_shared>>
    %dma_start3A_35 = arith.constant 0 : i32
    %dma_start3A_36 = arith.constant 0 : i32
    %dma_start3A_37 = tpu.memref_slice %arg8[%dma_start3A_35, %dma_start3A_36] : memref<200x128xf32, #tpu.memory_space<vmem>> -> memref<40x128xf32, #tpu.memory_space<vmem>>
    %dma_start3A_38 = arith.constant 0 : i32
    %dma_start3A_39 = arith.constant 0 : i32
    %dma_start3A_40 = tpu.memref_slice %dma_start3A_37[%dma_start3A_38, %dma_start3A_39] : memref<40x128xf32, #tpu.memory_space<vmem>> -> memref<40x128xf32, #tpu.memory_space<vmem>>
    tpu.enqueue_dma source(%dma_start3A_40 : memref<40x128xf32, #tpu.memory_space<vmem>>) target(%dma_start3A_34 : memref<40x128xf32, #tpu.memory_space<vmem_shared>>) target_semaphore(%arg15 : memref<!tpu.dma_semaphore, #tpu.memory_space<semaphore_mem>>)
    %mul3A_41 = arith.constant 640 : i32
    %mul3A_42 = arith.muli %arg1, %mul3A_41 : i32
    %add3A_43 = arith.constant 40 : i32
    %add3A_44 = arith.addi %mul3A_42, %add3A_43 : i32
    %dma_start3A_45 = arith.constant 0 : i32
    %dma_start3A_46 = arith.constant 0 : i32
    %dma_start3A_47 = tpu.memref_slice %arg8[%dma_start3A_45, %dma_start3A_46] : memref<200x128xf32, #tpu.memory_space<vmem>> -> memref<40x128xf32, #tpu.memory_space<vmem>>
    %dma_start3A_48 = arith.constant 0 : i32
    %dma_start3A_49 = arith.constant 0 : i32
    %dma_start3A_50 = tpu.memref_slice %dma_start3A_47[%dma_start3A_48, %dma_start3A_49] : memref<40x128xf32, #tpu.memory_space<vmem>> -> memref<40x128xf32, #tpu.memory_space<vmem>>
    %dma_start3A_51 = arith.constant 0 : i32
    %dma_start3A_52 = tpu.memref_slice %arg9[%add3A_44, %dma_start3A_51] : memref<10240x128xf32, #tpu.memory_space<vmem_shared>> -> memref<40x128xf32, #tpu.memory_space<vmem_shared>>
    %dma_start3A_53 = arith.constant 0 : i32
    %dma_start3A_54 = tpu.memref_slice %arg9[%add3A_44, %dma_start3A_53] : memref<10240x128xf32, #tpu.memory_space<vmem_shared>> -> memref<40x128xf32, #tpu.memory_space<vmem_shared>>
    %dma_start3A_55 = arith.constant 0 : i32
    %dma_start3A_56 = arith.constant 0 : i32
    %dma_start3A_57 = tpu.memref_slice %arg8[%dma_start3A_55, %dma_start3A_56] : memref<200x128xf32, #tpu.memory_space<vmem>> -> memref<40x128xf32, #tpu.memory_space<vmem>>
    %dma_start3A_58 = arith.constant 0 : i32
    %dma_start3A_59 = arith.constant 0 : i32
    %dma_start3A_60 = tpu.memref_slice %dma_start3A_57[%dma_start3A_58, %dma_start3A_59] : memref<40x128xf32, #tpu.memory_space<vmem>> -> memref<40x128xf32, #tpu.memory_space<vmem>>
    tpu.enqueue_dma source(%dma_start3A_60 : memref<40x128xf32, #tpu.memory_space<vmem>>) target(%dma_start3A_54 : memref<40x128xf32, #tpu.memory_space<vmem_shared>>) target_semaphore(%arg15 : memref<!tpu.dma_semaphore, #tpu.memory_space<semaphore_mem>>)
    %mul3A_61 = arith.constant 640 : i32
    %mul3A_62 = arith.muli %arg1, %mul3A_61 : i32
    %add3A_63 = arith.constant 80 : i32
    %add3A_64 = arith.addi %mul3A_62, %add3A_63 : i32
    %dma_start3A_65 = arith.constant 0 : i32
    %dma_start3A_66 = arith.constant 0 : i32
    %dma_start3A_67 = tpu.memref_slice %arg8[%dma_start3A_65, %dma_start3A_66] : memref<200x128xf32, #tpu.memory_space<vmem>> -> memref<40x128xf32, #tpu.memory_space<vmem>>
    %dma_start3A_68 = arith.constant 0 : i32
    %dma_start3A_69 = arith.constant 0 : i32
    %dma_start3A_70 = tpu.memref_slice %dma_start3A_67[%dma_start3A_68, %dma_start3A_69] : memref<40x128xf32, #tpu.memory_space<vmem>> -> memref<40x128xf32, #tpu.memory_space<vmem>>
    %dma_start3A_71 = arith.constant 0 : i32
    %dma_start3A_72 = tpu.memref_slice %arg9[%add3A_64, %dma_start3A_71] : memref<10240x128xf32, #tpu.memory_space<vmem_shared>> -> memref<40x128xf32, #tpu.memory_space<vmem_shared>>
    %dma_start3A_73 = arith.constant 0 : i32
    %dma_start3A_74 = tpu.memref_slice %arg9[%add3A_64, %dma_start3A_73] : memref<10240x128xf32, #tpu.memory_space<vmem_shared>> -> memref<40x128xf32, #tpu.memory_space<vmem_shared>>
    %dma_start3A_75 = arith.constant 0 : i32
    %dma_start3A_76 = arith.constant 0 : i32
    %dma_start3A_77 = tpu.memref_slice %arg8[%dma_start3A_75, %dma_start3A_76] : memref<200x128xf32, #tpu.memory_space<vmem>> -> memref<40x128xf32, #tpu.memory_space<vmem>>
    %dma_start3A_78 = arith.constant 0 : i32
    %dma_start3A_79 = arith.constant 0 : i32
    %dma_start3A_80 = tpu.memref_slice %dma_start3A_77[%dma_start3A_78, %dma_start3A_79] : memref<40x128xf32, #tpu.memory_space<vmem>> -> memref<40x128xf32, #tpu.memory_space<vmem>>
    tpu.enqueue_dma source(%dma_start3A_80 : memref<40x128xf32, #tpu.memory_space<vmem>>) target(%dma_start3A_74 : memref<40x128xf32, #tpu.memory_space<vmem_shared>>) target_semaphore(%arg15 : memref<!tpu.dma_semaphore, #tpu.memory_space<semaphore_mem>>)
    %mul3A_81 = arith.constant 640 : i32
    %mul3A_82 = arith.muli %arg1, %mul3A_81 : i32
    %add3A_83 = arith.constant 120 : i32
    %add3A_84 = arith.addi %mul3A_82, %add3A_83 : i32
    %dma_start3A_85 = arith.constant 0 : i32
    %dma_start3A_86 = arith.constant 0 : i32
    %dma_start3A_87 = tpu.memref_slice %arg8[%dma_start3A_85, %dma_start3A_86] : memref<200x128xf32, #tpu.memory_space<vmem>> -> memref<40x128xf32, #tpu.memory_space<vmem>>
    %dma_start3A_88 = arith.constant 0 : i32
    %dma_start3A_89 = arith.constant 0 : i32
    %dma_start3A_90 = tpu.memref_slice %dma_start3A_87[%dma_start3A_88, %dma_start3A_89] : memref<40x128xf32, #tpu.memory_space<vmem>> -> memref<40x128xf32, #tpu.memory_space<vmem>>
    %dma_start3A_91 = arith.constant 0 : i32
    %dma_start3A_92 = tpu.memref_slice %arg9[%add3A_84, %dma_start3A_91] : memref<10240x128xf32, #tpu.memory_space<vmem_shared>> -> memref<40x128xf32, #tpu.memory_space<vmem_shared>>
    %dma_start3A_93 = arith.constant 0 : i32
    %dma_start3A_94 = tpu.memref_slice %arg9[%add3A_84, %dma_start3A_93] : memref<10240x128xf32, #tpu.memory_space<vmem_shared>> -> memref<40x128xf32, #tpu.memory_space<vmem_shared>>
    %dma_start3A_95 = arith.constant 0 : i32
    %dma_start3A_96 = arith.constant 0 : i32
    %dma_start3A_97 = tpu.memref_slice %arg8[%dma_start3A_95, %dma_start3A_96] : memref<200x128xf32, #tpu.memory_space<vmem>> -> memref<40x128xf32, #tpu.memory_space<vmem>>
    %dma_start3A_98 = arith.constant 0 : i32
    %dma_start3A_99 = arith.constant 0 : i32
    %dma_start3A_100 = tpu.memref_slice %dma_start3A_97[%dma_start3A_98, %dma_start3A_99] : memref<40x128xf32, #tpu.memory_space<vmem>> -> memref<40x128xf32, #tpu.memory_space<vmem>>
    tpu.enqueue_dma source(%dma_start3A_100 : memref<40x128xf32, #tpu.memory_space<vmem>>) target(%dma_start3A_94 : memref<40x128xf32, #tpu.memory_space<vmem_shared>>) target_semaphore(%arg15 : memref<!tpu.dma_semaphore, #tpu.memory_space<semaphore_mem>>)
    %mul3A_101 = arith.constant 640 : i32
    %mul3A_102 = arith.muli %arg1, %mul3A_101 : i32
    %add3A_103 = arith.constant 160 : i32
    %add3A_104 = arith.addi %mul3A_102, %add3A_103 : i32
    %dma_start3A_105 = arith.constant 0 : i32
    %dma_start3A_106 = arith.constant 0 : i32
    %dma_start3A_107 = tpu.memref_slice %arg8[%dma_start3A_105, %dma_start3A_106] : memref<200x128xf32, #tpu.memory_space<vmem>> -> memref<40x128xf32, #tpu.memory_space<vmem>>
    %dma_start3A_108 = arith.constant 0 : i32
    %dma_start3A_109 = arith.constant 0 : i32
    %dma_start3A_110 = tpu.memref_slice %dma_start3A_107[%dma_start3A_108, %dma_start3A_109] : memref<40x128xf32, #tpu.memory_space<vmem>> -> memref<40x128xf32, #tpu.memory_space<vmem>>
    %dma_start3A_111 = arith.constant 0 : i32
    %dma_start3A_112 = tpu.memref_slice %arg9[%add3A_104, %dma_start3A_111] : memref<10240x128xf32, #tpu.memory_space<vmem_shared>> -> memref<40x128xf32, #tpu.memory_space<vmem_shared>>
    %dma_start3A_113 = arith.constant 0 : i32
    %dma_start3A_114 = tpu.memref_slice %arg9[%add3A_104, %dma_start3A_113] : memref<10240x128xf32, #tpu.memory_space<vmem_shared>> -> memref<40x128xf32, #tpu.memory_space<vmem_shared>>
    %dma_start3A_115 = arith.constant 0 : i32
    %dma_start3A_116 = arith.constant 0 : i32
    %dma_start3A_117 = tpu.memref_slice %arg8[%dma_start3A_115, %dma_start3A_116] : memref<200x128xf32, #tpu.memory_space<vmem>> -> memref<40x128xf32, #tpu.memory_space<vmem>>
    %dma_start3A_118 = arith.constant 0 : i32
    %dma_start3A_119 = arith.constant 0 : i32
    %dma_start3A_120 = tpu.memref_slice %dma_start3A_117[%dma_start3A_118, %dma_start3A_119] : memref<40x128xf32, #tpu.memory_space<vmem>> -> memref<40x128xf32, #tpu.memory_space<vmem>>
    tpu.enqueue_dma source(%dma_start3A_120 : memref<40x128xf32, #tpu.memory_space<vmem>>) target(%dma_start3A_114 : memref<40x128xf32, #tpu.memory_space<vmem_shared>>) target_semaphore(%arg15 : memref<!tpu.dma_semaphore, #tpu.memory_space<semaphore_mem>>)
    %mul3A_121 = arith.constant 640 : i32
    %mul3A_122 = arith.muli %arg1, %mul3A_121 : i32
    %add3A_123 = arith.constant 200 : i32
    %add3A_124 = arith.addi %mul3A_122, %add3A_123 : i32
    %dma_start3A_125 = arith.constant 0 : i32
    %dma_start3A_126 = arith.constant 0 : i32
    %dma_start3A_127 = tpu.memref_slice %arg8[%dma_start3A_125, %dma_start3A_126] : memref<200x128xf32, #tpu.memory_space<vmem>> -> memref<40x128xf32, #tpu.memory_space<vmem>>
    %dma_start3A_128 = arith.constant 0 : i32
    %dma_start3A_129 = arith.constant 0 : i32
    %dma_start3A_130 = tpu.memref_slice %dma_start3A_127[%dma_start3A_128, %dma_start3A_129] : memref<40x128xf32, #tpu.memory_space<vmem>> -> memref<40x128xf32, #tpu.memory_space<vmem>>
    %dma_start3A_131 = arith.constant 0 : i32
    %dma_start3A_132 = tpu.memref_slice %arg9[%add3A_124, %dma_start3A_131] : memref<10240x128xf32, #tpu.memory_space<vmem_shared>> -> memref<40x128xf32, #tpu.memory_space<vmem_shared>>
    %dma_start3A_133 = arith.constant 0 : i32
    %dma_start3A_134 = tpu.memref_slice %arg9[%add3A_124, %dma_start3A_133] : memref<10240x128xf32, #tpu.memory_space<vmem_shared>> -> memref<40x128xf32, #tpu.memory_space<vmem_shared>>
    %dma_start3A_135 = arith.constant 0 : i32
    %dma_start3A_136 = arith.constant 0 : i32
    %dma_start3A_137 = tpu.memref_slice %arg8[%dma_start3A_135, %dma_start3A_136] : memref<200x128xf32, #tpu.memory_space<vmem>> -> memref<40x128xf32, #tpu.memory_space<vmem>>
    %dma_start3A_138 = arith.constant 0 : i32
    %dma_start3A_139 = arith.constant 0 : i32
    %dma_start3A_140 = tpu.memref_slice %dma_start3A_137[%dma_start3A_138, %dma_start3A_139] : memref<40x128xf32, #tpu.memory_space<vmem>> -> memref<40x128xf32, #tpu.memory_space<vmem>>
    tpu.enqueue_dma source(%dma_start3A_140 : memref<40x128xf32, #tpu.memory_space<vmem>>) target(%dma_start3A_134 : memref<40x128xf32, #tpu.memory_space<vmem_shared>>) target_semaphore(%arg15 : memref<!tpu.dma_semaphore, #tpu.memory_space<semaphore_mem>>)
    %mul3A_141 = arith.constant 640 : i32
    %mul3A_142 = arith.muli %arg1, %mul3A_141 : i32
    %add3A_143 = arith.constant 240 : i32
    %add3A_144 = arith.addi %mul3A_142, %add3A_143 : i32
    %dma_start3A_145 = arith.constant 0 : i32
    %dma_start3A_146 = arith.constant 0 : i32
    %dma_start3A_147 = tpu.memref_slice %arg8[%dma_start3A_145, %dma_start3A_146] : memref<200x128xf32, #tpu.memory_space<vmem>> -> memref<40x128xf32, #tpu.memory_space<vmem>>
    %dma_start3A_148 = arith.constant 0 : i32
    %dma_start3A_149 = arith.constant 0 : i32
    %dma_start3A_150 = tpu.memref_slice %dma_start3A_147[%dma_start3A_148, %dma_start3A_149] : memref<40x128xf32, #tpu.memory_space<vmem>> -> memref<40x128xf32, #tpu.memory_space<vmem>>
    %dma_start3A_151 = arith.constant 0 : i32
    %dma_start3A_152 = tpu.memref_slice %arg9[%add3A_144, %dma_start3A_151] : memref<10240x128xf32, #tpu.memory_space<vmem_shared>> -> memref<40x128xf32, #tpu.memory_space<vmem_shared>>
    %dma_start3A_153 = arith.constant 0 : i32
    %dma_start3A_154 = tpu.memref_slice %arg9[%add3A_144, %dma_start3A_153] : memref<10240x128xf32, #tpu.memory_space<vmem_shared>> -> memref<40x128xf32, #tpu.memory_space<vmem_shared>>
    %dma_start3A_155 = arith.constant 0 : i32
    %dma_start3A_156 = arith.constant 0 : i32
    %dma_start3A_157 = tpu.memref_slice %arg8[%dma_start3A_155, %dma_start3A_156] : memref<200x128xf32, #tpu.memory_space<vmem>> -> memref<40x128xf32, #tpu.memory_space<vmem>>
    %dma_start3A_158 = arith.constant 0 : i32
    %dma_start3A_159 = arith.constant 0 : i32
    %dma_start3A_160 = tpu.memref_slice %dma_start3A_157[%dma_start3A_158, %dma_start3A_159] : memref<40x128xf32, #tpu.memory_space<vmem>> -> memref<40x128xf32, #tpu.memory_space<vmem>>
    tpu.enqueue_dma source(%dma_start3A_160 : memref<40x128xf32, #tpu.memory_space<vmem>>) target(%dma_start3A_154 : memref<40x128xf32, #tpu.memory_space<vmem_shared>>) target_semaphore(%arg15 : memref<!tpu.dma_semaphore, #tpu.memory_space<semaphore_mem>>)
    %mul3A_161 = arith.constant 640 : i32
    %mul3A_162 = arith.muli %arg1, %mul3A_161 : i32
    %add3A_163 = arith.constant 280 : i32
    %add3A_164 = arith.addi %mul3A_162, %add3A_163 : i32
    %dma_start3A_165 = arith.constant 0 : i32
    %dma_start3A_166 = arith.constant 0 : i32
    %dma_start3A_167 = tpu.memref_slice %arg8[%dma_start3A_165, %dma_start3A_166] : memref<200x128xf32, #tpu.memory_space<vmem>> -> memref<40x128xf32, #tpu.memory_space<vmem>>
    %dma_start3A_168 = arith.constant 0 : i32
    %dma_start3A_169 = arith.constant 0 : i32
    %dma_start3A_170 = tpu.memref_slice %dma_start3A_167[%dma_start3A_168, %dma_start3A_169] : memref<40x128xf32, #tpu.memory_space<vmem>> -> memref<40x128xf32, #tpu.memory_space<vmem>>
    %dma_start3A_171 = arith.constant 0 : i32
    %dma_start3A_172 = tpu.memref_slice %arg9[%add3A_164, %dma_start3A_171] : memref<10240x128xf32, #tpu.memory_space<vmem_shared>> -> memref<40x128xf32, #tpu.memory_space<vmem_shared>>
    %dma_start3A_173 = arith.constant 0 : i32
    %dma_start3A_174 = tpu.memref_slice %arg9[%add3A_164, %dma_start3A_173] : memref<10240x128xf32, #tpu.memory_space<vmem_shared>> -> memref<40x128xf32, #tpu.memory_space<vmem_shared>>
    %dma_start3A_175 = arith.constant 0 : i32
    %dma_start3A_176 = arith.constant 0 : i32
    %dma_start3A_177 = tpu.memref_slice %arg8[%dma_start3A_175, %dma_start3A_176] : memref<200x128xf32, #tpu.memory_space<vmem>> -> memref<40x128xf32, #tpu.memory_space<vmem>>
    %dma_start3A_178 = arith.constant 0 : i32
    %dma_start3A_179 = arith.constant 0 : i32
    %dma_start3A_180 = tpu.memref_slice %dma_start3A_177[%dma_start3A_178, %dma_start3A_179] : memref<40x128xf32, #tpu.memory_space<vmem>> -> memref<40x128xf32, #tpu.memory_space<vmem>>
    tpu.enqueue_dma source(%dma_start3A_180 : memref<40x128xf32, #tpu.memory_space<vmem>>) target(%dma_start3A_174 : memref<40x128xf32, #tpu.memory_space<vmem_shared>>) target_semaphore(%arg15 : memref<!tpu.dma_semaphore, #tpu.memory_space<semaphore_mem>>)
    %mul3A_181 = arith.constant 640 : i32
    %mul3A_182 = arith.muli %arg1, %mul3A_181 : i32
    %add3A_183 = arith.constant 320 : i32
    %add3A_184 = arith.addi %mul3A_182, %add3A_183 : i32
    %dma_start3A_185 = arith.constant 0 : i32
    %dma_start3A_186 = arith.constant 0 : i32
    %dma_start3A_187 = tpu.memref_slice %arg8[%dma_start3A_185, %dma_start3A_186] : memref<200x128xf32, #tpu.memory_space<vmem>> -> memref<40x128xf32, #tpu.memory_space<vmem>>
    %dma_start3A_188 = arith.constant 0 : i32
    %dma_start3A_189 = arith.constant 0 : i32
    %dma_start3A_190 = tpu.memref_slice %dma_start3A_187[%dma_start3A_188, %dma_start3A_189] : memref<40x128xf32, #tpu.memory_space<vmem>> -> memref<40x128xf32, #tpu.memory_space<vmem>>
    %dma_start3A_191 = arith.constant 0 : i32
    %dma_start3A_192 = tpu.memref_slice %arg9[%add3A_184, %dma_start3A_191] : memref<10240x128xf32, #tpu.memory_space<vmem_shared>> -> memref<40x128xf32, #tpu.memory_space<vmem_shared>>
    %dma_start3A_193 = arith.constant 0 : i32
    %dma_start3A_194 = tpu.memref_slice %arg9[%add3A_184, %dma_start3A_193] : memref<10240x128xf32, #tpu.memory_space<vmem_shared>> -> memref<40x128xf32, #tpu.memory_space<vmem_shared>>
    %dma_start3A_195 = arith.constant 0 : i32
    %dma_start3A_196 = arith.constant 0 : i32
    %dma_start3A_197 = tpu.memref_slice %arg8[%dma_start3A_195, %dma_start3A_196] : memref<200x128xf32, #tpu.memory_space<vmem>> -> memref<40x128xf32, #tpu.memory_space<vmem>>
    %dma_start3A_198 = arith.constant 0 : i32
    %dma_start3A_199 = arith.constant 0 : i32
    %dma_start3A_200 = tpu.memref_slice %dma_start3A_197[%dma_start3A_198, %dma_start3A_199] : memref<40x128xf32, #tpu.memory_space<vmem>> -> memref<40x128xf32, #tpu.memory_space<vmem>>
    tpu.enqueue_dma source(%dma_start3A_200 : memref<40x128xf32, #tpu.memory_space<vmem>>) target(%dma_start3A_194 : memref<40x128xf32, #tpu.memory_space<vmem_shared>>) target_semaphore(%arg15 : memref<!tpu.dma_semaphore, #tpu.memory_space<semaphore_mem>>)
    %mul3A_201 = arith.constant 640 : i32
    %mul3A_202 = arith.muli %arg1, %mul3A_201 : i32
    %add3A_203 = arith.constant 360 : i32
    %add3A_204 = arith.addi %mul3A_202, %add3A_203 : i32
    %dma_start3A_205 = arith.constant 0 : i32
    %dma_start3A_206 = arith.constant 0 : i32
    %dma_start3A_207 = tpu.memref_slice %arg8[%dma_start3A_205, %dma_start3A_206] : memref<200x128xf32, #tpu.memory_space<vmem>> -> memref<40x128xf32, #tpu.memory_space<vmem>>
    %dma_start3A_208 = arith.constant 0 : i32
    %dma_start3A_209 = arith.constant 0 : i32
    %dma_start3A_210 = tpu.memref_slice %dma_start3A_207[%dma_start3A_208, %dma_start3A_209] : memref<40x128xf32, #tpu.memory_space<vmem>> -> memref<40x128xf32, #tpu.memory_space<vmem>>
    %dma_start3A_211 = arith.constant 0 : i32
    %dma_start3A_212 = tpu.memref_slice %arg9[%add3A_204, %dma_start3A_211] : memref<10240x128xf32, #tpu.memory_space<vmem_shared>> -> memref<40x128xf32, #tpu.memory_space<vmem_shared>>
    %dma_start3A_213 = arith.constant 0 : i32
    %dma_start3A_214 = tpu.memref_slice %arg9[%add3A_204, %dma_start3A_213] : memref<10240x128xf32, #tpu.memory_space<vmem_shared>> -> memref<40x128xf32, #tpu.memory_space<vmem_shared>>
    %dma_start3A_215 = arith.constant 0 : i32
    %dma_start3A_216 = arith.constant 0 : i32
    %dma_start3A_217 = tpu.memref_slice %arg8[%dma_start3A_215, %dma_start3A_216] : memref<200x128xf32, #tpu.memory_space<vmem>> -> memref<40x128xf32, #tpu.memory_space<vmem>>
    %dma_start3A_218 = arith.constant 0 : i32
    %dma_start3A_219 = arith.constant 0 : i32
    %dma_start3A_220 = tpu.memref_slice %dma_start3A_217[%dma_start3A_218, %dma_start3A_219] : memref<40x128xf32, #tpu.memory_space<vmem>> -> memref<40x128xf32, #tpu.memory_space<vmem>>
    tpu.enqueue_dma source(%dma_start3A_220 : memref<40x128xf32, #tpu.memory_space<vmem>>) target(%dma_start3A_214 : memref<40x128xf32, #tpu.memory_space<vmem_shared>>) target_semaphore(%arg15 : memref<!tpu.dma_semaphore, #tpu.memory_space<semaphore_mem>>)
    %mul3A_221 = arith.constant 640 : i32
    %mul3A_222 = arith.muli %arg1, %mul3A_221 : i32
    %add3A_223 = arith.constant 400 : i32
    %add3A_224 = arith.addi %mul3A_222, %add3A_223 : i32
    %dma_start3A_225 = arith.constant 0 : i32
    %dma_start3A_226 = arith.constant 0 : i32
    %dma_start3A_227 = tpu.memref_slice %arg8[%dma_start3A_225, %dma_start3A_226] : memref<200x128xf32, #tpu.memory_space<vmem>> -> memref<40x128xf32, #tpu.memory_space<vmem>>
    %dma_start3A_228 = arith.constant 0 : i32
    %dma_start3A_229 = arith.constant 0 : i32
    %dma_start3A_230 = tpu.memref_slice %dma_start3A_227[%dma_start3A_228, %dma_start3A_229] : memref<40x128xf32, #tpu.memory_space<vmem>> -> memref<40x128xf32, #tpu.memory_space<vmem>>
    %dma_start3A_231 = arith.constant 0 : i32
    %dma_start3A_232 = tpu.memref_slice %arg9[%add3A_224, %dma_start3A_231] : memref<10240x128xf32, #tpu.memory_space<vmem_shared>> -> memref<40x128xf32, #tpu.memory_space<vmem_shared>>
    %dma_start3A_233 = arith.constant 0 : i32
    %dma_start3A_234 = tpu.memref_slice %arg9[%add3A_224, %dma_start3A_233] : memref<10240x128xf32, #tpu.memory_space<vmem_shared>> -> memref<40x128xf32, #tpu.memory_space<vmem_shared>>
    %dma_start3A_235 = arith.constant 0 : i32
    %dma_start3A_236 = arith.constant 0 : i32
    %dma_start3A_237 = tpu.memref_slice %arg8[%dma_start3A_235, %dma_start3A_236] : memref<200x128xf32, #tpu.memory_space<vmem>> -> memref<40x128xf32, #tpu.memory_space<vmem>>
    %dma_start3A_238 = arith.constant 0 : i32
    %dma_start3A_239 = arith.constant 0 : i32
    %dma_start3A_240 = tpu.memref_slice %dma_start3A_237[%dma_start3A_238, %dma_start3A_239] : memref<40x128xf32, #tpu.memory_space<vmem>> -> memref<40x128xf32, #tpu.memory_space<vmem>>
    tpu.enqueue_dma source(%dma_start3A_240 : memref<40x128xf32, #tpu.memory_space<vmem>>) target(%dma_start3A_234 : memref<40x128xf32, #tpu.memory_space<vmem_shared>>) target_semaphore(%arg15 : memref<!tpu.dma_semaphore, #tpu.memory_space<semaphore_mem>>)
    %mul3A_241 = arith.constant 640 : i32
    %mul3A_242 = arith.muli %arg1, %mul3A_241 : i32
    %add3A_243 = arith.constant 440 : i32
    %add3A_244 = arith.addi %mul3A_242, %add3A_243 : i32
    %dma_start3A_245 = arith.constant 0 : i32
    %dma_start3A_246 = arith.constant 0 : i32
    %dma_start3A_247 = tpu.memref_slice %arg8[%dma_start3A_245, %dma_start3A_246] : memref<200x128xf32, #tpu.memory_space<vmem>> -> memref<40x128xf32, #tpu.memory_space<vmem>>
    %dma_start3A_248 = arith.constant 0 : i32
    %dma_start3A_249 = arith.constant 0 : i32
    %dma_start3A_250 = tpu.memref_slice %dma_start3A_247[%dma_start3A_248, %dma_start3A_249] : memref<40x128xf32, #tpu.memory_space<vmem>> -> memref<40x128xf32, #tpu.memory_space<vmem>>
    %dma_start3A_251 = arith.constant 0 : i32
    %dma_start3A_252 = tpu.memref_slice %arg9[%add3A_244, %dma_start3A_251] : memref<10240x128xf32, #tpu.memory_space<vmem_shared>> -> memref<40x128xf32, #tpu.memory_space<vmem_shared>>
    %dma_start3A_253 = arith.constant 0 : i32
    %dma_start3A_254 = tpu.memref_slice %arg9[%add3A_244, %dma_start3A_253] : memref<10240x128xf32, #tpu.memory_space<vmem_shared>> -> memref<40x128xf32, #tpu.memory_space<vmem_shared>>
    %dma_start3A_255 = arith.constant 0 : i32
    %dma_start3A_256 = arith.constant 0 : i32
    %dma_start3A_257 = tpu.memref_slice %arg8[%dma_start3A_255, %dma_start3A_256] : memref<200x128xf32, #tpu.memory_space<vmem>> -> memref<40x128xf32, #tpu.memory_space<vmem>>
    %dma_start3A_258 = arith.constant 0 : i32
    %dma_start3A_259 = arith.constant 0 : i32
    %dma_start3A_260 = tpu.memref_slice %dma_start3A_257[%dma_start3A_258, %dma_start3A_259] : memref<40x128xf32, #tpu.memory_space<vmem>> -> memref<40x128xf32, #tpu.memory_space<vmem>>
    tpu.enqueue_dma source(%dma_start3A_260 : memref<40x128xf32, #tpu.memory_space<vmem>>) target(%dma_start3A_254 : memref<40x128xf32, #tpu.memory_space<vmem_shared>>) target_semaphore(%arg15 : memref<!tpu.dma_semaphore, #tpu.memory_space<semaphore_mem>>)
    %mul3A_261 = arith.constant 640 : i32
    %mul3A_262 = arith.muli %arg1, %mul3A_261 : i32
    %add3A_263 = arith.constant 480 : i32
    %add3A_264 = arith.addi %mul3A_262, %add3A_263 : i32
    %dma_start3A_265 = arith.constant 0 : i32
    %dma_start3A_266 = arith.constant 0 : i32
    %dma_start3A_267 = tpu.memref_slice %arg8[%dma_start3A_265, %dma_start3A_266] : memref<200x128xf32, #tpu.memory_space<vmem>> -> memref<40x128xf32, #tpu.memory_space<vmem>>
    %dma_start3A_268 = arith.constant 0 : i32
    %dma_start3A_269 = arith.constant 0 : i32
    %dma_start3A_270 = tpu.memref_slice %dma_start3A_267[%dma_start3A_268, %dma_start3A_269] : memref<40x128xf32, #tpu.memory_space<vmem>> -> memref<40x128xf32, #tpu.memory_space<vmem>>
    %dma_start3A_271 = arith.constant 0 : i32
    %dma_start3A_272 = tpu.memref_slice %arg9[%add3A_264, %dma_start3A_271] : memref<10240x128xf32, #tpu.memory_space<vmem_shared>> -> memref<40x128xf32, #tpu.memory_space<vmem_shared>>
    %dma_start3A_273 = arith.constant 0 : i32
    %dma_start3A_274 = tpu.memref_slice %arg9[%add3A_264, %dma_start3A_273] : memref<10240x128xf32, #tpu.memory_space<vmem_shared>> -> memref<40x128xf32, #tpu.memory_space<vmem_shared>>
    %dma_start3A_275 = arith.constant 0 : i32
    %dma_start3A_276 = arith.constant 0 : i32
    %dma_start3A_277 = tpu.memref_slice %arg8[%dma_start3A_275, %dma_start3A_276] : memref<200x128xf32, #tpu.memory_space<vmem>> -> memref<40x128xf32, #tpu.memory_space<vmem>>
    %dma_start3A_278 = arith.constant 0 : i32
    %dma_start3A_279 = arith.constant 0 : i32
    %dma_start3A_280 = tpu.memref_slice %dma_start3A_277[%dma_start3A_278, %dma_start3A_279] : memref<40x128xf32, #tpu.memory_space<vmem>> -> memref<40x128xf32, #tpu.memory_space<vmem>>
    tpu.enqueue_dma source(%dma_start3A_280 : memref<40x128xf32, #tpu.memory_space<vmem>>) target(%dma_start3A_274 : memref<40x128xf32, #tpu.memory_space<vmem_shared>>) target_semaphore(%arg15 : memref<!tpu.dma_semaphore, #tpu.memory_space<semaphore_mem>>)
    %mul3A_281 = arith.constant 640 : i32
    %mul3A_282 = arith.muli %arg1, %mul3A_281 : i32
    %add3A_283 = arith.constant 520 : i32
    %add3A_284 = arith.addi %mul3A_282, %add3A_283 : i32
    %dma_start3A_285 = arith.constant 0 : i32
    %dma_start3A_286 = arith.constant 0 : i32
    %dma_start3A_287 = tpu.memref_slice %arg8[%dma_start3A_285, %dma_start3A_286] : memref<200x128xf32, #tpu.memory_space<vmem>> -> memref<40x128xf32, #tpu.memory_space<vmem>>
    %dma_start3A_288 = arith.constant 0 : i32
    %dma_start3A_289 = arith.constant 0 : i32
    %dma_start3A_290 = tpu.memref_slice %dma_start3A_287[%dma_start3A_288, %dma_start3A_289] : memref<40x128xf32, #tpu.memory_space<vmem>> -> memref<40x128xf32, #tpu.memory_space<vmem>>
    %dma_start3A_291 = arith.constant 0 : i32
    %dma_start3A_292 = tpu.memref_slice %arg9[%add3A_284, %dma_start3A_291] : memref<10240x128xf32, #tpu.memory_space<vmem_shared>> -> memref<40x128xf32, #tpu.memory_space<vmem_shared>>
    %dma_start3A_293 = arith.constant 0 : i32
    %dma_start3A_294 = tpu.memref_slice %arg9[%add3A_284, %dma_start3A_293] : memref<10240x128xf32, #tpu.memory_space<vmem_shared>> -> memref<40x128xf32, #tpu.memory_space<vmem_shared>>
    %dma_start3A_295 = arith.constant 0 : i32
    %dma_start3A_296 = arith.constant 0 : i32
    %dma_start3A_297 = tpu.memref_slice %arg8[%dma_start3A_295, %dma_start3A_296] : memref<200x128xf32, #tpu.memory_space<vmem>> -> memref<40x128xf32, #tpu.memory_space<vmem>>
    %dma_start3A_298 = arith.constant 0 : i32
    %dma_start3A_299 = arith.constant 0 : i32
    %dma_start3A_300 = tpu.memref_slice %dma_start3A_297[%dma_start3A_298, %dma_start3A_299] : memref<40x128xf32, #tpu.memory_space<vmem>> -> memref<40x128xf32, #tpu.memory_space<vmem>>
    tpu.enqueue_dma source(%dma_start3A_300 : memref<40x128xf32, #tpu.memory_space<vmem>>) target(%dma_start3A_294 : memref<40x128xf32, #tpu.memory_space<vmem_shared>>) target_semaphore(%arg15 : memref<!tpu.dma_semaphore, #tpu.memory_space<semaphore_mem>>)
    %mul3A_301 = arith.constant 640 : i32
    %mul3A_302 = arith.muli %arg1, %mul3A_301 : i32
    %add3A_303 = arith.constant 560 : i32
    %add3A_304 = arith.addi %mul3A_302, %add3A_303 : i32
    %dma_start3A_305 = arith.constant 0 : i32
    %dma_start3A_306 = arith.constant 0 : i32
    %dma_start3A_307 = tpu.memref_slice %arg8[%dma_start3A_305, %dma_start3A_306] : memref<200x128xf32, #tpu.memory_space<vmem>> -> memref<40x128xf32, #tpu.memory_space<vmem>>
    %dma_start3A_308 = arith.constant 0 : i32
    %dma_start3A_309 = arith.constant 0 : i32
    %dma_start3A_310 = tpu.memref_slice %dma_start3A_307[%dma_start3A_308, %dma_start3A_309] : memref<40x128xf32, #tpu.memory_space<vmem>> -> memref<40x128xf32, #tpu.memory_space<vmem>>
    %dma_start3A_311 = arith.constant 0 : i32
    %dma_start3A_312 = tpu.memref_slice %arg9[%add3A_304, %dma_start3A_311] : memref<10240x128xf32, #tpu.memory_space<vmem_shared>> -> memref<40x128xf32, #tpu.memory_space<vmem_shared>>
    %dma_start3A_313 = arith.constant 0 : i32
    %dma_start3A_314 = tpu.memref_slice %arg9[%add3A_304, %dma_start3A_313] : memref<10240x128xf32, #tpu.memory_space<vmem_shared>> -> memref<40x128xf32, #tpu.memory_space<vmem_shared>>
    %dma_start3A_315 = arith.constant 0 : i32
    %dma_start3A_316 = arith.constant 0 : i32
    %dma_start3A_317 = tpu.memref_slice %arg8[%dma_start3A_315, %dma_start3A_316] : memref<200x128xf32, #tpu.memory_space<vmem>> -> memref<40x128xf32, #tpu.memory_space<vmem>>
    %dma_start3A_318 = arith.constant 0 : i32
    %dma_start3A_319 = arith.constant 0 : i32
    %dma_start3A_320 = tpu.memref_slice %dma_start3A_317[%dma_start3A_318, %dma_start3A_319] : memref<40x128xf32, #tpu.memory_space<vmem>> -> memref<40x128xf32, #tpu.memory_space<vmem>>
    tpu.enqueue_dma source(%dma_start3A_320 : memref<40x128xf32, #tpu.memory_space<vmem>>) target(%dma_start3A_314 : memref<40x128xf32, #tpu.memory_space<vmem_shared>>) target_semaphore(%arg15 : memref<!tpu.dma_semaphore, #tpu.memory_space<semaphore_mem>>)
    %mul3A_321 = arith.constant 640 : i32
    %mul3A_322 = arith.muli %arg1, %mul3A_321 : i32
    %add3A_323 = arith.constant 600 : i32
    %add3A_324 = arith.addi %mul3A_322, %add3A_323 : i32
    %dma_start3A_325 = arith.constant 0 : i32
    %dma_start3A_326 = arith.constant 0 : i32
    %dma_start3A_327 = tpu.memref_slice %arg8[%dma_start3A_325, %dma_start3A_326] : memref<200x128xf32, #tpu.memory_space<vmem>> -> memref<40x128xf32, #tpu.memory_space<vmem>>
    %dma_start3A_328 = arith.constant 0 : i32
    %dma_start3A_329 = arith.constant 0 : i32
    %dma_start3A_330 = tpu.memref_slice %dma_start3A_327[%dma_start3A_328, %dma_start3A_329] : memref<40x128xf32, #tpu.memory_space<vmem>> -> memref<40x128xf32, #tpu.memory_space<vmem>>
    %dma_start3A_331 = arith.constant 0 : i32
    %dma_start3A_332 = tpu.memref_slice %arg9[%add3A_324, %dma_start3A_331] : memref<10240x128xf32, #tpu.memory_space<vmem_shared>> -> memref<40x128xf32, #tpu.memory_space<vmem_shared>>
    %dma_start3A_333 = arith.constant 0 : i32
    %dma_start3A_334 = tpu.memref_slice %arg9[%add3A_324, %dma_start3A_333] : memref<10240x128xf32, #tpu.memory_space<vmem_shared>> -> memref<40x128xf32, #tpu.memory_space<vmem_shared>>
    %dma_start3A_335 = arith.constant 0 : i32
    %dma_start3A_336 = arith.constant 0 : i32
    %dma_start3A_337 = tpu.memref_slice %arg8[%dma_start3A_335, %dma_start3A_336] : memref<200x128xf32, #tpu.memory_space<vmem>> -> memref<40x128xf32, #tpu.memory_space<vmem>>
    %dma_start3A_338 = arith.constant 0 : i32
    %dma_start3A_339 = arith.constant 0 : i32
    %dma_start3A_340 = tpu.memref_slice %dma_start3A_337[%dma_start3A_338, %dma_start3A_339] : memref<40x128xf32, #tpu.memory_space<vmem>> -> memref<40x128xf32, #tpu.memory_space<vmem>>
    tpu.enqueue_dma source(%dma_start3A_340 : memref<40x128xf32, #tpu.memory_space<vmem>>) target(%dma_start3A_334 : memref<40x128xf32, #tpu.memory_space<vmem_shared>>) target_semaphore(%arg15 : memref<!tpu.dma_semaphore, #tpu.memory_space<semaphore_mem>>)
    %dma_wait3A = arith.constant 0 : i32
    %dma_wait3A_341 = arith.constant 0 : i32
    %dma_wait3A_342 = tpu.memref_slice %arg3[%add3A, %dma_wait3A, %dma_wait3A_341] : memref<32x250x40xi32, #tpu.memory_space<hbm>> -> memref<1x250x40xi32, #tpu.memory_space<hbm>>
    %dma_wait3A_343 = tpu.memref_squeeze %dma_wait3A_342 : memref<1x250x40xi32, #tpu.memory_space<hbm>> -> memref<250x40xi32, #tpu.memory_space<hbm>>
    %dma_wait3A_344 = arith.constant 0 : i32
    %dma_wait3A_345 = arith.constant 0 : i32
    %dma_wait3A_346 = tpu.memref_slice %arg3[%add3A, %dma_wait3A_344, %dma_wait3A_345] : memref<32x250x40xi32, #tpu.memory_space<hbm>> -> memref<1x250x40xi32, #tpu.memory_space<hbm>>
    %dma_wait3A_347 = tpu.memref_squeeze %dma_wait3A_346 : memref<1x250x40xi32, #tpu.memory_space<hbm>> -> memref<250x40xi32, #tpu.memory_space<hbm>>
    tpu.wait_dma2 semaphore(%arg10 : memref<!tpu.dma_semaphore, #tpu.memory_space<semaphore_mem>>) src(%dma_wait3A_347 : memref<250x40xi32, #tpu.memory_space<hbm>>) dst(%arg6 : memref<250x40xi32, #tpu.memory_space<vmem>>)
    %dma_wait3A_348 = arith.constant 0 : i32
    %dma_wait3A_349 = arith.constant 0 : i32
    %dma_wait3A_350 = tpu.memref_slice %arg4[%add3A, %dma_wait3A_348, %dma_wait3A_349] : memref<32x250x40xi32, #tpu.memory_space<hbm>> -> memref<1x250x40xi32, #tpu.memory_space<hbm>>
    %dma_wait3A_351 = tpu.memref_squeeze %dma_wait3A_350 : memref<1x250x40xi32, #tpu.memory_space<hbm>> -> memref<250x40xi32, #tpu.memory_space<hbm>>
    %dma_wait3A_352 = arith.constant 0 : i32
    %dma_wait3A_353 = arith.constant 0 : i32
    %dma_wait3A_354 = tpu.memref_slice %arg4[%add3A, %dma_wait3A_352, %dma_wait3A_353] : memref<32x250x40xi32, #tpu.memory_space<hbm>> -> memref<1x250x40xi32, #tpu.memory_space<hbm>>
    %dma_wait3A_355 = tpu.memref_squeeze %dma_wait3A_354 : memref<1x250x40xi32, #tpu.memory_space<hbm>> -> memref<250x40xi32, #tpu.memory_space<hbm>>
    tpu.wait_dma2 semaphore(%arg11 : memref<!tpu.dma_semaphore, #tpu.memory_space<semaphore_mem>>) src(%dma_wait3A_355 : memref<250x40xi32, #tpu.memory_space<hbm>>) dst(%arg7 : memref<250x40xi32, #tpu.memory_space<vmem>>)
    %mul3A_356 = arith.constant 640 : i32
    %mul3A_357 = arith.muli %arg1, %mul3A_356 : i32
    %dma_wait3A_358 = arith.constant 0 : i32
    %dma_wait3A_359 = arith.constant 0 : i32
    %dma_wait3A_360 = tpu.memref_slice %arg8[%dma_wait3A_358, %dma_wait3A_359] : memref<200x128xf32, #tpu.memory_space<vmem>> -> memref<40x128xf32, #tpu.memory_space<vmem>>
    %dma_wait3A_361 = arith.constant 0 : i32
    %dma_wait3A_362 = arith.constant 0 : i32
    %dma_wait3A_363 = tpu.memref_slice %dma_wait3A_360[%dma_wait3A_361, %dma_wait3A_362] : memref<40x128xf32, #tpu.memory_space<vmem>> -> memref<40x128xf32, #tpu.memory_space<vmem>>
    %dma_wait3A_364 = arith.constant 0 : i32
    %dma_wait3A_365 = tpu.memref_slice %arg9[%mul3A_357, %dma_wait3A_364] : memref<10240x128xf32, #tpu.memory_space<vmem_shared>> -> memref<40x128xf32, #tpu.memory_space<vmem_shared>>
    %dma_wait3A_366 = arith.constant 0 : i32
    %dma_wait3A_367 = tpu.memref_slice %arg9[%mul3A_357, %dma_wait3A_366] : memref<10240x128xf32, #tpu.memory_space<vmem_shared>> -> memref<40x128xf32, #tpu.memory_space<vmem_shared>>
    %dma_wait3A_368 = arith.constant 0 : i32
    %dma_wait3A_369 = arith.constant 0 : i32
    %dma_wait3A_370 = tpu.memref_slice %arg8[%dma_wait3A_368, %dma_wait3A_369] : memref<200x128xf32, #tpu.memory_space<vmem>> -> memref<40x128xf32, #tpu.memory_space<vmem>>
    %dma_wait3A_371 = arith.constant 0 : i32
    %dma_wait3A_372 = arith.constant 0 : i32
    %dma_wait3A_373 = tpu.memref_slice %dma_wait3A_370[%dma_wait3A_371, %dma_wait3A_372] : memref<40x128xf32, #tpu.memory_space<vmem>> -> memref<40x128xf32, #tpu.memory_space<vmem>>
    tpu.wait_dma2 semaphore(%arg15 : memref<!tpu.dma_semaphore, #tpu.memory_space<semaphore_mem>>) src(%dma_wait3A_373 : memref<40x128xf32, #tpu.memory_space<vmem>>) dst(%dma_wait3A_367 : memref<40x128xf32, #tpu.memory_space<vmem_shared>>)
    %mul3A_374 = arith.constant 640 : i32
    %mul3A_375 = arith.muli %arg1, %mul3A_374 : i32
    %dma_wait3A_376 = arith.constant 0 : i32
    %dma_wait3A_377 = arith.constant 0 : i32
    %dma_wait3A_378 = tpu.memref_slice %arg8[%dma_wait3A_376, %dma_wait3A_377] : memref<200x128xf32, #tpu.memory_space<vmem>> -> memref<40x128xf32, #tpu.memory_space<vmem>>
    %dma_wait3A_379 = arith.constant 0 : i32
    %dma_wait3A_380 = arith.constant 0 : i32
    %dma_wait3A_381 = tpu.memref_slice %dma_wait3A_378[%dma_wait3A_379, %dma_wait3A_380] : memref<40x128xf32, #tpu.memory_space<vmem>> -> memref<40x128xf32, #tpu.memory_space<vmem>>
    %dma_wait3A_382 = arith.constant 0 : i32
    %dma_wait3A_383 = tpu.memref_slice %arg9[%mul3A_375, %dma_wait3A_382] : memref<10240x128xf32, #tpu.memory_space<vmem_shared>> -> memref<40x128xf32, #tpu.memory_space<vmem_shared>>
    %dma_wait3A_384 = arith.constant 0 : i32
    %dma_wait3A_385 = tpu.memref_slice %arg9[%mul3A_375, %dma_wait3A_384] : memref<10240x128xf32, #tpu.memory_space<vmem_shared>> -> memref<40x128xf32, #tpu.memory_space<vmem_shared>>
    %dma_wait3A_386 = arith.constant 0 : i32
    %dma_wait3A_387 = arith.constant 0 : i32
    %dma_wait3A_388 = tpu.memref_slice %arg8[%dma_wait3A_386, %dma_wait3A_387] : memref<200x128xf32, #tpu.memory_space<vmem>> -> memref<40x128xf32, #tpu.memory_space<vmem>>
    %dma_wait3A_389 = arith.constant 0 : i32
    %dma_wait3A_390 = arith.constant 0 : i32
    %dma_wait3A_391 = tpu.memref_slice %dma_wait3A_388[%dma_wait3A_389, %dma_wait3A_390] : memref<40x128xf32, #tpu.memory_space<vmem>> -> memref<40x128xf32, #tpu.memory_space<vmem>>
    tpu.wait_dma2 semaphore(%arg15 : memref<!tpu.dma_semaphore, #tpu.memory_space<semaphore_mem>>) src(%dma_wait3A_391 : memref<40x128xf32, #tpu.memory_space<vmem>>) dst(%dma_wait3A_385 : memref<40x128xf32, #tpu.memory_space<vmem_shared>>)
    %mul3A_392 = arith.constant 640 : i32
    %mul3A_393 = arith.muli %arg1, %mul3A_392 : i32
    %dma_wait3A_394 = arith.constant 0 : i32
    %dma_wait3A_395 = arith.constant 0 : i32
    %dma_wait3A_396 = tpu.memref_slice %arg8[%dma_wait3A_394, %dma_wait3A_395] : memref<200x128xf32, #tpu.memory_space<vmem>> -> memref<40x128xf32, #tpu.memory_space<vmem>>
    %dma_wait3A_397 = arith.constant 0 : i32
    %dma_wait3A_398 = arith.constant 0 : i32
    %dma_wait3A_399 = tpu.memref_slice %dma_wait3A_396[%dma_wait3A_397, %dma_wait3A_398] : memref<40x128xf32, #tpu.memory_space<vmem>> -> memref<40x128xf32, #tpu.memory_space<vmem>>
    %dma_wait3A_400 = arith.constant 0 : i32
    %dma_wait3A_401 = tpu.memref_slice %arg9[%mul3A_393, %dma_wait3A_400] : memref<10240x128xf32, #tpu.memory_space<vmem_shared>> -> memref<40x128xf32, #tpu.memory_space<vmem_shared>>
    %dma_wait3A_402 = arith.constant 0 : i32
    %dma_wait3A_403 = tpu.memref_slice %arg9[%mul3A_393, %dma_wait3A_402] : memref<10240x128xf32, #tpu.memory_space<vmem_shared>> -> memref<40x128xf32, #tpu.memory_space<vmem_shared>>
    %dma_wait3A_404 = arith.constant 0 : i32
    %dma_wait3A_405 = arith.constant 0 : i32
    %dma_wait3A_406 = tpu.memref_slice %arg8[%dma_wait3A_404, %dma_wait3A_405] : memref<200x128xf32, #tpu.memory_space<vmem>> -> memref<40x128xf32, #tpu.memory_space<vmem>>
    %dma_wait3A_407 = arith.constant 0 : i32
    %dma_wait3A_408 = arith.constant 0 : i32
    %dma_wait3A_409 = tpu.memref_slice %dma_wait3A_406[%dma_wait3A_407, %dma_wait3A_408] : memref<40x128xf32, #tpu.memory_space<vmem>> -> memref<40x128xf32, #tpu.memory_space<vmem>>
    tpu.wait_dma2 semaphore(%arg15 : memref<!tpu.dma_semaphore, #tpu.memory_space<semaphore_mem>>) src(%dma_wait3A_409 : memref<40x128xf32, #tpu.memory_space<vmem>>) dst(%dma_wait3A_403 : memref<40x128xf32, #tpu.memory_space<vmem_shared>>)
    %mul3A_410 = arith.constant 640 : i32
    %mul3A_411 = arith.muli %arg1, %mul3A_410 : i32
    %dma_wait3A_412 = arith.constant 0 : i32
    %dma_wait3A_413 = arith.constant 0 : i32
    %dma_wait3A_414 = tpu.memref_slice %arg8[%dma_wait3A_412, %dma_wait3A_413] : memref<200x128xf32, #tpu.memory_space<vmem>> -> memref<40x128xf32, #tpu.memory_space<vmem>>
    %dma_wait3A_415 = arith.constant 0 : i32
    %dma_wait3A_416 = arith.constant 0 : i32
    %dma_wait3A_417 = tpu.memref_slice %dma_wait3A_414[%dma_wait3A_415, %dma_wait3A_416] : memref<40x128xf32, #tpu.memory_space<vmem>> -> memref<40x128xf32, #tpu.memory_space<vmem>>
    %dma_wait3A_418 = arith.constant 0 : i32
    %dma_wait3A_419 = tpu.memref_slice %arg9[%mul3A_411, %dma_wait3A_418] : memref<10240x128xf32, #tpu.memory_space<vmem_shared>> -> memref<40x128xf32, #tpu.memory_space<vmem_shared>>
    %dma_wait3A_420 = arith.constant 0 : i32
    %dma_wait3A_421 = tpu.memref_slice %arg9[%mul3A_411, %dma_wait3A_420] : memref<10240x128xf32, #tpu.memory_space<vmem_shared>> -> memref<40x128xf32, #tpu.memory_space<vmem_shared>>
    %dma_wait3A_422 = arith.constant 0 : i32
    %dma_wait3A_423 = arith.constant 0 : i32
    %dma_wait3A_424 = tpu.memref_slice %arg8[%dma_wait3A_422, %dma_wait3A_423] : memref<200x128xf32, #tpu.memory_space<vmem>> -> memref<40x128xf32, #tpu.memory_space<vmem>>
    %dma_wait3A_425 = arith.constant 0 : i32
    %dma_wait3A_426 = arith.constant 0 : i32
    %dma_wait3A_427 = tpu.memref_slice %dma_wait3A_424[%dma_wait3A_425, %dma_wait3A_426] : memref<40x128xf32, #tpu.memory_space<vmem>> -> memref<40x128xf32, #tpu.memory_space<vmem>>
    tpu.wait_dma2 semaphore(%arg15 : memref<!tpu.dma_semaphore, #tpu.memory_space<semaphore_mem>>) src(%dma_wait3A_427 : memref<40x128xf32, #tpu.memory_space<vmem>>) dst(%dma_wait3A_421 : memref<40x128xf32, #tpu.memory_space<vmem_shared>>)
    %mul3A_428 = arith.constant 640 : i32
    %mul3A_429 = arith.muli %arg1, %mul3A_428 : i32
    %dma_wait3A_430 = arith.constant 0 : i32
    %dma_wait3A_431 = arith.constant 0 : i32
    %dma_wait3A_432 = tpu.memref_slice %arg8[%dma_wait3A_430, %dma_wait3A_431] : memref<200x128xf32, #tpu.memory_space<vmem>> -> memref<40x128xf32, #tpu.memory_space<vmem>>
    %dma_wait3A_433 = arith.constant 0 : i32
    %dma_wait3A_434 = arith.constant 0 : i32
    %dma_wait3A_435 = tpu.memref_slice %dma_wait3A_432[%dma_wait3A_433, %dma_wait3A_434] : memref<40x128xf32, #tpu.memory_space<vmem>> -> memref<40x128xf32, #tpu.memory_space<vmem>>
    %dma_wait3A_436 = arith.constant 0 : i32
    %dma_wait3A_437 = tpu.memref_slice %arg9[%mul3A_429, %dma_wait3A_436] : memref<10240x128xf32, #tpu.memory_space<vmem_shared>> -> memref<40x128xf32, #tpu.memory_space<vmem_shared>>
    %dma_wait3A_438 = arith.constant 0 : i32
    %dma_wait3A_439 = tpu.memref_slice %arg9[%mul3A_429, %dma_wait3A_438] : memref<10240x128xf32, #tpu.memory_space<vmem_shared>> -> memref<40x128xf32, #tpu.memory_space<vmem_shared>>
    %dma_wait3A_440 = arith.constant 0 : i32
    %dma_wait3A_441 = arith.constant 0 : i32
    %dma_wait3A_442 = tpu.memref_slice %arg8[%dma_wait3A_440, %dma_wait3A_441] : memref<200x128xf32, #tpu.memory_space<vmem>> -> memref<40x128xf32, #tpu.memory_space<vmem>>
    %dma_wait3A_443 = arith.constant 0 : i32
    %dma_wait3A_444 = arith.constant 0 : i32
    %dma_wait3A_445 = tpu.memref_slice %dma_wait3A_442[%dma_wait3A_443, %dma_wait3A_444] : memref<40x128xf32, #tpu.memory_space<vmem>> -> memref<40x128xf32, #tpu.memory_space<vmem>>
    tpu.wait_dma2 semaphore(%arg15 : memref<!tpu.dma_semaphore, #tpu.memory_space<semaphore_mem>>) src(%dma_wait3A_445 : memref<40x128xf32, #tpu.memory_space<vmem>>) dst(%dma_wait3A_439 : memref<40x128xf32, #tpu.memory_space<vmem_shared>>)
    %mul3A_446 = arith.constant 640 : i32
    %mul3A_447 = arith.muli %arg1, %mul3A_446 : i32
    %dma_wait3A_448 = arith.constant 0 : i32
    %dma_wait3A_449 = arith.constant 0 : i32
    %dma_wait3A_450 = tpu.memref_slice %arg8[%dma_wait3A_448, %dma_wait3A_449] : memref<200x128xf32, #tpu.memory_space<vmem>> -> memref<40x128xf32, #tpu.memory_space<vmem>>
    %dma_wait3A_451 = arith.constant 0 : i32
    %dma_wait3A_452 = arith.constant 0 : i32
    %dma_wait3A_453 = tpu.memref_slice %dma_wait3A_450[%dma_wait3A_451, %dma_wait3A_452] : memref<40x128xf32, #tpu.memory_space<vmem>> -> memref<40x128xf32, #tpu.memory_space<vmem>>
    %dma_wait3A_454 = arith.constant 0 : i32
    %dma_wait3A_455 = tpu.memref_slice %arg9[%mul3A_447, %dma_wait3A_454] : memref<10240x128xf32, #tpu.memory_space<vmem_shared>> -> memref<40x128xf32, #tpu.memory_space<vmem_shared>>
    %dma_wait3A_456 = arith.constant 0 : i32
    %dma_wait3A_457 = tpu.memref_slice %arg9[%mul3A_447, %dma_wait3A_456] : memref<10240x128xf32, #tpu.memory_space<vmem_shared>> -> memref<40x128xf32, #tpu.memory_space<vmem_shared>>
    %dma_wait3A_458 = arith.constant 0 : i32
    %dma_wait3A_459 = arith.constant 0 : i32
    %dma_wait3A_460 = tpu.memref_slice %arg8[%dma_wait3A_458, %dma_wait3A_459] : memref<200x128xf32, #tpu.memory_space<vmem>> -> memref<40x128xf32, #tpu.memory_space<vmem>>
    %dma_wait3A_461 = arith.constant 0 : i32
    %dma_wait3A_462 = arith.constant 0 : i32
    %dma_wait3A_463 = tpu.memref_slice %dma_wait3A_460[%dma_wait3A_461, %dma_wait3A_462] : memref<40x128xf32, #tpu.memory_space<vmem>> -> memref<40x128xf32, #tpu.memory_space<vmem>>
    tpu.wait_dma2 semaphore(%arg15 : memref<!tpu.dma_semaphore, #tpu.memory_space<semaphore_mem>>) src(%dma_wait3A_463 : memref<40x128xf32, #tpu.memory_space<vmem>>) dst(%dma_wait3A_457 : memref<40x128xf32, #tpu.memory_space<vmem_shared>>)
    %mul3A_464 = arith.constant 640 : i32
    %mul3A_465 = arith.muli %arg1, %mul3A_464 : i32
    %dma_wait3A_466 = arith.constant 0 : i32
    %dma_wait3A_467 = arith.constant 0 : i32
    %dma_wait3A_468 = tpu.memref_slice %arg8[%dma_wait3A_466, %dma_wait3A_467] : memref<200x128xf32, #tpu.memory_space<vmem>> -> memref<40x128xf32, #tpu.memory_space<vmem>>
    %dma_wait3A_469 = arith.constant 0 : i32
    %dma_wait3A_470 = arith.constant 0 : i32
    %dma_wait3A_471 = tpu.memref_slice %dma_wait3A_468[%dma_wait3A_469, %dma_wait3A_470] : memref<40x128xf32, #tpu.memory_space<vmem>> -> memref<40x128xf32, #tpu.memory_space<vmem>>
    %dma_wait3A_472 = arith.constant 0 : i32
    %dma_wait3A_473 = tpu.memref_slice %arg9[%mul3A_465, %dma_wait3A_472] : memref<10240x128xf32, #tpu.memory_space<vmem_shared>> -> memref<40x128xf32, #tpu.memory_space<vmem_shared>>
    %dma_wait3A_474 = arith.constant 0 : i32
    %dma_wait3A_475 = tpu.memref_slice %arg9[%mul3A_465, %dma_wait3A_474] : memref<10240x128xf32, #tpu.memory_space<vmem_shared>> -> memref<40x128xf32, #tpu.memory_space<vmem_shared>>
    %dma_wait3A_476 = arith.constant 0 : i32
    %dma_wait3A_477 = arith.constant 0 : i32
    %dma_wait3A_478 = tpu.memref_slice %arg8[%dma_wait3A_476, %dma_wait3A_477] : memref<200x128xf32, #tpu.memory_space<vmem>> -> memref<40x128xf32, #tpu.memory_space<vmem>>
    %dma_wait3A_479 = arith.constant 0 : i32
    %dma_wait3A_480 = arith.constant 0 : i32
    %dma_wait3A_481 = tpu.memref_slice %dma_wait3A_478[%dma_wait3A_479, %dma_wait3A_480] : memref<40x128xf32, #tpu.memory_space<vmem>> -> memref<40x128xf32, #tpu.memory_space<vmem>>
    tpu.wait_dma2 semaphore(%arg15 : memref<!tpu.dma_semaphore, #tpu.memory_space<semaphore_mem>>) src(%dma_wait3A_481 : memref<40x128xf32, #tpu.memory_space<vmem>>) dst(%dma_wait3A_475 : memref<40x128xf32, #tpu.memory_space<vmem_shared>>)
    %mul3A_482 = arith.constant 640 : i32
    %mul3A_483 = arith.muli %arg1, %mul3A_482 : i32
    %dma_wait3A_484 = arith.constant 0 : i32
    %dma_wait3A_485 = arith.constant 0 : i32
    %dma_wait3A_486 = tpu.memref_slice %arg8[%dma_wait3A_484, %dma_wait3A_485] : memref<200x128xf32, #tpu.memory_space<vmem>> -> memref<40x128xf32, #tpu.memory_space<vmem>>
    %dma_wait3A_487 = arith.constant 0 : i32
    %dma_wait3A_488 = arith.constant 0 : i32
    %dma_wait3A_489 = tpu.memref_slice %dma_wait3A_486[%dma_wait3A_487, %dma_wait3A_488] : memref<40x128xf32, #tpu.memory_space<vmem>> -> memref<40x128xf32, #tpu.memory_space<vmem>>
    %dma_wait3A_490 = arith.constant 0 : i32
    %dma_wait3A_491 = tpu.memref_slice %arg9[%mul3A_483, %dma_wait3A_490] : memref<10240x128xf32, #tpu.memory_space<vmem_shared>> -> memref<40x128xf32, #tpu.memory_space<vmem_shared>>
    %dma_wait3A_492 = arith.constant 0 : i32
    %dma_wait3A_493 = tpu.memref_slice %arg9[%mul3A_483, %dma_wait3A_492] : memref<10240x128xf32, #tpu.memory_space<vmem_shared>> -> memref<40x128xf32, #tpu.memory_space<vmem_shared>>
    %dma_wait3A_494 = arith.constant 0 : i32
    %dma_wait3A_495 = arith.constant 0 : i32
    %dma_wait3A_496 = tpu.memref_slice %arg8[%dma_wait3A_494, %dma_wait3A_495] : memref<200x128xf32, #tpu.memory_space<vmem>> -> memref<40x128xf32, #tpu.memory_space<vmem>>
    %dma_wait3A_497 = arith.constant 0 : i32
    %dma_wait3A_498 = arith.constant 0 : i32
    %dma_wait3A_499 = tpu.memref_slice %dma_wait3A_496[%dma_wait3A_497, %dma_wait3A_498] : memref<40x128xf32, #tpu.memory_space<vmem>> -> memref<40x128xf32, #tpu.memory_space<vmem>>
    tpu.wait_dma2 semaphore(%arg15 : memref<!tpu.dma_semaphore, #tpu.memory_space<semaphore_mem>>) src(%dma_wait3A_499 : memref<40x128xf32, #tpu.memory_space<vmem>>) dst(%dma_wait3A_493 : memref<40x128xf32, #tpu.memory_space<vmem_shared>>)
    %mul3A_500 = arith.constant 640 : i32
    %mul3A_501 = arith.muli %arg1, %mul3A_500 : i32
    %dma_wait3A_502 = arith.constant 0 : i32
    %dma_wait3A_503 = arith.constant 0 : i32
    %dma_wait3A_504 = tpu.memref_slice %arg8[%dma_wait3A_502, %dma_wait3A_503] : memref<200x128xf32, #tpu.memory_space<vmem>> -> memref<40x128xf32, #tpu.memory_space<vmem>>
    %dma_wait3A_505 = arith.constant 0 : i32
    %dma_wait3A_506 = arith.constant 0 : i32
    %dma_wait3A_507 = tpu.memref_slice %dma_wait3A_504[%dma_wait3A_505, %dma_wait3A_506] : memref<40x128xf32, #tpu.memory_space<vmem>> -> memref<40x128xf32, #tpu.memory_space<vmem>>
    %dma_wait3A_508 = arith.constant 0 : i32
    %dma_wait3A_509 = tpu.memref_slice %arg9[%mul3A_501, %dma_wait3A_508] : memref<10240x128xf32, #tpu.memory_space<vmem_shared>> -> memref<40x128xf32, #tpu.memory_space<vmem_shared>>
    %dma_wait3A_510 = arith.constant 0 : i32
    %dma_wait3A_511 = tpu.memref_slice %arg9[%mul3A_501, %dma_wait3A_510] : memref<10240x128xf32, #tpu.memory_space<vmem_shared>> -> memref<40x128xf32, #tpu.memory_space<vmem_shared>>
    %dma_wait3A_512 = arith.constant 0 : i32
    %dma_wait3A_513 = arith.constant 0 : i32
    %dma_wait3A_514 = tpu.memref_slice %arg8[%dma_wait3A_512, %dma_wait3A_513] : memref<200x128xf32, #tpu.memory_space<vmem>> -> memref<40x128xf32, #tpu.memory_space<vmem>>
    %dma_wait3A_515 = arith.constant 0 : i32
    %dma_wait3A_516 = arith.constant 0 : i32
    %dma_wait3A_517 = tpu.memref_slice %dma_wait3A_514[%dma_wait3A_515, %dma_wait3A_516] : memref<40x128xf32, #tpu.memory_space<vmem>> -> memref<40x128xf32, #tpu.memory_space<vmem>>
    tpu.wait_dma2 semaphore(%arg15 : memref<!tpu.dma_semaphore, #tpu.memory_space<semaphore_mem>>) src(%dma_wait3A_517 : memref<40x128xf32, #tpu.memory_space<vmem>>) dst(%dma_wait3A_511 : memref<40x128xf32, #tpu.memory_space<vmem_shared>>)
    %mul3A_518 = arith.constant 640 : i32
    %mul3A_519 = arith.muli %arg1, %mul3A_518 : i32
    %dma_wait3A_520 = arith.constant 0 : i32
    %dma_wait3A_521 = arith.constant 0 : i32
    %dma_wait3A_522 = tpu.memref_slice %arg8[%dma_wait3A_520, %dma_wait3A_521] : memref<200x128xf32, #tpu.memory_space<vmem>> -> memref<40x128xf32, #tpu.memory_space<vmem>>
    %dma_wait3A_523 = arith.constant 0 : i32
    %dma_wait3A_524 = arith.constant 0 : i32
    %dma_wait3A_525 = tpu.memref_slice %dma_wait3A_522[%dma_wait3A_523, %dma_wait3A_524] : memref<40x128xf32, #tpu.memory_space<vmem>> -> memref<40x128xf32, #tpu.memory_space<vmem>>
    %dma_wait3A_526 = arith.constant 0 : i32
    %dma_wait3A_527 = tpu.memref_slice %arg9[%mul3A_519, %dma_wait3A_526] : memref<10240x128xf32, #tpu.memory_space<vmem_shared>> -> memref<40x128xf32, #tpu.memory_space<vmem_shared>>
    %dma_wait3A_528 = arith.constant 0 : i32
    %dma_wait3A_529 = tpu.memref_slice %arg9[%mul3A_519, %dma_wait3A_528] : memref<10240x128xf32, #tpu.memory_space<vmem_shared>> -> memref<40x128xf32, #tpu.memory_space<vmem_shared>>
    %dma_wait3A_530 = arith.constant 0 : i32
    %dma_wait3A_531 = arith.constant 0 : i32
    %dma_wait3A_532 = tpu.memref_slice %arg8[%dma_wait3A_530, %dma_wait3A_531] : memref<200x128xf32, #tpu.memory_space<vmem>> -> memref<40x128xf32, #tpu.memory_space<vmem>>
    %dma_wait3A_533 = arith.constant 0 : i32
    %dma_wait3A_534 = arith.constant 0 : i32
    %dma_wait3A_535 = tpu.memref_slice %dma_wait3A_532[%dma_wait3A_533, %dma_wait3A_534] : memref<40x128xf32, #tpu.memory_space<vmem>> -> memref<40x128xf32, #tpu.memory_space<vmem>>
    tpu.wait_dma2 semaphore(%arg15 : memref<!tpu.dma_semaphore, #tpu.memory_space<semaphore_mem>>) src(%dma_wait3A_535 : memref<40x128xf32, #tpu.memory_space<vmem>>) dst(%dma_wait3A_529 : memref<40x128xf32, #tpu.memory_space<vmem_shared>>)
    %mul3A_536 = arith.constant 640 : i32
    %mul3A_537 = arith.muli %arg1, %mul3A_536 : i32
    %dma_wait3A_538 = arith.constant 0 : i32
    %dma_wait3A_539 = arith.constant 0 : i32
    %dma_wait3A_540 = tpu.memref_slice %arg8[%dma_wait3A_538, %dma_wait3A_539] : memref<200x128xf32, #tpu.memory_space<vmem>> -> memref<40x128xf32, #tpu.memory_space<vmem>>
    %dma_wait3A_541 = arith.constant 0 : i32
    %dma_wait3A_542 = arith.constant 0 : i32
    %dma_wait3A_543 = tpu.memref_slice %dma_wait3A_540[%dma_wait3A_541, %dma_wait3A_542] : memref<40x128xf32, #tpu.memory_space<vmem>> -> memref<40x128xf32, #tpu.memory_space<vmem>>
    %dma_wait3A_544 = arith.constant 0 : i32
    %dma_wait3A_545 = tpu.memref_slice %arg9[%mul3A_537, %dma_wait3A_544] : memref<10240x128xf32, #tpu.memory_space<vmem_shared>> -> memref<40x128xf32, #tpu.memory_space<vmem_shared>>
    %dma_wait3A_546 = arith.constant 0 : i32
    %dma_wait3A_547 = tpu.memref_slice %arg9[%mul3A_537, %dma_wait3A_546] : memref<10240x128xf32, #tpu.memory_space<vmem_shared>> -> memref<40x128xf32, #tpu.memory_space<vmem_shared>>
    %dma_wait3A_548 = arith.constant 0 : i32
    %dma_wait3A_549 = arith.constant 0 : i32
    %dma_wait3A_550 = tpu.memref_slice %arg8[%dma_wait3A_548, %dma_wait3A_549] : memref<200x128xf32, #tpu.memory_space<vmem>> -> memref<40x128xf32, #tpu.memory_space<vmem>>
    %dma_wait3A_551 = arith.constant 0 : i32
    %dma_wait3A_552 = arith.constant 0 : i32
    %dma_wait3A_553 = tpu.memref_slice %dma_wait3A_550[%dma_wait3A_551, %dma_wait3A_552] : memref<40x128xf32, #tpu.memory_space<vmem>> -> memref<40x128xf32, #tpu.memory_space<vmem>>
    tpu.wait_dma2 semaphore(%arg15 : memref<!tpu.dma_semaphore, #tpu.memory_space<semaphore_mem>>) src(%dma_wait3A_553 : memref<40x128xf32, #tpu.memory_space<vmem>>) dst(%dma_wait3A_547 : memref<40x128xf32, #tpu.memory_space<vmem_shared>>)
    %mul3A_554 = arith.constant 640 : i32
    %mul3A_555 = arith.muli %arg1, %mul3A_554 : i32
    %dma_wait3A_556 = arith.constant 0 : i32
    %dma_wait3A_557 = arith.constant 0 : i32
    %dma_wait3A_558 = tpu.memref_slice %arg8[%dma_wait3A_556, %dma_wait3A_557] : memref<200x128xf32, #tpu.memory_space<vmem>> -> memref<40x128xf32, #tpu.memory_space<vmem>>
    %dma_wait3A_559 = arith.constant 0 : i32
    %dma_wait3A_560 = arith.constant 0 : i32
    %dma_wait3A_561 = tpu.memref_slice %dma_wait3A_558[%dma_wait3A_559, %dma_wait3A_560] : memref<40x128xf32, #tpu.memory_space<vmem>> -> memref<40x128xf32, #tpu.memory_space<vmem>>
    %dma_wait3A_562 = arith.constant 0 : i32
    %dma_wait3A_563 = tpu.memref_slice %arg9[%mul3A_555, %dma_wait3A_562] : memref<10240x128xf32, #tpu.memory_space<vmem_shared>> -> memref<40x128xf32, #tpu.memory_space<vmem_shared>>
    %dma_wait3A_564 = arith.constant 0 : i32
    %dma_wait3A_565 = tpu.memref_slice %arg9[%mul3A_555, %dma_wait3A_564] : memref<10240x128xf32, #tpu.memory_space<vmem_shared>> -> memref<40x128xf32, #tpu.memory_space<vmem_shared>>
    %dma_wait3A_566 = arith.constant 0 : i32
    %dma_wait3A_567 = arith.constant 0 : i32
    %dma_wait3A_568 = tpu.memref_slice %arg8[%dma_wait3A_566, %dma_wait3A_567] : memref<200x128xf32, #tpu.memory_space<vmem>> -> memref<40x128xf32, #tpu.memory_space<vmem>>
    %dma_wait3A_569 = arith.constant 0 : i32
    %dma_wait3A_570 = arith.constant 0 : i32
    %dma_wait3A_571 = tpu.memref_slice %dma_wait3A_568[%dma_wait3A_569, %dma_wait3A_570] : memref<40x128xf32, #tpu.memory_space<vmem>> -> memref<40x128xf32, #tpu.memory_space<vmem>>
    tpu.wait_dma2 semaphore(%arg15 : memref<!tpu.dma_semaphore, #tpu.memory_space<semaphore_mem>>) src(%dma_wait3A_571 : memref<40x128xf32, #tpu.memory_space<vmem>>) dst(%dma_wait3A_565 : memref<40x128xf32, #tpu.memory_space<vmem_shared>>)
    %mul3A_572 = arith.constant 640 : i32
    %mul3A_573 = arith.muli %arg1, %mul3A_572 : i32
    %dma_wait3A_574 = arith.constant 0 : i32
    %dma_wait3A_575 = arith.constant 0 : i32
    %dma_wait3A_576 = tpu.memref_slice %arg8[%dma_wait3A_574, %dma_wait3A_575] : memref<200x128xf32, #tpu.memory_space<vmem>> -> memref<40x128xf32, #tpu.memory_space<vmem>>
    %dma_wait3A_577 = arith.constant 0 : i32
    %dma_wait3A_578 = arith.constant 0 : i32
    %dma_wait3A_579 = tpu.memref_slice %dma_wait3A_576[%dma_wait3A_577, %dma_wait3A_578] : memref<40x128xf32, #tpu.memory_space<vmem>> -> memref<40x128xf32, #tpu.memory_space<vmem>>
    %dma_wait3A_580 = arith.constant 0 : i32
    %dma_wait3A_581 = tpu.memref_slice %arg9[%mul3A_573, %dma_wait3A_580] : memref<10240x128xf32, #tpu.memory_space<vmem_shared>> -> memref<40x128xf32, #tpu.memory_space<vmem_shared>>
    %dma_wait3A_582 = arith.constant 0 : i32
    %dma_wait3A_583 = tpu.memref_slice %arg9[%mul3A_573, %dma_wait3A_582] : memref<10240x128xf32, #tpu.memory_space<vmem_shared>> -> memref<40x128xf32, #tpu.memory_space<vmem_shared>>
    %dma_wait3A_584 = arith.constant 0 : i32
    %dma_wait3A_585 = arith.constant 0 : i32
    %dma_wait3A_586 = tpu.memref_slice %arg8[%dma_wait3A_584, %dma_wait3A_585] : memref<200x128xf32, #tpu.memory_space<vmem>> -> memref<40x128xf32, #tpu.memory_space<vmem>>
    %dma_wait3A_587 = arith.constant 0 : i32
    %dma_wait3A_588 = arith.constant 0 : i32
    %dma_wait3A_589 = tpu.memref_slice %dma_wait3A_586[%dma_wait3A_587, %dma_wait3A_588] : memref<40x128xf32, #tpu.memory_space<vmem>> -> memref<40x128xf32, #tpu.memory_space<vmem>>
    tpu.wait_dma2 semaphore(%arg15 : memref<!tpu.dma_semaphore, #tpu.memory_space<semaphore_mem>>) src(%dma_wait3A_589 : memref<40x128xf32, #tpu.memory_space<vmem>>) dst(%dma_wait3A_583 : memref<40x128xf32, #tpu.memory_space<vmem_shared>>)
    %mul3A_590 = arith.constant 640 : i32
    %mul3A_591 = arith.muli %arg1, %mul3A_590 : i32
    %dma_wait3A_592 = arith.constant 0 : i32
    %dma_wait3A_593 = arith.constant 0 : i32
    %dma_wait3A_594 = tpu.memref_slice %arg8[%dma_wait3A_592, %dma_wait3A_593] : memref<200x128xf32, #tpu.memory_space<vmem>> -> memref<40x128xf32, #tpu.memory_space<vmem>>
    %dma_wait3A_595 = arith.constant 0 : i32
    %dma_wait3A_596 = arith.constant 0 : i32
    %dma_wait3A_597 = tpu.memref_slice %dma_wait3A_594[%dma_wait3A_595, %dma_wait3A_596] : memref<40x128xf32, #tpu.memory_space<vmem>> -> memref<40x128xf32, #tpu.memory_space<vmem>>
    %dma_wait3A_598 = arith.constant 0 : i32
    %dma_wait3A_599 = tpu.memref_slice %arg9[%mul3A_591, %dma_wait3A_598] : memref<10240x128xf32, #tpu.memory_space<vmem_shared>> -> memref<40x128xf32, #tpu.memory_space<vmem_shared>>
    %dma_wait3A_600 = arith.constant 0 : i32
    %dma_wait3A_601 = tpu.memref_slice %arg9[%mul3A_591, %dma_wait3A_600] : memref<10240x128xf32, #tpu.memory_space<vmem_shared>> -> memref<40x128xf32, #tpu.memory_space<vmem_shared>>
    %dma_wait3A_602 = arith.constant 0 : i32
    %dma_wait3A_603 = arith.constant 0 : i32
    %dma_wait3A_604 = tpu.memref_slice %arg8[%dma_wait3A_602, %dma_wait3A_603] : memref<200x128xf32, #tpu.memory_space<vmem>> -> memref<40x128xf32, #tpu.memory_space<vmem>>
    %dma_wait3A_605 = arith.constant 0 : i32
    %dma_wait3A_606 = arith.constant 0 : i32
    %dma_wait3A_607 = tpu.memref_slice %dma_wait3A_604[%dma_wait3A_605, %dma_wait3A_606] : memref<40x128xf32, #tpu.memory_space<vmem>> -> memref<40x128xf32, #tpu.memory_space<vmem>>
    tpu.wait_dma2 semaphore(%arg15 : memref<!tpu.dma_semaphore, #tpu.memory_space<semaphore_mem>>) src(%dma_wait3A_607 : memref<40x128xf32, #tpu.memory_space<vmem>>) dst(%dma_wait3A_601 : memref<40x128xf32, #tpu.memory_space<vmem_shared>>)
    %mul3A_608 = arith.constant 640 : i32
    %mul3A_609 = arith.muli %arg1, %mul3A_608 : i32
    %dma_wait3A_610 = arith.constant 0 : i32
    %dma_wait3A_611 = arith.constant 0 : i32
    %dma_wait3A_612 = tpu.memref_slice %arg8[%dma_wait3A_610, %dma_wait3A_611] : memref<200x128xf32, #tpu.memory_space<vmem>> -> memref<40x128xf32, #tpu.memory_space<vmem>>
    %dma_wait3A_613 = arith.constant 0 : i32
    %dma_wait3A_614 = arith.constant 0 : i32
    %dma_wait3A_615 = tpu.memref_slice %dma_wait3A_612[%dma_wait3A_613, %dma_wait3A_614] : memref<40x128xf32, #tpu.memory_space<vmem>> -> memref<40x128xf32, #tpu.memory_space<vmem>>
    %dma_wait3A_616 = arith.constant 0 : i32
    %dma_wait3A_617 = tpu.memref_slice %arg9[%mul3A_609, %dma_wait3A_616] : memref<10240x128xf32, #tpu.memory_space<vmem_shared>> -> memref<40x128xf32, #tpu.memory_space<vmem_shared>>
    %dma_wait3A_618 = arith.constant 0 : i32
    %dma_wait3A_619 = tpu.memref_slice %arg9[%mul3A_609, %dma_wait3A_618] : memref<10240x128xf32, #tpu.memory_space<vmem_shared>> -> memref<40x128xf32, #tpu.memory_space<vmem_shared>>
    %dma_wait3A_620 = arith.constant 0 : i32
    %dma_wait3A_621 = arith.constant 0 : i32
    %dma_wait3A_622 = tpu.memref_slice %arg8[%dma_wait3A_620, %dma_wait3A_621] : memref<200x128xf32, #tpu.memory_space<vmem>> -> memref<40x128xf32, #tpu.memory_space<vmem>>
    %dma_wait3A_623 = arith.constant 0 : i32
    %dma_wait3A_624 = arith.constant 0 : i32
    %dma_wait3A_625 = tpu.memref_slice %dma_wait3A_622[%dma_wait3A_623, %dma_wait3A_624] : memref<40x128xf32, #tpu.memory_space<vmem>> -> memref<40x128xf32, #tpu.memory_space<vmem>>
    tpu.wait_dma2 semaphore(%arg15 : memref<!tpu.dma_semaphore, #tpu.memory_space<semaphore_mem>>) src(%dma_wait3A_625 : memref<40x128xf32, #tpu.memory_space<vmem>>) dst(%dma_wait3A_619 : memref<40x128xf32, #tpu.memory_space<vmem_shared>>)
    %mul3A_626 = arith.constant 640 : i32
    %mul3A_627 = arith.muli %arg1, %mul3A_626 : i32
    %dma_wait3A_628 = arith.constant 0 : i32
    %dma_wait3A_629 = arith.constant 0 : i32
    %dma_wait3A_630 = tpu.memref_slice %arg8[%dma_wait3A_628, %dma_wait3A_629] : memref<200x128xf32, #tpu.memory_space<vmem>> -> memref<40x128xf32, #tpu.memory_space<vmem>>
    %dma_wait3A_631 = arith.constant 0 : i32
    %dma_wait3A_632 = arith.constant 0 : i32
    %dma_wait3A_633 = tpu.memref_slice %dma_wait3A_630[%dma_wait3A_631, %dma_wait3A_632] : memref<40x128xf32, #tpu.memory_space<vmem>> -> memref<40x128xf32, #tpu.memory_space<vmem>>
    %dma_wait3A_634 = arith.constant 0 : i32
    %dma_wait3A_635 = tpu.memref_slice %arg9[%mul3A_627, %dma_wait3A_634] : memref<10240x128xf32, #tpu.memory_space<vmem_shared>> -> memref<40x128xf32, #tpu.memory_space<vmem_shared>>
    %dma_wait3A_636 = arith.constant 0 : i32
    %dma_wait3A_637 = tpu.memref_slice %arg9[%mul3A_627, %dma_wait3A_636] : memref<10240x128xf32, #tpu.memory_space<vmem_shared>> -> memref<40x128xf32, #tpu.memory_space<vmem_shared>>
    %dma_wait3A_638 = arith.constant 0 : i32
    %dma_wait3A_639 = arith.constant 0 : i32
    %dma_wait3A_640 = tpu.memref_slice %arg8[%dma_wait3A_638, %dma_wait3A_639] : memref<200x128xf32, #tpu.memory_space<vmem>> -> memref<40x128xf32, #tpu.memory_space<vmem>>
    %dma_wait3A_641 = arith.constant 0 : i32
    %dma_wait3A_642 = arith.constant 0 : i32
    %dma_wait3A_643 = tpu.memref_slice %dma_wait3A_640[%dma_wait3A_641, %dma_wait3A_642] : memref<40x128xf32, #tpu.memory_space<vmem>> -> memref<40x128xf32, #tpu.memory_space<vmem>>
    tpu.wait_dma2 semaphore(%arg15 : memref<!tpu.dma_semaphore, #tpu.memory_space<semaphore_mem>>) src(%dma_wait3A_643 : memref<40x128xf32, #tpu.memory_space<vmem>>) dst(%dma_wait3A_637 : memref<40x128xf32, #tpu.memory_space<vmem_shared>>)
    %barrier3A = arith.constant 0 : index
    tpu.barrier barrier_id(%barrier3A)
    %dma_start3A_644 = arith.constant 0 : i32
    %dma_start3A_645 = arith.constant 0 : i32
    %dma_start3A_646 = arith.constant 0 : i32
    %dma_start3A_647 = tpu.memref_slice %arg8[%dma_start3A_645, %dma_start3A_646] : memref<200x128xf32, #tpu.memory_space<vmem>> -> memref<40x128xf32, #tpu.memory_space<vmem>>
    %dma_start3A_648 = arith.constant 0 : i32
    %dma_start3A_649 = tpu.memref_slice %arg6[%dma_start3A_644, %dma_start3A_648] : memref<250x40xi32, #tpu.memory_space<vmem>> -> memref<1x40xi32, #tpu.memory_space<vmem>>
    %dma_start3A_650 = tpu.memref_squeeze %dma_start3A_649 : memref<1x40xi32, #tpu.memory_space<vmem>> -> memref<40xi32, #tpu.memory_space<vmem>>
    %dma_start3A_651 = arith.constant 0 : i32
    %dma_start3A_652 = arith.constant 0 : i32
    %dma_start3A_653 = tpu.memref_slice %arg2[%dma_start3A_651, %dma_start3A_652] : memref<10000x128xf32, #tpu.memory_space<hbm>> -> memref<10000x128xf32, #tpu.memory_space<hbm>>
    tpu.enqueue_indirect_dma source(%dma_start3A_653 : memref<10000x128xf32, #tpu.memory_space<hbm>>) target(%dma_start3A_647 : memref<40x128xf32, #tpu.memory_space<vmem>>) offsets(%dma_start3A_650 : memref<40xi32, #tpu.memory_space<vmem>>) semaphore(%arg10 : memref<!tpu.dma_semaphore, #tpu.memory_space<semaphore_mem>>)
    %dma_start3A_654 = arith.constant 1 : i32
    %dma_start3A_655 = arith.constant 40 : i32
    %dma_start3A_656 = arith.constant 0 : i32
    %dma_start3A_657 = tpu.memref_slice %arg8[%dma_start3A_655, %dma_start3A_656] : memref<200x128xf32, #tpu.memory_space<vmem>> -> memref<40x128xf32, #tpu.memory_space<vmem>>
    %dma_start3A_658 = arith.constant 0 : i32
    %dma_start3A_659 = tpu.memref_slice %arg6[%dma_start3A_654, %dma_start3A_658] : memref<250x40xi32, #tpu.memory_space<vmem>> -> memref<1x40xi32, #tpu.memory_space<vmem>>
    %dma_start3A_660 = tpu.memref_squeeze %dma_start3A_659 : memref<1x40xi32, #tpu.memory_space<vmem>> -> memref<40xi32, #tpu.memory_space<vmem>>
    %dma_start3A_661 = arith.constant 0 : i32
    %dma_start3A_662 = arith.constant 0 : i32
    %dma_start3A_663 = tpu.memref_slice %arg2[%dma_start3A_661, %dma_start3A_662] : memref<10000x128xf32, #tpu.memory_space<hbm>> -> memref<10000x128xf32, #tpu.memory_space<hbm>>
    tpu.enqueue_indirect_dma source(%dma_start3A_663 : memref<10000x128xf32, #tpu.memory_space<hbm>>) target(%dma_start3A_657 : memref<40x128xf32, #tpu.memory_space<vmem>>) offsets(%dma_start3A_660 : memref<40xi32, #tpu.memory_space<vmem>>) semaphore(%arg11 : memref<!tpu.dma_semaphore, #tpu.memory_space<semaphore_mem>>)
    %dma_start3A_664 = arith.constant 2 : i32
    %dma_start3A_665 = arith.constant 80 : i32
    %dma_start3A_666 = arith.constant 0 : i32
    %dma_start3A_667 = tpu.memref_slice %arg8[%dma_start3A_665, %dma_start3A_666] : memref<200x128xf32, #tpu.memory_space<vmem>> -> memref<40x128xf32, #tpu.memory_space<vmem>>
    %dma_start3A_668 = arith.constant 0 : i32
    %dma_start3A_669 = tpu.memref_slice %arg6[%dma_start3A_664, %dma_start3A_668] : memref<250x40xi32, #tpu.memory_space<vmem>> -> memref<1x40xi32, #tpu.memory_space<vmem>>
    %dma_start3A_670 = tpu.memref_squeeze %dma_start3A_669 : memref<1x40xi32, #tpu.memory_space<vmem>> -> memref<40xi32, #tpu.memory_space<vmem>>
    %dma_start3A_671 = arith.constant 0 : i32
    %dma_start3A_672 = arith.constant 0 : i32
    %dma_start3A_673 = tpu.memref_slice %arg2[%dma_start3A_671, %dma_start3A_672] : memref<10000x128xf32, #tpu.memory_space<hbm>> -> memref<10000x128xf32, #tpu.memory_space<hbm>>
    tpu.enqueue_indirect_dma source(%dma_start3A_673 : memref<10000x128xf32, #tpu.memory_space<hbm>>) target(%dma_start3A_667 : memref<40x128xf32, #tpu.memory_space<vmem>>) offsets(%dma_start3A_670 : memref<40xi32, #tpu.memory_space<vmem>>) semaphore(%arg12 : memref<!tpu.dma_semaphore, #tpu.memory_space<semaphore_mem>>)
    %dma_start3A_674 = arith.constant 3 : i32
    %dma_start3A_675 = arith.constant 120 : i32
    %dma_start3A_676 = arith.constant 0 : i32
    %dma_start3A_677 = tpu.memref_slice %arg8[%dma_start3A_675, %dma_start3A_676] : memref<200x128xf32, #tpu.memory_space<vmem>> -> memref<40x128xf32, #tpu.memory_space<vmem>>
    %dma_start3A_678 = arith.constant 0 : i32
    %dma_start3A_679 = tpu.memref_slice %arg6[%dma_start3A_674, %dma_start3A_678] : memref<250x40xi32, #tpu.memory_space<vmem>> -> memref<1x40xi32, #tpu.memory_space<vmem>>
    %dma_start3A_680 = tpu.memref_squeeze %dma_start3A_679 : memref<1x40xi32, #tpu.memory_space<vmem>> -> memref<40xi32, #tpu.memory_space<vmem>>
    %dma_start3A_681 = arith.constant 0 : i32
    %dma_start3A_682 = arith.constant 0 : i32
    %dma_start3A_683 = tpu.memref_slice %arg2[%dma_start3A_681, %dma_start3A_682] : memref<10000x128xf32, #tpu.memory_space<hbm>> -> memref<10000x128xf32, #tpu.memory_space<hbm>>
    tpu.enqueue_indirect_dma source(%dma_start3A_683 : memref<10000x128xf32, #tpu.memory_space<hbm>>) target(%dma_start3A_677 : memref<40x128xf32, #tpu.memory_space<vmem>>) offsets(%dma_start3A_680 : memref<40xi32, #tpu.memory_space<vmem>>) semaphore(%arg13 : memref<!tpu.dma_semaphore, #tpu.memory_space<semaphore_mem>>)
    %dma_start3A_684 = arith.constant 4 : i32
    %dma_start3A_685 = arith.constant 160 : i32
    %dma_start3A_686 = arith.constant 0 : i32
    %dma_start3A_687 = tpu.memref_slice %arg8[%dma_start3A_685, %dma_start3A_686] : memref<200x128xf32, #tpu.memory_space<vmem>> -> memref<40x128xf32, #tpu.memory_space<vmem>>
    %dma_start3A_688 = arith.constant 0 : i32
    %dma_start3A_689 = tpu.memref_slice %arg6[%dma_start3A_684, %dma_start3A_688] : memref<250x40xi32, #tpu.memory_space<vmem>> -> memref<1x40xi32, #tpu.memory_space<vmem>>
    %dma_start3A_690 = tpu.memref_squeeze %dma_start3A_689 : memref<1x40xi32, #tpu.memory_space<vmem>> -> memref<40xi32, #tpu.memory_space<vmem>>
    %dma_start3A_691 = arith.constant 0 : i32
    %dma_start3A_692 = arith.constant 0 : i32
    %dma_start3A_693 = tpu.memref_slice %arg2[%dma_start3A_691, %dma_start3A_692] : memref<10000x128xf32, #tpu.memory_space<hbm>> -> memref<10000x128xf32, #tpu.memory_space<hbm>>
    tpu.enqueue_indirect_dma source(%dma_start3A_693 : memref<10000x128xf32, #tpu.memory_space<hbm>>) target(%dma_start3A_687 : memref<40x128xf32, #tpu.memory_space<vmem>>) offsets(%dma_start3A_690 : memref<40xi32, #tpu.memory_space<vmem>>) semaphore(%arg14 : memref<!tpu.dma_semaphore, #tpu.memory_space<semaphore_mem>>)
    %scan3A_694 = arith.constant 0 : i32
    %scan3A_695 = arith.constant 0 : i32
    %scan3A_696 = arith.constant 50 : i32
    %scan3A_697 = arith.addi %scan3A_695, %scan3A_696 : i32
    %scan3A_698 = arith.constant 1 : i32
    scf.for %scan3A_705 = %scan3A_695 to %scan3A_697 step %scan3A_698  : i32 {
      %mul3A_706 = arith.constant 5 : i32
      %mul3A_707 = arith.muli %scan3A_705, %mul3A_706 : i32
      %add3A_708 = arith.constant 0 : i32
      %add3A_709 = arith.addi %mul3A_707, %add3A_708 : i32
      %dma_wait3A_710 = arith.constant 0 : i32
      %dma_wait3A_711 = arith.constant 0 : i32
      %dma_wait3A_712 = tpu.memref_slice %arg8[%dma_wait3A_710, %dma_wait3A_711] : memref<200x128xf32, #tpu.memory_space<vmem>> -> memref<40x128xf32, #tpu.memory_space<vmem>>
      %dma_wait3A_713 = arith.constant 0 : i32
      %dma_wait3A_714 = tpu.memref_slice %arg6[%add3A_709, %dma_wait3A_713] : memref<250x40xi32, #tpu.memory_space<vmem>> -> memref<1x40xi32, #tpu.memory_space<vmem>>
      %dma_wait3A_715 = tpu.memref_squeeze %dma_wait3A_714 : memref<1x40xi32, #tpu.memory_space<vmem>> -> memref<40xi32, #tpu.memory_space<vmem>>
      %dma_wait3A_716 = arith.constant 0 : i32
      %dma_wait3A_717 = arith.constant 0 : i32
      %dma_wait3A_718 = tpu.memref_slice %arg2[%dma_wait3A_716, %dma_wait3A_717] : memref<10000x128xf32, #tpu.memory_space<hbm>> -> memref<10000x128xf32, #tpu.memory_space<hbm>>
      tpu.wait_indirect_dma semaphore(%arg10 : memref<!tpu.dma_semaphore, #tpu.memory_space<semaphore_mem>>) src(%dma_wait3A_718 : memref<10000x128xf32, #tpu.memory_space<hbm>>) dst(%dma_wait3A_712 : memref<40x128xf32, #tpu.memory_space<vmem>>)
      "tpu.region"() ({
        %run_scoped3A = tpu.sem_alloc : memref<!tpu.dma_semaphore, #tpu.memory_space<semaphore_mem>>
        %dma_start3A_803 = arith.constant 0 : i32
        %dma_start3A_804 = arith.constant 0 : i32
        %dma_start3A_805 = tpu.memref_slice %arg8[%dma_start3A_803, %dma_start3A_804] : memref<200x128xf32, #tpu.memory_space<vmem>> -> memref<40x128xf32, #tpu.memory_space<vmem>>
        %dma_start3A_806 = arith.constant 0 : i32
        %dma_start3A_807 = tpu.memref_slice %arg7[%add3A_709, %dma_start3A_806] : memref<250x40xi32, #tpu.memory_space<vmem>> -> memref<1x40xi32, #tpu.memory_space<vmem>>
        %dma_start3A_808 = tpu.memref_squeeze %dma_start3A_807 : memref<1x40xi32, #tpu.memory_space<vmem>> -> memref<40xi32, #tpu.memory_space<vmem>>
        %dma_start3A_809 = arith.constant 0 : i32
        %dma_start3A_810 = arith.constant 0 : i32
        %dma_start3A_811 = tpu.memref_slice %arg9[%dma_start3A_809, %dma_start3A_810] : memref<10240x128xf32, #tpu.memory_space<vmem_shared>> -> memref<10240x128xf32, #tpu.memory_space<vmem_shared>>
        tpu.enqueue_indirect_dma source(%dma_start3A_805 : memref<40x128xf32, #tpu.memory_space<vmem>>) target(%dma_start3A_811 : memref<10240x128xf32, #tpu.memory_space<vmem_shared>>) offsets(%dma_start3A_808 : memref<40xi32, #tpu.memory_space<vmem>>) semaphore(%run_scoped3A : memref<!tpu.dma_semaphore, #tpu.memory_space<semaphore_mem>>) {add = true}
        %dma_wait3A_812 = arith.constant 0 : i32
        %dma_wait3A_813 = arith.constant 0 : i32
        %dma_wait3A_814 = tpu.memref_slice %arg8[%dma_wait3A_812, %dma_wait3A_813] : memref<200x128xf32, #tpu.memory_space<vmem>> -> memref<40x128xf32, #tpu.memory_space<vmem>>
        %dma_wait3A_815 = arith.constant 0 : i32
        %dma_wait3A_816 = tpu.memref_slice %arg7[%add3A_709, %dma_wait3A_815] : memref<250x40xi32, #tpu.memory_space<vmem>> -> memref<1x40xi32, #tpu.memory_space<vmem>>
        %dma_wait3A_817 = tpu.memref_squeeze %dma_wait3A_816 : memref<1x40xi32, #tpu.memory_space<vmem>> -> memref<40xi32, #tpu.memory_space<vmem>>
        %dma_wait3A_818 = arith.constant 0 : i32
        %dma_wait3A_819 = arith.constant 0 : i32
        %dma_wait3A_820 = tpu.memref_slice %arg9[%dma_wait3A_818, %dma_wait3A_819] : memref<10240x128xf32, #tpu.memory_space<vmem_shared>> -> memref<10240x128xf32, #tpu.memory_space<vmem_shared>>
        tpu.wait_indirect_dma semaphore(%run_scoped3A : memref<!tpu.dma_semaphore, #tpu.memory_space<semaphore_mem>>) src(%dma_wait3A_814 : memref<40x128xf32, #tpu.memory_space<vmem>>) dst(%dma_wait3A_820 : memref<10240x128xf32, #tpu.memory_space<vmem_shared>>)
        tpu.yield
      }) : () -> ()
      %add3A_719 = arith.constant 5 : i32
      %add3A_720 = arith.addi %add3A_709, %add3A_719 : i32
      %lt3A = arith.constant 250 : i32
      %lt3A_721 = arith.cmpi slt, %add3A_720, %lt3A : i32
      %convert_element_type3A = arith.extui %lt3A_721 : i1 to i32
      %cond3A = arith.constant 0 : i32
      %cond3A_722 = arith.cmpi ne, %convert_element_type3A, %cond3A : i32
      scf.if %cond3A_722 {
        %add3A_803 = arith.constant 5 : i32
        %add3A_804 = arith.addi %add3A_709, %add3A_803 : i32
        %dma_start3A_805 = arith.constant 0 : i32
        %dma_start3A_806 = arith.constant 0 : i32
        %dma_start3A_807 = tpu.memref_slice %arg8[%dma_start3A_805, %dma_start3A_806] : memref<200x128xf32, #tpu.memory_space<vmem>> -> memref<40x128xf32, #tpu.memory_space<vmem>>
        %dma_start3A_808 = arith.constant 0 : i32
        %dma_start3A_809 = tpu.memref_slice %arg6[%add3A_804, %dma_start3A_808] : memref<250x40xi32, #tpu.memory_space<vmem>> -> memref<1x40xi32, #tpu.memory_space<vmem>>
        %dma_start3A_810 = tpu.memref_squeeze %dma_start3A_809 : memref<1x40xi32, #tpu.memory_space<vmem>> -> memref<40xi32, #tpu.memory_space<vmem>>
        %dma_start3A_811 = arith.constant 0 : i32
        %dma_start3A_812 = arith.constant 0 : i32
        %dma_start3A_813 = tpu.memref_slice %arg2[%dma_start3A_811, %dma_start3A_812] : memref<10000x128xf32, #tpu.memory_space<hbm>> -> memref<10000x128xf32, #tpu.memory_space<hbm>>
        tpu.enqueue_indirect_dma source(%dma_start3A_813 : memref<10000x128xf32, #tpu.memory_space<hbm>>) target(%dma_start3A_807 : memref<40x128xf32, #tpu.memory_space<vmem>>) offsets(%dma_start3A_810 : memref<40xi32, #tpu.memory_space<vmem>>) semaphore(%arg10 : memref<!tpu.dma_semaphore, #tpu.memory_space<semaphore_mem>>)
      } else {
      }
      %mul3A_723 = arith.constant 5 : i32
      %mul3A_724 = arith.muli %scan3A_705, %mul3A_723 : i32
      %add3A_725 = arith.constant 1 : i32
      %add3A_726 = arith.addi %mul3A_724, %add3A_725 : i32
      %dma_wait3A_727 = arith.constant 40 : i32
      %dma_wait3A_728 = arith.constant 0 : i32
      %dma_wait3A_729 = tpu.memref_slice %arg8[%dma_wait3A_727, %dma_wait3A_728] : memref<200x128xf32, #tpu.memory_space<vmem>> -> memref<40x128xf32, #tpu.memory_space<vmem>>
      %dma_wait3A_730 = arith.constant 0 : i32
      %dma_wait3A_731 = tpu.memref_slice %arg6[%add3A_726, %dma_wait3A_730] : memref<250x40xi32, #tpu.memory_space<vmem>> -> memref<1x40xi32, #tpu.memory_space<vmem>>
      %dma_wait3A_732 = tpu.memref_squeeze %dma_wait3A_731 : memref<1x40xi32, #tpu.memory_space<vmem>> -> memref<40xi32, #tpu.memory_space<vmem>>
      %dma_wait3A_733 = arith.constant 0 : i32
      %dma_wait3A_734 = arith.constant 0 : i32
      %dma_wait3A_735 = tpu.memref_slice %arg2[%dma_wait3A_733, %dma_wait3A_734] : memref<10000x128xf32, #tpu.memory_space<hbm>> -> memref<10000x128xf32, #tpu.memory_space<hbm>>
      tpu.wait_indirect_dma semaphore(%arg11 : memref<!tpu.dma_semaphore, #tpu.memory_space<semaphore_mem>>) src(%dma_wait3A_735 : memref<10000x128xf32, #tpu.memory_space<hbm>>) dst(%dma_wait3A_729 : memref<40x128xf32, #tpu.memory_space<vmem>>)
      "tpu.region"() ({
        %run_scoped3A = tpu.sem_alloc : memref<!tpu.dma_semaphore, #tpu.memory_space<semaphore_mem>>
        %dma_start3A_803 = arith.constant 40 : i32
        %dma_start3A_804 = arith.constant 0 : i32
        %dma_start3A_805 = tpu.memref_slice %arg8[%dma_start3A_803, %dma_start3A_804] : memref<200x128xf32, #tpu.memory_space<vmem>> -> memref<40x128xf32, #tpu.memory_space<vmem>>
        %dma_start3A_806 = arith.constant 0 : i32
        %dma_start3A_807 = tpu.memref_slice %arg7[%add3A_726, %dma_start3A_806] : memref<250x40xi32, #tpu.memory_space<vmem>> -> memref<1x40xi32, #tpu.memory_space<vmem>>
        %dma_start3A_808 = tpu.memref_squeeze %dma_start3A_807 : memref<1x40xi32, #tpu.memory_space<vmem>> -> memref<40xi32, #tpu.memory_space<vmem>>
        %dma_start3A_809 = arith.constant 0 : i32
        %dma_start3A_810 = arith.constant 0 : i32
        %dma_start3A_811 = tpu.memref_slice %arg9[%dma_start3A_809, %dma_start3A_810] : memref<10240x128xf32, #tpu.memory_space<vmem_shared>> -> memref<10240x128xf32, #tpu.memory_space<vmem_shared>>
        tpu.enqueue_indirect_dma source(%dma_start3A_805 : memref<40x128xf32, #tpu.memory_space<vmem>>) target(%dma_start3A_811 : memref<10240x128xf32, #tpu.memory_space<vmem_shared>>) offsets(%dma_start3A_808 : memref<40xi32, #tpu.memory_space<vmem>>) semaphore(%run_scoped3A : memref<!tpu.dma_semaphore, #tpu.memory_space<semaphore_mem>>) {add = true}
        %dma_wait3A_812 = arith.constant 40 : i32
        %dma_wait3A_813 = arith.constant 0 : i32
        %dma_wait3A_814 = tpu.memref_slice %arg8[%dma_wait3A_812, %dma_wait3A_813] : memref<200x128xf32, #tpu.memory_space<vmem>> -> memref<40x128xf32, #tpu.memory_space<vmem>>
        %dma_wait3A_815 = arith.constant 0 : i32
        %dma_wait3A_816 = tpu.memref_slice %arg7[%add3A_726, %dma_wait3A_815] : memref<250x40xi32, #tpu.memory_space<vmem>> -> memref<1x40xi32, #tpu.memory_space<vmem>>
        %dma_wait3A_817 = tpu.memref_squeeze %dma_wait3A_816 : memref<1x40xi32, #tpu.memory_space<vmem>> -> memref<40xi32, #tpu.memory_space<vmem>>
        %dma_wait3A_818 = arith.constant 0 : i32
        %dma_wait3A_819 = arith.constant 0 : i32
        %dma_wait3A_820 = tpu.memref_slice %arg9[%dma_wait3A_818, %dma_wait3A_819] : memref<10240x128xf32, #tpu.memory_space<vmem_shared>> -> memref<10240x128xf32, #tpu.memory_space<vmem_shared>>
        tpu.wait_indirect_dma semaphore(%run_scoped3A : memref<!tpu.dma_semaphore, #tpu.memory_space<semaphore_mem>>) src(%dma_wait3A_814 : memref<40x128xf32, #tpu.memory_space<vmem>>) dst(%dma_wait3A_820 : memref<10240x128xf32, #tpu.memory_space<vmem_shared>>)
        tpu.yield
      }) : () -> ()
      %add3A_736 = arith.constant 5 : i32
      %add3A_737 = arith.addi %add3A_726, %add3A_736 : i32
      %lt3A_738 = arith.constant 250 : i32
      %lt3A_739 = arith.cmpi slt, %add3A_737, %lt3A_738 : i32
      %convert_element_type3A_740 = arith.extui %lt3A_739 : i1 to i32
      %cond3A_741 = arith.constant 0 : i32
      %cond3A_742 = arith.cmpi ne, %convert_element_type3A_740, %cond3A_741 : i32
      scf.if %cond3A_742 {
        %add3A_803 = arith.constant 5 : i32
        %add3A_804 = arith.addi %add3A_726, %add3A_803 : i32
        %dma_start3A_805 = arith.constant 40 : i32
        %dma_start3A_806 = arith.constant 0 : i32
        %dma_start3A_807 = tpu.memref_slice %arg8[%dma_start3A_805, %dma_start3A_806] : memref<200x128xf32, #tpu.memory_space<vmem>> -> memref<40x128xf32, #tpu.memory_space<vmem>>
        %dma_start3A_808 = arith.constant 0 : i32
        %dma_start3A_809 = tpu.memref_slice %arg6[%add3A_804, %dma_start3A_808] : memref<250x40xi32, #tpu.memory_space<vmem>> -> memref<1x40xi32, #tpu.memory_space<vmem>>
        %dma_start3A_810 = tpu.memref_squeeze %dma_start3A_809 : memref<1x40xi32, #tpu.memory_space<vmem>> -> memref<40xi32, #tpu.memory_space<vmem>>
        %dma_start3A_811 = arith.constant 0 : i32
        %dma_start3A_812 = arith.constant 0 : i32
        %dma_start3A_813 = tpu.memref_slice %arg2[%dma_start3A_811, %dma_start3A_812] : memref<10000x128xf32, #tpu.memory_space<hbm>> -> memref<10000x128xf32, #tpu.memory_space<hbm>>
        tpu.enqueue_indirect_dma source(%dma_start3A_813 : memref<10000x128xf32, #tpu.memory_space<hbm>>) target(%dma_start3A_807 : memref<40x128xf32, #tpu.memory_space<vmem>>) offsets(%dma_start3A_810 : memref<40xi32, #tpu.memory_space<vmem>>) semaphore(%arg11 : memref<!tpu.dma_semaphore, #tpu.memory_space<semaphore_mem>>)
      } else {
      }
      %mul3A_743 = arith.constant 5 : i32
      %mul3A_744 = arith.muli %scan3A_705, %mul3A_743 : i32
      %add3A_745 = arith.constant 2 : i32
      %add3A_746 = arith.addi %mul3A_744, %add3A_745 : i32
      %dma_wait3A_747 = arith.constant 80 : i32
      %dma_wait3A_748 = arith.constant 0 : i32
      %dma_wait3A_749 = tpu.memref_slice %arg8[%dma_wait3A_747, %dma_wait3A_748] : memref<200x128xf32, #tpu.memory_space<vmem>> -> memref<40x128xf32, #tpu.memory_space<vmem>>
      %dma_wait3A_750 = arith.constant 0 : i32
      %dma_wait3A_751 = tpu.memref_slice %arg6[%add3A_746, %dma_wait3A_750] : memref<250x40xi32, #tpu.memory_space<vmem>> -> memref<1x40xi32, #tpu.memory_space<vmem>>
      %dma_wait3A_752 = tpu.memref_squeeze %dma_wait3A_751 : memref<1x40xi32, #tpu.memory_space<vmem>> -> memref<40xi32, #tpu.memory_space<vmem>>
      %dma_wait3A_753 = arith.constant 0 : i32
      %dma_wait3A_754 = arith.constant 0 : i32
      %dma_wait3A_755 = tpu.memref_slice %arg2[%dma_wait3A_753, %dma_wait3A_754] : memref<10000x128xf32, #tpu.memory_space<hbm>> -> memref<10000x128xf32, #tpu.memory_space<hbm>>
      tpu.wait_indirect_dma semaphore(%arg12 : memref<!tpu.dma_semaphore, #tpu.memory_space<semaphore_mem>>) src(%dma_wait3A_755 : memref<10000x128xf32, #tpu.memory_space<hbm>>) dst(%dma_wait3A_749 : memref<40x128xf32, #tpu.memory_space<vmem>>)
      "tpu.region"() ({
        %run_scoped3A = tpu.sem_alloc : memref<!tpu.dma_semaphore, #tpu.memory_space<semaphore_mem>>
        %dma_start3A_803 = arith.constant 80 : i32
        %dma_start3A_804 = arith.constant 0 : i32
        %dma_start3A_805 = tpu.memref_slice %arg8[%dma_start3A_803, %dma_start3A_804] : memref<200x128xf32, #tpu.memory_space<vmem>> -> memref<40x128xf32, #tpu.memory_space<vmem>>
        %dma_start3A_806 = arith.constant 0 : i32
        %dma_start3A_807 = tpu.memref_slice %arg7[%add3A_746, %dma_start3A_806] : memref<250x40xi32, #tpu.memory_space<vmem>> -> memref<1x40xi32, #tpu.memory_space<vmem>>
        %dma_start3A_808 = tpu.memref_squeeze %dma_start3A_807 : memref<1x40xi32, #tpu.memory_space<vmem>> -> memref<40xi32, #tpu.memory_space<vmem>>
        %dma_start3A_809 = arith.constant 0 : i32
        %dma_start3A_810 = arith.constant 0 : i32
        %dma_start3A_811 = tpu.memref_slice %arg9[%dma_start3A_809, %dma_start3A_810] : memref<10240x128xf32, #tpu.memory_space<vmem_shared>> -> memref<10240x128xf32, #tpu.memory_space<vmem_shared>>
        tpu.enqueue_indirect_dma source(%dma_start3A_805 : memref<40x128xf32, #tpu.memory_space<vmem>>) target(%dma_start3A_811 : memref<10240x128xf32, #tpu.memory_space<vmem_shared>>) offsets(%dma_start3A_808 : memref<40xi32, #tpu.memory_space<vmem>>) semaphore(%run_scoped3A : memref<!tpu.dma_semaphore, #tpu.memory_space<semaphore_mem>>) {add = true}
        %dma_wait3A_812 = arith.constant 80 : i32
        %dma_wait3A_813 = arith.constant 0 : i32
        %dma_wait3A_814 = tpu.memref_slice %arg8[%dma_wait3A_812, %dma_wait3A_813] : memref<200x128xf32, #tpu.memory_space<vmem>> -> memref<40x128xf32, #tpu.memory_space<vmem>>
        %dma_wait3A_815 = arith.constant 0 : i32
        %dma_wait3A_816 = tpu.memref_slice %arg7[%add3A_746, %dma_wait3A_815] : memref<250x40xi32, #tpu.memory_space<vmem>> -> memref<1x40xi32, #tpu.memory_space<vmem>>
        %dma_wait3A_817 = tpu.memref_squeeze %dma_wait3A_816 : memref<1x40xi32, #tpu.memory_space<vmem>> -> memref<40xi32, #tpu.memory_space<vmem>>
        %dma_wait3A_818 = arith.constant 0 : i32
        %dma_wait3A_819 = arith.constant 0 : i32
        %dma_wait3A_820 = tpu.memref_slice %arg9[%dma_wait3A_818, %dma_wait3A_819] : memref<10240x128xf32, #tpu.memory_space<vmem_shared>> -> memref<10240x128xf32, #tpu.memory_space<vmem_shared>>
        tpu.wait_indirect_dma semaphore(%run_scoped3A : memref<!tpu.dma_semaphore, #tpu.memory_space<semaphore_mem>>) src(%dma_wait3A_814 : memref<40x128xf32, #tpu.memory_space<vmem>>) dst(%dma_wait3A_820 : memref<10240x128xf32, #tpu.memory_space<vmem_shared>>)
        tpu.yield
      }) : () -> ()
      %add3A_756 = arith.constant 5 : i32
      %add3A_757 = arith.addi %add3A_746, %add3A_756 : i32
      %lt3A_758 = arith.constant 250 : i32
      %lt3A_759 = arith.cmpi slt, %add3A_757, %lt3A_758 : i32
      %convert_element_type3A_760 = arith.extui %lt3A_759 : i1 to i32
      %cond3A_761 = arith.constant 0 : i32
      %cond3A_762 = arith.cmpi ne, %convert_element_type3A_760, %cond3A_761 : i32
      scf.if %cond3A_762 {
        %add3A_803 = arith.constant 5 : i32
        %add3A_804 = arith.addi %add3A_746, %add3A_803 : i32
        %dma_start3A_805 = arith.constant 80 : i32
        %dma_start3A_806 = arith.constant 0 : i32
        %dma_start3A_807 = tpu.memref_slice %arg8[%dma_start3A_805, %dma_start3A_806] : memref<200x128xf32, #tpu.memory_space<vmem>> -> memref<40x128xf32, #tpu.memory_space<vmem>>
        %dma_start3A_808 = arith.constant 0 : i32
        %dma_start3A_809 = tpu.memref_slice %arg6[%add3A_804, %dma_start3A_808] : memref<250x40xi32, #tpu.memory_space<vmem>> -> memref<1x40xi32, #tpu.memory_space<vmem>>
        %dma_start3A_810 = tpu.memref_squeeze %dma_start3A_809 : memref<1x40xi32, #tpu.memory_space<vmem>> -> memref<40xi32, #tpu.memory_space<vmem>>
        %dma_start3A_811 = arith.constant 0 : i32
        %dma_start3A_812 = arith.constant 0 : i32
        %dma_start3A_813 = tpu.memref_slice %arg2[%dma_start3A_811, %dma_start3A_812] : memref<10000x128xf32, #tpu.memory_space<hbm>> -> memref<10000x128xf32, #tpu.memory_space<hbm>>
        tpu.enqueue_indirect_dma source(%dma_start3A_813 : memref<10000x128xf32, #tpu.memory_space<hbm>>) target(%dma_start3A_807 : memref<40x128xf32, #tpu.memory_space<vmem>>) offsets(%dma_start3A_810 : memref<40xi32, #tpu.memory_space<vmem>>) semaphore(%arg12 : memref<!tpu.dma_semaphore, #tpu.memory_space<semaphore_mem>>)
      } else {
      }
      %mul3A_763 = arith.constant 5 : i32
      %mul3A_764 = arith.muli %scan3A_705, %mul3A_763 : i32
      %add3A_765 = arith.constant 3 : i32
      %add3A_766 = arith.addi %mul3A_764, %add3A_765 : i32
      %dma_wait3A_767 = arith.constant 120 : i32
      %dma_wait3A_768 = arith.constant 0 : i32
      %dma_wait3A_769 = tpu.memref_slice %arg8[%dma_wait3A_767, %dma_wait3A_768] : memref<200x128xf32, #tpu.memory_space<vmem>> -> memref<40x128xf32, #tpu.memory_space<vmem>>
      %dma_wait3A_770 = arith.constant 0 : i32
      %dma_wait3A_771 = tpu.memref_slice %arg6[%add3A_766, %dma_wait3A_770] : memref<250x40xi32, #tpu.memory_space<vmem>> -> memref<1x40xi32, #tpu.memory_space<vmem>>
      %dma_wait3A_772 = tpu.memref_squeeze %dma_wait3A_771 : memref<1x40xi32, #tpu.memory_space<vmem>> -> memref<40xi32, #tpu.memory_space<vmem>>
      %dma_wait3A_773 = arith.constant 0 : i32
      %dma_wait3A_774 = arith.constant 0 : i32
      %dma_wait3A_775 = tpu.memref_slice %arg2[%dma_wait3A_773, %dma_wait3A_774] : memref<10000x128xf32, #tpu.memory_space<hbm>> -> memref<10000x128xf32, #tpu.memory_space<hbm>>
      tpu.wait_indirect_dma semaphore(%arg13 : memref<!tpu.dma_semaphore, #tpu.memory_space<semaphore_mem>>) src(%dma_wait3A_775 : memref<10000x128xf32, #tpu.memory_space<hbm>>) dst(%dma_wait3A_769 : memref<40x128xf32, #tpu.memory_space<vmem>>)
      "tpu.region"() ({
        %run_scoped3A = tpu.sem_alloc : memref<!tpu.dma_semaphore, #tpu.memory_space<semaphore_mem>>
        %dma_start3A_803 = arith.constant 120 : i32
        %dma_start3A_804 = arith.constant 0 : i32
        %dma_start3A_805 = tpu.memref_slice %arg8[%dma_start3A_803, %dma_start3A_804] : memref<200x128xf32, #tpu.memory_space<vmem>> -> memref<40x128xf32, #tpu.memory_space<vmem>>
        %dma_start3A_806 = arith.constant 0 : i32
        %dma_start3A_807 = tpu.memref_slice %arg7[%add3A_766, %dma_start3A_806] : memref<250x40xi32, #tpu.memory_space<vmem>> -> memref<1x40xi32, #tpu.memory_space<vmem>>
        %dma_start3A_808 = tpu.memref_squeeze %dma_start3A_807 : memref<1x40xi32, #tpu.memory_space<vmem>> -> memref<40xi32, #tpu.memory_space<vmem>>
        %dma_start3A_809 = arith.constant 0 : i32
        %dma_start3A_810 = arith.constant 0 : i32
        %dma_start3A_811 = tpu.memref_slice %arg9[%dma_start3A_809, %dma_start3A_810] : memref<10240x128xf32, #tpu.memory_space<vmem_shared>> -> memref<10240x128xf32, #tpu.memory_space<vmem_shared>>
        tpu.enqueue_indirect_dma source(%dma_start3A_805 : memref<40x128xf32, #tpu.memory_space<vmem>>) target(%dma_start3A_811 : memref<10240x128xf32, #tpu.memory_space<vmem_shared>>) offsets(%dma_start3A_808 : memref<40xi32, #tpu.memory_space<vmem>>) semaphore(%run_scoped3A : memref<!tpu.dma_semaphore, #tpu.memory_space<semaphore_mem>>) {add = true}
        %dma_wait3A_812 = arith.constant 120 : i32
        %dma_wait3A_813 = arith.constant 0 : i32
        %dma_wait3A_814 = tpu.memref_slice %arg8[%dma_wait3A_812, %dma_wait3A_813] : memref<200x128xf32, #tpu.memory_space<vmem>> -> memref<40x128xf32, #tpu.memory_space<vmem>>
        %dma_wait3A_815 = arith.constant 0 : i32
        %dma_wait3A_816 = tpu.memref_slice %arg7[%add3A_766, %dma_wait3A_815] : memref<250x40xi32, #tpu.memory_space<vmem>> -> memref<1x40xi32, #tpu.memory_space<vmem>>
        %dma_wait3A_817 = tpu.memref_squeeze %dma_wait3A_816 : memref<1x40xi32, #tpu.memory_space<vmem>> -> memref<40xi32, #tpu.memory_space<vmem>>
        %dma_wait3A_818 = arith.constant 0 : i32
        %dma_wait3A_819 = arith.constant 0 : i32
        %dma_wait3A_820 = tpu.memref_slice %arg9[%dma_wait3A_818, %dma_wait3A_819] : memref<10240x128xf32, #tpu.memory_space<vmem_shared>> -> memref<10240x128xf32, #tpu.memory_space<vmem_shared>>
        tpu.wait_indirect_dma semaphore(%run_scoped3A : memref<!tpu.dma_semaphore, #tpu.memory_space<semaphore_mem>>) src(%dma_wait3A_814 : memref<40x128xf32, #tpu.memory_space<vmem>>) dst(%dma_wait3A_820 : memref<10240x128xf32, #tpu.memory_space<vmem_shared>>)
        tpu.yield
      }) : () -> ()
      %add3A_776 = arith.constant 5 : i32
      %add3A_777 = arith.addi %add3A_766, %add3A_776 : i32
      %lt3A_778 = arith.constant 250 : i32
      %lt3A_779 = arith.cmpi slt, %add3A_777, %lt3A_778 : i32
      %convert_element_type3A_780 = arith.extui %lt3A_779 : i1 to i32
      %cond3A_781 = arith.constant 0 : i32
      %cond3A_782 = arith.cmpi ne, %convert_element_type3A_780, %cond3A_781 : i32
      scf.if %cond3A_782 {
        %add3A_803 = arith.constant 5 : i32
        %add3A_804 = arith.addi %add3A_766, %add3A_803 : i32
        %dma_start3A_805 = arith.constant 120 : i32
        %dma_start3A_806 = arith.constant 0 : i32
        %dma_start3A_807 = tpu.memref_slice %arg8[%dma_start3A_805, %dma_start3A_806] : memref<200x128xf32, #tpu.memory_space<vmem>> -> memref<40x128xf32, #tpu.memory_space<vmem>>
        %dma_start3A_808 = arith.constant 0 : i32
        %dma_start3A_809 = tpu.memref_slice %arg6[%add3A_804, %dma_start3A_808] : memref<250x40xi32, #tpu.memory_space<vmem>> -> memref<1x40xi32, #tpu.memory_space<vmem>>
        %dma_start3A_810 = tpu.memref_squeeze %dma_start3A_809 : memref<1x40xi32, #tpu.memory_space<vmem>> -> memref<40xi32, #tpu.memory_space<vmem>>
        %dma_start3A_811 = arith.constant 0 : i32
        %dma_start3A_812 = arith.constant 0 : i32
        %dma_start3A_813 = tpu.memref_slice %arg2[%dma_start3A_811, %dma_start3A_812] : memref<10000x128xf32, #tpu.memory_space<hbm>> -> memref<10000x128xf32, #tpu.memory_space<hbm>>
        tpu.enqueue_indirect_dma source(%dma_start3A_813 : memref<10000x128xf32, #tpu.memory_space<hbm>>) target(%dma_start3A_807 : memref<40x128xf32, #tpu.memory_space<vmem>>) offsets(%dma_start3A_810 : memref<40xi32, #tpu.memory_space<vmem>>) semaphore(%arg13 : memref<!tpu.dma_semaphore, #tpu.memory_space<semaphore_mem>>)
      } else {
      }
      %mul3A_783 = arith.constant 5 : i32
      %mul3A_784 = arith.muli %scan3A_705, %mul3A_783 : i32
      %add3A_785 = arith.constant 4 : i32
      %add3A_786 = arith.addi %mul3A_784, %add3A_785 : i32
      %dma_wait3A_787 = arith.constant 160 : i32
      %dma_wait3A_788 = arith.constant 0 : i32
      %dma_wait3A_789 = tpu.memref_slice %arg8[%dma_wait3A_787, %dma_wait3A_788] : memref<200x128xf32, #tpu.memory_space<vmem>> -> memref<40x128xf32, #tpu.memory_space<vmem>>
      %dma_wait3A_790 = arith.constant 0 : i32
      %dma_wait3A_791 = tpu.memref_slice %arg6[%add3A_786, %dma_wait3A_790] : memref<250x40xi32, #tpu.memory_space<vmem>> -> memref<1x40xi32, #tpu.memory_space<vmem>>
      %dma_wait3A_792 = tpu.memref_squeeze %dma_wait3A_791 : memref<1x40xi32, #tpu.memory_space<vmem>> -> memref<40xi32, #tpu.memory_space<vmem>>
      %dma_wait3A_793 = arith.constant 0 : i32
      %dma_wait3A_794 = arith.constant 0 : i32
      %dma_wait3A_795 = tpu.memref_slice %arg2[%dma_wait3A_793, %dma_wait3A_794] : memref<10000x128xf32, #tpu.memory_space<hbm>> -> memref<10000x128xf32, #tpu.memory_space<hbm>>
      tpu.wait_indirect_dma semaphore(%arg14 : memref<!tpu.dma_semaphore, #tpu.memory_space<semaphore_mem>>) src(%dma_wait3A_795 : memref<10000x128xf32, #tpu.memory_space<hbm>>) dst(%dma_wait3A_789 : memref<40x128xf32, #tpu.memory_space<vmem>>)
      "tpu.region"() ({
        %run_scoped3A = tpu.sem_alloc : memref<!tpu.dma_semaphore, #tpu.memory_space<semaphore_mem>>
        %dma_start3A_803 = arith.constant 160 : i32
        %dma_start3A_804 = arith.constant 0 : i32
        %dma_start3A_805 = tpu.memref_slice %arg8[%dma_start3A_803, %dma_start3A_804] : memref<200x128xf32, #tpu.memory_space<vmem>> -> memref<40x128xf32, #tpu.memory_space<vmem>>
        %dma_start3A_806 = arith.constant 0 : i32
        %dma_start3A_807 = tpu.memref_slice %arg7[%add3A_786, %dma_start3A_806] : memref<250x40xi32, #tpu.memory_space<vmem>> -> memref<1x40xi32, #tpu.memory_space<vmem>>
        %dma_start3A_808 = tpu.memref_squeeze %dma_start3A_807 : memref<1x40xi32, #tpu.memory_space<vmem>> -> memref<40xi32, #tpu.memory_space<vmem>>
        %dma_start3A_809 = arith.constant 0 : i32
        %dma_start3A_810 = arith.constant 0 : i32
        %dma_start3A_811 = tpu.memref_slice %arg9[%dma_start3A_809, %dma_start3A_810] : memref<10240x128xf32, #tpu.memory_space<vmem_shared>> -> memref<10240x128xf32, #tpu.memory_space<vmem_shared>>
        tpu.enqueue_indirect_dma source(%dma_start3A_805 : memref<40x128xf32, #tpu.memory_space<vmem>>) target(%dma_start3A_811 : memref<10240x128xf32, #tpu.memory_space<vmem_shared>>) offsets(%dma_start3A_808 : memref<40xi32, #tpu.memory_space<vmem>>) semaphore(%run_scoped3A : memref<!tpu.dma_semaphore, #tpu.memory_space<semaphore_mem>>) {add = true}
        %dma_wait3A_812 = arith.constant 160 : i32
        %dma_wait3A_813 = arith.constant 0 : i32
        %dma_wait3A_814 = tpu.memref_slice %arg8[%dma_wait3A_812, %dma_wait3A_813] : memref<200x128xf32, #tpu.memory_space<vmem>> -> memref<40x128xf32, #tpu.memory_space<vmem>>
        %dma_wait3A_815 = arith.constant 0 : i32
        %dma_wait3A_816 = tpu.memref_slice %arg7[%add3A_786, %dma_wait3A_815] : memref<250x40xi32, #tpu.memory_space<vmem>> -> memref<1x40xi32, #tpu.memory_space<vmem>>
        %dma_wait3A_817 = tpu.memref_squeeze %dma_wait3A_816 : memref<1x40xi32, #tpu.memory_space<vmem>> -> memref<40xi32, #tpu.memory_space<vmem>>
        %dma_wait3A_818 = arith.constant 0 : i32
        %dma_wait3A_819 = arith.constant 0 : i32
        %dma_wait3A_820 = tpu.memref_slice %arg9[%dma_wait3A_818, %dma_wait3A_819] : memref<10240x128xf32, #tpu.memory_space<vmem_shared>> -> memref<10240x128xf32, #tpu.memory_space<vmem_shared>>
        tpu.wait_indirect_dma semaphore(%run_scoped3A : memref<!tpu.dma_semaphore, #tpu.memory_space<semaphore_mem>>) src(%dma_wait3A_814 : memref<40x128xf32, #tpu.memory_space<vmem>>) dst(%dma_wait3A_820 : memref<10240x128xf32, #tpu.memory_space<vmem_shared>>)
        tpu.yield
      }) : () -> ()
      %add3A_796 = arith.constant 5 : i32
      %add3A_797 = arith.addi %add3A_786, %add3A_796 : i32
      %lt3A_798 = arith.constant 250 : i32
      %lt3A_799 = arith.cmpi slt, %add3A_797, %lt3A_798 : i32
      %convert_element_type3A_800 = arith.extui %lt3A_799 : i1 to i32
      %cond3A_801 = arith.constant 0 : i32
      %cond3A_802 = arith.cmpi ne, %convert_element_type3A_800, %cond3A_801 : i32
      scf.if %cond3A_802 {
        %add3A_803 = arith.constant 5 : i32
        %add3A_804 = arith.addi %add3A_786, %add3A_803 : i32
        %dma_start3A_805 = arith.constant 160 : i32
        %dma_start3A_806 = arith.constant 0 : i32
        %dma_start3A_807 = tpu.memref_slice %arg8[%dma_start3A_805, %dma_start3A_806] : memref<200x128xf32, #tpu.memory_space<vmem>> -> memref<40x128xf32, #tpu.memory_space<vmem>>
        %dma_start3A_808 = arith.constant 0 : i32
        %dma_start3A_809 = tpu.memref_slice %arg6[%add3A_804, %dma_start3A_808] : memref<250x40xi32, #tpu.memory_space<vmem>> -> memref<1x40xi32, #tpu.memory_space<vmem>>
        %dma_start3A_810 = tpu.memref_squeeze %dma_start3A_809 : memref<1x40xi32, #tpu.memory_space<vmem>> -> memref<40xi32, #tpu.memory_space<vmem>>
        %dma_start3A_811 = arith.constant 0 : i32
        %dma_start3A_812 = arith.constant 0 : i32
        %dma_start3A_813 = tpu.memref_slice %arg2[%dma_start3A_811, %dma_start3A_812] : memref<10000x128xf32, #tpu.memory_space<hbm>> -> memref<10000x128xf32, #tpu.memory_space<hbm>>
        tpu.enqueue_indirect_dma source(%dma_start3A_813 : memref<10000x128xf32, #tpu.memory_space<hbm>>) target(%dma_start3A_807 : memref<40x128xf32, #tpu.memory_space<vmem>>) offsets(%dma_start3A_810 : memref<40xi32, #tpu.memory_space<vmem>>) semaphore(%arg14 : memref<!tpu.dma_semaphore, #tpu.memory_space<semaphore_mem>>)
      } else {
      }
    }
    %scan3A_699 = arith.constant 50 : i32
    %barrier3A_700 = arith.constant 0 : index
    tpu.barrier barrier_id(%barrier3A_700)
    %mul3A_701 = arith.constant 640 : i32
    %mul3A_702 = arith.muli %arg1, %mul3A_701 : i32
    %mul3A_703 = arith.constant 640 : i32
    %mul3A_704 = arith.muli %arg1, %mul3A_703 : i32
    "tpu.region"() ({
      %run_scoped3A = tpu.sem_alloc : memref<!tpu.dma_semaphore, #tpu.memory_space<semaphore_mem>>
      %dma_start3A_705 = arith.constant 0 : i32
      %dma_start3A_706 = tpu.memref_slice %arg5[%arg0, %mul3A_704, %dma_start3A_705] : memref<2x10240x128xf32, #tpu.memory_space<hbm>> -> memref<1x640x128xf32, #tpu.memory_space<hbm>>
      %dma_start3A_707 = tpu.memref_squeeze %dma_start3A_706 : memref<1x640x128xf32, #tpu.memory_space<hbm>> -> memref<640x128xf32, #tpu.memory_space<hbm>>
      %dma_start3A_708 = arith.constant 0 : i32
      %dma_start3A_709 = tpu.memref_slice %arg9[%mul3A_702, %dma_start3A_708] : memref<10240x128xf32, #tpu.memory_space<vmem_shared>> -> memref<640x128xf32, #tpu.memory_space<vmem_shared>>
      tpu.enqueue_dma source(%dma_start3A_709 : memref<640x128xf32, #tpu.memory_space<vmem_shared>>) target(%dma_start3A_707 : memref<640x128xf32, #tpu.memory_space<hbm>>) target_semaphore(%run_scoped3A : memref<!tpu.dma_semaphore, #tpu.memory_space<semaphore_mem>>)
      %dma_wait3A_710 = arith.constant 0 : i32
      %dma_wait3A_711 = tpu.memref_slice %arg5[%arg0, %mul3A_704, %dma_wait3A_710] : memref<2x10240x128xf32, #tpu.memory_space<hbm>> -> memref<1x640x128xf32, #tpu.memory_space<hbm>>
      %dma_wait3A_712 = tpu.memref_squeeze %dma_wait3A_711 : memref<1x640x128xf32, #tpu.memory_space<hbm>> -> memref<640x128xf32, #tpu.memory_space<hbm>>
      %dma_wait3A_713 = arith.constant 0 : i32
      %dma_wait3A_714 = tpu.memref_slice %arg9[%mul3A_702, %dma_wait3A_713] : memref<10240x128xf32, #tpu.memory_space<vmem_shared>> -> memref<640x128xf32, #tpu.memory_space<vmem_shared>>
      tpu.wait_dma2 semaphore(%run_scoped3A : memref<!tpu.dma_semaphore, #tpu.memory_space<semaphore_mem>>) src(%dma_wait3A_714 : memref<640x128xf32, #tpu.memory_space<vmem_shared>>) dst(%dma_wait3A_712 : memref<640x128xf32, #tpu.memory_space<hbm>>)
      tpu.yield
    }) : () -> ()
    return
  }
}

#map = affine_map<(d0, d1) -> (0, 0)>
#map1 = affine_map<(d0, d1) -> (0, 0, 0)>
module attributes {stable_mosaic.version = 14 : i64} {
  func.func @_sc_agg_body(%arg0: i32, %arg1: i32, %arg2: memref<10000x128xf32, #tpu.memory_space<hbm>>, %arg3: memref<32x250x40xi32, #tpu.memory_space<hbm>>, %arg4: memref<32x250x40xi32, #tpu.memory_space<hbm>>, %arg5: memref<2x10240x128xf32, #tpu.memory_space<hbm>>, %arg6: memref<250x40xi32, #tpu.memory_space<vmem>>, %arg7: memref<250x40xi32, #tpu.memory_space<vmem>>, %arg8: memref<200x128xf32, #tpu.memory_space<vmem>>, %arg9: memref<10240x128xf32, #tpu.memory_space<vmem_shared>>, %arg10: memref<!tpu.dma_semaphore, #tpu.memory_space<semaphore_mem>>, %arg11: memref<!tpu.dma_semaphore, #tpu.memory_space<semaphore_mem>>, %arg12: memref<!tpu.dma_semaphore, #tpu.memory_space<semaphore_mem>>, %arg13: memref<!tpu.dma_semaphore, #tpu.memory_space<semaphore_mem>>, %arg14: memref<!tpu.dma_semaphore, #tpu.memory_space<semaphore_mem>>, %arg15: memref<!tpu.dma_semaphore, #tpu.memory_space<semaphore_mem>>) attributes {dimension_semantics = [#tpu.dimension_semantics<core_parallel>, #tpu.dimension_semantics<subcore_parallel>], iteration_bounds = array<i64: 2, 16>, scalar_prefetch = 0 : i64, scratch_operands = 10 : i64, tpu.core_type = #tpu.core_type<sc_vector_subcore>, window_params = [{transform_indices = #map}, {transform_indices = #map1}, {transform_indices = #map1}, {transform_indices = #map1}]} {
    %mul3A = arith.constant 16 : i32
    %mul3A_0 = arith.muli %arg0, %mul3A : i32
    %add3A = arith.addi %mul3A_0, %arg1 : i32
    %scan3A = arith.constant 0 : i32
    %scan3A_1 = arith.constant 0 : i32
    %scan3A_2 = arith.constant 40 : i32
    %scan3A_3 = arith.addi %scan3A_1, %scan3A_2 : i32
    %scan3A_4 = arith.constant 1 : i32
    scf.for %scan3A_705 = %scan3A_1 to %scan3A_3 step %scan3A_4  : i32 {
      %broadcast_in_dim3A = arith.constant 0.000000e+00 : f32
      %broadcast_in_dim3A_706 = vector.broadcast %broadcast_in_dim3A : f32 to vector<16xf32>
      %swap3A = arith.constant 0 : i32
      %swap3A_707 = arith.constant 0 : i32
      %swap3A_708 = tpu.memref_slice %arg8[%swap3A, %swap3A_707] : memref<200x128xf32, #tpu.memory_space<vmem>> -> memref<40x128xf32, #tpu.memory_space<vmem>>
      %swap3A_709 = arith.index_cast %scan3A_705 : i32 to index
      %swap3A_710 = arith.constant 0 : index
      %swap3A_711 = tpu.vector_load %swap3A_708[%swap3A_709, %swap3A_710] {strides = array<i32>} : memref<40x128xf32, #tpu.memory_space<vmem>>, vector<1x16xf32>,
      %swap3A_712 = vector.shape_cast %swap3A_711 : vector<1x16xf32> to vector<16xf32>
      %swap3A_713 = vector.shape_cast %broadcast_in_dim3A_706 : vector<16xf32> to vector<1x16xf32>
      tpu.vector_store %swap3A_708[%swap3A_709, %swap3A_710], %swap3A_713 {strides = array<i32>} : memref<40x128xf32, #tpu.memory_space<vmem>>, vector<1x16xf32>,
      %broadcast_in_dim3A_714 = arith.constant 0.000000e+00 : f32
      %broadcast_in_dim3A_715 = vector.broadcast %broadcast_in_dim3A_714 : f32 to vector<16xf32>
      %swap3A_716 = arith.constant 0 : i32
      %swap3A_717 = arith.constant 0 : i32
      %swap3A_718 = tpu.memref_slice %arg8[%swap3A_716, %swap3A_717] : memref<200x128xf32, #tpu.memory_space<vmem>> -> memref<40x128xf32, #tpu.memory_space<vmem>>
      %swap3A_719 = arith.index_cast %scan3A_705 : i32 to index
      %swap3A_720 = arith.constant 16 : index
      %swap3A_721 = tpu.vector_load %swap3A_718[%swap3A_719, %swap3A_720] {strides = array<i32>} : memref<40x128xf32, #tpu.memory_space<vmem>>, vector<1x16xf32>,
      %swap3A_722 = vector.shape_cast %swap3A_721 : vector<1x16xf32> to vector<16xf32>
      %swap3A_723 = vector.shape_cast %broadcast_in_dim3A_715 : vector<16xf32> to vector<1x16xf32>
      tpu.vector_store %swap3A_718[%swap3A_719, %swap3A_720], %swap3A_723 {strides = array<i32>} : memref<40x128xf32, #tpu.memory_space<vmem>>, vector<1x16xf32>,
      %broadcast_in_dim3A_724 = arith.constant 0.000000e+00 : f32
      %broadcast_in_dim3A_725 = vector.broadcast %broadcast_in_dim3A_724 : f32 to vector<16xf32>
      %swap3A_726 = arith.constant 0 : i32
      %swap3A_727 = arith.constant 0 : i32
      %swap3A_728 = tpu.memref_slice %arg8[%swap3A_726, %swap3A_727] : memref<200x128xf32, #tpu.memory_space<vmem>> -> memref<40x128xf32, #tpu.memory_space<vmem>>
      %swap3A_729 = arith.index_cast %scan3A_705 : i32 to index
      %swap3A_730 = arith.constant 32 : index
      %swap3A_731 = tpu.vector_load %swap3A_728[%swap3A_729, %swap3A_730] {strides = array<i32>} : memref<40x128xf32, #tpu.memory_space<vmem>>, vector<1x16xf32>,
      %swap3A_732 = vector.shape_cast %swap3A_731 : vector<1x16xf32> to vector<16xf32>
      %swap3A_733 = vector.shape_cast %broadcast_in_dim3A_725 : vector<16xf32> to vector<1x16xf32>
      tpu.vector_store %swap3A_728[%swap3A_729, %swap3A_730], %swap3A_733 {strides = array<i32>} : memref<40x128xf32, #tpu.memory_space<vmem>>, vector<1x16xf32>,
      %broadcast_in_dim3A_734 = arith.constant 0.000000e+00 : f32
      %broadcast_in_dim3A_735 = vector.broadcast %broadcast_in_dim3A_734 : f32 to vector<16xf32>
      %swap3A_736 = arith.constant 0 : i32
      %swap3A_737 = arith.constant 0 : i32
      %swap3A_738 = tpu.memref_slice %arg8[%swap3A_736, %swap3A_737] : memref<200x128xf32, #tpu.memory_space<vmem>> -> memref<40x128xf32, #tpu.memory_space<vmem>>
      %swap3A_739 = arith.index_cast %scan3A_705 : i32 to index
      %swap3A_740 = arith.constant 48 : index
      %swap3A_741 = tpu.vector_load %swap3A_738[%swap3A_739, %swap3A_740] {strides = array<i32>} : memref<40x128xf32, #tpu.memory_space<vmem>>, vector<1x16xf32>,
      %swap3A_742 = vector.shape_cast %swap3A_741 : vector<1x16xf32> to vector<16xf32>
      %swap3A_743 = vector.shape_cast %broadcast_in_dim3A_735 : vector<16xf32> to vector<1x16xf32>
      tpu.vector_store %swap3A_738[%swap3A_739, %swap3A_740], %swap3A_743 {strides = array<i32>} : memref<40x128xf32, #tpu.memory_space<vmem>>, vector<1x16xf32>,
      %broadcast_in_dim3A_744 = arith.constant 0.000000e+00 : f32
      %broadcast_in_dim3A_745 = vector.broadcast %broadcast_in_dim3A_744 : f32 to vector<16xf32>
      %swap3A_746 = arith.constant 0 : i32
      %swap3A_747 = arith.constant 0 : i32
      %swap3A_748 = tpu.memref_slice %arg8[%swap3A_746, %swap3A_747] : memref<200x128xf32, #tpu.memory_space<vmem>> -> memref<40x128xf32, #tpu.memory_space<vmem>>
      %swap3A_749 = arith.index_cast %scan3A_705 : i32 to index
      %swap3A_750 = arith.constant 64 : index
      %swap3A_751 = tpu.vector_load %swap3A_748[%swap3A_749, %swap3A_750] {strides = array<i32>} : memref<40x128xf32, #tpu.memory_space<vmem>>, vector<1x16xf32>,
      %swap3A_752 = vector.shape_cast %swap3A_751 : vector<1x16xf32> to vector<16xf32>
      %swap3A_753 = vector.shape_cast %broadcast_in_dim3A_745 : vector<16xf32> to vector<1x16xf32>
      tpu.vector_store %swap3A_748[%swap3A_749, %swap3A_750], %swap3A_753 {strides = array<i32>} : memref<40x128xf32, #tpu.memory_space<vmem>>, vector<1x16xf32>,
      %broadcast_in_dim3A_754 = arith.constant 0.000000e+00 : f32
      %broadcast_in_dim3A_755 = vector.broadcast %broadcast_in_dim3A_754 : f32 to vector<16xf32>
      %swap3A_756 = arith.constant 0 : i32
      %swap3A_757 = arith.constant 0 : i32
      %swap3A_758 = tpu.memref_slice %arg8[%swap3A_756, %swap3A_757] : memref<200x128xf32, #tpu.memory_space<vmem>> -> memref<40x128xf32, #tpu.memory_space<vmem>>
      %swap3A_759 = arith.index_cast %scan3A_705 : i32 to index
      %swap3A_760 = arith.constant 80 : index
      %swap3A_761 = tpu.vector_load %swap3A_758[%swap3A_759, %swap3A_760] {strides = array<i32>} : memref<40x128xf32, #tpu.memory_space<vmem>>, vector<1x16xf32>,
      %swap3A_762 = vector.shape_cast %swap3A_761 : vector<1x16xf32> to vector<16xf32>
      %swap3A_763 = vector.shape_cast %broadcast_in_dim3A_755 : vector<16xf32> to vector<1x16xf32>
      tpu.vector_store %swap3A_758[%swap3A_759, %swap3A_760], %swap3A_763 {strides = array<i32>} : memref<40x128xf32, #tpu.memory_space<vmem>>, vector<1x16xf32>,
      %broadcast_in_dim3A_764 = arith.constant 0.000000e+00 : f32
      %broadcast_in_dim3A_765 = vector.broadcast %broadcast_in_dim3A_764 : f32 to vector<16xf32>
      %swap3A_766 = arith.constant 0 : i32
      %swap3A_767 = arith.constant 0 : i32
      %swap3A_768 = tpu.memref_slice %arg8[%swap3A_766, %swap3A_767] : memref<200x128xf32, #tpu.memory_space<vmem>> -> memref<40x128xf32, #tpu.memory_space<vmem>>
      %swap3A_769 = arith.index_cast %scan3A_705 : i32 to index
      %swap3A_770 = arith.constant 96 : index
      %swap3A_771 = tpu.vector_load %swap3A_768[%swap3A_769, %swap3A_770] {strides = array<i32>} : memref<40x128xf32, #tpu.memory_space<vmem>>, vector<1x16xf32>,
      %swap3A_772 = vector.shape_cast %swap3A_771 : vector<1x16xf32> to vector<16xf32>
      %swap3A_773 = vector.shape_cast %broadcast_in_dim3A_765 : vector<16xf32> to vector<1x16xf32>
      tpu.vector_store %swap3A_768[%swap3A_769, %swap3A_770], %swap3A_773 {strides = array<i32>} : memref<40x128xf32, #tpu.memory_space<vmem>>, vector<1x16xf32>,
      %broadcast_in_dim3A_774 = arith.constant 0.000000e+00 : f32
      %broadcast_in_dim3A_775 = vector.broadcast %broadcast_in_dim3A_774 : f32 to vector<16xf32>
      %swap3A_776 = arith.constant 0 : i32
      %swap3A_777 = arith.constant 0 : i32
      %swap3A_778 = tpu.memref_slice %arg8[%swap3A_776, %swap3A_777] : memref<200x128xf32, #tpu.memory_space<vmem>> -> memref<40x128xf32, #tpu.memory_space<vmem>>
      %swap3A_779 = arith.index_cast %scan3A_705 : i32 to index
      %swap3A_780 = arith.constant 112 : index
      %swap3A_781 = tpu.vector_load %swap3A_778[%swap3A_779, %swap3A_780] {strides = array<i32>} : memref<40x128xf32, #tpu.memory_space<vmem>>, vector<1x16xf32>,
      %swap3A_782 = vector.shape_cast %swap3A_781 : vector<1x16xf32> to vector<16xf32>
      %swap3A_783 = vector.shape_cast %broadcast_in_dim3A_775 : vector<16xf32> to vector<1x16xf32>
      tpu.vector_store %swap3A_778[%swap3A_779, %swap3A_780], %swap3A_783 {strides = array<i32>} : memref<40x128xf32, #tpu.memory_space<vmem>>, vector<1x16xf32>,
    }
    %scan3A_5 = arith.constant 40 : i32
    %dma_start3A = arith.constant 0 : i32
    %dma_start3A_6 = arith.constant 0 : i32
    %dma_start3A_7 = tpu.memref_slice %arg3[%add3A, %dma_start3A, %dma_start3A_6] : memref<32x250x40xi32, #tpu.memory_space<hbm>> -> memref<1x250x40xi32, #tpu.memory_space<hbm>>
    %dma_start3A_8 = tpu.memref_squeeze %dma_start3A_7 : memref<1x250x40xi32, #tpu.memory_space<hbm>> -> memref<250x40xi32, #tpu.memory_space<hbm>>
    %dma_start3A_9 = arith.constant 0 : i32
    %dma_start3A_10 = arith.constant 0 : i32
    %dma_start3A_11 = tpu.memref_slice %arg3[%add3A, %dma_start3A_9, %dma_start3A_10] : memref<32x250x40xi32, #tpu.memory_space<hbm>> -> memref<1x250x40xi32, #tpu.memory_space<hbm>>
    %dma_start3A_12 = tpu.memref_squeeze %dma_start3A_11 : memref<1x250x40xi32, #tpu.memory_space<hbm>> -> memref<250x40xi32, #tpu.memory_space<hbm>>
    tpu.enqueue_dma source(%dma_start3A_12 : memref<250x40xi32, #tpu.memory_space<hbm>>) target(%arg6 : memref<250x40xi32, #tpu.memory_space<vmem>>) target_semaphore(%arg10 : memref<!tpu.dma_semaphore, #tpu.memory_space<semaphore_mem>>)
    %dma_start3A_13 = arith.constant 0 : i32
    %dma_start3A_14 = arith.constant 0 : i32
    %dma_start3A_15 = tpu.memref_slice %arg4[%add3A, %dma_start3A_13, %dma_start3A_14] : memref<32x250x40xi32, #tpu.memory_space<hbm>> -> memref<1x250x40xi32, #tpu.memory_space<hbm>>
    %dma_start3A_16 = tpu.memref_squeeze %dma_start3A_15 : memref<1x250x40xi32, #tpu.memory_space<hbm>> -> memref<250x40xi32, #tpu.memory_space<hbm>>
    %dma_start3A_17 = arith.constant 0 : i32
    %dma_start3A_18 = arith.constant 0 : i32
    %dma_start3A_19 = tpu.memref_slice %arg4[%add3A, %dma_start3A_17, %dma_start3A_18] : memref<32x250x40xi32, #tpu.memory_space<hbm>> -> memref<1x250x40xi32, #tpu.memory_space<hbm>>
    %dma_start3A_20 = tpu.memref_squeeze %dma_start3A_19 : memref<1x250x40xi32, #tpu.memory_space<hbm>> -> memref<250x40xi32, #tpu.memory_space<hbm>>
    tpu.enqueue_dma source(%dma_start3A_20 : memref<250x40xi32, #tpu.memory_space<hbm>>) target(%arg7 : memref<250x40xi32, #tpu.memory_space<vmem>>) target_semaphore(%arg11 : memref<!tpu.dma_semaphore, #tpu.memory_space<semaphore_mem>>)
    %mul3A_21 = arith.constant 640 : i32
    %mul3A_22 = arith.muli %arg1, %mul3A_21 : i32
    %add3A_23 = arith.constant 0 : i32
    %add3A_24 = arith.addi %mul3A_22, %add3A_23 : i32
    %dma_start3A_25 = arith.constant 0 : i32
    %dma_start3A_26 = arith.constant 0 : i32
    %dma_start3A_27 = tpu.memref_slice %arg8[%dma_start3A_25, %dma_start3A_26] : memref<200x128xf32, #tpu.memory_space<vmem>> -> memref<40x128xf32, #tpu.memory_space<vmem>>
    %dma_start3A_28 = arith.constant 0 : i32
    %dma_start3A_29 = arith.constant 0 : i32
    %dma_start3A_30 = tpu.memref_slice %dma_start3A_27[%dma_start3A_28, %dma_start3A_29] : memref<40x128xf32, #tpu.memory_space<vmem>> -> memref<40x128xf32, #tpu.memory_space<vmem>>
    %dma_start3A_31 = arith.constant 0 : i32
    %dma_start3A_32 = tpu.memref_slice %arg9[%add3A_24, %dma_start3A_31] : memref<10240x128xf32, #tpu.memory_space<vmem_shared>> -> memref<40x128xf32, #tpu.memory_space<vmem_shared>>
    %dma_start3A_33 = arith.constant 0 : i32
    %dma_start3A_34 = tpu.memref_slice %arg9[%add3A_24, %dma_start3A_33] : memref<10240x128xf32, #tpu.memory_space<vmem_shared>> -> memref<40x128xf32, #tpu.memory_space<vmem_shared>>
    %dma_start3A_35 = arith.constant 0 : i32
    %dma_start3A_36 = arith.constant 0 : i32
    %dma_start3A_37 = tpu.memref_slice %arg8[%dma_start3A_35, %dma_start3A_36] : memref<200x128xf32, #tpu.memory_space<vmem>> -> memref<40x128xf32, #tpu.memory_space<vmem>>
    %dma_start3A_38 = arith.constant 0 : i32
    %dma_start3A_39 = arith.constant 0 : i32
    %dma_start3A_40 = tpu.memref_slice %dma_start3A_37[%dma_start3A_38, %dma_start3A_39] : memref<40x128xf32, #tpu.memory_space<vmem>> -> memref<40x128xf32, #tpu.memory_space<vmem>>
    tpu.enqueue_dma source(%dma_start3A_40 : memref<40x128xf32, #tpu.memory_space<vmem>>) target(%dma_start3A_34 : memref<40x128xf32, #tpu.memory_space<vmem_shared>>) target_semaphore(%arg15 : memref<!tpu.dma_semaphore, #tpu.memory_space<semaphore_mem>>)
    %mul3A_41 = arith.constant 640 : i32
    %mul3A_42 = arith.muli %arg1, %mul3A_41 : i32
    %add3A_43 = arith.constant 40 : i32
    %add3A_44 = arith.addi %mul3A_42, %add3A_43 : i32
    %dma_start3A_45 = arith.constant 0 : i32
    %dma_start3A_46 = arith.constant 0 : i32
    %dma_start3A_47 = tpu.memref_slice %arg8[%dma_start3A_45, %dma_start3A_46] : memref<200x128xf32, #tpu.memory_space<vmem>> -> memref<40x128xf32, #tpu.memory_space<vmem>>
    %dma_start3A_48 = arith.constant 0 : i32
    %dma_start3A_49 = arith.constant 0 : i32
    %dma_start3A_50 = tpu.memref_slice %dma_start3A_47[%dma_start3A_48, %dma_start3A_49] : memref<40x128xf32, #tpu.memory_space<vmem>> -> memref<40x128xf32, #tpu.memory_space<vmem>>
    %dma_start3A_51 = arith.constant 0 : i32
    %dma_start3A_52 = tpu.memref_slice %arg9[%add3A_44, %dma_start3A_51] : memref<10240x128xf32, #tpu.memory_space<vmem_shared>> -> memref<40x128xf32, #tpu.memory_space<vmem_shared>>
    %dma_start3A_53 = arith.constant 0 : i32
    %dma_start3A_54 = tpu.memref_slice %arg9[%add3A_44, %dma_start3A_53] : memref<10240x128xf32, #tpu.memory_space<vmem_shared>> -> memref<40x128xf32, #tpu.memory_space<vmem_shared>>
    %dma_start3A_55 = arith.constant 0 : i32
    %dma_start3A_56 = arith.constant 0 : i32
    %dma_start3A_57 = tpu.memref_slice %arg8[%dma_start3A_55, %dma_start3A_56] : memref<200x128xf32, #tpu.memory_space<vmem>> -> memref<40x128xf32, #tpu.memory_space<vmem>>
    %dma_start3A_58 = arith.constant 0 : i32
    %dma_start3A_59 = arith.constant 0 : i32
    %dma_start3A_60 = tpu.memref_slice %dma_start3A_57[%dma_start3A_58, %dma_start3A_59] : memref<40x128xf32, #tpu.memory_space<vmem>> -> memref<40x128xf32, #tpu.memory_space<vmem>>
    tpu.enqueue_dma source(%dma_start3A_60 : memref<40x128xf32, #tpu.memory_space<vmem>>) target(%dma_start3A_54 : memref<40x128xf32, #tpu.memory_space<vmem_shared>>) target_semaphore(%arg15 : memref<!tpu.dma_semaphore, #tpu.memory_space<semaphore_mem>>)
    %mul3A_61 = arith.constant 640 : i32
    %mul3A_62 = arith.muli %arg1, %mul3A_61 : i32
    %add3A_63 = arith.constant 80 : i32
    %add3A_64 = arith.addi %mul3A_62, %add3A_63 : i32
    %dma_start3A_65 = arith.constant 0 : i32
    %dma_start3A_66 = arith.constant 0 : i32
    %dma_start3A_67 = tpu.memref_slice %arg8[%dma_start3A_65, %dma_start3A_66] : memref<200x128xf32, #tpu.memory_space<vmem>> -> memref<40x128xf32, #tpu.memory_space<vmem>>
    %dma_start3A_68 = arith.constant 0 : i32
    %dma_start3A_69 = arith.constant 0 : i32
    %dma_start3A_70 = tpu.memref_slice %dma_start3A_67[%dma_start3A_68, %dma_start3A_69] : memref<40x128xf32, #tpu.memory_space<vmem>> -> memref<40x128xf32, #tpu.memory_space<vmem>>
    %dma_start3A_71 = arith.constant 0 : i32
    %dma_start3A_72 = tpu.memref_slice %arg9[%add3A_64, %dma_start3A_71] : memref<10240x128xf32, #tpu.memory_space<vmem_shared>> -> memref<40x128xf32, #tpu.memory_space<vmem_shared>>
    %dma_start3A_73 = arith.constant 0 : i32
    %dma_start3A_74 = tpu.memref_slice %arg9[%add3A_64, %dma_start3A_73] : memref<10240x128xf32, #tpu.memory_space<vmem_shared>> -> memref<40x128xf32, #tpu.memory_space<vmem_shared>>
    %dma_start3A_75 = arith.constant 0 : i32
    %dma_start3A_76 = arith.constant 0 : i32
    %dma_start3A_77 = tpu.memref_slice %arg8[%dma_start3A_75, %dma_start3A_76] : memref<200x128xf32, #tpu.memory_space<vmem>> -> memref<40x128xf32, #tpu.memory_space<vmem>>
    %dma_start3A_78 = arith.constant 0 : i32
    %dma_start3A_79 = arith.constant 0 : i32
    %dma_start3A_80 = tpu.memref_slice %dma_start3A_77[%dma_start3A_78, %dma_start3A_79] : memref<40x128xf32, #tpu.memory_space<vmem>> -> memref<40x128xf32, #tpu.memory_space<vmem>>
    tpu.enqueue_dma source(%dma_start3A_80 : memref<40x128xf32, #tpu.memory_space<vmem>>) target(%dma_start3A_74 : memref<40x128xf32, #tpu.memory_space<vmem_shared>>) target_semaphore(%arg15 : memref<!tpu.dma_semaphore, #tpu.memory_space<semaphore_mem>>)
    %mul3A_81 = arith.constant 640 : i32
    %mul3A_82 = arith.muli %arg1, %mul3A_81 : i32
    %add3A_83 = arith.constant 120 : i32
    %add3A_84 = arith.addi %mul3A_82, %add3A_83 : i32
    %dma_start3A_85 = arith.constant 0 : i32
    %dma_start3A_86 = arith.constant 0 : i32
    %dma_start3A_87 = tpu.memref_slice %arg8[%dma_start3A_85, %dma_start3A_86] : memref<200x128xf32, #tpu.memory_space<vmem>> -> memref<40x128xf32, #tpu.memory_space<vmem>>
    %dma_start3A_88 = arith.constant 0 : i32
    %dma_start3A_89 = arith.constant 0 : i32
    %dma_start3A_90 = tpu.memref_slice %dma_start3A_87[%dma_start3A_88, %dma_start3A_89] : memref<40x128xf32, #tpu.memory_space<vmem>> -> memref<40x128xf32, #tpu.memory_space<vmem>>
    %dma_start3A_91 = arith.constant 0 : i32
    %dma_start3A_92 = tpu.memref_slice %arg9[%add3A_84, %dma_start3A_91] : memref<10240x128xf32, #tpu.memory_space<vmem_shared>> -> memref<40x128xf32, #tpu.memory_space<vmem_shared>>
    %dma_start3A_93 = arith.constant 0 : i32
    %dma_start3A_94 = tpu.memref_slice %arg9[%add3A_84, %dma_start3A_93] : memref<10240x128xf32, #tpu.memory_space<vmem_shared>> -> memref<40x128xf32, #tpu.memory_space<vmem_shared>>
    %dma_start3A_95 = arith.constant 0 : i32
    %dma_start3A_96 = arith.constant 0 : i32
    %dma_start3A_97 = tpu.memref_slice %arg8[%dma_start3A_95, %dma_start3A_96] : memref<200x128xf32, #tpu.memory_space<vmem>> -> memref<40x128xf32, #tpu.memory_space<vmem>>
    %dma_start3A_98 = arith.constant 0 : i32
    %dma_start3A_99 = arith.constant 0 : i32
    %dma_start3A_100 = tpu.memref_slice %dma_start3A_97[%dma_start3A_98, %dma_start3A_99] : memref<40x128xf32, #tpu.memory_space<vmem>> -> memref<40x128xf32, #tpu.memory_space<vmem>>
    tpu.enqueue_dma source(%dma_start3A_100 : memref<40x128xf32, #tpu.memory_space<vmem>>) target(%dma_start3A_94 : memref<40x128xf32, #tpu.memory_space<vmem_shared>>) target_semaphore(%arg15 : memref<!tpu.dma_semaphore, #tpu.memory_space<semaphore_mem>>)
    %mul3A_101 = arith.constant 640 : i32
    %mul3A_102 = arith.muli %arg1, %mul3A_101 : i32
    %add3A_103 = arith.constant 160 : i32
    %add3A_104 = arith.addi %mul3A_102, %add3A_103 : i32
    %dma_start3A_105 = arith.constant 0 : i32
    %dma_start3A_106 = arith.constant 0 : i32
    %dma_start3A_107 = tpu.memref_slice %arg8[%dma_start3A_105, %dma_start3A_106] : memref<200x128xf32, #tpu.memory_space<vmem>> -> memref<40x128xf32, #tpu.memory_space<vmem>>
    %dma_start3A_108 = arith.constant 0 : i32
    %dma_start3A_109 = arith.constant 0 : i32
    %dma_start3A_110 = tpu.memref_slice %dma_start3A_107[%dma_start3A_108, %dma_start3A_109] : memref<40x128xf32, #tpu.memory_space<vmem>> -> memref<40x128xf32, #tpu.memory_space<vmem>>
    %dma_start3A_111 = arith.constant 0 : i32
    %dma_start3A_112 = tpu.memref_slice %arg9[%add3A_104, %dma_start3A_111] : memref<10240x128xf32, #tpu.memory_space<vmem_shared>> -> memref<40x128xf32, #tpu.memory_space<vmem_shared>>
    %dma_start3A_113 = arith.constant 0 : i32
    %dma_start3A_114 = tpu.memref_slice %arg9[%add3A_104, %dma_start3A_113] : memref<10240x128xf32, #tpu.memory_space<vmem_shared>> -> memref<40x128xf32, #tpu.memory_space<vmem_shared>>
    %dma_start3A_115 = arith.constant 0 : i32
    %dma_start3A_116 = arith.constant 0 : i32
    %dma_start3A_117 = tpu.memref_slice %arg8[%dma_start3A_115, %dma_start3A_116] : memref<200x128xf32, #tpu.memory_space<vmem>> -> memref<40x128xf32, #tpu.memory_space<vmem>>
    %dma_start3A_118 = arith.constant 0 : i32
    %dma_start3A_119 = arith.constant 0 : i32
    %dma_start3A_120 = tpu.memref_slice %dma_start3A_117[%dma_start3A_118, %dma_start3A_119] : memref<40x128xf32, #tpu.memory_space<vmem>> -> memref<40x128xf32, #tpu.memory_space<vmem>>
    tpu.enqueue_dma source(%dma_start3A_120 : memref<40x128xf32, #tpu.memory_space<vmem>>) target(%dma_start3A_114 : memref<40x128xf32, #tpu.memory_space<vmem_shared>>) target_semaphore(%arg15 : memref<!tpu.dma_semaphore, #tpu.memory_space<semaphore_mem>>)
    %mul3A_121 = arith.constant 640 : i32
    %mul3A_122 = arith.muli %arg1, %mul3A_121 : i32
    %add3A_123 = arith.constant 200 : i32
    %add3A_124 = arith.addi %mul3A_122, %add3A_123 : i32
    %dma_start3A_125 = arith.constant 0 : i32
    %dma_start3A_126 = arith.constant 0 : i32
    %dma_start3A_127 = tpu.memref_slice %arg8[%dma_start3A_125, %dma_start3A_126] : memref<200x128xf32, #tpu.memory_space<vmem>> -> memref<40x128xf32, #tpu.memory_space<vmem>>
    %dma_start3A_128 = arith.constant 0 : i32
    %dma_start3A_129 = arith.constant 0 : i32
    %dma_start3A_130 = tpu.memref_slice %dma_start3A_127[%dma_start3A_128, %dma_start3A_129] : memref<40x128xf32, #tpu.memory_space<vmem>> -> memref<40x128xf32, #tpu.memory_space<vmem>>
    %dma_start3A_131 = arith.constant 0 : i32
    %dma_start3A_132 = tpu.memref_slice %arg9[%add3A_124, %dma_start3A_131] : memref<10240x128xf32, #tpu.memory_space<vmem_shared>> -> memref<40x128xf32, #tpu.memory_space<vmem_shared>>
    %dma_start3A_133 = arith.constant 0 : i32
    %dma_start3A_134 = tpu.memref_slice %arg9[%add3A_124, %dma_start3A_133] : memref<10240x128xf32, #tpu.memory_space<vmem_shared>> -> memref<40x128xf32, #tpu.memory_space<vmem_shared>>
    %dma_start3A_135 = arith.constant 0 : i32
    %dma_start3A_136 = arith.constant 0 : i32
    %dma_start3A_137 = tpu.memref_slice %arg8[%dma_start3A_135, %dma_start3A_136] : memref<200x128xf32, #tpu.memory_space<vmem>> -> memref<40x128xf32, #tpu.memory_space<vmem>>
    %dma_start3A_138 = arith.constant 0 : i32
    %dma_start3A_139 = arith.constant 0 : i32
    %dma_start3A_140 = tpu.memref_slice %dma_start3A_137[%dma_start3A_138, %dma_start3A_139] : memref<40x128xf32, #tpu.memory_space<vmem>> -> memref<40x128xf32, #tpu.memory_space<vmem>>
    tpu.enqueue_dma source(%dma_start3A_140 : memref<40x128xf32, #tpu.memory_space<vmem>>) target(%dma_start3A_134 : memref<40x128xf32, #tpu.memory_space<vmem_shared>>) target_semaphore(%arg15 : memref<!tpu.dma_semaphore, #tpu.memory_space<semaphore_mem>>)
    %mul3A_141 = arith.constant 640 : i32
    %mul3A_142 = arith.muli %arg1, %mul3A_141 : i32
    %add3A_143 = arith.constant 240 : i32
    %add3A_144 = arith.addi %mul3A_142, %add3A_143 : i32
    %dma_start3A_145 = arith.constant 0 : i32
    %dma_start3A_146 = arith.constant 0 : i32
    %dma_start3A_147 = tpu.memref_slice %arg8[%dma_start3A_145, %dma_start3A_146] : memref<200x128xf32, #tpu.memory_space<vmem>> -> memref<40x128xf32, #tpu.memory_space<vmem>>
    %dma_start3A_148 = arith.constant 0 : i32
    %dma_start3A_149 = arith.constant 0 : i32
    %dma_start3A_150 = tpu.memref_slice %dma_start3A_147[%dma_start3A_148, %dma_start3A_149] : memref<40x128xf32, #tpu.memory_space<vmem>> -> memref<40x128xf32, #tpu.memory_space<vmem>>
    %dma_start3A_151 = arith.constant 0 : i32
    %dma_start3A_152 = tpu.memref_slice %arg9[%add3A_144, %dma_start3A_151] : memref<10240x128xf32, #tpu.memory_space<vmem_shared>> -> memref<40x128xf32, #tpu.memory_space<vmem_shared>>
    %dma_start3A_153 = arith.constant 0 : i32
    %dma_start3A_154 = tpu.memref_slice %arg9[%add3A_144, %dma_start3A_153] : memref<10240x128xf32, #tpu.memory_space<vmem_shared>> -> memref<40x128xf32, #tpu.memory_space<vmem_shared>>
    %dma_start3A_155 = arith.constant 0 : i32
    %dma_start3A_156 = arith.constant 0 : i32
    %dma_start3A_157 = tpu.memref_slice %arg8[%dma_start3A_155, %dma_start3A_156] : memref<200x128xf32, #tpu.memory_space<vmem>> -> memref<40x128xf32, #tpu.memory_space<vmem>>
    %dma_start3A_158 = arith.constant 0 : i32
    %dma_start3A_159 = arith.constant 0 : i32
    %dma_start3A_160 = tpu.memref_slice %dma_start3A_157[%dma_start3A_158, %dma_start3A_159] : memref<40x128xf32, #tpu.memory_space<vmem>> -> memref<40x128xf32, #tpu.memory_space<vmem>>
    tpu.enqueue_dma source(%dma_start3A_160 : memref<40x128xf32, #tpu.memory_space<vmem>>) target(%dma_start3A_154 : memref<40x128xf32, #tpu.memory_space<vmem_shared>>) target_semaphore(%arg15 : memref<!tpu.dma_semaphore, #tpu.memory_space<semaphore_mem>>)
    %mul3A_161 = arith.constant 640 : i32
    %mul3A_162 = arith.muli %arg1, %mul3A_161 : i32
    %add3A_163 = arith.constant 280 : i32
    %add3A_164 = arith.addi %mul3A_162, %add3A_163 : i32
    %dma_start3A_165 = arith.constant 0 : i32
    %dma_start3A_166 = arith.constant 0 : i32
    %dma_start3A_167 = tpu.memref_slice %arg8[%dma_start3A_165, %dma_start3A_166] : memref<200x128xf32, #tpu.memory_space<vmem>> -> memref<40x128xf32, #tpu.memory_space<vmem>>
    %dma_start3A_168 = arith.constant 0 : i32
    %dma_start3A_169 = arith.constant 0 : i32
    %dma_start3A_170 = tpu.memref_slice %dma_start3A_167[%dma_start3A_168, %dma_start3A_169] : memref<40x128xf32, #tpu.memory_space<vmem>> -> memref<40x128xf32, #tpu.memory_space<vmem>>
    %dma_start3A_171 = arith.constant 0 : i32
    %dma_start3A_172 = tpu.memref_slice %arg9[%add3A_164, %dma_start3A_171] : memref<10240x128xf32, #tpu.memory_space<vmem_shared>> -> memref<40x128xf32, #tpu.memory_space<vmem_shared>>
    %dma_start3A_173 = arith.constant 0 : i32
    %dma_start3A_174 = tpu.memref_slice %arg9[%add3A_164, %dma_start3A_173] : memref<10240x128xf32, #tpu.memory_space<vmem_shared>> -> memref<40x128xf32, #tpu.memory_space<vmem_shared>>
    %dma_start3A_175 = arith.constant 0 : i32
    %dma_start3A_176 = arith.constant 0 : i32
    %dma_start3A_177 = tpu.memref_slice %arg8[%dma_start3A_175, %dma_start3A_176] : memref<200x128xf32, #tpu.memory_space<vmem>> -> memref<40x128xf32, #tpu.memory_space<vmem>>
    %dma_start3A_178 = arith.constant 0 : i32
    %dma_start3A_179 = arith.constant 0 : i32
    %dma_start3A_180 = tpu.memref_slice %dma_start3A_177[%dma_start3A_178, %dma_start3A_179] : memref<40x128xf32, #tpu.memory_space<vmem>> -> memref<40x128xf32, #tpu.memory_space<vmem>>
    tpu.enqueue_dma source(%dma_start3A_180 : memref<40x128xf32, #tpu.memory_space<vmem>>) target(%dma_start3A_174 : memref<40x128xf32, #tpu.memory_space<vmem_shared>>) target_semaphore(%arg15 : memref<!tpu.dma_semaphore, #tpu.memory_space<semaphore_mem>>)
    %mul3A_181 = arith.constant 640 : i32
    %mul3A_182 = arith.muli %arg1, %mul3A_181 : i32
    %add3A_183 = arith.constant 320 : i32
    %add3A_184 = arith.addi %mul3A_182, %add3A_183 : i32
    %dma_start3A_185 = arith.constant 0 : i32
    %dma_start3A_186 = arith.constant 0 : i32
    %dma_start3A_187 = tpu.memref_slice %arg8[%dma_start3A_185, %dma_start3A_186] : memref<200x128xf32, #tpu.memory_space<vmem>> -> memref<40x128xf32, #tpu.memory_space<vmem>>
    %dma_start3A_188 = arith.constant 0 : i32
    %dma_start3A_189 = arith.constant 0 : i32
    %dma_start3A_190 = tpu.memref_slice %dma_start3A_187[%dma_start3A_188, %dma_start3A_189] : memref<40x128xf32, #tpu.memory_space<vmem>> -> memref<40x128xf32, #tpu.memory_space<vmem>>
    %dma_start3A_191 = arith.constant 0 : i32
    %dma_start3A_192 = tpu.memref_slice %arg9[%add3A_184, %dma_start3A_191] : memref<10240x128xf32, #tpu.memory_space<vmem_shared>> -> memref<40x128xf32, #tpu.memory_space<vmem_shared>>
    %dma_start3A_193 = arith.constant 0 : i32
    %dma_start3A_194 = tpu.memref_slice %arg9[%add3A_184, %dma_start3A_193] : memref<10240x128xf32, #tpu.memory_space<vmem_shared>> -> memref<40x128xf32, #tpu.memory_space<vmem_shared>>
    %dma_start3A_195 = arith.constant 0 : i32
    %dma_start3A_196 = arith.constant 0 : i32
    %dma_start3A_197 = tpu.memref_slice %arg8[%dma_start3A_195, %dma_start3A_196] : memref<200x128xf32, #tpu.memory_space<vmem>> -> memref<40x128xf32, #tpu.memory_space<vmem>>
    %dma_start3A_198 = arith.constant 0 : i32
    %dma_start3A_199 = arith.constant 0 : i32
    %dma_start3A_200 = tpu.memref_slice %dma_start3A_197[%dma_start3A_198, %dma_start3A_199] : memref<40x128xf32, #tpu.memory_space<vmem>> -> memref<40x128xf32, #tpu.memory_space<vmem>>
    tpu.enqueue_dma source(%dma_start3A_200 : memref<40x128xf32, #tpu.memory_space<vmem>>) target(%dma_start3A_194 : memref<40x128xf32, #tpu.memory_space<vmem_shared>>) target_semaphore(%arg15 : memref<!tpu.dma_semaphore, #tpu.memory_space<semaphore_mem>>)
    %mul3A_201 = arith.constant 640 : i32
    %mul3A_202 = arith.muli %arg1, %mul3A_201 : i32
    %add3A_203 = arith.constant 360 : i32
    %add3A_204 = arith.addi %mul3A_202, %add3A_203 : i32
    %dma_start3A_205 = arith.constant 0 : i32
    %dma_start3A_206 = arith.constant 0 : i32
    %dma_start3A_207 = tpu.memref_slice %arg8[%dma_start3A_205, %dma_start3A_206] : memref<200x128xf32, #tpu.memory_space<vmem>> -> memref<40x128xf32, #tpu.memory_space<vmem>>
    %dma_start3A_208 = arith.constant 0 : i32
    %dma_start3A_209 = arith.constant 0 : i32
    %dma_start3A_210 = tpu.memref_slice %dma_start3A_207[%dma_start3A_208, %dma_start3A_209] : memref<40x128xf32, #tpu.memory_space<vmem>> -> memref<40x128xf32, #tpu.memory_space<vmem>>
    %dma_start3A_211 = arith.constant 0 : i32
    %dma_start3A_212 = tpu.memref_slice %arg9[%add3A_204, %dma_start3A_211] : memref<10240x128xf32, #tpu.memory_space<vmem_shared>> -> memref<40x128xf32, #tpu.memory_space<vmem_shared>>
    %dma_start3A_213 = arith.constant 0 : i32
    %dma_start3A_214 = tpu.memref_slice %arg9[%add3A_204, %dma_start3A_213] : memref<10240x128xf32, #tpu.memory_space<vmem_shared>> -> memref<40x128xf32, #tpu.memory_space<vmem_shared>>
    %dma_start3A_215 = arith.constant 0 : i32
    %dma_start3A_216 = arith.constant 0 : i32
    %dma_start3A_217 = tpu.memref_slice %arg8[%dma_start3A_215, %dma_start3A_216] : memref<200x128xf32, #tpu.memory_space<vmem>> -> memref<40x128xf32, #tpu.memory_space<vmem>>
    %dma_start3A_218 = arith.constant 0 : i32
    %dma_start3A_219 = arith.constant 0 : i32
    %dma_start3A_220 = tpu.memref_slice %dma_start3A_217[%dma_start3A_218, %dma_start3A_219] : memref<40x128xf32, #tpu.memory_space<vmem>> -> memref<40x128xf32, #tpu.memory_space<vmem>>
    tpu.enqueue_dma source(%dma_start3A_220 : memref<40x128xf32, #tpu.memory_space<vmem>>) target(%dma_start3A_214 : memref<40x128xf32, #tpu.memory_space<vmem_shared>>) target_semaphore(%arg15 : memref<!tpu.dma_semaphore, #tpu.memory_space<semaphore_mem>>)
    %mul3A_221 = arith.constant 640 : i32
    %mul3A_222 = arith.muli %arg1, %mul3A_221 : i32
    %add3A_223 = arith.constant 400 : i32
    %add3A_224 = arith.addi %mul3A_222, %add3A_223 : i32
    %dma_start3A_225 = arith.constant 0 : i32
    %dma_start3A_226 = arith.constant 0 : i32
    %dma_start3A_227 = tpu.memref_slice %arg8[%dma_start3A_225, %dma_start3A_226] : memref<200x128xf32, #tpu.memory_space<vmem>> -> memref<40x128xf32, #tpu.memory_space<vmem>>
    %dma_start3A_228 = arith.constant 0 : i32
    %dma_start3A_229 = arith.constant 0 : i32
    %dma_start3A_230 = tpu.memref_slice %dma_start3A_227[%dma_start3A_228, %dma_start3A_229] : memref<40x128xf32, #tpu.memory_space<vmem>> -> memref<40x128xf32, #tpu.memory_space<vmem>>
    %dma_start3A_231 = arith.constant 0 : i32
    %dma_start3A_232 = tpu.memref_slice %arg9[%add3A_224, %dma_start3A_231] : memref<10240x128xf32, #tpu.memory_space<vmem_shared>> -> memref<40x128xf32, #tpu.memory_space<vmem_shared>>
    %dma_start3A_233 = arith.constant 0 : i32
    %dma_start3A_234 = tpu.memref_slice %arg9[%add3A_224, %dma_start3A_233] : memref<10240x128xf32, #tpu.memory_space<vmem_shared>> -> memref<40x128xf32, #tpu.memory_space<vmem_shared>>
    %dma_start3A_235 = arith.constant 0 : i32
    %dma_start3A_236 = arith.constant 0 : i32
    %dma_start3A_237 = tpu.memref_slice %arg8[%dma_start3A_235, %dma_start3A_236] : memref<200x128xf32, #tpu.memory_space<vmem>> -> memref<40x128xf32, #tpu.memory_space<vmem>>
    %dma_start3A_238 = arith.constant 0 : i32
    %dma_start3A_239 = arith.constant 0 : i32
    %dma_start3A_240 = tpu.memref_slice %dma_start3A_237[%dma_start3A_238, %dma_start3A_239] : memref<40x128xf32, #tpu.memory_space<vmem>> -> memref<40x128xf32, #tpu.memory_space<vmem>>
    tpu.enqueue_dma source(%dma_start3A_240 : memref<40x128xf32, #tpu.memory_space<vmem>>) target(%dma_start3A_234 : memref<40x128xf32, #tpu.memory_space<vmem_shared>>) target_semaphore(%arg15 : memref<!tpu.dma_semaphore, #tpu.memory_space<semaphore_mem>>)
    %mul3A_241 = arith.constant 640 : i32
    %mul3A_242 = arith.muli %arg1, %mul3A_241 : i32
    %add3A_243 = arith.constant 440 : i32
    %add3A_244 = arith.addi %mul3A_242, %add3A_243 : i32
    %dma_start3A_245 = arith.constant 0 : i32
    %dma_start3A_246 = arith.constant 0 : i32
    %dma_start3A_247 = tpu.memref_slice %arg8[%dma_start3A_245, %dma_start3A_246] : memref<200x128xf32, #tpu.memory_space<vmem>> -> memref<40x128xf32, #tpu.memory_space<vmem>>
    %dma_start3A_248 = arith.constant 0 : i32
    %dma_start3A_249 = arith.constant 0 : i32
    %dma_start3A_250 = tpu.memref_slice %dma_start3A_247[%dma_start3A_248, %dma_start3A_249] : memref<40x128xf32, #tpu.memory_space<vmem>> -> memref<40x128xf32, #tpu.memory_space<vmem>>
    %dma_start3A_251 = arith.constant 0 : i32
    %dma_start3A_252 = tpu.memref_slice %arg9[%add3A_244, %dma_start3A_251] : memref<10240x128xf32, #tpu.memory_space<vmem_shared>> -> memref<40x128xf32, #tpu.memory_space<vmem_shared>>
    %dma_start3A_253 = arith.constant 0 : i32
    %dma_start3A_254 = tpu.memref_slice %arg9[%add3A_244, %dma_start3A_253] : memref<10240x128xf32, #tpu.memory_space<vmem_shared>> -> memref<40x128xf32, #tpu.memory_space<vmem_shared>>
    %dma_start3A_255 = arith.constant 0 : i32
    %dma_start3A_256 = arith.constant 0 : i32
    %dma_start3A_257 = tpu.memref_slice %arg8[%dma_start3A_255, %dma_start3A_256] : memref<200x128xf32, #tpu.memory_space<vmem>> -> memref<40x128xf32, #tpu.memory_space<vmem>>
    %dma_start3A_258 = arith.constant 0 : i32
    %dma_start3A_259 = arith.constant 0 : i32
    %dma_start3A_260 = tpu.memref_slice %dma_start3A_257[%dma_start3A_258, %dma_start3A_259] : memref<40x128xf32, #tpu.memory_space<vmem>> -> memref<40x128xf32, #tpu.memory_space<vmem>>
    tpu.enqueue_dma source(%dma_start3A_260 : memref<40x128xf32, #tpu.memory_space<vmem>>) target(%dma_start3A_254 : memref<40x128xf32, #tpu.memory_space<vmem_shared>>) target_semaphore(%arg15 : memref<!tpu.dma_semaphore, #tpu.memory_space<semaphore_mem>>)
    %mul3A_261 = arith.constant 640 : i32
    %mul3A_262 = arith.muli %arg1, %mul3A_261 : i32
    %add3A_263 = arith.constant 480 : i32
    %add3A_264 = arith.addi %mul3A_262, %add3A_263 : i32
    %dma_start3A_265 = arith.constant 0 : i32
    %dma_start3A_266 = arith.constant 0 : i32
    %dma_start3A_267 = tpu.memref_slice %arg8[%dma_start3A_265, %dma_start3A_266] : memref<200x128xf32, #tpu.memory_space<vmem>> -> memref<40x128xf32, #tpu.memory_space<vmem>>
    %dma_start3A_268 = arith.constant 0 : i32
    %dma_start3A_269 = arith.constant 0 : i32
    %dma_start3A_270 = tpu.memref_slice %dma_start3A_267[%dma_start3A_268, %dma_start3A_269] : memref<40x128xf32, #tpu.memory_space<vmem>> -> memref<40x128xf32, #tpu.memory_space<vmem>>
    %dma_start3A_271 = arith.constant 0 : i32
    %dma_start3A_272 = tpu.memref_slice %arg9[%add3A_264, %dma_start3A_271] : memref<10240x128xf32, #tpu.memory_space<vmem_shared>> -> memref<40x128xf32, #tpu.memory_space<vmem_shared>>
    %dma_start3A_273 = arith.constant 0 : i32
    %dma_start3A_274 = tpu.memref_slice %arg9[%add3A_264, %dma_start3A_273] : memref<10240x128xf32, #tpu.memory_space<vmem_shared>> -> memref<40x128xf32, #tpu.memory_space<vmem_shared>>
    %dma_start3A_275 = arith.constant 0 : i32
    %dma_start3A_276 = arith.constant 0 : i32
    %dma_start3A_277 = tpu.memref_slice %arg8[%dma_start3A_275, %dma_start3A_276] : memref<200x128xf32, #tpu.memory_space<vmem>> -> memref<40x128xf32, #tpu.memory_space<vmem>>
    %dma_start3A_278 = arith.constant 0 : i32
    %dma_start3A_279 = arith.constant 0 : i32
    %dma_start3A_280 = tpu.memref_slice %dma_start3A_277[%dma_start3A_278, %dma_start3A_279] : memref<40x128xf32, #tpu.memory_space<vmem>> -> memref<40x128xf32, #tpu.memory_space<vmem>>
    tpu.enqueue_dma source(%dma_start3A_280 : memref<40x128xf32, #tpu.memory_space<vmem>>) target(%dma_start3A_274 : memref<40x128xf32, #tpu.memory_space<vmem_shared>>) target_semaphore(%arg15 : memref<!tpu.dma_semaphore, #tpu.memory_space<semaphore_mem>>)
    %mul3A_281 = arith.constant 640 : i32
    %mul3A_282 = arith.muli %arg1, %mul3A_281 : i32
    %add3A_283 = arith.constant 520 : i32
    %add3A_284 = arith.addi %mul3A_282, %add3A_283 : i32
    %dma_start3A_285 = arith.constant 0 : i32
    %dma_start3A_286 = arith.constant 0 : i32
    %dma_start3A_287 = tpu.memref_slice %arg8[%dma_start3A_285, %dma_start3A_286] : memref<200x128xf32, #tpu.memory_space<vmem>> -> memref<40x128xf32, #tpu.memory_space<vmem>>
    %dma_start3A_288 = arith.constant 0 : i32
    %dma_start3A_289 = arith.constant 0 : i32
    %dma_start3A_290 = tpu.memref_slice %dma_start3A_287[%dma_start3A_288, %dma_start3A_289] : memref<40x128xf32, #tpu.memory_space<vmem>> -> memref<40x128xf32, #tpu.memory_space<vmem>>
    %dma_start3A_291 = arith.constant 0 : i32
    %dma_start3A_292 = tpu.memref_slice %arg9[%add3A_284, %dma_start3A_291] : memref<10240x128xf32, #tpu.memory_space<vmem_shared>> -> memref<40x128xf32, #tpu.memory_space<vmem_shared>>
    %dma_start3A_293 = arith.constant 0 : i32
    %dma_start3A_294 = tpu.memref_slice %arg9[%add3A_284, %dma_start3A_293] : memref<10240x128xf32, #tpu.memory_space<vmem_shared>> -> memref<40x128xf32, #tpu.memory_space<vmem_shared>>
    %dma_start3A_295 = arith.constant 0 : i32
    %dma_start3A_296 = arith.constant 0 : i32
    %dma_start3A_297 = tpu.memref_slice %arg8[%dma_start3A_295, %dma_start3A_296] : memref<200x128xf32, #tpu.memory_space<vmem>> -> memref<40x128xf32, #tpu.memory_space<vmem>>
    %dma_start3A_298 = arith.constant 0 : i32
    %dma_start3A_299 = arith.constant 0 : i32
    %dma_start3A_300 = tpu.memref_slice %dma_start3A_297[%dma_start3A_298, %dma_start3A_299] : memref<40x128xf32, #tpu.memory_space<vmem>> -> memref<40x128xf32, #tpu.memory_space<vmem>>
    tpu.enqueue_dma source(%dma_start3A_300 : memref<40x128xf32, #tpu.memory_space<vmem>>) target(%dma_start3A_294 : memref<40x128xf32, #tpu.memory_space<vmem_shared>>) target_semaphore(%arg15 : memref<!tpu.dma_semaphore, #tpu.memory_space<semaphore_mem>>)
    %mul3A_301 = arith.constant 640 : i32
    %mul3A_302 = arith.muli %arg1, %mul3A_301 : i32
    %add3A_303 = arith.constant 560 : i32
    %add3A_304 = arith.addi %mul3A_302, %add3A_303 : i32
    %dma_start3A_305 = arith.constant 0 : i32
    %dma_start3A_306 = arith.constant 0 : i32
    %dma_start3A_307 = tpu.memref_slice %arg8[%dma_start3A_305, %dma_start3A_306] : memref<200x128xf32, #tpu.memory_space<vmem>> -> memref<40x128xf32, #tpu.memory_space<vmem>>
    %dma_start3A_308 = arith.constant 0 : i32
    %dma_start3A_309 = arith.constant 0 : i32
    %dma_start3A_310 = tpu.memref_slice %dma_start3A_307[%dma_start3A_308, %dma_start3A_309] : memref<40x128xf32, #tpu.memory_space<vmem>> -> memref<40x128xf32, #tpu.memory_space<vmem>>
    %dma_start3A_311 = arith.constant 0 : i32
    %dma_start3A_312 = tpu.memref_slice %arg9[%add3A_304, %dma_start3A_311] : memref<10240x128xf32, #tpu.memory_space<vmem_shared>> -> memref<40x128xf32, #tpu.memory_space<vmem_shared>>
    %dma_start3A_313 = arith.constant 0 : i32
    %dma_start3A_314 = tpu.memref_slice %arg9[%add3A_304, %dma_start3A_313] : memref<10240x128xf32, #tpu.memory_space<vmem_shared>> -> memref<40x128xf32, #tpu.memory_space<vmem_shared>>
    %dma_start3A_315 = arith.constant 0 : i32
    %dma_start3A_316 = arith.constant 0 : i32
    %dma_start3A_317 = tpu.memref_slice %arg8[%dma_start3A_315, %dma_start3A_316] : memref<200x128xf32, #tpu.memory_space<vmem>> -> memref<40x128xf32, #tpu.memory_space<vmem>>
    %dma_start3A_318 = arith.constant 0 : i32
    %dma_start3A_319 = arith.constant 0 : i32
    %dma_start3A_320 = tpu.memref_slice %dma_start3A_317[%dma_start3A_318, %dma_start3A_319] : memref<40x128xf32, #tpu.memory_space<vmem>> -> memref<40x128xf32, #tpu.memory_space<vmem>>
    tpu.enqueue_dma source(%dma_start3A_320 : memref<40x128xf32, #tpu.memory_space<vmem>>) target(%dma_start3A_314 : memref<40x128xf32, #tpu.memory_space<vmem_shared>>) target_semaphore(%arg15 : memref<!tpu.dma_semaphore, #tpu.memory_space<semaphore_mem>>)
    %mul3A_321 = arith.constant 640 : i32
    %mul3A_322 = arith.muli %arg1, %mul3A_321 : i32
    %add3A_323 = arith.constant 600 : i32
    %add3A_324 = arith.addi %mul3A_322, %add3A_323 : i32
    %dma_start3A_325 = arith.constant 0 : i32
    %dma_start3A_326 = arith.constant 0 : i32
    %dma_start3A_327 = tpu.memref_slice %arg8[%dma_start3A_325, %dma_start3A_326] : memref<200x128xf32, #tpu.memory_space<vmem>> -> memref<40x128xf32, #tpu.memory_space<vmem>>
    %dma_start3A_328 = arith.constant 0 : i32
    %dma_start3A_329 = arith.constant 0 : i32
    %dma_start3A_330 = tpu.memref_slice %dma_start3A_327[%dma_start3A_328, %dma_start3A_329] : memref<40x128xf32, #tpu.memory_space<vmem>> -> memref<40x128xf32, #tpu.memory_space<vmem>>
    %dma_start3A_331 = arith.constant 0 : i32
    %dma_start3A_332 = tpu.memref_slice %arg9[%add3A_324, %dma_start3A_331] : memref<10240x128xf32, #tpu.memory_space<vmem_shared>> -> memref<40x128xf32, #tpu.memory_space<vmem_shared>>
    %dma_start3A_333 = arith.constant 0 : i32
    %dma_start3A_334 = tpu.memref_slice %arg9[%add3A_324, %dma_start3A_333] : memref<10240x128xf32, #tpu.memory_space<vmem_shared>> -> memref<40x128xf32, #tpu.memory_space<vmem_shared>>
    %dma_start3A_335 = arith.constant 0 : i32
    %dma_start3A_336 = arith.constant 0 : i32
    %dma_start3A_337 = tpu.memref_slice %arg8[%dma_start3A_335, %dma_start3A_336] : memref<200x128xf32, #tpu.memory_space<vmem>> -> memref<40x128xf32, #tpu.memory_space<vmem>>
    %dma_start3A_338 = arith.constant 0 : i32
    %dma_start3A_339 = arith.constant 0 : i32
    %dma_start3A_340 = tpu.memref_slice %dma_start3A_337[%dma_start3A_338, %dma_start3A_339] : memref<40x128xf32, #tpu.memory_space<vmem>> -> memref<40x128xf32, #tpu.memory_space<vmem>>
    tpu.enqueue_dma source(%dma_start3A_340 : memref<40x128xf32, #tpu.memory_space<vmem>>) target(%dma_start3A_334 : memref<40x128xf32, #tpu.memory_space<vmem_shared>>) target_semaphore(%arg15 : memref<!tpu.dma_semaphore, #tpu.memory_space<semaphore_mem>>)
    %dma_wait3A = arith.constant 0 : i32
    %dma_wait3A_341 = arith.constant 0 : i32
    %dma_wait3A_342 = tpu.memref_slice %arg3[%add3A, %dma_wait3A, %dma_wait3A_341] : memref<32x250x40xi32, #tpu.memory_space<hbm>> -> memref<1x250x40xi32, #tpu.memory_space<hbm>>
    %dma_wait3A_343 = tpu.memref_squeeze %dma_wait3A_342 : memref<1x250x40xi32, #tpu.memory_space<hbm>> -> memref<250x40xi32, #tpu.memory_space<hbm>>
    %dma_wait3A_344 = arith.constant 0 : i32
    %dma_wait3A_345 = arith.constant 0 : i32
    %dma_wait3A_346 = tpu.memref_slice %arg3[%add3A, %dma_wait3A_344, %dma_wait3A_345] : memref<32x250x40xi32, #tpu.memory_space<hbm>> -> memref<1x250x40xi32, #tpu.memory_space<hbm>>
    %dma_wait3A_347 = tpu.memref_squeeze %dma_wait3A_346 : memref<1x250x40xi32, #tpu.memory_space<hbm>> -> memref<250x40xi32, #tpu.memory_space<hbm>>
    tpu.wait_dma2 semaphore(%arg10 : memref<!tpu.dma_semaphore, #tpu.memory_space<semaphore_mem>>) src(%dma_wait3A_347 : memref<250x40xi32, #tpu.memory_space<hbm>>) dst(%arg6 : memref<250x40xi32, #tpu.memory_space<vmem>>)
    %dma_wait3A_348 = arith.constant 0 : i32
    %dma_wait3A_349 = arith.constant 0 : i32
    %dma_wait3A_350 = tpu.memref_slice %arg4[%add3A, %dma_wait3A_348, %dma_wait3A_349] : memref<32x250x40xi32, #tpu.memory_space<hbm>> -> memref<1x250x40xi32, #tpu.memory_space<hbm>>
    %dma_wait3A_351 = tpu.memref_squeeze %dma_wait3A_350 : memref<1x250x40xi32, #tpu.memory_space<hbm>> -> memref<250x40xi32, #tpu.memory_space<hbm>>
    %dma_wait3A_352 = arith.constant 0 : i32
    %dma_wait3A_353 = arith.constant 0 : i32
    %dma_wait3A_354 = tpu.memref_slice %arg4[%add3A, %dma_wait3A_352, %dma_wait3A_353] : memref<32x250x40xi32, #tpu.memory_space<hbm>> -> memref<1x250x40xi32, #tpu.memory_space<hbm>>
    %dma_wait3A_355 = tpu.memref_squeeze %dma_wait3A_354 : memref<1x250x40xi32, #tpu.memory_space<hbm>> -> memref<250x40xi32, #tpu.memory_space<hbm>>
    tpu.wait_dma2 semaphore(%arg11 : memref<!tpu.dma_semaphore, #tpu.memory_space<semaphore_mem>>) src(%dma_wait3A_355 : memref<250x40xi32, #tpu.memory_space<hbm>>) dst(%arg7 : memref<250x40xi32, #tpu.memory_space<vmem>>)
    %mul3A_356 = arith.constant 640 : i32
    %mul3A_357 = arith.muli %arg1, %mul3A_356 : i32
    %dma_wait3A_358 = arith.constant 0 : i32
    %dma_wait3A_359 = arith.constant 0 : i32
    %dma_wait3A_360 = tpu.memref_slice %arg8[%dma_wait3A_358, %dma_wait3A_359] : memref<200x128xf32, #tpu.memory_space<vmem>> -> memref<40x128xf32, #tpu.memory_space<vmem>>
    %dma_wait3A_361 = arith.constant 0 : i32
    %dma_wait3A_362 = arith.constant 0 : i32
    %dma_wait3A_363 = tpu.memref_slice %dma_wait3A_360[%dma_wait3A_361, %dma_wait3A_362] : memref<40x128xf32, #tpu.memory_space<vmem>> -> memref<40x128xf32, #tpu.memory_space<vmem>>
    %dma_wait3A_364 = arith.constant 0 : i32
    %dma_wait3A_365 = tpu.memref_slice %arg9[%mul3A_357, %dma_wait3A_364] : memref<10240x128xf32, #tpu.memory_space<vmem_shared>> -> memref<40x128xf32, #tpu.memory_space<vmem_shared>>
    %dma_wait3A_366 = arith.constant 0 : i32
    %dma_wait3A_367 = tpu.memref_slice %arg9[%mul3A_357, %dma_wait3A_366] : memref<10240x128xf32, #tpu.memory_space<vmem_shared>> -> memref<40x128xf32, #tpu.memory_space<vmem_shared>>
    %dma_wait3A_368 = arith.constant 0 : i32
    %dma_wait3A_369 = arith.constant 0 : i32
    %dma_wait3A_370 = tpu.memref_slice %arg8[%dma_wait3A_368, %dma_wait3A_369] : memref<200x128xf32, #tpu.memory_space<vmem>> -> memref<40x128xf32, #tpu.memory_space<vmem>>
    %dma_wait3A_371 = arith.constant 0 : i32
    %dma_wait3A_372 = arith.constant 0 : i32
    %dma_wait3A_373 = tpu.memref_slice %dma_wait3A_370[%dma_wait3A_371, %dma_wait3A_372] : memref<40x128xf32, #tpu.memory_space<vmem>> -> memref<40x128xf32, #tpu.memory_space<vmem>>
    tpu.wait_dma2 semaphore(%arg15 : memref<!tpu.dma_semaphore, #tpu.memory_space<semaphore_mem>>) src(%dma_wait3A_373 : memref<40x128xf32, #tpu.memory_space<vmem>>) dst(%dma_wait3A_367 : memref<40x128xf32, #tpu.memory_space<vmem_shared>>)
    %mul3A_374 = arith.constant 640 : i32
    %mul3A_375 = arith.muli %arg1, %mul3A_374 : i32
    %dma_wait3A_376 = arith.constant 0 : i32
    %dma_wait3A_377 = arith.constant 0 : i32
    %dma_wait3A_378 = tpu.memref_slice %arg8[%dma_wait3A_376, %dma_wait3A_377] : memref<200x128xf32, #tpu.memory_space<vmem>> -> memref<40x128xf32, #tpu.memory_space<vmem>>
    %dma_wait3A_379 = arith.constant 0 : i32
    %dma_wait3A_380 = arith.constant 0 : i32
    %dma_wait3A_381 = tpu.memref_slice %dma_wait3A_378[%dma_wait3A_379, %dma_wait3A_380] : memref<40x128xf32, #tpu.memory_space<vmem>> -> memref<40x128xf32, #tpu.memory_space<vmem>>
    %dma_wait3A_382 = arith.constant 0 : i32
    %dma_wait3A_383 = tpu.memref_slice %arg9[%mul3A_375, %dma_wait3A_382] : memref<10240x128xf32, #tpu.memory_space<vmem_shared>> -> memref<40x128xf32, #tpu.memory_space<vmem_shared>>
    %dma_wait3A_384 = arith.constant 0 : i32
    %dma_wait3A_385 = tpu.memref_slice %arg9[%mul3A_375, %dma_wait3A_384] : memref<10240x128xf32, #tpu.memory_space<vmem_shared>> -> memref<40x128xf32, #tpu.memory_space<vmem_shared>>
    %dma_wait3A_386 = arith.constant 0 : i32
    %dma_wait3A_387 = arith.constant 0 : i32
    %dma_wait3A_388 = tpu.memref_slice %arg8[%dma_wait3A_386, %dma_wait3A_387] : memref<200x128xf32, #tpu.memory_space<vmem>> -> memref<40x128xf32, #tpu.memory_space<vmem>>
    %dma_wait3A_389 = arith.constant 0 : i32
    %dma_wait3A_390 = arith.constant 0 : i32
    %dma_wait3A_391 = tpu.memref_slice %dma_wait3A_388[%dma_wait3A_389, %dma_wait3A_390] : memref<40x128xf32, #tpu.memory_space<vmem>> -> memref<40x128xf32, #tpu.memory_space<vmem>>
    tpu.wait_dma2 semaphore(%arg15 : memref<!tpu.dma_semaphore, #tpu.memory_space<semaphore_mem>>) src(%dma_wait3A_391 : memref<40x128xf32, #tpu.memory_space<vmem>>) dst(%dma_wait3A_385 : memref<40x128xf32, #tpu.memory_space<vmem_shared>>)
    %mul3A_392 = arith.constant 640 : i32
    %mul3A_393 = arith.muli %arg1, %mul3A_392 : i32
    %dma_wait3A_394 = arith.constant 0 : i32
    %dma_wait3A_395 = arith.constant 0 : i32
    %dma_wait3A_396 = tpu.memref_slice %arg8[%dma_wait3A_394, %dma_wait3A_395] : memref<200x128xf32, #tpu.memory_space<vmem>> -> memref<40x128xf32, #tpu.memory_space<vmem>>
    %dma_wait3A_397 = arith.constant 0 : i32
    %dma_wait3A_398 = arith.constant 0 : i32
    %dma_wait3A_399 = tpu.memref_slice %dma_wait3A_396[%dma_wait3A_397, %dma_wait3A_398] : memref<40x128xf32, #tpu.memory_space<vmem>> -> memref<40x128xf32, #tpu.memory_space<vmem>>
    %dma_wait3A_400 = arith.constant 0 : i32
    %dma_wait3A_401 = tpu.memref_slice %arg9[%mul3A_393, %dma_wait3A_400] : memref<10240x128xf32, #tpu.memory_space<vmem_shared>> -> memref<40x128xf32, #tpu.memory_space<vmem_shared>>
    %dma_wait3A_402 = arith.constant 0 : i32
    %dma_wait3A_403 = tpu.memref_slice %arg9[%mul3A_393, %dma_wait3A_402] : memref<10240x128xf32, #tpu.memory_space<vmem_shared>> -> memref<40x128xf32, #tpu.memory_space<vmem_shared>>
    %dma_wait3A_404 = arith.constant 0 : i32
    %dma_wait3A_405 = arith.constant 0 : i32
    %dma_wait3A_406 = tpu.memref_slice %arg8[%dma_wait3A_404, %dma_wait3A_405] : memref<200x128xf32, #tpu.memory_space<vmem>> -> memref<40x128xf32, #tpu.memory_space<vmem>>
    %dma_wait3A_407 = arith.constant 0 : i32
    %dma_wait3A_408 = arith.constant 0 : i32
    %dma_wait3A_409 = tpu.memref_slice %dma_wait3A_406[%dma_wait3A_407, %dma_wait3A_408] : memref<40x128xf32, #tpu.memory_space<vmem>> -> memref<40x128xf32, #tpu.memory_space<vmem>>
    tpu.wait_dma2 semaphore(%arg15 : memref<!tpu.dma_semaphore, #tpu.memory_space<semaphore_mem>>) src(%dma_wait3A_409 : memref<40x128xf32, #tpu.memory_space<vmem>>) dst(%dma_wait3A_403 : memref<40x128xf32, #tpu.memory_space<vmem_shared>>)
    %mul3A_410 = arith.constant 640 : i32
    %mul3A_411 = arith.muli %arg1, %mul3A_410 : i32
    %dma_wait3A_412 = arith.constant 0 : i32
    %dma_wait3A_413 = arith.constant 0 : i32
    %dma_wait3A_414 = tpu.memref_slice %arg8[%dma_wait3A_412, %dma_wait3A_413] : memref<200x128xf32, #tpu.memory_space<vmem>> -> memref<40x128xf32, #tpu.memory_space<vmem>>
    %dma_wait3A_415 = arith.constant 0 : i32
    %dma_wait3A_416 = arith.constant 0 : i32
    %dma_wait3A_417 = tpu.memref_slice %dma_wait3A_414[%dma_wait3A_415, %dma_wait3A_416] : memref<40x128xf32, #tpu.memory_space<vmem>> -> memref<40x128xf32, #tpu.memory_space<vmem>>
    %dma_wait3A_418 = arith.constant 0 : i32
    %dma_wait3A_419 = tpu.memref_slice %arg9[%mul3A_411, %dma_wait3A_418] : memref<10240x128xf32, #tpu.memory_space<vmem_shared>> -> memref<40x128xf32, #tpu.memory_space<vmem_shared>>
    %dma_wait3A_420 = arith.constant 0 : i32
    %dma_wait3A_421 = tpu.memref_slice %arg9[%mul3A_411, %dma_wait3A_420] : memref<10240x128xf32, #tpu.memory_space<vmem_shared>> -> memref<40x128xf32, #tpu.memory_space<vmem_shared>>
    %dma_wait3A_422 = arith.constant 0 : i32
    %dma_wait3A_423 = arith.constant 0 : i32
    %dma_wait3A_424 = tpu.memref_slice %arg8[%dma_wait3A_422, %dma_wait3A_423] : memref<200x128xf32, #tpu.memory_space<vmem>> -> memref<40x128xf32, #tpu.memory_space<vmem>>
    %dma_wait3A_425 = arith.constant 0 : i32
    %dma_wait3A_426 = arith.constant 0 : i32
    %dma_wait3A_427 = tpu.memref_slice %dma_wait3A_424[%dma_wait3A_425, %dma_wait3A_426] : memref<40x128xf32, #tpu.memory_space<vmem>> -> memref<40x128xf32, #tpu.memory_space<vmem>>
    tpu.wait_dma2 semaphore(%arg15 : memref<!tpu.dma_semaphore, #tpu.memory_space<semaphore_mem>>) src(%dma_wait3A_427 : memref<40x128xf32, #tpu.memory_space<vmem>>) dst(%dma_wait3A_421 : memref<40x128xf32, #tpu.memory_space<vmem_shared>>)
    %mul3A_428 = arith.constant 640 : i32
    %mul3A_429 = arith.muli %arg1, %mul3A_428 : i32
    %dma_wait3A_430 = arith.constant 0 : i32
    %dma_wait3A_431 = arith.constant 0 : i32
    %dma_wait3A_432 = tpu.memref_slice %arg8[%dma_wait3A_430, %dma_wait3A_431] : memref<200x128xf32, #tpu.memory_space<vmem>> -> memref<40x128xf32, #tpu.memory_space<vmem>>
    %dma_wait3A_433 = arith.constant 0 : i32
    %dma_wait3A_434 = arith.constant 0 : i32
    %dma_wait3A_435 = tpu.memref_slice %dma_wait3A_432[%dma_wait3A_433, %dma_wait3A_434] : memref<40x128xf32, #tpu.memory_space<vmem>> -> memref<40x128xf32, #tpu.memory_space<vmem>>
    %dma_wait3A_436 = arith.constant 0 : i32
    %dma_wait3A_437 = tpu.memref_slice %arg9[%mul3A_429, %dma_wait3A_436] : memref<10240x128xf32, #tpu.memory_space<vmem_shared>> -> memref<40x128xf32, #tpu.memory_space<vmem_shared>>
    %dma_wait3A_438 = arith.constant 0 : i32
    %dma_wait3A_439 = tpu.memref_slice %arg9[%mul3A_429, %dma_wait3A_438] : memref<10240x128xf32, #tpu.memory_space<vmem_shared>> -> memref<40x128xf32, #tpu.memory_space<vmem_shared>>
    %dma_wait3A_440 = arith.constant 0 : i32
    %dma_wait3A_441 = arith.constant 0 : i32
    %dma_wait3A_442 = tpu.memref_slice %arg8[%dma_wait3A_440, %dma_wait3A_441] : memref<200x128xf32, #tpu.memory_space<vmem>> -> memref<40x128xf32, #tpu.memory_space<vmem>>
    %dma_wait3A_443 = arith.constant 0 : i32
    %dma_wait3A_444 = arith.constant 0 : i32
    %dma_wait3A_445 = tpu.memref_slice %dma_wait3A_442[%dma_wait3A_443, %dma_wait3A_444] : memref<40x128xf32, #tpu.memory_space<vmem>> -> memref<40x128xf32, #tpu.memory_space<vmem>>
    tpu.wait_dma2 semaphore(%arg15 : memref<!tpu.dma_semaphore, #tpu.memory_space<semaphore_mem>>) src(%dma_wait3A_445 : memref<40x128xf32, #tpu.memory_space<vmem>>) dst(%dma_wait3A_439 : memref<40x128xf32, #tpu.memory_space<vmem_shared>>)
    %mul3A_446 = arith.constant 640 : i32
    %mul3A_447 = arith.muli %arg1, %mul3A_446 : i32
    %dma_wait3A_448 = arith.constant 0 : i32
    %dma_wait3A_449 = arith.constant 0 : i32
    %dma_wait3A_450 = tpu.memref_slice %arg8[%dma_wait3A_448, %dma_wait3A_449] : memref<200x128xf32, #tpu.memory_space<vmem>> -> memref<40x128xf32, #tpu.memory_space<vmem>>
    %dma_wait3A_451 = arith.constant 0 : i32
    %dma_wait3A_452 = arith.constant 0 : i32
    %dma_wait3A_453 = tpu.memref_slice %dma_wait3A_450[%dma_wait3A_451, %dma_wait3A_452] : memref<40x128xf32, #tpu.memory_space<vmem>> -> memref<40x128xf32, #tpu.memory_space<vmem>>
    %dma_wait3A_454 = arith.constant 0 : i32
    %dma_wait3A_455 = tpu.memref_slice %arg9[%mul3A_447, %dma_wait3A_454] : memref<10240x128xf32, #tpu.memory_space<vmem_shared>> -> memref<40x128xf32, #tpu.memory_space<vmem_shared>>
    %dma_wait3A_456 = arith.constant 0 : i32
    %dma_wait3A_457 = tpu.memref_slice %arg9[%mul3A_447, %dma_wait3A_456] : memref<10240x128xf32, #tpu.memory_space<vmem_shared>> -> memref<40x128xf32, #tpu.memory_space<vmem_shared>>
    %dma_wait3A_458 = arith.constant 0 : i32
    %dma_wait3A_459 = arith.constant 0 : i32
    %dma_wait3A_460 = tpu.memref_slice %arg8[%dma_wait3A_458, %dma_wait3A_459] : memref<200x128xf32, #tpu.memory_space<vmem>> -> memref<40x128xf32, #tpu.memory_space<vmem>>
    %dma_wait3A_461 = arith.constant 0 : i32
    %dma_wait3A_462 = arith.constant 0 : i32
    %dma_wait3A_463 = tpu.memref_slice %dma_wait3A_460[%dma_wait3A_461, %dma_wait3A_462] : memref<40x128xf32, #tpu.memory_space<vmem>> -> memref<40x128xf32, #tpu.memory_space<vmem>>
    tpu.wait_dma2 semaphore(%arg15 : memref<!tpu.dma_semaphore, #tpu.memory_space<semaphore_mem>>) src(%dma_wait3A_463 : memref<40x128xf32, #tpu.memory_space<vmem>>) dst(%dma_wait3A_457 : memref<40x128xf32, #tpu.memory_space<vmem_shared>>)
    %mul3A_464 = arith.constant 640 : i32
    %mul3A_465 = arith.muli %arg1, %mul3A_464 : i32
    %dma_wait3A_466 = arith.constant 0 : i32
    %dma_wait3A_467 = arith.constant 0 : i32
    %dma_wait3A_468 = tpu.memref_slice %arg8[%dma_wait3A_466, %dma_wait3A_467] : memref<200x128xf32, #tpu.memory_space<vmem>> -> memref<40x128xf32, #tpu.memory_space<vmem>>
    %dma_wait3A_469 = arith.constant 0 : i32
    %dma_wait3A_470 = arith.constant 0 : i32
    %dma_wait3A_471 = tpu.memref_slice %dma_wait3A_468[%dma_wait3A_469, %dma_wait3A_470] : memref<40x128xf32, #tpu.memory_space<vmem>> -> memref<40x128xf32, #tpu.memory_space<vmem>>
    %dma_wait3A_472 = arith.constant 0 : i32
    %dma_wait3A_473 = tpu.memref_slice %arg9[%mul3A_465, %dma_wait3A_472] : memref<10240x128xf32, #tpu.memory_space<vmem_shared>> -> memref<40x128xf32, #tpu.memory_space<vmem_shared>>
    %dma_wait3A_474 = arith.constant 0 : i32
    %dma_wait3A_475 = tpu.memref_slice %arg9[%mul3A_465, %dma_wait3A_474] : memref<10240x128xf32, #tpu.memory_space<vmem_shared>> -> memref<40x128xf32, #tpu.memory_space<vmem_shared>>
    %dma_wait3A_476 = arith.constant 0 : i32
    %dma_wait3A_477 = arith.constant 0 : i32
    %dma_wait3A_478 = tpu.memref_slice %arg8[%dma_wait3A_476, %dma_wait3A_477] : memref<200x128xf32, #tpu.memory_space<vmem>> -> memref<40x128xf32, #tpu.memory_space<vmem>>
    %dma_wait3A_479 = arith.constant 0 : i32
    %dma_wait3A_480 = arith.constant 0 : i32
    %dma_wait3A_481 = tpu.memref_slice %dma_wait3A_478[%dma_wait3A_479, %dma_wait3A_480] : memref<40x128xf32, #tpu.memory_space<vmem>> -> memref<40x128xf32, #tpu.memory_space<vmem>>
    tpu.wait_dma2 semaphore(%arg15 : memref<!tpu.dma_semaphore, #tpu.memory_space<semaphore_mem>>) src(%dma_wait3A_481 : memref<40x128xf32, #tpu.memory_space<vmem>>) dst(%dma_wait3A_475 : memref<40x128xf32, #tpu.memory_space<vmem_shared>>)
    %mul3A_482 = arith.constant 640 : i32
    %mul3A_483 = arith.muli %arg1, %mul3A_482 : i32
    %dma_wait3A_484 = arith.constant 0 : i32
    %dma_wait3A_485 = arith.constant 0 : i32
    %dma_wait3A_486 = tpu.memref_slice %arg8[%dma_wait3A_484, %dma_wait3A_485] : memref<200x128xf32, #tpu.memory_space<vmem>> -> memref<40x128xf32, #tpu.memory_space<vmem>>
    %dma_wait3A_487 = arith.constant 0 : i32
    %dma_wait3A_488 = arith.constant 0 : i32
    %dma_wait3A_489 = tpu.memref_slice %dma_wait3A_486[%dma_wait3A_487, %dma_wait3A_488] : memref<40x128xf32, #tpu.memory_space<vmem>> -> memref<40x128xf32, #tpu.memory_space<vmem>>
    %dma_wait3A_490 = arith.constant 0 : i32
    %dma_wait3A_491 = tpu.memref_slice %arg9[%mul3A_483, %dma_wait3A_490] : memref<10240x128xf32, #tpu.memory_space<vmem_shared>> -> memref<40x128xf32, #tpu.memory_space<vmem_shared>>
    %dma_wait3A_492 = arith.constant 0 : i32
    %dma_wait3A_493 = tpu.memref_slice %arg9[%mul3A_483, %dma_wait3A_492] : memref<10240x128xf32, #tpu.memory_space<vmem_shared>> -> memref<40x128xf32, #tpu.memory_space<vmem_shared>>
    %dma_wait3A_494 = arith.constant 0 : i32
    %dma_wait3A_495 = arith.constant 0 : i32
    %dma_wait3A_496 = tpu.memref_slice %arg8[%dma_wait3A_494, %dma_wait3A_495] : memref<200x128xf32, #tpu.memory_space<vmem>> -> memref<40x128xf32, #tpu.memory_space<vmem>>
    %dma_wait3A_497 = arith.constant 0 : i32
    %dma_wait3A_498 = arith.constant 0 : i32
    %dma_wait3A_499 = tpu.memref_slice %dma_wait3A_496[%dma_wait3A_497, %dma_wait3A_498] : memref<40x128xf32, #tpu.memory_space<vmem>> -> memref<40x128xf32, #tpu.memory_space<vmem>>
    tpu.wait_dma2 semaphore(%arg15 : memref<!tpu.dma_semaphore, #tpu.memory_space<semaphore_mem>>) src(%dma_wait3A_499 : memref<40x128xf32, #tpu.memory_space<vmem>>) dst(%dma_wait3A_493 : memref<40x128xf32, #tpu.memory_space<vmem_shared>>)
    %mul3A_500 = arith.constant 640 : i32
    %mul3A_501 = arith.muli %arg1, %mul3A_500 : i32
    %dma_wait3A_502 = arith.constant 0 : i32
    %dma_wait3A_503 = arith.constant 0 : i32
    %dma_wait3A_504 = tpu.memref_slice %arg8[%dma_wait3A_502, %dma_wait3A_503] : memref<200x128xf32, #tpu.memory_space<vmem>> -> memref<40x128xf32, #tpu.memory_space<vmem>>
    %dma_wait3A_505 = arith.constant 0 : i32
    %dma_wait3A_506 = arith.constant 0 : i32
    %dma_wait3A_507 = tpu.memref_slice %dma_wait3A_504[%dma_wait3A_505, %dma_wait3A_506] : memref<40x128xf32, #tpu.memory_space<vmem>> -> memref<40x128xf32, #tpu.memory_space<vmem>>
    %dma_wait3A_508 = arith.constant 0 : i32
    %dma_wait3A_509 = tpu.memref_slice %arg9[%mul3A_501, %dma_wait3A_508] : memref<10240x128xf32, #tpu.memory_space<vmem_shared>> -> memref<40x128xf32, #tpu.memory_space<vmem_shared>>
    %dma_wait3A_510 = arith.constant 0 : i32
    %dma_wait3A_511 = tpu.memref_slice %arg9[%mul3A_501, %dma_wait3A_510] : memref<10240x128xf32, #tpu.memory_space<vmem_shared>> -> memref<40x128xf32, #tpu.memory_space<vmem_shared>>
    %dma_wait3A_512 = arith.constant 0 : i32
    %dma_wait3A_513 = arith.constant 0 : i32
    %dma_wait3A_514 = tpu.memref_slice %arg8[%dma_wait3A_512, %dma_wait3A_513] : memref<200x128xf32, #tpu.memory_space<vmem>> -> memref<40x128xf32, #tpu.memory_space<vmem>>
    %dma_wait3A_515 = arith.constant 0 : i32
    %dma_wait3A_516 = arith.constant 0 : i32
    %dma_wait3A_517 = tpu.memref_slice %dma_wait3A_514[%dma_wait3A_515, %dma_wait3A_516] : memref<40x128xf32, #tpu.memory_space<vmem>> -> memref<40x128xf32, #tpu.memory_space<vmem>>
    tpu.wait_dma2 semaphore(%arg15 : memref<!tpu.dma_semaphore, #tpu.memory_space<semaphore_mem>>) src(%dma_wait3A_517 : memref<40x128xf32, #tpu.memory_space<vmem>>) dst(%dma_wait3A_511 : memref<40x128xf32, #tpu.memory_space<vmem_shared>>)
    %mul3A_518 = arith.constant 640 : i32
    %mul3A_519 = arith.muli %arg1, %mul3A_518 : i32
    %dma_wait3A_520 = arith.constant 0 : i32
    %dma_wait3A_521 = arith.constant 0 : i32
    %dma_wait3A_522 = tpu.memref_slice %arg8[%dma_wait3A_520, %dma_wait3A_521] : memref<200x128xf32, #tpu.memory_space<vmem>> -> memref<40x128xf32, #tpu.memory_space<vmem>>
    %dma_wait3A_523 = arith.constant 0 : i32
    %dma_wait3A_524 = arith.constant 0 : i32
    %dma_wait3A_525 = tpu.memref_slice %dma_wait3A_522[%dma_wait3A_523, %dma_wait3A_524] : memref<40x128xf32, #tpu.memory_space<vmem>> -> memref<40x128xf32, #tpu.memory_space<vmem>>
    %dma_wait3A_526 = arith.constant 0 : i32
    %dma_wait3A_527 = tpu.memref_slice %arg9[%mul3A_519, %dma_wait3A_526] : memref<10240x128xf32, #tpu.memory_space<vmem_shared>> -> memref<40x128xf32, #tpu.memory_space<vmem_shared>>
    %dma_wait3A_528 = arith.constant 0 : i32
    %dma_wait3A_529 = tpu.memref_slice %arg9[%mul3A_519, %dma_wait3A_528] : memref<10240x128xf32, #tpu.memory_space<vmem_shared>> -> memref<40x128xf32, #tpu.memory_space<vmem_shared>>
    %dma_wait3A_530 = arith.constant 0 : i32
    %dma_wait3A_531 = arith.constant 0 : i32
    %dma_wait3A_532 = tpu.memref_slice %arg8[%dma_wait3A_530, %dma_wait3A_531] : memref<200x128xf32, #tpu.memory_space<vmem>> -> memref<40x128xf32, #tpu.memory_space<vmem>>
    %dma_wait3A_533 = arith.constant 0 : i32
    %dma_wait3A_534 = arith.constant 0 : i32
    %dma_wait3A_535 = tpu.memref_slice %dma_wait3A_532[%dma_wait3A_533, %dma_wait3A_534] : memref<40x128xf32, #tpu.memory_space<vmem>> -> memref<40x128xf32, #tpu.memory_space<vmem>>
    tpu.wait_dma2 semaphore(%arg15 : memref<!tpu.dma_semaphore, #tpu.memory_space<semaphore_mem>>) src(%dma_wait3A_535 : memref<40x128xf32, #tpu.memory_space<vmem>>) dst(%dma_wait3A_529 : memref<40x128xf32, #tpu.memory_space<vmem_shared>>)
    %mul3A_536 = arith.constant 640 : i32
    %mul3A_537 = arith.muli %arg1, %mul3A_536 : i32
    %dma_wait3A_538 = arith.constant 0 : i32
    %dma_wait3A_539 = arith.constant 0 : i32
    %dma_wait3A_540 = tpu.memref_slice %arg8[%dma_wait3A_538, %dma_wait3A_539] : memref<200x128xf32, #tpu.memory_space<vmem>> -> memref<40x128xf32, #tpu.memory_space<vmem>>
    %dma_wait3A_541 = arith.constant 0 : i32
    %dma_wait3A_542 = arith.constant 0 : i32
    %dma_wait3A_543 = tpu.memref_slice %dma_wait3A_540[%dma_wait3A_541, %dma_wait3A_542] : memref<40x128xf32, #tpu.memory_space<vmem>> -> memref<40x128xf32, #tpu.memory_space<vmem>>
    %dma_wait3A_544 = arith.constant 0 : i32
    %dma_wait3A_545 = tpu.memref_slice %arg9[%mul3A_537, %dma_wait3A_544] : memref<10240x128xf32, #tpu.memory_space<vmem_shared>> -> memref<40x128xf32, #tpu.memory_space<vmem_shared>>
    %dma_wait3A_546 = arith.constant 0 : i32
    %dma_wait3A_547 = tpu.memref_slice %arg9[%mul3A_537, %dma_wait3A_546] : memref<10240x128xf32, #tpu.memory_space<vmem_shared>> -> memref<40x128xf32, #tpu.memory_space<vmem_shared>>
    %dma_wait3A_548 = arith.constant 0 : i32
    %dma_wait3A_549 = arith.constant 0 : i32
    %dma_wait3A_550 = tpu.memref_slice %arg8[%dma_wait3A_548, %dma_wait3A_549] : memref<200x128xf32, #tpu.memory_space<vmem>> -> memref<40x128xf32, #tpu.memory_space<vmem>>
    %dma_wait3A_551 = arith.constant 0 : i32
    %dma_wait3A_552 = arith.constant 0 : i32
    %dma_wait3A_553 = tpu.memref_slice %dma_wait3A_550[%dma_wait3A_551, %dma_wait3A_552] : memref<40x128xf32, #tpu.memory_space<vmem>> -> memref<40x128xf32, #tpu.memory_space<vmem>>
    tpu.wait_dma2 semaphore(%arg15 : memref<!tpu.dma_semaphore, #tpu.memory_space<semaphore_mem>>) src(%dma_wait3A_553 : memref<40x128xf32, #tpu.memory_space<vmem>>) dst(%dma_wait3A_547 : memref<40x128xf32, #tpu.memory_space<vmem_shared>>)
    %mul3A_554 = arith.constant 640 : i32
    %mul3A_555 = arith.muli %arg1, %mul3A_554 : i32
    %dma_wait3A_556 = arith.constant 0 : i32
    %dma_wait3A_557 = arith.constant 0 : i32
    %dma_wait3A_558 = tpu.memref_slice %arg8[%dma_wait3A_556, %dma_wait3A_557] : memref<200x128xf32, #tpu.memory_space<vmem>> -> memref<40x128xf32, #tpu.memory_space<vmem>>
    %dma_wait3A_559 = arith.constant 0 : i32
    %dma_wait3A_560 = arith.constant 0 : i32
    %dma_wait3A_561 = tpu.memref_slice %dma_wait3A_558[%dma_wait3A_559, %dma_wait3A_560] : memref<40x128xf32, #tpu.memory_space<vmem>> -> memref<40x128xf32, #tpu.memory_space<vmem>>
    %dma_wait3A_562 = arith.constant 0 : i32
    %dma_wait3A_563 = tpu.memref_slice %arg9[%mul3A_555, %dma_wait3A_562] : memref<10240x128xf32, #tpu.memory_space<vmem_shared>> -> memref<40x128xf32, #tpu.memory_space<vmem_shared>>
    %dma_wait3A_564 = arith.constant 0 : i32
    %dma_wait3A_565 = tpu.memref_slice %arg9[%mul3A_555, %dma_wait3A_564] : memref<10240x128xf32, #tpu.memory_space<vmem_shared>> -> memref<40x128xf32, #tpu.memory_space<vmem_shared>>
    %dma_wait3A_566 = arith.constant 0 : i32
    %dma_wait3A_567 = arith.constant 0 : i32
    %dma_wait3A_568 = tpu.memref_slice %arg8[%dma_wait3A_566, %dma_wait3A_567] : memref<200x128xf32, #tpu.memory_space<vmem>> -> memref<40x128xf32, #tpu.memory_space<vmem>>
    %dma_wait3A_569 = arith.constant 0 : i32
    %dma_wait3A_570 = arith.constant 0 : i32
    %dma_wait3A_571 = tpu.memref_slice %dma_wait3A_568[%dma_wait3A_569, %dma_wait3A_570] : memref<40x128xf32, #tpu.memory_space<vmem>> -> memref<40x128xf32, #tpu.memory_space<vmem>>
    tpu.wait_dma2 semaphore(%arg15 : memref<!tpu.dma_semaphore, #tpu.memory_space<semaphore_mem>>) src(%dma_wait3A_571 : memref<40x128xf32, #tpu.memory_space<vmem>>) dst(%dma_wait3A_565 : memref<40x128xf32, #tpu.memory_space<vmem_shared>>)
    %mul3A_572 = arith.constant 640 : i32
    %mul3A_573 = arith.muli %arg1, %mul3A_572 : i32
    %dma_wait3A_574 = arith.constant 0 : i32
    %dma_wait3A_575 = arith.constant 0 : i32
    %dma_wait3A_576 = tpu.memref_slice %arg8[%dma_wait3A_574, %dma_wait3A_575] : memref<200x128xf32, #tpu.memory_space<vmem>> -> memref<40x128xf32, #tpu.memory_space<vmem>>
    %dma_wait3A_577 = arith.constant 0 : i32
    %dma_wait3A_578 = arith.constant 0 : i32
    %dma_wait3A_579 = tpu.memref_slice %dma_wait3A_576[%dma_wait3A_577, %dma_wait3A_578] : memref<40x128xf32, #tpu.memory_space<vmem>> -> memref<40x128xf32, #tpu.memory_space<vmem>>
    %dma_wait3A_580 = arith.constant 0 : i32
    %dma_wait3A_581 = tpu.memref_slice %arg9[%mul3A_573, %dma_wait3A_580] : memref<10240x128xf32, #tpu.memory_space<vmem_shared>> -> memref<40x128xf32, #tpu.memory_space<vmem_shared>>
    %dma_wait3A_582 = arith.constant 0 : i32
    %dma_wait3A_583 = tpu.memref_slice %arg9[%mul3A_573, %dma_wait3A_582] : memref<10240x128xf32, #tpu.memory_space<vmem_shared>> -> memref<40x128xf32, #tpu.memory_space<vmem_shared>>
    %dma_wait3A_584 = arith.constant 0 : i32
    %dma_wait3A_585 = arith.constant 0 : i32
    %dma_wait3A_586 = tpu.memref_slice %arg8[%dma_wait3A_584, %dma_wait3A_585] : memref<200x128xf32, #tpu.memory_space<vmem>> -> memref<40x128xf32, #tpu.memory_space<vmem>>
    %dma_wait3A_587 = arith.constant 0 : i32
    %dma_wait3A_588 = arith.constant 0 : i32
    %dma_wait3A_589 = tpu.memref_slice %dma_wait3A_586[%dma_wait3A_587, %dma_wait3A_588] : memref<40x128xf32, #tpu.memory_space<vmem>> -> memref<40x128xf32, #tpu.memory_space<vmem>>
    tpu.wait_dma2 semaphore(%arg15 : memref<!tpu.dma_semaphore, #tpu.memory_space<semaphore_mem>>) src(%dma_wait3A_589 : memref<40x128xf32, #tpu.memory_space<vmem>>) dst(%dma_wait3A_583 : memref<40x128xf32, #tpu.memory_space<vmem_shared>>)
    %mul3A_590 = arith.constant 640 : i32
    %mul3A_591 = arith.muli %arg1, %mul3A_590 : i32
    %dma_wait3A_592 = arith.constant 0 : i32
    %dma_wait3A_593 = arith.constant 0 : i32
    %dma_wait3A_594 = tpu.memref_slice %arg8[%dma_wait3A_592, %dma_wait3A_593] : memref<200x128xf32, #tpu.memory_space<vmem>> -> memref<40x128xf32, #tpu.memory_space<vmem>>
    %dma_wait3A_595 = arith.constant 0 : i32
    %dma_wait3A_596 = arith.constant 0 : i32
    %dma_wait3A_597 = tpu.memref_slice %dma_wait3A_594[%dma_wait3A_595, %dma_wait3A_596] : memref<40x128xf32, #tpu.memory_space<vmem>> -> memref<40x128xf32, #tpu.memory_space<vmem>>
    %dma_wait3A_598 = arith.constant 0 : i32
    %dma_wait3A_599 = tpu.memref_slice %arg9[%mul3A_591, %dma_wait3A_598] : memref<10240x128xf32, #tpu.memory_space<vmem_shared>> -> memref<40x128xf32, #tpu.memory_space<vmem_shared>>
    %dma_wait3A_600 = arith.constant 0 : i32
    %dma_wait3A_601 = tpu.memref_slice %arg9[%mul3A_591, %dma_wait3A_600] : memref<10240x128xf32, #tpu.memory_space<vmem_shared>> -> memref<40x128xf32, #tpu.memory_space<vmem_shared>>
    %dma_wait3A_602 = arith.constant 0 : i32
    %dma_wait3A_603 = arith.constant 0 : i32
    %dma_wait3A_604 = tpu.memref_slice %arg8[%dma_wait3A_602, %dma_wait3A_603] : memref<200x128xf32, #tpu.memory_space<vmem>> -> memref<40x128xf32, #tpu.memory_space<vmem>>
    %dma_wait3A_605 = arith.constant 0 : i32
    %dma_wait3A_606 = arith.constant 0 : i32
    %dma_wait3A_607 = tpu.memref_slice %dma_wait3A_604[%dma_wait3A_605, %dma_wait3A_606] : memref<40x128xf32, #tpu.memory_space<vmem>> -> memref<40x128xf32, #tpu.memory_space<vmem>>
    tpu.wait_dma2 semaphore(%arg15 : memref<!tpu.dma_semaphore, #tpu.memory_space<semaphore_mem>>) src(%dma_wait3A_607 : memref<40x128xf32, #tpu.memory_space<vmem>>) dst(%dma_wait3A_601 : memref<40x128xf32, #tpu.memory_space<vmem_shared>>)
    %mul3A_608 = arith.constant 640 : i32
    %mul3A_609 = arith.muli %arg1, %mul3A_608 : i32
    %dma_wait3A_610 = arith.constant 0 : i32
    %dma_wait3A_611 = arith.constant 0 : i32
    %dma_wait3A_612 = tpu.memref_slice %arg8[%dma_wait3A_610, %dma_wait3A_611] : memref<200x128xf32, #tpu.memory_space<vmem>> -> memref<40x128xf32, #tpu.memory_space<vmem>>
    %dma_wait3A_613 = arith.constant 0 : i32
    %dma_wait3A_614 = arith.constant 0 : i32
    %dma_wait3A_615 = tpu.memref_slice %dma_wait3A_612[%dma_wait3A_613, %dma_wait3A_614] : memref<40x128xf32, #tpu.memory_space<vmem>> -> memref<40x128xf32, #tpu.memory_space<vmem>>
    %dma_wait3A_616 = arith.constant 0 : i32
    %dma_wait3A_617 = tpu.memref_slice %arg9[%mul3A_609, %dma_wait3A_616] : memref<10240x128xf32, #tpu.memory_space<vmem_shared>> -> memref<40x128xf32, #tpu.memory_space<vmem_shared>>
    %dma_wait3A_618 = arith.constant 0 : i32
    %dma_wait3A_619 = tpu.memref_slice %arg9[%mul3A_609, %dma_wait3A_618] : memref<10240x128xf32, #tpu.memory_space<vmem_shared>> -> memref<40x128xf32, #tpu.memory_space<vmem_shared>>
    %dma_wait3A_620 = arith.constant 0 : i32
    %dma_wait3A_621 = arith.constant 0 : i32
    %dma_wait3A_622 = tpu.memref_slice %arg8[%dma_wait3A_620, %dma_wait3A_621] : memref<200x128xf32, #tpu.memory_space<vmem>> -> memref<40x128xf32, #tpu.memory_space<vmem>>
    %dma_wait3A_623 = arith.constant 0 : i32
    %dma_wait3A_624 = arith.constant 0 : i32
    %dma_wait3A_625 = tpu.memref_slice %dma_wait3A_622[%dma_wait3A_623, %dma_wait3A_624] : memref<40x128xf32, #tpu.memory_space<vmem>> -> memref<40x128xf32, #tpu.memory_space<vmem>>
    tpu.wait_dma2 semaphore(%arg15 : memref<!tpu.dma_semaphore, #tpu.memory_space<semaphore_mem>>) src(%dma_wait3A_625 : memref<40x128xf32, #tpu.memory_space<vmem>>) dst(%dma_wait3A_619 : memref<40x128xf32, #tpu.memory_space<vmem_shared>>)
    %mul3A_626 = arith.constant 640 : i32
    %mul3A_627 = arith.muli %arg1, %mul3A_626 : i32
    %dma_wait3A_628 = arith.constant 0 : i32
    %dma_wait3A_629 = arith.constant 0 : i32
    %dma_wait3A_630 = tpu.memref_slice %arg8[%dma_wait3A_628, %dma_wait3A_629] : memref<200x128xf32, #tpu.memory_space<vmem>> -> memref<40x128xf32, #tpu.memory_space<vmem>>
    %dma_wait3A_631 = arith.constant 0 : i32
    %dma_wait3A_632 = arith.constant 0 : i32
    %dma_wait3A_633 = tpu.memref_slice %dma_wait3A_630[%dma_wait3A_631, %dma_wait3A_632] : memref<40x128xf32, #tpu.memory_space<vmem>> -> memref<40x128xf32, #tpu.memory_space<vmem>>
    %dma_wait3A_634 = arith.constant 0 : i32
    %dma_wait3A_635 = tpu.memref_slice %arg9[%mul3A_627, %dma_wait3A_634] : memref<10240x128xf32, #tpu.memory_space<vmem_shared>> -> memref<40x128xf32, #tpu.memory_space<vmem_shared>>
    %dma_wait3A_636 = arith.constant 0 : i32
    %dma_wait3A_637 = tpu.memref_slice %arg9[%mul3A_627, %dma_wait3A_636] : memref<10240x128xf32, #tpu.memory_space<vmem_shared>> -> memref<40x128xf32, #tpu.memory_space<vmem_shared>>
    %dma_wait3A_638 = arith.constant 0 : i32
    %dma_wait3A_639 = arith.constant 0 : i32
    %dma_wait3A_640 = tpu.memref_slice %arg8[%dma_wait3A_638, %dma_wait3A_639] : memref<200x128xf32, #tpu.memory_space<vmem>> -> memref<40x128xf32, #tpu.memory_space<vmem>>
    %dma_wait3A_641 = arith.constant 0 : i32
    %dma_wait3A_642 = arith.constant 0 : i32
    %dma_wait3A_643 = tpu.memref_slice %dma_wait3A_640[%dma_wait3A_641, %dma_wait3A_642] : memref<40x128xf32, #tpu.memory_space<vmem>> -> memref<40x128xf32, #tpu.memory_space<vmem>>
    tpu.wait_dma2 semaphore(%arg15 : memref<!tpu.dma_semaphore, #tpu.memory_space<semaphore_mem>>) src(%dma_wait3A_643 : memref<40x128xf32, #tpu.memory_space<vmem>>) dst(%dma_wait3A_637 : memref<40x128xf32, #tpu.memory_space<vmem_shared>>)
    %barrier3A = arith.constant 0 : index
    tpu.barrier barrier_id(%barrier3A)
    %dma_start3A_644 = arith.constant 0 : i32
    %dma_start3A_645 = arith.constant 0 : i32
    %dma_start3A_646 = arith.constant 0 : i32
    %dma_start3A_647 = tpu.memref_slice %arg8[%dma_start3A_645, %dma_start3A_646] : memref<200x128xf32, #tpu.memory_space<vmem>> -> memref<40x128xf32, #tpu.memory_space<vmem>>
    %dma_start3A_648 = arith.constant 0 : i32
    %dma_start3A_649 = tpu.memref_slice %arg6[%dma_start3A_644, %dma_start3A_648] : memref<250x40xi32, #tpu.memory_space<vmem>> -> memref<1x40xi32, #tpu.memory_space<vmem>>
    %dma_start3A_650 = tpu.memref_squeeze %dma_start3A_649 : memref<1x40xi32, #tpu.memory_space<vmem>> -> memref<40xi32, #tpu.memory_space<vmem>>
    %dma_start3A_651 = arith.constant 0 : i32
    %dma_start3A_652 = arith.constant 0 : i32
    %dma_start3A_653 = tpu.memref_slice %arg2[%dma_start3A_651, %dma_start3A_652] : memref<10000x128xf32, #tpu.memory_space<hbm>> -> memref<10000x128xf32, #tpu.memory_space<hbm>>
    tpu.enqueue_indirect_dma source(%dma_start3A_653 : memref<10000x128xf32, #tpu.memory_space<hbm>>) target(%dma_start3A_647 : memref<40x128xf32, #tpu.memory_space<vmem>>) offsets(%dma_start3A_650 : memref<40xi32, #tpu.memory_space<vmem>>) semaphore(%arg10 : memref<!tpu.dma_semaphore, #tpu.memory_space<semaphore_mem>>)
    %dma_start3A_654 = arith.constant 1 : i32
    %dma_start3A_655 = arith.constant 40 : i32
    %dma_start3A_656 = arith.constant 0 : i32
    %dma_start3A_657 = tpu.memref_slice %arg8[%dma_start3A_655, %dma_start3A_656] : memref<200x128xf32, #tpu.memory_space<vmem>> -> memref<40x128xf32, #tpu.memory_space<vmem>>
    %dma_start3A_658 = arith.constant 0 : i32
    %dma_start3A_659 = tpu.memref_slice %arg6[%dma_start3A_654, %dma_start3A_658] : memref<250x40xi32, #tpu.memory_space<vmem>> -> memref<1x40xi32, #tpu.memory_space<vmem>>
    %dma_start3A_660 = tpu.memref_squeeze %dma_start3A_659 : memref<1x40xi32, #tpu.memory_space<vmem>> -> memref<40xi32, #tpu.memory_space<vmem>>
    %dma_start3A_661 = arith.constant 0 : i32
    %dma_start3A_662 = arith.constant 0 : i32
    %dma_start3A_663 = tpu.memref_slice %arg2[%dma_start3A_661, %dma_start3A_662] : memref<10000x128xf32, #tpu.memory_space<hbm>> -> memref<10000x128xf32, #tpu.memory_space<hbm>>
    tpu.enqueue_indirect_dma source(%dma_start3A_663 : memref<10000x128xf32, #tpu.memory_space<hbm>>) target(%dma_start3A_657 : memref<40x128xf32, #tpu.memory_space<vmem>>) offsets(%dma_start3A_660 : memref<40xi32, #tpu.memory_space<vmem>>) semaphore(%arg11 : memref<!tpu.dma_semaphore, #tpu.memory_space<semaphore_mem>>)
    %dma_start3A_664 = arith.constant 2 : i32
    %dma_start3A_665 = arith.constant 80 : i32
    %dma_start3A_666 = arith.constant 0 : i32
    %dma_start3A_667 = tpu.memref_slice %arg8[%dma_start3A_665, %dma_start3A_666] : memref<200x128xf32, #tpu.memory_space<vmem>> -> memref<40x128xf32, #tpu.memory_space<vmem>>
    %dma_start3A_668 = arith.constant 0 : i32
    %dma_start3A_669 = tpu.memref_slice %arg6[%dma_start3A_664, %dma_start3A_668] : memref<250x40xi32, #tpu.memory_space<vmem>> -> memref<1x40xi32, #tpu.memory_space<vmem>>
    %dma_start3A_670 = tpu.memref_squeeze %dma_start3A_669 : memref<1x40xi32, #tpu.memory_space<vmem>> -> memref<40xi32, #tpu.memory_space<vmem>>
    %dma_start3A_671 = arith.constant 0 : i32
    %dma_start3A_672 = arith.constant 0 : i32
    %dma_start3A_673 = tpu.memref_slice %arg2[%dma_start3A_671, %dma_start3A_672] : memref<10000x128xf32, #tpu.memory_space<hbm>> -> memref<10000x128xf32, #tpu.memory_space<hbm>>
    tpu.enqueue_indirect_dma source(%dma_start3A_673 : memref<10000x128xf32, #tpu.memory_space<hbm>>) target(%dma_start3A_667 : memref<40x128xf32, #tpu.memory_space<vmem>>) offsets(%dma_start3A_670 : memref<40xi32, #tpu.memory_space<vmem>>) semaphore(%arg12 : memref<!tpu.dma_semaphore, #tpu.memory_space<semaphore_mem>>)
    %dma_start3A_674 = arith.constant 3 : i32
    %dma_start3A_675 = arith.constant 120 : i32
    %dma_start3A_676 = arith.constant 0 : i32
    %dma_start3A_677 = tpu.memref_slice %arg8[%dma_start3A_675, %dma_start3A_676] : memref<200x128xf32, #tpu.memory_space<vmem>> -> memref<40x128xf32, #tpu.memory_space<vmem>>
    %dma_start3A_678 = arith.constant 0 : i32
    %dma_start3A_679 = tpu.memref_slice %arg6[%dma_start3A_674, %dma_start3A_678] : memref<250x40xi32, #tpu.memory_space<vmem>> -> memref<1x40xi32, #tpu.memory_space<vmem>>
    %dma_start3A_680 = tpu.memref_squeeze %dma_start3A_679 : memref<1x40xi32, #tpu.memory_space<vmem>> -> memref<40xi32, #tpu.memory_space<vmem>>
    %dma_start3A_681 = arith.constant 0 : i32
    %dma_start3A_682 = arith.constant 0 : i32
    %dma_start3A_683 = tpu.memref_slice %arg2[%dma_start3A_681, %dma_start3A_682] : memref<10000x128xf32, #tpu.memory_space<hbm>> -> memref<10000x128xf32, #tpu.memory_space<hbm>>
    tpu.enqueue_indirect_dma source(%dma_start3A_683 : memref<10000x128xf32, #tpu.memory_space<hbm>>) target(%dma_start3A_677 : memref<40x128xf32, #tpu.memory_space<vmem>>) offsets(%dma_start3A_680 : memref<40xi32, #tpu.memory_space<vmem>>) semaphore(%arg13 : memref<!tpu.dma_semaphore, #tpu.memory_space<semaphore_mem>>)
    %dma_start3A_684 = arith.constant 4 : i32
    %dma_start3A_685 = arith.constant 160 : i32
    %dma_start3A_686 = arith.constant 0 : i32
    %dma_start3A_687 = tpu.memref_slice %arg8[%dma_start3A_685, %dma_start3A_686] : memref<200x128xf32, #tpu.memory_space<vmem>> -> memref<40x128xf32, #tpu.memory_space<vmem>>
    %dma_start3A_688 = arith.constant 0 : i32
    %dma_start3A_689 = tpu.memref_slice %arg6[%dma_start3A_684, %dma_start3A_688] : memref<250x40xi32, #tpu.memory_space<vmem>> -> memref<1x40xi32, #tpu.memory_space<vmem>>
    %dma_start3A_690 = tpu.memref_squeeze %dma_start3A_689 : memref<1x40xi32, #tpu.memory_space<vmem>> -> memref<40xi32, #tpu.memory_space<vmem>>
    %dma_start3A_691 = arith.constant 0 : i32
    %dma_start3A_692 = arith.constant 0 : i32
    %dma_start3A_693 = tpu.memref_slice %arg2[%dma_start3A_691, %dma_start3A_692] : memref<10000x128xf32, #tpu.memory_space<hbm>> -> memref<10000x128xf32, #tpu.memory_space<hbm>>
    tpu.enqueue_indirect_dma source(%dma_start3A_693 : memref<10000x128xf32, #tpu.memory_space<hbm>>) target(%dma_start3A_687 : memref<40x128xf32, #tpu.memory_space<vmem>>) offsets(%dma_start3A_690 : memref<40xi32, #tpu.memory_space<vmem>>) semaphore(%arg14 : memref<!tpu.dma_semaphore, #tpu.memory_space<semaphore_mem>>)
    %scan3A_694 = arith.constant 0 : i32
    %scan3A_695 = arith.constant 0 : i32
    %scan3A_696 = arith.constant 50 : i32
    %scan3A_697 = arith.addi %scan3A_695, %scan3A_696 : i32
    %scan3A_698 = arith.constant 1 : i32
    scf.for %scan3A_705 = %scan3A_695 to %scan3A_697 step %scan3A_698  : i32 {
      %mul3A_706 = arith.constant 5 : i32
      %mul3A_707 = arith.muli %scan3A_705, %mul3A_706 : i32
      %add3A_708 = arith.constant 0 : i32
      %add3A_709 = arith.addi %mul3A_707, %add3A_708 : i32
      %dma_wait3A_710 = arith.constant 0 : i32
      %dma_wait3A_711 = arith.constant 0 : i32
      %dma_wait3A_712 = tpu.memref_slice %arg8[%dma_wait3A_710, %dma_wait3A_711] : memref<200x128xf32, #tpu.memory_space<vmem>> -> memref<40x128xf32, #tpu.memory_space<vmem>>
      %dma_wait3A_713 = arith.constant 0 : i32
      %dma_wait3A_714 = tpu.memref_slice %arg6[%add3A_709, %dma_wait3A_713] : memref<250x40xi32, #tpu.memory_space<vmem>> -> memref<1x40xi32, #tpu.memory_space<vmem>>
      %dma_wait3A_715 = tpu.memref_squeeze %dma_wait3A_714 : memref<1x40xi32, #tpu.memory_space<vmem>> -> memref<40xi32, #tpu.memory_space<vmem>>
      %dma_wait3A_716 = arith.constant 0 : i32
      %dma_wait3A_717 = arith.constant 0 : i32
      %dma_wait3A_718 = tpu.memref_slice %arg2[%dma_wait3A_716, %dma_wait3A_717] : memref<10000x128xf32, #tpu.memory_space<hbm>> -> memref<10000x128xf32, #tpu.memory_space<hbm>>
      tpu.wait_indirect_dma semaphore(%arg10 : memref<!tpu.dma_semaphore, #tpu.memory_space<semaphore_mem>>) src(%dma_wait3A_718 : memref<10000x128xf32, #tpu.memory_space<hbm>>) dst(%dma_wait3A_712 : memref<40x128xf32, #tpu.memory_space<vmem>>)
      "tpu.region"() ({
        %run_scoped3A = tpu.sem_alloc : memref<!tpu.dma_semaphore, #tpu.memory_space<semaphore_mem>>
        %dma_start3A_803 = arith.constant 0 : i32
        %dma_start3A_804 = arith.constant 0 : i32
        %dma_start3A_805 = tpu.memref_slice %arg8[%dma_start3A_803, %dma_start3A_804] : memref<200x128xf32, #tpu.memory_space<vmem>> -> memref<40x128xf32, #tpu.memory_space<vmem>>
        %dma_start3A_806 = arith.constant 0 : i32
        %dma_start3A_807 = tpu.memref_slice %arg7[%add3A_709, %dma_start3A_806] : memref<250x40xi32, #tpu.memory_space<vmem>> -> memref<1x40xi32, #tpu.memory_space<vmem>>
        %dma_start3A_808 = tpu.memref_squeeze %dma_start3A_807 : memref<1x40xi32, #tpu.memory_space<vmem>> -> memref<40xi32, #tpu.memory_space<vmem>>
        %dma_start3A_809 = arith.constant 0 : i32
        %dma_start3A_810 = arith.constant 0 : i32
        %dma_start3A_811 = tpu.memref_slice %arg9[%dma_start3A_809, %dma_start3A_810] : memref<10240x128xf32, #tpu.memory_space<vmem_shared>> -> memref<10240x128xf32, #tpu.memory_space<vmem_shared>>
        tpu.enqueue_indirect_dma source(%dma_start3A_805 : memref<40x128xf32, #tpu.memory_space<vmem>>) target(%dma_start3A_811 : memref<10240x128xf32, #tpu.memory_space<vmem_shared>>) offsets(%dma_start3A_808 : memref<40xi32, #tpu.memory_space<vmem>>) semaphore(%run_scoped3A : memref<!tpu.dma_semaphore, #tpu.memory_space<semaphore_mem>>) {add = true}
        %dma_wait3A_812 = arith.constant 0 : i32
        %dma_wait3A_813 = arith.constant 0 : i32
        %dma_wait3A_814 = tpu.memref_slice %arg8[%dma_wait3A_812, %dma_wait3A_813] : memref<200x128xf32, #tpu.memory_space<vmem>> -> memref<40x128xf32, #tpu.memory_space<vmem>>
        %dma_wait3A_815 = arith.constant 0 : i32
        %dma_wait3A_816 = tpu.memref_slice %arg7[%add3A_709, %dma_wait3A_815] : memref<250x40xi32, #tpu.memory_space<vmem>> -> memref<1x40xi32, #tpu.memory_space<vmem>>
        %dma_wait3A_817 = tpu.memref_squeeze %dma_wait3A_816 : memref<1x40xi32, #tpu.memory_space<vmem>> -> memref<40xi32, #tpu.memory_space<vmem>>
        %dma_wait3A_818 = arith.constant 0 : i32
        %dma_wait3A_819 = arith.constant 0 : i32
        %dma_wait3A_820 = tpu.memref_slice %arg9[%dma_wait3A_818, %dma_wait3A_819] : memref<10240x128xf32, #tpu.memory_space<vmem_shared>> -> memref<10240x128xf32, #tpu.memory_space<vmem_shared>>
        tpu.wait_indirect_dma semaphore(%run_scoped3A : memref<!tpu.dma_semaphore, #tpu.memory_space<semaphore_mem>>) src(%dma_wait3A_814 : memref<40x128xf32, #tpu.memory_space<vmem>>) dst(%dma_wait3A_820 : memref<10240x128xf32, #tpu.memory_space<vmem_shared>>)
        tpu.yield
      }) : () -> ()
      %add3A_719 = arith.constant 5 : i32
      %add3A_720 = arith.addi %add3A_709, %add3A_719 : i32
      %lt3A = arith.constant 250 : i32
      %lt3A_721 = arith.cmpi slt, %add3A_720, %lt3A : i32
      %convert_element_type3A = arith.extui %lt3A_721 : i1 to i32
      %cond3A = arith.constant 0 : i32
      %cond3A_722 = arith.cmpi ne, %convert_element_type3A, %cond3A : i32
      scf.if %cond3A_722 {
        %add3A_803 = arith.constant 5 : i32
        %add3A_804 = arith.addi %add3A_709, %add3A_803 : i32
        %dma_start3A_805 = arith.constant 0 : i32
        %dma_start3A_806 = arith.constant 0 : i32
        %dma_start3A_807 = tpu.memref_slice %arg8[%dma_start3A_805, %dma_start3A_806] : memref<200x128xf32, #tpu.memory_space<vmem>> -> memref<40x128xf32, #tpu.memory_space<vmem>>
        %dma_start3A_808 = arith.constant 0 : i32
        %dma_start3A_809 = tpu.memref_slice %arg6[%add3A_804, %dma_start3A_808] : memref<250x40xi32, #tpu.memory_space<vmem>> -> memref<1x40xi32, #tpu.memory_space<vmem>>
        %dma_start3A_810 = tpu.memref_squeeze %dma_start3A_809 : memref<1x40xi32, #tpu.memory_space<vmem>> -> memref<40xi32, #tpu.memory_space<vmem>>
        %dma_start3A_811 = arith.constant 0 : i32
        %dma_start3A_812 = arith.constant 0 : i32
        %dma_start3A_813 = tpu.memref_slice %arg2[%dma_start3A_811, %dma_start3A_812] : memref<10000x128xf32, #tpu.memory_space<hbm>> -> memref<10000x128xf32, #tpu.memory_space<hbm>>
        tpu.enqueue_indirect_dma source(%dma_start3A_813 : memref<10000x128xf32, #tpu.memory_space<hbm>>) target(%dma_start3A_807 : memref<40x128xf32, #tpu.memory_space<vmem>>) offsets(%dma_start3A_810 : memref<40xi32, #tpu.memory_space<vmem>>) semaphore(%arg10 : memref<!tpu.dma_semaphore, #tpu.memory_space<semaphore_mem>>)
      } else {
      }
      %mul3A_723 = arith.constant 5 : i32
      %mul3A_724 = arith.muli %scan3A_705, %mul3A_723 : i32
      %add3A_725 = arith.constant 1 : i32
      %add3A_726 = arith.addi %mul3A_724, %add3A_725 : i32
      %dma_wait3A_727 = arith.constant 40 : i32
      %dma_wait3A_728 = arith.constant 0 : i32
      %dma_wait3A_729 = tpu.memref_slice %arg8[%dma_wait3A_727, %dma_wait3A_728] : memref<200x128xf32, #tpu.memory_space<vmem>> -> memref<40x128xf32, #tpu.memory_space<vmem>>
      %dma_wait3A_730 = arith.constant 0 : i32
      %dma_wait3A_731 = tpu.memref_slice %arg6[%add3A_726, %dma_wait3A_730] : memref<250x40xi32, #tpu.memory_space<vmem>> -> memref<1x40xi32, #tpu.memory_space<vmem>>
      %dma_wait3A_732 = tpu.memref_squeeze %dma_wait3A_731 : memref<1x40xi32, #tpu.memory_space<vmem>> -> memref<40xi32, #tpu.memory_space<vmem>>
      %dma_wait3A_733 = arith.constant 0 : i32
      %dma_wait3A_734 = arith.constant 0 : i32
      %dma_wait3A_735 = tpu.memref_slice %arg2[%dma_wait3A_733, %dma_wait3A_734] : memref<10000x128xf32, #tpu.memory_space<hbm>> -> memref<10000x128xf32, #tpu.memory_space<hbm>>
      tpu.wait_indirect_dma semaphore(%arg11 : memref<!tpu.dma_semaphore, #tpu.memory_space<semaphore_mem>>) src(%dma_wait3A_735 : memref<10000x128xf32, #tpu.memory_space<hbm>>) dst(%dma_wait3A_729 : memref<40x128xf32, #tpu.memory_space<vmem>>)
      "tpu.region"() ({
        %run_scoped3A = tpu.sem_alloc : memref<!tpu.dma_semaphore, #tpu.memory_space<semaphore_mem>>
        %dma_start3A_803 = arith.constant 40 : i32
        %dma_start3A_804 = arith.constant 0 : i32
        %dma_start3A_805 = tpu.memref_slice %arg8[%dma_start3A_803, %dma_start3A_804] : memref<200x128xf32, #tpu.memory_space<vmem>> -> memref<40x128xf32, #tpu.memory_space<vmem>>
        %dma_start3A_806 = arith.constant 0 : i32
        %dma_start3A_807 = tpu.memref_slice %arg7[%add3A_726, %dma_start3A_806] : memref<250x40xi32, #tpu.memory_space<vmem>> -> memref<1x40xi32, #tpu.memory_space<vmem>>
        %dma_start3A_808 = tpu.memref_squeeze %dma_start3A_807 : memref<1x40xi32, #tpu.memory_space<vmem>> -> memref<40xi32, #tpu.memory_space<vmem>>
        %dma_start3A_809 = arith.constant 0 : i32
        %dma_start3A_810 = arith.constant 0 : i32
        %dma_start3A_811 = tpu.memref_slice %arg9[%dma_start3A_809, %dma_start3A_810] : memref<10240x128xf32, #tpu.memory_space<vmem_shared>> -> memref<10240x128xf32, #tpu.memory_space<vmem_shared>>
        tpu.enqueue_indirect_dma source(%dma_start3A_805 : memref<40x128xf32, #tpu.memory_space<vmem>>) target(%dma_start3A_811 : memref<10240x128xf32, #tpu.memory_space<vmem_shared>>) offsets(%dma_start3A_808 : memref<40xi32, #tpu.memory_space<vmem>>) semaphore(%run_scoped3A : memref<!tpu.dma_semaphore, #tpu.memory_space<semaphore_mem>>) {add = true}
        %dma_wait3A_812 = arith.constant 40 : i32
        %dma_wait3A_813 = arith.constant 0 : i32
        %dma_wait3A_814 = tpu.memref_slice %arg8[%dma_wait3A_812, %dma_wait3A_813] : memref<200x128xf32, #tpu.memory_space<vmem>> -> memref<40x128xf32, #tpu.memory_space<vmem>>
        %dma_wait3A_815 = arith.constant 0 : i32
        %dma_wait3A_816 = tpu.memref_slice %arg7[%add3A_726, %dma_wait3A_815] : memref<250x40xi32, #tpu.memory_space<vmem>> -> memref<1x40xi32, #tpu.memory_space<vmem>>
        %dma_wait3A_817 = tpu.memref_squeeze %dma_wait3A_816 : memref<1x40xi32, #tpu.memory_space<vmem>> -> memref<40xi32, #tpu.memory_space<vmem>>
        %dma_wait3A_818 = arith.constant 0 : i32
        %dma_wait3A_819 = arith.constant 0 : i32
        %dma_wait3A_820 = tpu.memref_slice %arg9[%dma_wait3A_818, %dma_wait3A_819] : memref<10240x128xf32, #tpu.memory_space<vmem_shared>> -> memref<10240x128xf32, #tpu.memory_space<vmem_shared>>
        tpu.wait_indirect_dma semaphore(%run_scoped3A : memref<!tpu.dma_semaphore, #tpu.memory_space<semaphore_mem>>) src(%dma_wait3A_814 : memref<40x128xf32, #tpu.memory_space<vmem>>) dst(%dma_wait3A_820 : memref<10240x128xf32, #tpu.memory_space<vmem_shared>>)
        tpu.yield
      }) : () -> ()
      %add3A_736 = arith.constant 5 : i32
      %add3A_737 = arith.addi %add3A_726, %add3A_736 : i32
      %lt3A_738 = arith.constant 250 : i32
      %lt3A_739 = arith.cmpi slt, %add3A_737, %lt3A_738 : i32
      %convert_element_type3A_740 = arith.extui %lt3A_739 : i1 to i32
      %cond3A_741 = arith.constant 0 : i32
      %cond3A_742 = arith.cmpi ne, %convert_element_type3A_740, %cond3A_741 : i32
      scf.if %cond3A_742 {
        %add3A_803 = arith.constant 5 : i32
        %add3A_804 = arith.addi %add3A_726, %add3A_803 : i32
        %dma_start3A_805 = arith.constant 40 : i32
        %dma_start3A_806 = arith.constant 0 : i32
        %dma_start3A_807 = tpu.memref_slice %arg8[%dma_start3A_805, %dma_start3A_806] : memref<200x128xf32, #tpu.memory_space<vmem>> -> memref<40x128xf32, #tpu.memory_space<vmem>>
        %dma_start3A_808 = arith.constant 0 : i32
        %dma_start3A_809 = tpu.memref_slice %arg6[%add3A_804, %dma_start3A_808] : memref<250x40xi32, #tpu.memory_space<vmem>> -> memref<1x40xi32, #tpu.memory_space<vmem>>
        %dma_start3A_810 = tpu.memref_squeeze %dma_start3A_809 : memref<1x40xi32, #tpu.memory_space<vmem>> -> memref<40xi32, #tpu.memory_space<vmem>>
        %dma_start3A_811 = arith.constant 0 : i32
        %dma_start3A_812 = arith.constant 0 : i32
        %dma_start3A_813 = tpu.memref_slice %arg2[%dma_start3A_811, %dma_start3A_812] : memref<10000x128xf32, #tpu.memory_space<hbm>> -> memref<10000x128xf32, #tpu.memory_space<hbm>>
        tpu.enqueue_indirect_dma source(%dma_start3A_813 : memref<10000x128xf32, #tpu.memory_space<hbm>>) target(%dma_start3A_807 : memref<40x128xf32, #tpu.memory_space<vmem>>) offsets(%dma_start3A_810 : memref<40xi32, #tpu.memory_space<vmem>>) semaphore(%arg11 : memref<!tpu.dma_semaphore, #tpu.memory_space<semaphore_mem>>)
      } else {
      }
      %mul3A_743 = arith.constant 5 : i32
      %mul3A_744 = arith.muli %scan3A_705, %mul3A_743 : i32
      %add3A_745 = arith.constant 2 : i32
      %add3A_746 = arith.addi %mul3A_744, %add3A_745 : i32
      %dma_wait3A_747 = arith.constant 80 : i32
      %dma_wait3A_748 = arith.constant 0 : i32
      %dma_wait3A_749 = tpu.memref_slice %arg8[%dma_wait3A_747, %dma_wait3A_748] : memref<200x128xf32, #tpu.memory_space<vmem>> -> memref<40x128xf32, #tpu.memory_space<vmem>>
      %dma_wait3A_750 = arith.constant 0 : i32
      %dma_wait3A_751 = tpu.memref_slice %arg6[%add3A_746, %dma_wait3A_750] : memref<250x40xi32, #tpu.memory_space<vmem>> -> memref<1x40xi32, #tpu.memory_space<vmem>>
      %dma_wait3A_752 = tpu.memref_squeeze %dma_wait3A_751 : memref<1x40xi32, #tpu.memory_space<vmem>> -> memref<40xi32, #tpu.memory_space<vmem>>
      %dma_wait3A_753 = arith.constant 0 : i32
      %dma_wait3A_754 = arith.constant 0 : i32
      %dma_wait3A_755 = tpu.memref_slice %arg2[%dma_wait3A_753, %dma_wait3A_754] : memref<10000x128xf32, #tpu.memory_space<hbm>> -> memref<10000x128xf32, #tpu.memory_space<hbm>>
      tpu.wait_indirect_dma semaphore(%arg12 : memref<!tpu.dma_semaphore, #tpu.memory_space<semaphore_mem>>) src(%dma_wait3A_755 : memref<10000x128xf32, #tpu.memory_space<hbm>>) dst(%dma_wait3A_749 : memref<40x128xf32, #tpu.memory_space<vmem>>)
      "tpu.region"() ({
        %run_scoped3A = tpu.sem_alloc : memref<!tpu.dma_semaphore, #tpu.memory_space<semaphore_mem>>
        %dma_start3A_803 = arith.constant 80 : i32
        %dma_start3A_804 = arith.constant 0 : i32
        %dma_start3A_805 = tpu.memref_slice %arg8[%dma_start3A_803, %dma_start3A_804] : memref<200x128xf32, #tpu.memory_space<vmem>> -> memref<40x128xf32, #tpu.memory_space<vmem>>
        %dma_start3A_806 = arith.constant 0 : i32
        %dma_start3A_807 = tpu.memref_slice %arg7[%add3A_746, %dma_start3A_806] : memref<250x40xi32, #tpu.memory_space<vmem>> -> memref<1x40xi32, #tpu.memory_space<vmem>>
        %dma_start3A_808 = tpu.memref_squeeze %dma_start3A_807 : memref<1x40xi32, #tpu.memory_space<vmem>> -> memref<40xi32, #tpu.memory_space<vmem>>
        %dma_start3A_809 = arith.constant 0 : i32
        %dma_start3A_810 = arith.constant 0 : i32
        %dma_start3A_811 = tpu.memref_slice %arg9[%dma_start3A_809, %dma_start3A_810] : memref<10240x128xf32, #tpu.memory_space<vmem_shared>> -> memref<10240x128xf32, #tpu.memory_space<vmem_shared>>
        tpu.enqueue_indirect_dma source(%dma_start3A_805 : memref<40x128xf32, #tpu.memory_space<vmem>>) target(%dma_start3A_811 : memref<10240x128xf32, #tpu.memory_space<vmem_shared>>) offsets(%dma_start3A_808 : memref<40xi32, #tpu.memory_space<vmem>>) semaphore(%run_scoped3A : memref<!tpu.dma_semaphore, #tpu.memory_space<semaphore_mem>>) {add = true}
        %dma_wait3A_812 = arith.constant 80 : i32
        %dma_wait3A_813 = arith.constant 0 : i32
        %dma_wait3A_814 = tpu.memref_slice %arg8[%dma_wait3A_812, %dma_wait3A_813] : memref<200x128xf32, #tpu.memory_space<vmem>> -> memref<40x128xf32, #tpu.memory_space<vmem>>
        %dma_wait3A_815 = arith.constant 0 : i32
        %dma_wait3A_816 = tpu.memref_slice %arg7[%add3A_746, %dma_wait3A_815] : memref<250x40xi32, #tpu.memory_space<vmem>> -> memref<1x40xi32, #tpu.memory_space<vmem>>
        %dma_wait3A_817 = tpu.memref_squeeze %dma_wait3A_816 : memref<1x40xi32, #tpu.memory_space<vmem>> -> memref<40xi32, #tpu.memory_space<vmem>>
        %dma_wait3A_818 = arith.constant 0 : i32
        %dma_wait3A_819 = arith.constant 0 : i32
        %dma_wait3A_820 = tpu.memref_slice %arg9[%dma_wait3A_818, %dma_wait3A_819] : memref<10240x128xf32, #tpu.memory_space<vmem_shared>> -> memref<10240x128xf32, #tpu.memory_space<vmem_shared>>
        tpu.wait_indirect_dma semaphore(%run_scoped3A : memref<!tpu.dma_semaphore, #tpu.memory_space<semaphore_mem>>) src(%dma_wait3A_814 : memref<40x128xf32, #tpu.memory_space<vmem>>) dst(%dma_wait3A_820 : memref<10240x128xf32, #tpu.memory_space<vmem_shared>>)
        tpu.yield
      }) : () -> ()
      %add3A_756 = arith.constant 5 : i32
      %add3A_757 = arith.addi %add3A_746, %add3A_756 : i32
      %lt3A_758 = arith.constant 250 : i32
      %lt3A_759 = arith.cmpi slt, %add3A_757, %lt3A_758 : i32
      %convert_element_type3A_760 = arith.extui %lt3A_759 : i1 to i32
      %cond3A_761 = arith.constant 0 : i32
      %cond3A_762 = arith.cmpi ne, %convert_element_type3A_760, %cond3A_761 : i32
      scf.if %cond3A_762 {
        %add3A_803 = arith.constant 5 : i32
        %add3A_804 = arith.addi %add3A_746, %add3A_803 : i32
        %dma_start3A_805 = arith.constant 80 : i32
        %dma_start3A_806 = arith.constant 0 : i32
        %dma_start3A_807 = tpu.memref_slice %arg8[%dma_start3A_805, %dma_start3A_806] : memref<200x128xf32, #tpu.memory_space<vmem>> -> memref<40x128xf32, #tpu.memory_space<vmem>>
        %dma_start3A_808 = arith.constant 0 : i32
        %dma_start3A_809 = tpu.memref_slice %arg6[%add3A_804, %dma_start3A_808] : memref<250x40xi32, #tpu.memory_space<vmem>> -> memref<1x40xi32, #tpu.memory_space<vmem>>
        %dma_start3A_810 = tpu.memref_squeeze %dma_start3A_809 : memref<1x40xi32, #tpu.memory_space<vmem>> -> memref<40xi32, #tpu.memory_space<vmem>>
        %dma_start3A_811 = arith.constant 0 : i32
        %dma_start3A_812 = arith.constant 0 : i32
        %dma_start3A_813 = tpu.memref_slice %arg2[%dma_start3A_811, %dma_start3A_812] : memref<10000x128xf32, #tpu.memory_space<hbm>> -> memref<10000x128xf32, #tpu.memory_space<hbm>>
        tpu.enqueue_indirect_dma source(%dma_start3A_813 : memref<10000x128xf32, #tpu.memory_space<hbm>>) target(%dma_start3A_807 : memref<40x128xf32, #tpu.memory_space<vmem>>) offsets(%dma_start3A_810 : memref<40xi32, #tpu.memory_space<vmem>>) semaphore(%arg12 : memref<!tpu.dma_semaphore, #tpu.memory_space<semaphore_mem>>)
      } else {
      }
      %mul3A_763 = arith.constant 5 : i32
      %mul3A_764 = arith.muli %scan3A_705, %mul3A_763 : i32
      %add3A_765 = arith.constant 3 : i32
      %add3A_766 = arith.addi %mul3A_764, %add3A_765 : i32
      %dma_wait3A_767 = arith.constant 120 : i32
      %dma_wait3A_768 = arith.constant 0 : i32
      %dma_wait3A_769 = tpu.memref_slice %arg8[%dma_wait3A_767, %dma_wait3A_768] : memref<200x128xf32, #tpu.memory_space<vmem>> -> memref<40x128xf32, #tpu.memory_space<vmem>>
      %dma_wait3A_770 = arith.constant 0 : i32
      %dma_wait3A_771 = tpu.memref_slice %arg6[%add3A_766, %dma_wait3A_770] : memref<250x40xi32, #tpu.memory_space<vmem>> -> memref<1x40xi32, #tpu.memory_space<vmem>>
      %dma_wait3A_772 = tpu.memref_squeeze %dma_wait3A_771 : memref<1x40xi32, #tpu.memory_space<vmem>> -> memref<40xi32, #tpu.memory_space<vmem>>
      %dma_wait3A_773 = arith.constant 0 : i32
      %dma_wait3A_774 = arith.constant 0 : i32
      %dma_wait3A_775 = tpu.memref_slice %arg2[%dma_wait3A_773, %dma_wait3A_774] : memref<10000x128xf32, #tpu.memory_space<hbm>> -> memref<10000x128xf32, #tpu.memory_space<hbm>>
      tpu.wait_indirect_dma semaphore(%arg13 : memref<!tpu.dma_semaphore, #tpu.memory_space<semaphore_mem>>) src(%dma_wait3A_775 : memref<10000x128xf32, #tpu.memory_space<hbm>>) dst(%dma_wait3A_769 : memref<40x128xf32, #tpu.memory_space<vmem>>)
      "tpu.region"() ({
        %run_scoped3A = tpu.sem_alloc : memref<!tpu.dma_semaphore, #tpu.memory_space<semaphore_mem>>
        %dma_start3A_803 = arith.constant 120 : i32
        %dma_start3A_804 = arith.constant 0 : i32
        %dma_start3A_805 = tpu.memref_slice %arg8[%dma_start3A_803, %dma_start3A_804] : memref<200x128xf32, #tpu.memory_space<vmem>> -> memref<40x128xf32, #tpu.memory_space<vmem>>
        %dma_start3A_806 = arith.constant 0 : i32
        %dma_start3A_807 = tpu.memref_slice %arg7[%add3A_766, %dma_start3A_806] : memref<250x40xi32, #tpu.memory_space<vmem>> -> memref<1x40xi32, #tpu.memory_space<vmem>>
        %dma_start3A_808 = tpu.memref_squeeze %dma_start3A_807 : memref<1x40xi32, #tpu.memory_space<vmem>> -> memref<40xi32, #tpu.memory_space<vmem>>
        %dma_start3A_809 = arith.constant 0 : i32
        %dma_start3A_810 = arith.constant 0 : i32
        %dma_start3A_811 = tpu.memref_slice %arg9[%dma_start3A_809, %dma_start3A_810] : memref<10240x128xf32, #tpu.memory_space<vmem_shared>> -> memref<10240x128xf32, #tpu.memory_space<vmem_shared>>
        tpu.enqueue_indirect_dma source(%dma_start3A_805 : memref<40x128xf32, #tpu.memory_space<vmem>>) target(%dma_start3A_811 : memref<10240x128xf32, #tpu.memory_space<vmem_shared>>) offsets(%dma_start3A_808 : memref<40xi32, #tpu.memory_space<vmem>>) semaphore(%run_scoped3A : memref<!tpu.dma_semaphore, #tpu.memory_space<semaphore_mem>>) {add = true}
        %dma_wait3A_812 = arith.constant 120 : i32
        %dma_wait3A_813 = arith.constant 0 : i32
        %dma_wait3A_814 = tpu.memref_slice %arg8[%dma_wait3A_812, %dma_wait3A_813] : memref<200x128xf32, #tpu.memory_space<vmem>> -> memref<40x128xf32, #tpu.memory_space<vmem>>
        %dma_wait3A_815 = arith.constant 0 : i32
        %dma_wait3A_816 = tpu.memref_slice %arg7[%add3A_766, %dma_wait3A_815] : memref<250x40xi32, #tpu.memory_space<vmem>> -> memref<1x40xi32, #tpu.memory_space<vmem>>
        %dma_wait3A_817 = tpu.memref_squeeze %dma_wait3A_816 : memref<1x40xi32, #tpu.memory_space<vmem>> -> memref<40xi32, #tpu.memory_space<vmem>>
        %dma_wait3A_818 = arith.constant 0 : i32
        %dma_wait3A_819 = arith.constant 0 : i32
        %dma_wait3A_820 = tpu.memref_slice %arg9[%dma_wait3A_818, %dma_wait3A_819] : memref<10240x128xf32, #tpu.memory_space<vmem_shared>> -> memref<10240x128xf32, #tpu.memory_space<vmem_shared>>
        tpu.wait_indirect_dma semaphore(%run_scoped3A : memref<!tpu.dma_semaphore, #tpu.memory_space<semaphore_mem>>) src(%dma_wait3A_814 : memref<40x128xf32, #tpu.memory_space<vmem>>) dst(%dma_wait3A_820 : memref<10240x128xf32, #tpu.memory_space<vmem_shared>>)
        tpu.yield
      }) : () -> ()
      %add3A_776 = arith.constant 5 : i32
      %add3A_777 = arith.addi %add3A_766, %add3A_776 : i32
      %lt3A_778 = arith.constant 250 : i32
      %lt3A_779 = arith.cmpi slt, %add3A_777, %lt3A_778 : i32
      %convert_element_type3A_780 = arith.extui %lt3A_779 : i1 to i32
      %cond3A_781 = arith.constant 0 : i32
      %cond3A_782 = arith.cmpi ne, %convert_element_type3A_780, %cond3A_781 : i32
      scf.if %cond3A_782 {
        %add3A_803 = arith.constant 5 : i32
        %add3A_804 = arith.addi %add3A_766, %add3A_803 : i32
        %dma_start3A_805 = arith.constant 120 : i32
        %dma_start3A_806 = arith.constant 0 : i32
        %dma_start3A_807 = tpu.memref_slice %arg8[%dma_start3A_805, %dma_start3A_806] : memref<200x128xf32, #tpu.memory_space<vmem>> -> memref<40x128xf32, #tpu.memory_space<vmem>>
        %dma_start3A_808 = arith.constant 0 : i32
        %dma_start3A_809 = tpu.memref_slice %arg6[%add3A_804, %dma_start3A_808] : memref<250x40xi32, #tpu.memory_space<vmem>> -> memref<1x40xi32, #tpu.memory_space<vmem>>
        %dma_start3A_810 = tpu.memref_squeeze %dma_start3A_809 : memref<1x40xi32, #tpu.memory_space<vmem>> -> memref<40xi32, #tpu.memory_space<vmem>>
        %dma_start3A_811 = arith.constant 0 : i32
        %dma_start3A_812 = arith.constant 0 : i32
        %dma_start3A_813 = tpu.memref_slice %arg2[%dma_start3A_811, %dma_start3A_812] : memref<10000x128xf32, #tpu.memory_space<hbm>> -> memref<10000x128xf32, #tpu.memory_space<hbm>>
        tpu.enqueue_indirect_dma source(%dma_start3A_813 : memref<10000x128xf32, #tpu.memory_space<hbm>>) target(%dma_start3A_807 : memref<40x128xf32, #tpu.memory_space<vmem>>) offsets(%dma_start3A_810 : memref<40xi32, #tpu.memory_space<vmem>>) semaphore(%arg13 : memref<!tpu.dma_semaphore, #tpu.memory_space<semaphore_mem>>)
      } else {
      }
      %mul3A_783 = arith.constant 5 : i32
      %mul3A_784 = arith.muli %scan3A_705, %mul3A_783 : i32
      %add3A_785 = arith.constant 4 : i32
      %add3A_786 = arith.addi %mul3A_784, %add3A_785 : i32
      %dma_wait3A_787 = arith.constant 160 : i32
      %dma_wait3A_788 = arith.constant 0 : i32
      %dma_wait3A_789 = tpu.memref_slice %arg8[%dma_wait3A_787, %dma_wait3A_788] : memref<200x128xf32, #tpu.memory_space<vmem>> -> memref<40x128xf32, #tpu.memory_space<vmem>>
      %dma_wait3A_790 = arith.constant 0 : i32
      %dma_wait3A_791 = tpu.memref_slice %arg6[%add3A_786, %dma_wait3A_790] : memref<250x40xi32, #tpu.memory_space<vmem>> -> memref<1x40xi32, #tpu.memory_space<vmem>>
      %dma_wait3A_792 = tpu.memref_squeeze %dma_wait3A_791 : memref<1x40xi32, #tpu.memory_space<vmem>> -> memref<40xi32, #tpu.memory_space<vmem>>
      %dma_wait3A_793 = arith.constant 0 : i32
      %dma_wait3A_794 = arith.constant 0 : i32
      %dma_wait3A_795 = tpu.memref_slice %arg2[%dma_wait3A_793, %dma_wait3A_794] : memref<10000x128xf32, #tpu.memory_space<hbm>> -> memref<10000x128xf32, #tpu.memory_space<hbm>>
      tpu.wait_indirect_dma semaphore(%arg14 : memref<!tpu.dma_semaphore, #tpu.memory_space<semaphore_mem>>) src(%dma_wait3A_795 : memref<10000x128xf32, #tpu.memory_space<hbm>>) dst(%dma_wait3A_789 : memref<40x128xf32, #tpu.memory_space<vmem>>)
      "tpu.region"() ({
        %run_scoped3A = tpu.sem_alloc : memref<!tpu.dma_semaphore, #tpu.memory_space<semaphore_mem>>
        %dma_start3A_803 = arith.constant 160 : i32
        %dma_start3A_804 = arith.constant 0 : i32
        %dma_start3A_805 = tpu.memref_slice %arg8[%dma_start3A_803, %dma_start3A_804] : memref<200x128xf32, #tpu.memory_space<vmem>> -> memref<40x128xf32, #tpu.memory_space<vmem>>
        %dma_start3A_806 = arith.constant 0 : i32
        %dma_start3A_807 = tpu.memref_slice %arg7[%add3A_786, %dma_start3A_806] : memref<250x40xi32, #tpu.memory_space<vmem>> -> memref<1x40xi32, #tpu.memory_space<vmem>>
        %dma_start3A_808 = tpu.memref_squeeze %dma_start3A_807 : memref<1x40xi32, #tpu.memory_space<vmem>> -> memref<40xi32, #tpu.memory_space<vmem>>
        %dma_start3A_809 = arith.constant 0 : i32
        %dma_start3A_810 = arith.constant 0 : i32
        %dma_start3A_811 = tpu.memref_slice %arg9[%dma_start3A_809, %dma_start3A_810] : memref<10240x128xf32, #tpu.memory_space<vmem_shared>> -> memref<10240x128xf32, #tpu.memory_space<vmem_shared>>
        tpu.enqueue_indirect_dma source(%dma_start3A_805 : memref<40x128xf32, #tpu.memory_space<vmem>>) target(%dma_start3A_811 : memref<10240x128xf32, #tpu.memory_space<vmem_shared>>) offsets(%dma_start3A_808 : memref<40xi32, #tpu.memory_space<vmem>>) semaphore(%run_scoped3A : memref<!tpu.dma_semaphore, #tpu.memory_space<semaphore_mem>>) {add = true}
        %dma_wait3A_812 = arith.constant 160 : i32
        %dma_wait3A_813 = arith.constant 0 : i32
        %dma_wait3A_814 = tpu.memref_slice %arg8[%dma_wait3A_812, %dma_wait3A_813] : memref<200x128xf32, #tpu.memory_space<vmem>> -> memref<40x128xf32, #tpu.memory_space<vmem>>
        %dma_wait3A_815 = arith.constant 0 : i32
        %dma_wait3A_816 = tpu.memref_slice %arg7[%add3A_786, %dma_wait3A_815] : memref<250x40xi32, #tpu.memory_space<vmem>> -> memref<1x40xi32, #tpu.memory_space<vmem>>
        %dma_wait3A_817 = tpu.memref_squeeze %dma_wait3A_816 : memref<1x40xi32, #tpu.memory_space<vmem>> -> memref<40xi32, #tpu.memory_space<vmem>>
        %dma_wait3A_818 = arith.constant 0 : i32
        %dma_wait3A_819 = arith.constant 0 : i32
        %dma_wait3A_820 = tpu.memref_slice %arg9[%dma_wait3A_818, %dma_wait3A_819] : memref<10240x128xf32, #tpu.memory_space<vmem_shared>> -> memref<10240x128xf32, #tpu.memory_space<vmem_shared>>
        tpu.wait_indirect_dma semaphore(%run_scoped3A : memref<!tpu.dma_semaphore, #tpu.memory_space<semaphore_mem>>) src(%dma_wait3A_814 : memref<40x128xf32, #tpu.memory_space<vmem>>) dst(%dma_wait3A_820 : memref<10240x128xf32, #tpu.memory_space<vmem_shared>>)
        tpu.yield
      }) : () -> ()
      %add3A_796 = arith.constant 5 : i32
      %add3A_797 = arith.addi %add3A_786, %add3A_796 : i32
      %lt3A_798 = arith.constant 250 : i32
      %lt3A_799 = arith.cmpi slt, %add3A_797, %lt3A_798 : i32
      %convert_element_type3A_800 = arith.extui %lt3A_799 : i1 to i32
      %cond3A_801 = arith.constant 0 : i32
      %cond3A_802 = arith.cmpi ne, %convert_element_type3A_800, %cond3A_801 : i32
      scf.if %cond3A_802 {
        %add3A_803 = arith.constant 5 : i32
        %add3A_804 = arith.addi %add3A_786, %add3A_803 : i32
        %dma_start3A_805 = arith.constant 160 : i32
        %dma_start3A_806 = arith.constant 0 : i32
        %dma_start3A_807 = tpu.memref_slice %arg8[%dma_start3A_805, %dma_start3A_806] : memref<200x128xf32, #tpu.memory_space<vmem>> -> memref<40x128xf32, #tpu.memory_space<vmem>>
        %dma_start3A_808 = arith.constant 0 : i32
        %dma_start3A_809 = tpu.memref_slice %arg6[%add3A_804, %dma_start3A_808] : memref<250x40xi32, #tpu.memory_space<vmem>> -> memref<1x40xi32, #tpu.memory_space<vmem>>
        %dma_start3A_810 = tpu.memref_squeeze %dma_start3A_809 : memref<1x40xi32, #tpu.memory_space<vmem>> -> memref<40xi32, #tpu.memory_space<vmem>>
        %dma_start3A_811 = arith.constant 0 : i32
        %dma_start3A_812 = arith.constant 0 : i32
        %dma_start3A_813 = tpu.memref_slice %arg2[%dma_start3A_811, %dma_start3A_812] : memref<10000x128xf32, #tpu.memory_space<hbm>> -> memref<10000x128xf32, #tpu.memory_space<hbm>>
        tpu.enqueue_indirect_dma source(%dma_start3A_813 : memref<10000x128xf32, #tpu.memory_space<hbm>>) target(%dma_start3A_807 : memref<40x128xf32, #tpu.memory_space<vmem>>) offsets(%dma_start3A_810 : memref<40xi32, #tpu.memory_space<vmem>>) semaphore(%arg14 : memref<!tpu.dma_semaphore, #tpu.memory_space<semaphore_mem>>)
      } else {
      }
    }
    %scan3A_699 = arith.constant 50 : i32
    %barrier3A_700 = arith.constant 0 : index
    tpu.barrier barrier_id(%barrier3A_700)
    %mul3A_701 = arith.constant 640 : i32
    %mul3A_702 = arith.muli %arg1, %mul3A_701 : i32
    %mul3A_703 = arith.constant 640 : i32
    %mul3A_704 = arith.muli %arg1, %mul3A_703 : i32
    "tpu.region"() ({
      %run_scoped3A = tpu.sem_alloc : memref<!tpu.dma_semaphore, #tpu.memory_space<semaphore_mem>>
      %dma_start3A_705 = arith.constant 0 : i32
      %dma_start3A_706 = tpu.memref_slice %arg5[%arg0, %mul3A_704, %dma_start3A_705] : memref<2x10240x128xf32, #tpu.memory_space<hbm>> -> memref<1x640x128xf32, #tpu.memory_space<hbm>>
      %dma_start3A_707 = tpu.memref_squeeze %dma_start3A_706 : memref<1x640x128xf32, #tpu.memory_space<hbm>> -> memref<640x128xf32, #tpu.memory_space<hbm>>
      %dma_start3A_708 = arith.constant 0 : i32
      %dma_start3A_709 = tpu.memref_slice %arg9[%mul3A_702, %dma_start3A_708] : memref<10240x128xf32, #tpu.memory_space<vmem_shared>> -> memref<640x128xf32, #tpu.memory_space<vmem_shared>>
      tpu.enqueue_dma source(%dma_start3A_709 : memref<640x128xf32, #tpu.memory_space<vmem_shared>>) target(%dma_start3A_707 : memref<640x128xf32, #tpu.memory_space<hbm>>) target_semaphore(%run_scoped3A : memref<!tpu.dma_semaphore, #tpu.memory_space<semaphore_mem>>)
      %dma_wait3A_710 = arith.constant 0 : i32
      %dma_wait3A_711 = tpu.memref_slice %arg5[%arg0, %mul3A_704, %dma_wait3A_710] : memref<2x10240x128xf32, #tpu.memory_space<hbm>> -> memref<1x640x128xf32, #tpu.memory_space<hbm>>
      %dma_wait3A_712 = tpu.memref_squeeze %dma_wait3A_711 : memref<1x640x128xf32, #tpu.memory_space<hbm>> -> memref<640x128xf32, #tpu.memory_space<hbm>>
      %dma_wait3A_713 = arith.constant 0 : i32
      %dma_wait3A_714 = tpu.memref_slice %arg9[%mul3A_702, %dma_wait3A_713] : memref<10240x128xf32, #tpu.memory_space<vmem_shared>> -> memref<640x128xf32, #tpu.memory_space<vmem_shared>>
      tpu.wait_dma2 semaphore(%run_scoped3A : memref<!tpu.dma_semaphore, #tpu.memory_space<semaphore_mem>>) src(%dma_wait3A_714 : memref<640x128xf32, #tpu.memory_space<vmem_shared>>) dst(%dma_wait3A_712 : memref<640x128xf32, #tpu.memory_space<hbm>>)
      tpu.yield
    }) : () -> ()
    return
  }
}

#map = affine_map<(d0, d1) -> (0, 0)>
#map1 = affine_map<(d0, d1) -> (0, 0, 0)>
module attributes {stable_mosaic.version = 14 : i64} {
  func.func @_sc_agg_body(%arg0: i32, %arg1: i32, %arg2: memref<10000x128xf32, #tpu.memory_space<hbm>>, %arg3: memref<32x250x40xi32, #tpu.memory_space<hbm>>, %arg4: memref<32x250x40xi32, #tpu.memory_space<hbm>>, %arg5: memref<2x10240x128xf32, #tpu.memory_space<hbm>>, %arg6: memref<250x40xi32, #tpu.memory_space<vmem>>, %arg7: memref<250x40xi32, #tpu.memory_space<vmem>>, %arg8: memref<200x128xf32, #tpu.memory_space<vmem>>, %arg9: memref<10240x128xf32, #tpu.memory_space<vmem_shared>>, %arg10: memref<!tpu.dma_semaphore, #tpu.memory_space<semaphore_mem>>, %arg11: memref<!tpu.dma_semaphore, #tpu.memory_space<semaphore_mem>>, %arg12: memref<!tpu.dma_semaphore, #tpu.memory_space<semaphore_mem>>, %arg13: memref<!tpu.dma_semaphore, #tpu.memory_space<semaphore_mem>>, %arg14: memref<!tpu.dma_semaphore, #tpu.memory_space<semaphore_mem>>, %arg15: memref<!tpu.dma_semaphore, #tpu.memory_space<semaphore_mem>>) attributes {dimension_semantics = [#tpu.dimension_semantics<core_parallel>, #tpu.dimension_semantics<subcore_parallel>], iteration_bounds = array<i64: 2, 16>, scalar_prefetch = 0 : i64, scratch_operands = 10 : i64, tpu.core_type = #tpu.core_type<sc_vector_subcore>, window_params = [{transform_indices = #map}, {transform_indices = #map1}, {transform_indices = #map1}, {transform_indices = #map1}]} {
    %mul3A = arith.constant 16 : i32
    %mul3A_0 = arith.muli %arg0, %mul3A : i32
    %add3A = arith.addi %mul3A_0, %arg1 : i32
    %scan3A = arith.constant 0 : i32
    %scan3A_1 = arith.constant 0 : i32
    %scan3A_2 = arith.constant 40 : i32
    %scan3A_3 = arith.addi %scan3A_1, %scan3A_2 : i32
    %scan3A_4 = arith.constant 1 : i32
    scf.for %scan3A_705 = %scan3A_1 to %scan3A_3 step %scan3A_4  : i32 {
      %broadcast_in_dim3A = arith.constant 0.000000e+00 : f32
      %broadcast_in_dim3A_706 = vector.broadcast %broadcast_in_dim3A : f32 to vector<16xf32>
      %swap3A = arith.constant 0 : i32
      %swap3A_707 = arith.constant 0 : i32
      %swap3A_708 = tpu.memref_slice %arg8[%swap3A, %swap3A_707] : memref<200x128xf32, #tpu.memory_space<vmem>> -> memref<40x128xf32, #tpu.memory_space<vmem>>
      %swap3A_709 = arith.index_cast %scan3A_705 : i32 to index
      %swap3A_710 = arith.constant 0 : index
      %swap3A_711 = tpu.vector_load %swap3A_708[%swap3A_709, %swap3A_710] {strides = array<i32>} : memref<40x128xf32, #tpu.memory_space<vmem>>, vector<1x16xf32>,
      %swap3A_712 = vector.shape_cast %swap3A_711 : vector<1x16xf32> to vector<16xf32>
      %swap3A_713 = vector.shape_cast %broadcast_in_dim3A_706 : vector<16xf32> to vector<1x16xf32>
      tpu.vector_store %swap3A_708[%swap3A_709, %swap3A_710], %swap3A_713 {strides = array<i32>} : memref<40x128xf32, #tpu.memory_space<vmem>>, vector<1x16xf32>,
      %broadcast_in_dim3A_714 = arith.constant 0.000000e+00 : f32
      %broadcast_in_dim3A_715 = vector.broadcast %broadcast_in_dim3A_714 : f32 to vector<16xf32>
      %swap3A_716 = arith.constant 0 : i32
      %swap3A_717 = arith.constant 0 : i32
      %swap3A_718 = tpu.memref_slice %arg8[%swap3A_716, %swap3A_717] : memref<200x128xf32, #tpu.memory_space<vmem>> -> memref<40x128xf32, #tpu.memory_space<vmem>>
      %swap3A_719 = arith.index_cast %scan3A_705 : i32 to index
      %swap3A_720 = arith.constant 16 : index
      %swap3A_721 = tpu.vector_load %swap3A_718[%swap3A_719, %swap3A_720] {strides = array<i32>} : memref<40x128xf32, #tpu.memory_space<vmem>>, vector<1x16xf32>,
      %swap3A_722 = vector.shape_cast %swap3A_721 : vector<1x16xf32> to vector<16xf32>
      %swap3A_723 = vector.shape_cast %broadcast_in_dim3A_715 : vector<16xf32> to vector<1x16xf32>
      tpu.vector_store %swap3A_718[%swap3A_719, %swap3A_720], %swap3A_723 {strides = array<i32>} : memref<40x128xf32, #tpu.memory_space<vmem>>, vector<1x16xf32>,
      %broadcast_in_dim3A_724 = arith.constant 0.000000e+00 : f32
      %broadcast_in_dim3A_725 = vector.broadcast %broadcast_in_dim3A_724 : f32 to vector<16xf32>
      %swap3A_726 = arith.constant 0 : i32
      %swap3A_727 = arith.constant 0 : i32
      %swap3A_728 = tpu.memref_slice %arg8[%swap3A_726, %swap3A_727] : memref<200x128xf32, #tpu.memory_space<vmem>> -> memref<40x128xf32, #tpu.memory_space<vmem>>
      %swap3A_729 = arith.index_cast %scan3A_705 : i32 to index
      %swap3A_730 = arith.constant 32 : index
      %swap3A_731 = tpu.vector_load %swap3A_728[%swap3A_729, %swap3A_730] {strides = array<i32>} : memref<40x128xf32, #tpu.memory_space<vmem>>, vector<1x16xf32>,
      %swap3A_732 = vector.shape_cast %swap3A_731 : vector<1x16xf32> to vector<16xf32>
      %swap3A_733 = vector.shape_cast %broadcast_in_dim3A_725 : vector<16xf32> to vector<1x16xf32>
      tpu.vector_store %swap3A_728[%swap3A_729, %swap3A_730], %swap3A_733 {strides = array<i32>} : memref<40x128xf32, #tpu.memory_space<vmem>>, vector<1x16xf32>,
      %broadcast_in_dim3A_734 = arith.constant 0.000000e+00 : f32
      %broadcast_in_dim3A_735 = vector.broadcast %broadcast_in_dim3A_734 : f32 to vector<16xf32>
      %swap3A_736 = arith.constant 0 : i32
      %swap3A_737 = arith.constant 0 : i32
      %swap3A_738 = tpu.memref_slice %arg8[%swap3A_736, %swap3A_737] : memref<200x128xf32, #tpu.memory_space<vmem>> -> memref<40x128xf32, #tpu.memory_space<vmem>>
      %swap3A_739 = arith.index_cast %scan3A_705 : i32 to index
      %swap3A_740 = arith.constant 48 : index
      %swap3A_741 = tpu.vector_load %swap3A_738[%swap3A_739, %swap3A_740] {strides = array<i32>} : memref<40x128xf32, #tpu.memory_space<vmem>>, vector<1x16xf32>,
      %swap3A_742 = vector.shape_cast %swap3A_741 : vector<1x16xf32> to vector<16xf32>
      %swap3A_743 = vector.shape_cast %broadcast_in_dim3A_735 : vector<16xf32> to vector<1x16xf32>
      tpu.vector_store %swap3A_738[%swap3A_739, %swap3A_740], %swap3A_743 {strides = array<i32>} : memref<40x128xf32, #tpu.memory_space<vmem>>, vector<1x16xf32>,
      %broadcast_in_dim3A_744 = arith.constant 0.000000e+00 : f32
      %broadcast_in_dim3A_745 = vector.broadcast %broadcast_in_dim3A_744 : f32 to vector<16xf32>
      %swap3A_746 = arith.constant 0 : i32
      %swap3A_747 = arith.constant 0 : i32
      %swap3A_748 = tpu.memref_slice %arg8[%swap3A_746, %swap3A_747] : memref<200x128xf32, #tpu.memory_space<vmem>> -> memref<40x128xf32, #tpu.memory_space<vmem>>
      %swap3A_749 = arith.index_cast %scan3A_705 : i32 to index
      %swap3A_750 = arith.constant 64 : index
      %swap3A_751 = tpu.vector_load %swap3A_748[%swap3A_749, %swap3A_750] {strides = array<i32>} : memref<40x128xf32, #tpu.memory_space<vmem>>, vector<1x16xf32>,
      %swap3A_752 = vector.shape_cast %swap3A_751 : vector<1x16xf32> to vector<16xf32>
      %swap3A_753 = vector.shape_cast %broadcast_in_dim3A_745 : vector<16xf32> to vector<1x16xf32>
      tpu.vector_store %swap3A_748[%swap3A_749, %swap3A_750], %swap3A_753 {strides = array<i32>} : memref<40x128xf32, #tpu.memory_space<vmem>>, vector<1x16xf32>,
      %broadcast_in_dim3A_754 = arith.constant 0.000000e+00 : f32
      %broadcast_in_dim3A_755 = vector.broadcast %broadcast_in_dim3A_754 : f32 to vector<16xf32>
      %swap3A_756 = arith.constant 0 : i32
      %swap3A_757 = arith.constant 0 : i32
      %swap3A_758 = tpu.memref_slice %arg8[%swap3A_756, %swap3A_757] : memref<200x128xf32, #tpu.memory_space<vmem>> -> memref<40x128xf32, #tpu.memory_space<vmem>>
      %swap3A_759 = arith.index_cast %scan3A_705 : i32 to index
      %swap3A_760 = arith.constant 80 : index
      %swap3A_761 = tpu.vector_load %swap3A_758[%swap3A_759, %swap3A_760] {strides = array<i32>} : memref<40x128xf32, #tpu.memory_space<vmem>>, vector<1x16xf32>,
      %swap3A_762 = vector.shape_cast %swap3A_761 : vector<1x16xf32> to vector<16xf32>
      %swap3A_763 = vector.shape_cast %broadcast_in_dim3A_755 : vector<16xf32> to vector<1x16xf32>
      tpu.vector_store %swap3A_758[%swap3A_759, %swap3A_760], %swap3A_763 {strides = array<i32>} : memref<40x128xf32, #tpu.memory_space<vmem>>, vector<1x16xf32>,
      %broadcast_in_dim3A_764 = arith.constant 0.000000e+00 : f32
      %broadcast_in_dim3A_765 = vector.broadcast %broadcast_in_dim3A_764 : f32 to vector<16xf32>
      %swap3A_766 = arith.constant 0 : i32
      %swap3A_767 = arith.constant 0 : i32
      %swap3A_768 = tpu.memref_slice %arg8[%swap3A_766, %swap3A_767] : memref<200x128xf32, #tpu.memory_space<vmem>> -> memref<40x128xf32, #tpu.memory_space<vmem>>
      %swap3A_769 = arith.index_cast %scan3A_705 : i32 to index
      %swap3A_770 = arith.constant 96 : index
      %swap3A_771 = tpu.vector_load %swap3A_768[%swap3A_769, %swap3A_770] {strides = array<i32>} : memref<40x128xf32, #tpu.memory_space<vmem>>, vector<1x16xf32>,
      %swap3A_772 = vector.shape_cast %swap3A_771 : vector<1x16xf32> to vector<16xf32>
      %swap3A_773 = vector.shape_cast %broadcast_in_dim3A_765 : vector<16xf32> to vector<1x16xf32>
      tpu.vector_store %swap3A_768[%swap3A_769, %swap3A_770], %swap3A_773 {strides = array<i32>} : memref<40x128xf32, #tpu.memory_space<vmem>>, vector<1x16xf32>,
      %broadcast_in_dim3A_774 = arith.constant 0.000000e+00 : f32
      %broadcast_in_dim3A_775 = vector.broadcast %broadcast_in_dim3A_774 : f32 to vector<16xf32>
      %swap3A_776 = arith.constant 0 : i32
      %swap3A_777 = arith.constant 0 : i32
      %swap3A_778 = tpu.memref_slice %arg8[%swap3A_776, %swap3A_777] : memref<200x128xf32, #tpu.memory_space<vmem>> -> memref<40x128xf32, #tpu.memory_space<vmem>>
      %swap3A_779 = arith.index_cast %scan3A_705 : i32 to index
      %swap3A_780 = arith.constant 112 : index
      %swap3A_781 = tpu.vector_load %swap3A_778[%swap3A_779, %swap3A_780] {strides = array<i32>} : memref<40x128xf32, #tpu.memory_space<vmem>>, vector<1x16xf32>,
      %swap3A_782 = vector.shape_cast %swap3A_781 : vector<1x16xf32> to vector<16xf32>
      %swap3A_783 = vector.shape_cast %broadcast_in_dim3A_775 : vector<16xf32> to vector<1x16xf32>
      tpu.vector_store %swap3A_778[%swap3A_779, %swap3A_780], %swap3A_783 {strides = array<i32>} : memref<40x128xf32, #tpu.memory_space<vmem>>, vector<1x16xf32>,
    }
    %scan3A_5 = arith.constant 40 : i32
    %dma_start3A = arith.constant 0 : i32
    %dma_start3A_6 = arith.constant 0 : i32
    %dma_start3A_7 = tpu.memref_slice %arg3[%add3A, %dma_start3A, %dma_start3A_6] : memref<32x250x40xi32, #tpu.memory_space<hbm>> -> memref<1x250x40xi32, #tpu.memory_space<hbm>>
    %dma_start3A_8 = tpu.memref_squeeze %dma_start3A_7 : memref<1x250x40xi32, #tpu.memory_space<hbm>> -> memref<250x40xi32, #tpu.memory_space<hbm>>
    %dma_start3A_9 = arith.constant 0 : i32
    %dma_start3A_10 = arith.constant 0 : i32
    %dma_start3A_11 = tpu.memref_slice %arg3[%add3A, %dma_start3A_9, %dma_start3A_10] : memref<32x250x40xi32, #tpu.memory_space<hbm>> -> memref<1x250x40xi32, #tpu.memory_space<hbm>>
    %dma_start3A_12 = tpu.memref_squeeze %dma_start3A_11 : memref<1x250x40xi32, #tpu.memory_space<hbm>> -> memref<250x40xi32, #tpu.memory_space<hbm>>
    tpu.enqueue_dma source(%dma_start3A_12 : memref<250x40xi32, #tpu.memory_space<hbm>>) target(%arg6 : memref<250x40xi32, #tpu.memory_space<vmem>>) target_semaphore(%arg10 : memref<!tpu.dma_semaphore, #tpu.memory_space<semaphore_mem>>)
    %dma_start3A_13 = arith.constant 0 : i32
    %dma_start3A_14 = arith.constant 0 : i32
    %dma_start3A_15 = tpu.memref_slice %arg4[%add3A, %dma_start3A_13, %dma_start3A_14] : memref<32x250x40xi32, #tpu.memory_space<hbm>> -> memref<1x250x40xi32, #tpu.memory_space<hbm>>
    %dma_start3A_16 = tpu.memref_squeeze %dma_start3A_15 : memref<1x250x40xi32, #tpu.memory_space<hbm>> -> memref<250x40xi32, #tpu.memory_space<hbm>>
    %dma_start3A_17 = arith.constant 0 : i32
    %dma_start3A_18 = arith.constant 0 : i32
    %dma_start3A_19 = tpu.memref_slice %arg4[%add3A, %dma_start3A_17, %dma_start3A_18] : memref<32x250x40xi32, #tpu.memory_space<hbm>> -> memref<1x250x40xi32, #tpu.memory_space<hbm>>
    %dma_start3A_20 = tpu.memref_squeeze %dma_start3A_19 : memref<1x250x40xi32, #tpu.memory_space<hbm>> -> memref<250x40xi32, #tpu.memory_space<hbm>>
    tpu.enqueue_dma source(%dma_start3A_20 : memref<250x40xi32, #tpu.memory_space<hbm>>) target(%arg7 : memref<250x40xi32, #tpu.memory_space<vmem>>) target_semaphore(%arg11 : memref<!tpu.dma_semaphore, #tpu.memory_space<semaphore_mem>>)
    %mul3A_21 = arith.constant 640 : i32
    %mul3A_22 = arith.muli %arg1, %mul3A_21 : i32
    %add3A_23 = arith.constant 0 : i32
    %add3A_24 = arith.addi %mul3A_22, %add3A_23 : i32
    %dma_start3A_25 = arith.constant 0 : i32
    %dma_start3A_26 = arith.constant 0 : i32
    %dma_start3A_27 = tpu.memref_slice %arg8[%dma_start3A_25, %dma_start3A_26] : memref<200x128xf32, #tpu.memory_space<vmem>> -> memref<40x128xf32, #tpu.memory_space<vmem>>
    %dma_start3A_28 = arith.constant 0 : i32
    %dma_start3A_29 = arith.constant 0 : i32
    %dma_start3A_30 = tpu.memref_slice %dma_start3A_27[%dma_start3A_28, %dma_start3A_29] : memref<40x128xf32, #tpu.memory_space<vmem>> -> memref<40x128xf32, #tpu.memory_space<vmem>>
    %dma_start3A_31 = arith.constant 0 : i32
    %dma_start3A_32 = tpu.memref_slice %arg9[%add3A_24, %dma_start3A_31] : memref<10240x128xf32, #tpu.memory_space<vmem_shared>> -> memref<40x128xf32, #tpu.memory_space<vmem_shared>>
    %dma_start3A_33 = arith.constant 0 : i32
    %dma_start3A_34 = tpu.memref_slice %arg9[%add3A_24, %dma_start3A_33] : memref<10240x128xf32, #tpu.memory_space<vmem_shared>> -> memref<40x128xf32, #tpu.memory_space<vmem_shared>>
    %dma_start3A_35 = arith.constant 0 : i32
    %dma_start3A_36 = arith.constant 0 : i32
    %dma_start3A_37 = tpu.memref_slice %arg8[%dma_start3A_35, %dma_start3A_36] : memref<200x128xf32, #tpu.memory_space<vmem>> -> memref<40x128xf32, #tpu.memory_space<vmem>>
    %dma_start3A_38 = arith.constant 0 : i32
    %dma_start3A_39 = arith.constant 0 : i32
    %dma_start3A_40 = tpu.memref_slice %dma_start3A_37[%dma_start3A_38, %dma_start3A_39] : memref<40x128xf32, #tpu.memory_space<vmem>> -> memref<40x128xf32, #tpu.memory_space<vmem>>
    tpu.enqueue_dma source(%dma_start3A_40 : memref<40x128xf32, #tpu.memory_space<vmem>>) target(%dma_start3A_34 : memref<40x128xf32, #tpu.memory_space<vmem_shared>>) target_semaphore(%arg15 : memref<!tpu.dma_semaphore, #tpu.memory_space<semaphore_mem>>)
    %mul3A_41 = arith.constant 640 : i32
    %mul3A_42 = arith.muli %arg1, %mul3A_41 : i32
    %add3A_43 = arith.constant 40 : i32
    %add3A_44 = arith.addi %mul3A_42, %add3A_43 : i32
    %dma_start3A_45 = arith.constant 0 : i32
    %dma_start3A_46 = arith.constant 0 : i32
    %dma_start3A_47 = tpu.memref_slice %arg8[%dma_start3A_45, %dma_start3A_46] : memref<200x128xf32, #tpu.memory_space<vmem>> -> memref<40x128xf32, #tpu.memory_space<vmem>>
    %dma_start3A_48 = arith.constant 0 : i32
    %dma_start3A_49 = arith.constant 0 : i32
    %dma_start3A_50 = tpu.memref_slice %dma_start3A_47[%dma_start3A_48, %dma_start3A_49] : memref<40x128xf32, #tpu.memory_space<vmem>> -> memref<40x128xf32, #tpu.memory_space<vmem>>
    %dma_start3A_51 = arith.constant 0 : i32
    %dma_start3A_52 = tpu.memref_slice %arg9[%add3A_44, %dma_start3A_51] : memref<10240x128xf32, #tpu.memory_space<vmem_shared>> -> memref<40x128xf32, #tpu.memory_space<vmem_shared>>
    %dma_start3A_53 = arith.constant 0 : i32
    %dma_start3A_54 = tpu.memref_slice %arg9[%add3A_44, %dma_start3A_53] : memref<10240x128xf32, #tpu.memory_space<vmem_shared>> -> memref<40x128xf32, #tpu.memory_space<vmem_shared>>
    %dma_start3A_55 = arith.constant 0 : i32
    %dma_start3A_56 = arith.constant 0 : i32
    %dma_start3A_57 = tpu.memref_slice %arg8[%dma_start3A_55, %dma_start3A_56] : memref<200x128xf32, #tpu.memory_space<vmem>> -> memref<40x128xf32, #tpu.memory_space<vmem>>
    %dma_start3A_58 = arith.constant 0 : i32
    %dma_start3A_59 = arith.constant 0 : i32
    %dma_start3A_60 = tpu.memref_slice %dma_start3A_57[%dma_start3A_58, %dma_start3A_59] : memref<40x128xf32, #tpu.memory_space<vmem>> -> memref<40x128xf32, #tpu.memory_space<vmem>>
    tpu.enqueue_dma source(%dma_start3A_60 : memref<40x128xf32, #tpu.memory_space<vmem>>) target(%dma_start3A_54 : memref<40x128xf32, #tpu.memory_space<vmem_shared>>) target_semaphore(%arg15 : memref<!tpu.dma_semaphore, #tpu.memory_space<semaphore_mem>>)
    %mul3A_61 = arith.constant 640 : i32
    %mul3A_62 = arith.muli %arg1, %mul3A_61 : i32
    %add3A_63 = arith.constant 80 : i32
    %add3A_64 = arith.addi %mul3A_62, %add3A_63 : i32
    %dma_start3A_65 = arith.constant 0 : i32
    %dma_start3A_66 = arith.constant 0 : i32
    %dma_start3A_67 = tpu.memref_slice %arg8[%dma_start3A_65, %dma_start3A_66] : memref<200x128xf32, #tpu.memory_space<vmem>> -> memref<40x128xf32, #tpu.memory_space<vmem>>
    %dma_start3A_68 = arith.constant 0 : i32
    %dma_start3A_69 = arith.constant 0 : i32
    %dma_start3A_70 = tpu.memref_slice %dma_start3A_67[%dma_start3A_68, %dma_start3A_69] : memref<40x128xf32, #tpu.memory_space<vmem>> -> memref<40x128xf32, #tpu.memory_space<vmem>>
    %dma_start3A_71 = arith.constant 0 : i32
    %dma_start3A_72 = tpu.memref_slice %arg9[%add3A_64, %dma_start3A_71] : memref<10240x128xf32, #tpu.memory_space<vmem_shared>> -> memref<40x128xf32, #tpu.memory_space<vmem_shared>>
    %dma_start3A_73 = arith.constant 0 : i32
    %dma_start3A_74 = tpu.memref_slice %arg9[%add3A_64, %dma_start3A_73] : memref<10240x128xf32, #tpu.memory_space<vmem_shared>> -> memref<40x128xf32, #tpu.memory_space<vmem_shared>>
    %dma_start3A_75 = arith.constant 0 : i32
    %dma_start3A_76 = arith.constant 0 : i32
    %dma_start3A_77 = tpu.memref_slice %arg8[%dma_start3A_75, %dma_start3A_76] : memref<200x128xf32, #tpu.memory_space<vmem>> -> memref<40x128xf32, #tpu.memory_space<vmem>>
    %dma_start3A_78 = arith.constant 0 : i32
    %dma_start3A_79 = arith.constant 0 : i32
    %dma_start3A_80 = tpu.memref_slice %dma_start3A_77[%dma_start3A_78, %dma_start3A_79] : memref<40x128xf32, #tpu.memory_space<vmem>> -> memref<40x128xf32, #tpu.memory_space<vmem>>
    tpu.enqueue_dma source(%dma_start3A_80 : memref<40x128xf32, #tpu.memory_space<vmem>>) target(%dma_start3A_74 : memref<40x128xf32, #tpu.memory_space<vmem_shared>>) target_semaphore(%arg15 : memref<!tpu.dma_semaphore, #tpu.memory_space<semaphore_mem>>)
    %mul3A_81 = arith.constant 640 : i32
    %mul3A_82 = arith.muli %arg1, %mul3A_81 : i32
    %add3A_83 = arith.constant 120 : i32
    %add3A_84 = arith.addi %mul3A_82, %add3A_83 : i32
    %dma_start3A_85 = arith.constant 0 : i32
    %dma_start3A_86 = arith.constant 0 : i32
    %dma_start3A_87 = tpu.memref_slice %arg8[%dma_start3A_85, %dma_start3A_86] : memref<200x128xf32, #tpu.memory_space<vmem>> -> memref<40x128xf32, #tpu.memory_space<vmem>>
    %dma_start3A_88 = arith.constant 0 : i32
    %dma_start3A_89 = arith.constant 0 : i32
    %dma_start3A_90 = tpu.memref_slice %dma_start3A_87[%dma_start3A_88, %dma_start3A_89] : memref<40x128xf32, #tpu.memory_space<vmem>> -> memref<40x128xf32, #tpu.memory_space<vmem>>
    %dma_start3A_91 = arith.constant 0 : i32
    %dma_start3A_92 = tpu.memref_slice %arg9[%add3A_84, %dma_start3A_91] : memref<10240x128xf32, #tpu.memory_space<vmem_shared>> -> memref<40x128xf32, #tpu.memory_space<vmem_shared>>
    %dma_start3A_93 = arith.constant 0 : i32
    %dma_start3A_94 = tpu.memref_slice %arg9[%add3A_84, %dma_start3A_93] : memref<10240x128xf32, #tpu.memory_space<vmem_shared>> -> memref<40x128xf32, #tpu.memory_space<vmem_shared>>
    %dma_start3A_95 = arith.constant 0 : i32
    %dma_start3A_96 = arith.constant 0 : i32
    %dma_start3A_97 = tpu.memref_slice %arg8[%dma_start3A_95, %dma_start3A_96] : memref<200x128xf32, #tpu.memory_space<vmem>> -> memref<40x128xf32, #tpu.memory_space<vmem>>
    %dma_start3A_98 = arith.constant 0 : i32
    %dma_start3A_99 = arith.constant 0 : i32
    %dma_start3A_100 = tpu.memref_slice %dma_start3A_97[%dma_start3A_98, %dma_start3A_99] : memref<40x128xf32, #tpu.memory_space<vmem>> -> memref<40x128xf32, #tpu.memory_space<vmem>>
    tpu.enqueue_dma source(%dma_start3A_100 : memref<40x128xf32, #tpu.memory_space<vmem>>) target(%dma_start3A_94 : memref<40x128xf32, #tpu.memory_space<vmem_shared>>) target_semaphore(%arg15 : memref<!tpu.dma_semaphore, #tpu.memory_space<semaphore_mem>>)
    %mul3A_101 = arith.constant 640 : i32
    %mul3A_102 = arith.muli %arg1, %mul3A_101 : i32
    %add3A_103 = arith.constant 160 : i32
    %add3A_104 = arith.addi %mul3A_102, %add3A_103 : i32
    %dma_start3A_105 = arith.constant 0 : i32
    %dma_start3A_106 = arith.constant 0 : i32
    %dma_start3A_107 = tpu.memref_slice %arg8[%dma_start3A_105, %dma_start3A_106] : memref<200x128xf32, #tpu.memory_space<vmem>> -> memref<40x128xf32, #tpu.memory_space<vmem>>
    %dma_start3A_108 = arith.constant 0 : i32
    %dma_start3A_109 = arith.constant 0 : i32
    %dma_start3A_110 = tpu.memref_slice %dma_start3A_107[%dma_start3A_108, %dma_start3A_109] : memref<40x128xf32, #tpu.memory_space<vmem>> -> memref<40x128xf32, #tpu.memory_space<vmem>>
    %dma_start3A_111 = arith.constant 0 : i32
    %dma_start3A_112 = tpu.memref_slice %arg9[%add3A_104, %dma_start3A_111] : memref<10240x128xf32, #tpu.memory_space<vmem_shared>> -> memref<40x128xf32, #tpu.memory_space<vmem_shared>>
    %dma_start3A_113 = arith.constant 0 : i32
    %dma_start3A_114 = tpu.memref_slice %arg9[%add3A_104, %dma_start3A_113] : memref<10240x128xf32, #tpu.memory_space<vmem_shared>> -> memref<40x128xf32, #tpu.memory_space<vmem_shared>>
    %dma_start3A_115 = arith.constant 0 : i32
    %dma_start3A_116 = arith.constant 0 : i32
    %dma_start3A_117 = tpu.memref_slice %arg8[%dma_start3A_115, %dma_start3A_116] : memref<200x128xf32, #tpu.memory_space<vmem>> -> memref<40x128xf32, #tpu.memory_space<vmem>>
    %dma_start3A_118 = arith.constant 0 : i32
    %dma_start3A_119 = arith.constant 0 : i32
    %dma_start3A_120 = tpu.memref_slice %dma_start3A_117[%dma_start3A_118, %dma_start3A_119] : memref<40x128xf32, #tpu.memory_space<vmem>> -> memref<40x128xf32, #tpu.memory_space<vmem>>
    tpu.enqueue_dma source(%dma_start3A_120 : memref<40x128xf32, #tpu.memory_space<vmem>>) target(%dma_start3A_114 : memref<40x128xf32, #tpu.memory_space<vmem_shared>>) target_semaphore(%arg15 : memref<!tpu.dma_semaphore, #tpu.memory_space<semaphore_mem>>)
    %mul3A_121 = arith.constant 640 : i32
    %mul3A_122 = arith.muli %arg1, %mul3A_121 : i32
    %add3A_123 = arith.constant 200 : i32
    %add3A_124 = arith.addi %mul3A_122, %add3A_123 : i32
    %dma_start3A_125 = arith.constant 0 : i32
    %dma_start3A_126 = arith.constant 0 : i32
    %dma_start3A_127 = tpu.memref_slice %arg8[%dma_start3A_125, %dma_start3A_126] : memref<200x128xf32, #tpu.memory_space<vmem>> -> memref<40x128xf32, #tpu.memory_space<vmem>>
    %dma_start3A_128 = arith.constant 0 : i32
    %dma_start3A_129 = arith.constant 0 : i32
    %dma_start3A_130 = tpu.memref_slice %dma_start3A_127[%dma_start3A_128, %dma_start3A_129] : memref<40x128xf32, #tpu.memory_space<vmem>> -> memref<40x128xf32, #tpu.memory_space<vmem>>
    %dma_start3A_131 = arith.constant 0 : i32
    %dma_start3A_132 = tpu.memref_slice %arg9[%add3A_124, %dma_start3A_131] : memref<10240x128xf32, #tpu.memory_space<vmem_shared>> -> memref<40x128xf32, #tpu.memory_space<vmem_shared>>
    %dma_start3A_133 = arith.constant 0 : i32
    %dma_start3A_134 = tpu.memref_slice %arg9[%add3A_124, %dma_start3A_133] : memref<10240x128xf32, #tpu.memory_space<vmem_shared>> -> memref<40x128xf32, #tpu.memory_space<vmem_shared>>
    %dma_start3A_135 = arith.constant 0 : i32
    %dma_start3A_136 = arith.constant 0 : i32
    %dma_start3A_137 = tpu.memref_slice %arg8[%dma_start3A_135, %dma_start3A_136] : memref<200x128xf32, #tpu.memory_space<vmem>> -> memref<40x128xf32, #tpu.memory_space<vmem>>
    %dma_start3A_138 = arith.constant 0 : i32
    %dma_start3A_139 = arith.constant 0 : i32
    %dma_start3A_140 = tpu.memref_slice %dma_start3A_137[%dma_start3A_138, %dma_start3A_139] : memref<40x128xf32, #tpu.memory_space<vmem>> -> memref<40x128xf32, #tpu.memory_space<vmem>>
    tpu.enqueue_dma source(%dma_start3A_140 : memref<40x128xf32, #tpu.memory_space<vmem>>) target(%dma_start3A_134 : memref<40x128xf32, #tpu.memory_space<vmem_shared>>) target_semaphore(%arg15 : memref<!tpu.dma_semaphore, #tpu.memory_space<semaphore_mem>>)
    %mul3A_141 = arith.constant 640 : i32
    %mul3A_142 = arith.muli %arg1, %mul3A_141 : i32
    %add3A_143 = arith.constant 240 : i32
    %add3A_144 = arith.addi %mul3A_142, %add3A_143 : i32
    %dma_start3A_145 = arith.constant 0 : i32
    %dma_start3A_146 = arith.constant 0 : i32
    %dma_start3A_147 = tpu.memref_slice %arg8[%dma_start3A_145, %dma_start3A_146] : memref<200x128xf32, #tpu.memory_space<vmem>> -> memref<40x128xf32, #tpu.memory_space<vmem>>
    %dma_start3A_148 = arith.constant 0 : i32
    %dma_start3A_149 = arith.constant 0 : i32
    %dma_start3A_150 = tpu.memref_slice %dma_start3A_147[%dma_start3A_148, %dma_start3A_149] : memref<40x128xf32, #tpu.memory_space<vmem>> -> memref<40x128xf32, #tpu.memory_space<vmem>>
    %dma_start3A_151 = arith.constant 0 : i32
    %dma_start3A_152 = tpu.memref_slice %arg9[%add3A_144, %dma_start3A_151] : memref<10240x128xf32, #tpu.memory_space<vmem_shared>> -> memref<40x128xf32, #tpu.memory_space<vmem_shared>>
    %dma_start3A_153 = arith.constant 0 : i32
    %dma_start3A_154 = tpu.memref_slice %arg9[%add3A_144, %dma_start3A_153] : memref<10240x128xf32, #tpu.memory_space<vmem_shared>> -> memref<40x128xf32, #tpu.memory_space<vmem_shared>>
    %dma_start3A_155 = arith.constant 0 : i32
    %dma_start3A_156 = arith.constant 0 : i32
    %dma_start3A_157 = tpu.memref_slice %arg8[%dma_start3A_155, %dma_start3A_156] : memref<200x128xf32, #tpu.memory_space<vmem>> -> memref<40x128xf32, #tpu.memory_space<vmem>>
    %dma_start3A_158 = arith.constant 0 : i32
    %dma_start3A_159 = arith.constant 0 : i32
    %dma_start3A_160 = tpu.memref_slice %dma_start3A_157[%dma_start3A_158, %dma_start3A_159] : memref<40x128xf32, #tpu.memory_space<vmem>> -> memref<40x128xf32, #tpu.memory_space<vmem>>
    tpu.enqueue_dma source(%dma_start3A_160 : memref<40x128xf32, #tpu.memory_space<vmem>>) target(%dma_start3A_154 : memref<40x128xf32, #tpu.memory_space<vmem_shared>>) target_semaphore(%arg15 : memref<!tpu.dma_semaphore, #tpu.memory_space<semaphore_mem>>)
    %mul3A_161 = arith.constant 640 : i32
    %mul3A_162 = arith.muli %arg1, %mul3A_161 : i32
    %add3A_163 = arith.constant 280 : i32
    %add3A_164 = arith.addi %mul3A_162, %add3A_163 : i32
    %dma_start3A_165 = arith.constant 0 : i32
    %dma_start3A_166 = arith.constant 0 : i32
    %dma_start3A_167 = tpu.memref_slice %arg8[%dma_start3A_165, %dma_start3A_166] : memref<200x128xf32, #tpu.memory_space<vmem>> -> memref<40x128xf32, #tpu.memory_space<vmem>>
    %dma_start3A_168 = arith.constant 0 : i32
    %dma_start3A_169 = arith.constant 0 : i32
    %dma_start3A_170 = tpu.memref_slice %dma_start3A_167[%dma_start3A_168, %dma_start3A_169] : memref<40x128xf32, #tpu.memory_space<vmem>> -> memref<40x128xf32, #tpu.memory_space<vmem>>
    %dma_start3A_171 = arith.constant 0 : i32
    %dma_start3A_172 = tpu.memref_slice %arg9[%add3A_164, %dma_start3A_171] : memref<10240x128xf32, #tpu.memory_space<vmem_shared>> -> memref<40x128xf32, #tpu.memory_space<vmem_shared>>
    %dma_start3A_173 = arith.constant 0 : i32
    %dma_start3A_174 = tpu.memref_slice %arg9[%add3A_164, %dma_start3A_173] : memref<10240x128xf32, #tpu.memory_space<vmem_shared>> -> memref<40x128xf32, #tpu.memory_space<vmem_shared>>
    %dma_start3A_175 = arith.constant 0 : i32
    %dma_start3A_176 = arith.constant 0 : i32
    %dma_start3A_177 = tpu.memref_slice %arg8[%dma_start3A_175, %dma_start3A_176] : memref<200x128xf32, #tpu.memory_space<vmem>> -> memref<40x128xf32, #tpu.memory_space<vmem>>
    %dma_start3A_178 = arith.constant 0 : i32
    %dma_start3A_179 = arith.constant 0 : i32
    %dma_start3A_180 = tpu.memref_slice %dma_start3A_177[%dma_start3A_178, %dma_start3A_179] : memref<40x128xf32, #tpu.memory_space<vmem>> -> memref<40x128xf32, #tpu.memory_space<vmem>>
    tpu.enqueue_dma source(%dma_start3A_180 : memref<40x128xf32, #tpu.memory_space<vmem>>) target(%dma_start3A_174 : memref<40x128xf32, #tpu.memory_space<vmem_shared>>) target_semaphore(%arg15 : memref<!tpu.dma_semaphore, #tpu.memory_space<semaphore_mem>>)
    %mul3A_181 = arith.constant 640 : i32
    %mul3A_182 = arith.muli %arg1, %mul3A_181 : i32
    %add3A_183 = arith.constant 320 : i32
    %add3A_184 = arith.addi %mul3A_182, %add3A_183 : i32
    %dma_start3A_185 = arith.constant 0 : i32
    %dma_start3A_186 = arith.constant 0 : i32
    %dma_start3A_187 = tpu.memref_slice %arg8[%dma_start3A_185, %dma_start3A_186] : memref<200x128xf32, #tpu.memory_space<vmem>> -> memref<40x128xf32, #tpu.memory_space<vmem>>
    %dma_start3A_188 = arith.constant 0 : i32
    %dma_start3A_189 = arith.constant 0 : i32
    %dma_start3A_190 = tpu.memref_slice %dma_start3A_187[%dma_start3A_188, %dma_start3A_189] : memref<40x128xf32, #tpu.memory_space<vmem>> -> memref<40x128xf32, #tpu.memory_space<vmem>>
    %dma_start3A_191 = arith.constant 0 : i32
    %dma_start3A_192 = tpu.memref_slice %arg9[%add3A_184, %dma_start3A_191] : memref<10240x128xf32, #tpu.memory_space<vmem_shared>> -> memref<40x128xf32, #tpu.memory_space<vmem_shared>>
    %dma_start3A_193 = arith.constant 0 : i32
    %dma_start3A_194 = tpu.memref_slice %arg9[%add3A_184, %dma_start3A_193] : memref<10240x128xf32, #tpu.memory_space<vmem_shared>> -> memref<40x128xf32, #tpu.memory_space<vmem_shared>>
    %dma_start3A_195 = arith.constant 0 : i32
    %dma_start3A_196 = arith.constant 0 : i32
    %dma_start3A_197 = tpu.memref_slice %arg8[%dma_start3A_195, %dma_start3A_196] : memref<200x128xf32, #tpu.memory_space<vmem>> -> memref<40x128xf32, #tpu.memory_space<vmem>>
    %dma_start3A_198 = arith.constant 0 : i32
    %dma_start3A_199 = arith.constant 0 : i32
    %dma_start3A_200 = tpu.memref_slice %dma_start3A_197[%dma_start3A_198, %dma_start3A_199] : memref<40x128xf32, #tpu.memory_space<vmem>> -> memref<40x128xf32, #tpu.memory_space<vmem>>
    tpu.enqueue_dma source(%dma_start3A_200 : memref<40x128xf32, #tpu.memory_space<vmem>>) target(%dma_start3A_194 : memref<40x128xf32, #tpu.memory_space<vmem_shared>>) target_semaphore(%arg15 : memref<!tpu.dma_semaphore, #tpu.memory_space<semaphore_mem>>)
    %mul3A_201 = arith.constant 640 : i32
    %mul3A_202 = arith.muli %arg1, %mul3A_201 : i32
    %add3A_203 = arith.constant 360 : i32
    %add3A_204 = arith.addi %mul3A_202, %add3A_203 : i32
    %dma_start3A_205 = arith.constant 0 : i32
    %dma_start3A_206 = arith.constant 0 : i32
    %dma_start3A_207 = tpu.memref_slice %arg8[%dma_start3A_205, %dma_start3A_206] : memref<200x128xf32, #tpu.memory_space<vmem>> -> memref<40x128xf32, #tpu.memory_space<vmem>>
    %dma_start3A_208 = arith.constant 0 : i32
    %dma_start3A_209 = arith.constant 0 : i32
    %dma_start3A_210 = tpu.memref_slice %dma_start3A_207[%dma_start3A_208, %dma_start3A_209] : memref<40x128xf32, #tpu.memory_space<vmem>> -> memref<40x128xf32, #tpu.memory_space<vmem>>
    %dma_start3A_211 = arith.constant 0 : i32
    %dma_start3A_212 = tpu.memref_slice %arg9[%add3A_204, %dma_start3A_211] : memref<10240x128xf32, #tpu.memory_space<vmem_shared>> -> memref<40x128xf32, #tpu.memory_space<vmem_shared>>
    %dma_start3A_213 = arith.constant 0 : i32
    %dma_start3A_214 = tpu.memref_slice %arg9[%add3A_204, %dma_start3A_213] : memref<10240x128xf32, #tpu.memory_space<vmem_shared>> -> memref<40x128xf32, #tpu.memory_space<vmem_shared>>
    %dma_start3A_215 = arith.constant 0 : i32
    %dma_start3A_216 = arith.constant 0 : i32
    %dma_start3A_217 = tpu.memref_slice %arg8[%dma_start3A_215, %dma_start3A_216] : memref<200x128xf32, #tpu.memory_space<vmem>> -> memref<40x128xf32, #tpu.memory_space<vmem>>
    %dma_start3A_218 = arith.constant 0 : i32
    %dma_start3A_219 = arith.constant 0 : i32
    %dma_start3A_220 = tpu.memref_slice %dma_start3A_217[%dma_start3A_218, %dma_start3A_219] : memref<40x128xf32, #tpu.memory_space<vmem>> -> memref<40x128xf32, #tpu.memory_space<vmem>>
    tpu.enqueue_dma source(%dma_start3A_220 : memref<40x128xf32, #tpu.memory_space<vmem>>) target(%dma_start3A_214 : memref<40x128xf32, #tpu.memory_space<vmem_shared>>) target_semaphore(%arg15 : memref<!tpu.dma_semaphore, #tpu.memory_space<semaphore_mem>>)
    %mul3A_221 = arith.constant 640 : i32
    %mul3A_222 = arith.muli %arg1, %mul3A_221 : i32
    %add3A_223 = arith.constant 400 : i32
    %add3A_224 = arith.addi %mul3A_222, %add3A_223 : i32
    %dma_start3A_225 = arith.constant 0 : i32
    %dma_start3A_226 = arith.constant 0 : i32
    %dma_start3A_227 = tpu.memref_slice %arg8[%dma_start3A_225, %dma_start3A_226] : memref<200x128xf32, #tpu.memory_space<vmem>> -> memref<40x128xf32, #tpu.memory_space<vmem>>
    %dma_start3A_228 = arith.constant 0 : i32
    %dma_start3A_229 = arith.constant 0 : i32
    %dma_start3A_230 = tpu.memref_slice %dma_start3A_227[%dma_start3A_228, %dma_start3A_229] : memref<40x128xf32, #tpu.memory_space<vmem>> -> memref<40x128xf32, #tpu.memory_space<vmem>>
    %dma_start3A_231 = arith.constant 0 : i32
    %dma_start3A_232 = tpu.memref_slice %arg9[%add3A_224, %dma_start3A_231] : memref<10240x128xf32, #tpu.memory_space<vmem_shared>> -> memref<40x128xf32, #tpu.memory_space<vmem_shared>>
    %dma_start3A_233 = arith.constant 0 : i32
    %dma_start3A_234 = tpu.memref_slice %arg9[%add3A_224, %dma_start3A_233] : memref<10240x128xf32, #tpu.memory_space<vmem_shared>> -> memref<40x128xf32, #tpu.memory_space<vmem_shared>>
    %dma_start3A_235 = arith.constant 0 : i32
    %dma_start3A_236 = arith.constant 0 : i32
    %dma_start3A_237 = tpu.memref_slice %arg8[%dma_start3A_235, %dma_start3A_236] : memref<200x128xf32, #tpu.memory_space<vmem>> -> memref<40x128xf32, #tpu.memory_space<vmem>>
    %dma_start3A_238 = arith.constant 0 : i32
    %dma_start3A_239 = arith.constant 0 : i32
    %dma_start3A_240 = tpu.memref_slice %dma_start3A_237[%dma_start3A_238, %dma_start3A_239] : memref<40x128xf32, #tpu.memory_space<vmem>> -> memref<40x128xf32, #tpu.memory_space<vmem>>
    tpu.enqueue_dma source(%dma_start3A_240 : memref<40x128xf32, #tpu.memory_space<vmem>>) target(%dma_start3A_234 : memref<40x128xf32, #tpu.memory_space<vmem_shared>>) target_semaphore(%arg15 : memref<!tpu.dma_semaphore, #tpu.memory_space<semaphore_mem>>)
    %mul3A_241 = arith.constant 640 : i32
    %mul3A_242 = arith.muli %arg1, %mul3A_241 : i32
    %add3A_243 = arith.constant 440 : i32
    %add3A_244 = arith.addi %mul3A_242, %add3A_243 : i32
    %dma_start3A_245 = arith.constant 0 : i32
    %dma_start3A_246 = arith.constant 0 : i32
    %dma_start3A_247 = tpu.memref_slice %arg8[%dma_start3A_245, %dma_start3A_246] : memref<200x128xf32, #tpu.memory_space<vmem>> -> memref<40x128xf32, #tpu.memory_space<vmem>>
    %dma_start3A_248 = arith.constant 0 : i32
    %dma_start3A_249 = arith.constant 0 : i32
    %dma_start3A_250 = tpu.memref_slice %dma_start3A_247[%dma_start3A_248, %dma_start3A_249] : memref<40x128xf32, #tpu.memory_space<vmem>> -> memref<40x128xf32, #tpu.memory_space<vmem>>
    %dma_start3A_251 = arith.constant 0 : i32
    %dma_start3A_252 = tpu.memref_slice %arg9[%add3A_244, %dma_start3A_251] : memref<10240x128xf32, #tpu.memory_space<vmem_shared>> -> memref<40x128xf32, #tpu.memory_space<vmem_shared>>
    %dma_start3A_253 = arith.constant 0 : i32
    %dma_start3A_254 = tpu.memref_slice %arg9[%add3A_244, %dma_start3A_253] : memref<10240x128xf32, #tpu.memory_space<vmem_shared>> -> memref<40x128xf32, #tpu.memory_space<vmem_shared>>
    %dma_start3A_255 = arith.constant 0 : i32
    %dma_start3A_256 = arith.constant 0 : i32
    %dma_start3A_257 = tpu.memref_slice %arg8[%dma_start3A_255, %dma_start3A_256] : memref<200x128xf32, #tpu.memory_space<vmem>> -> memref<40x128xf32, #tpu.memory_space<vmem>>
    %dma_start3A_258 = arith.constant 0 : i32
    %dma_start3A_259 = arith.constant 0 : i32
    %dma_start3A_260 = tpu.memref_slice %dma_start3A_257[%dma_start3A_258, %dma_start3A_259] : memref<40x128xf32, #tpu.memory_space<vmem>> -> memref<40x128xf32, #tpu.memory_space<vmem>>
    tpu.enqueue_dma source(%dma_start3A_260 : memref<40x128xf32, #tpu.memory_space<vmem>>) target(%dma_start3A_254 : memref<40x128xf32, #tpu.memory_space<vmem_shared>>) target_semaphore(%arg15 : memref<!tpu.dma_semaphore, #tpu.memory_space<semaphore_mem>>)
    %mul3A_261 = arith.constant 640 : i32
    %mul3A_262 = arith.muli %arg1, %mul3A_261 : i32
    %add3A_263 = arith.constant 480 : i32
    %add3A_264 = arith.addi %mul3A_262, %add3A_263 : i32
    %dma_start3A_265 = arith.constant 0 : i32
    %dma_start3A_266 = arith.constant 0 : i32
    %dma_start3A_267 = tpu.memref_slice %arg8[%dma_start3A_265, %dma_start3A_266] : memref<200x128xf32, #tpu.memory_space<vmem>> -> memref<40x128xf32, #tpu.memory_space<vmem>>
    %dma_start3A_268 = arith.constant 0 : i32
    %dma_start3A_269 = arith.constant 0 : i32
    %dma_start3A_270 = tpu.memref_slice %dma_start3A_267[%dma_start3A_268, %dma_start3A_269] : memref<40x128xf32, #tpu.memory_space<vmem>> -> memref<40x128xf32, #tpu.memory_space<vmem>>
    %dma_start3A_271 = arith.constant 0 : i32
    %dma_start3A_272 = tpu.memref_slice %arg9[%add3A_264, %dma_start3A_271] : memref<10240x128xf32, #tpu.memory_space<vmem_shared>> -> memref<40x128xf32, #tpu.memory_space<vmem_shared>>
    %dma_start3A_273 = arith.constant 0 : i32
    %dma_start3A_274 = tpu.memref_slice %arg9[%add3A_264, %dma_start3A_273] : memref<10240x128xf32, #tpu.memory_space<vmem_shared>> -> memref<40x128xf32, #tpu.memory_space<vmem_shared>>
    %dma_start3A_275 = arith.constant 0 : i32
    %dma_start3A_276 = arith.constant 0 : i32
    %dma_start3A_277 = tpu.memref_slice %arg8[%dma_start3A_275, %dma_start3A_276] : memref<200x128xf32, #tpu.memory_space<vmem>> -> memref<40x128xf32, #tpu.memory_space<vmem>>
    %dma_start3A_278 = arith.constant 0 : i32
    %dma_start3A_279 = arith.constant 0 : i32
    %dma_start3A_280 = tpu.memref_slice %dma_start3A_277[%dma_start3A_278, %dma_start3A_279] : memref<40x128xf32, #tpu.memory_space<vmem>> -> memref<40x128xf32, #tpu.memory_space<vmem>>
    tpu.enqueue_dma source(%dma_start3A_280 : memref<40x128xf32, #tpu.memory_space<vmem>>) target(%dma_start3A_274 : memref<40x128xf32, #tpu.memory_space<vmem_shared>>) target_semaphore(%arg15 : memref<!tpu.dma_semaphore, #tpu.memory_space<semaphore_mem>>)
    %mul3A_281 = arith.constant 640 : i32
    %mul3A_282 = arith.muli %arg1, %mul3A_281 : i32
    %add3A_283 = arith.constant 520 : i32
    %add3A_284 = arith.addi %mul3A_282, %add3A_283 : i32
    %dma_start3A_285 = arith.constant 0 : i32
    %dma_start3A_286 = arith.constant 0 : i32
    %dma_start3A_287 = tpu.memref_slice %arg8[%dma_start3A_285, %dma_start3A_286] : memref<200x128xf32, #tpu.memory_space<vmem>> -> memref<40x128xf32, #tpu.memory_space<vmem>>
    %dma_start3A_288 = arith.constant 0 : i32
    %dma_start3A_289 = arith.constant 0 : i32
    %dma_start3A_290 = tpu.memref_slice %dma_start3A_287[%dma_start3A_288, %dma_start3A_289] : memref<40x128xf32, #tpu.memory_space<vmem>> -> memref<40x128xf32, #tpu.memory_space<vmem>>
    %dma_start3A_291 = arith.constant 0 : i32
    %dma_start3A_292 = tpu.memref_slice %arg9[%add3A_284, %dma_start3A_291] : memref<10240x128xf32, #tpu.memory_space<vmem_shared>> -> memref<40x128xf32, #tpu.memory_space<vmem_shared>>
    %dma_start3A_293 = arith.constant 0 : i32
    %dma_start3A_294 = tpu.memref_slice %arg9[%add3A_284, %dma_start3A_293] : memref<10240x128xf32, #tpu.memory_space<vmem_shared>> -> memref<40x128xf32, #tpu.memory_space<vmem_shared>>
    %dma_start3A_295 = arith.constant 0 : i32
    %dma_start3A_296 = arith.constant 0 : i32
    %dma_start3A_297 = tpu.memref_slice %arg8[%dma_start3A_295, %dma_start3A_296] : memref<200x128xf32, #tpu.memory_space<vmem>> -> memref<40x128xf32, #tpu.memory_space<vmem>>
    %dma_start3A_298 = arith.constant 0 : i32
    %dma_start3A_299 = arith.constant 0 : i32
    %dma_start3A_300 = tpu.memref_slice %dma_start3A_297[%dma_start3A_298, %dma_start3A_299] : memref<40x128xf32, #tpu.memory_space<vmem>> -> memref<40x128xf32, #tpu.memory_space<vmem>>
    tpu.enqueue_dma source(%dma_start3A_300 : memref<40x128xf32, #tpu.memory_space<vmem>>) target(%dma_start3A_294 : memref<40x128xf32, #tpu.memory_space<vmem_shared>>) target_semaphore(%arg15 : memref<!tpu.dma_semaphore, #tpu.memory_space<semaphore_mem>>)
    %mul3A_301 = arith.constant 640 : i32
    %mul3A_302 = arith.muli %arg1, %mul3A_301 : i32
    %add3A_303 = arith.constant 560 : i32
    %add3A_304 = arith.addi %mul3A_302, %add3A_303 : i32
    %dma_start3A_305 = arith.constant 0 : i32
    %dma_start3A_306 = arith.constant 0 : i32
    %dma_start3A_307 = tpu.memref_slice %arg8[%dma_start3A_305, %dma_start3A_306] : memref<200x128xf32, #tpu.memory_space<vmem>> -> memref<40x128xf32, #tpu.memory_space<vmem>>
    %dma_start3A_308 = arith.constant 0 : i32
    %dma_start3A_309 = arith.constant 0 : i32
    %dma_start3A_310 = tpu.memref_slice %dma_start3A_307[%dma_start3A_308, %dma_start3A_309] : memref<40x128xf32, #tpu.memory_space<vmem>> -> memref<40x128xf32, #tpu.memory_space<vmem>>
    %dma_start3A_311 = arith.constant 0 : i32
    %dma_start3A_312 = tpu.memref_slice %arg9[%add3A_304, %dma_start3A_311] : memref<10240x128xf32, #tpu.memory_space<vmem_shared>> -> memref<40x128xf32, #tpu.memory_space<vmem_shared>>
    %dma_start3A_313 = arith.constant 0 : i32
    %dma_start3A_314 = tpu.memref_slice %arg9[%add3A_304, %dma_start3A_313] : memref<10240x128xf32, #tpu.memory_space<vmem_shared>> -> memref<40x128xf32, #tpu.memory_space<vmem_shared>>
    %dma_start3A_315 = arith.constant 0 : i32
    %dma_start3A_316 = arith.constant 0 : i32
    %dma_start3A_317 = tpu.memref_slice %arg8[%dma_start3A_315, %dma_start3A_316] : memref<200x128xf32, #tpu.memory_space<vmem>> -> memref<40x128xf32, #tpu.memory_space<vmem>>
    %dma_start3A_318 = arith.constant 0 : i32
    %dma_start3A_319 = arith.constant 0 : i32
    %dma_start3A_320 = tpu.memref_slice %dma_start3A_317[%dma_start3A_318, %dma_start3A_319] : memref<40x128xf32, #tpu.memory_space<vmem>> -> memref<40x128xf32, #tpu.memory_space<vmem>>
    tpu.enqueue_dma source(%dma_start3A_320 : memref<40x128xf32, #tpu.memory_space<vmem>>) target(%dma_start3A_314 : memref<40x128xf32, #tpu.memory_space<vmem_shared>>) target_semaphore(%arg15 : memref<!tpu.dma_semaphore, #tpu.memory_space<semaphore_mem>>)
    %mul3A_321 = arith.constant 640 : i32
    %mul3A_322 = arith.muli %arg1, %mul3A_321 : i32
    %add3A_323 = arith.constant 600 : i32
    %add3A_324 = arith.addi %mul3A_322, %add3A_323 : i32
    %dma_start3A_325 = arith.constant 0 : i32
    %dma_start3A_326 = arith.constant 0 : i32
    %dma_start3A_327 = tpu.memref_slice %arg8[%dma_start3A_325, %dma_start3A_326] : memref<200x128xf32, #tpu.memory_space<vmem>> -> memref<40x128xf32, #tpu.memory_space<vmem>>
    %dma_start3A_328 = arith.constant 0 : i32
    %dma_start3A_329 = arith.constant 0 : i32
    %dma_start3A_330 = tpu.memref_slice %dma_start3A_327[%dma_start3A_328, %dma_start3A_329] : memref<40x128xf32, #tpu.memory_space<vmem>> -> memref<40x128xf32, #tpu.memory_space<vmem>>
    %dma_start3A_331 = arith.constant 0 : i32
    %dma_start3A_332 = tpu.memref_slice %arg9[%add3A_324, %dma_start3A_331] : memref<10240x128xf32, #tpu.memory_space<vmem_shared>> -> memref<40x128xf32, #tpu.memory_space<vmem_shared>>
    %dma_start3A_333 = arith.constant 0 : i32
    %dma_start3A_334 = tpu.memref_slice %arg9[%add3A_324, %dma_start3A_333] : memref<10240x128xf32, #tpu.memory_space<vmem_shared>> -> memref<40x128xf32, #tpu.memory_space<vmem_shared>>
    %dma_start3A_335 = arith.constant 0 : i32
    %dma_start3A_336 = arith.constant 0 : i32
    %dma_start3A_337 = tpu.memref_slice %arg8[%dma_start3A_335, %dma_start3A_336] : memref<200x128xf32, #tpu.memory_space<vmem>> -> memref<40x128xf32, #tpu.memory_space<vmem>>
    %dma_start3A_338 = arith.constant 0 : i32
    %dma_start3A_339 = arith.constant 0 : i32
    %dma_start3A_340 = tpu.memref_slice %dma_start3A_337[%dma_start3A_338, %dma_start3A_339] : memref<40x128xf32, #tpu.memory_space<vmem>> -> memref<40x128xf32, #tpu.memory_space<vmem>>
    tpu.enqueue_dma source(%dma_start3A_340 : memref<40x128xf32, #tpu.memory_space<vmem>>) target(%dma_start3A_334 : memref<40x128xf32, #tpu.memory_space<vmem_shared>>) target_semaphore(%arg15 : memref<!tpu.dma_semaphore, #tpu.memory_space<semaphore_mem>>)
    %dma_wait3A = arith.constant 0 : i32
    %dma_wait3A_341 = arith.constant 0 : i32
    %dma_wait3A_342 = tpu.memref_slice %arg3[%add3A, %dma_wait3A, %dma_wait3A_341] : memref<32x250x40xi32, #tpu.memory_space<hbm>> -> memref<1x250x40xi32, #tpu.memory_space<hbm>>
    %dma_wait3A_343 = tpu.memref_squeeze %dma_wait3A_342 : memref<1x250x40xi32, #tpu.memory_space<hbm>> -> memref<250x40xi32, #tpu.memory_space<hbm>>
    %dma_wait3A_344 = arith.constant 0 : i32
    %dma_wait3A_345 = arith.constant 0 : i32
    %dma_wait3A_346 = tpu.memref_slice %arg3[%add3A, %dma_wait3A_344, %dma_wait3A_345] : memref<32x250x40xi32, #tpu.memory_space<hbm>> -> memref<1x250x40xi32, #tpu.memory_space<hbm>>
    %dma_wait3A_347 = tpu.memref_squeeze %dma_wait3A_346 : memref<1x250x40xi32, #tpu.memory_space<hbm>> -> memref<250x40xi32, #tpu.memory_space<hbm>>
    tpu.wait_dma2 semaphore(%arg10 : memref<!tpu.dma_semaphore, #tpu.memory_space<semaphore_mem>>) src(%dma_wait3A_347 : memref<250x40xi32, #tpu.memory_space<hbm>>) dst(%arg6 : memref<250x40xi32, #tpu.memory_space<vmem>>)
    %dma_wait3A_348 = arith.constant 0 : i32
    %dma_wait3A_349 = arith.constant 0 : i32
    %dma_wait3A_350 = tpu.memref_slice %arg4[%add3A, %dma_wait3A_348, %dma_wait3A_349] : memref<32x250x40xi32, #tpu.memory_space<hbm>> -> memref<1x250x40xi32, #tpu.memory_space<hbm>>
    %dma_wait3A_351 = tpu.memref_squeeze %dma_wait3A_350 : memref<1x250x40xi32, #tpu.memory_space<hbm>> -> memref<250x40xi32, #tpu.memory_space<hbm>>
    %dma_wait3A_352 = arith.constant 0 : i32
    %dma_wait3A_353 = arith.constant 0 : i32
    %dma_wait3A_354 = tpu.memref_slice %arg4[%add3A, %dma_wait3A_352, %dma_wait3A_353] : memref<32x250x40xi32, #tpu.memory_space<hbm>> -> memref<1x250x40xi32, #tpu.memory_space<hbm>>
    %dma_wait3A_355 = tpu.memref_squeeze %dma_wait3A_354 : memref<1x250x40xi32, #tpu.memory_space<hbm>> -> memref<250x40xi32, #tpu.memory_space<hbm>>
    tpu.wait_dma2 semaphore(%arg11 : memref<!tpu.dma_semaphore, #tpu.memory_space<semaphore_mem>>) src(%dma_wait3A_355 : memref<250x40xi32, #tpu.memory_space<hbm>>) dst(%arg7 : memref<250x40xi32, #tpu.memory_space<vmem>>)
    %mul3A_356 = arith.constant 640 : i32
    %mul3A_357 = arith.muli %arg1, %mul3A_356 : i32
    %dma_wait3A_358 = arith.constant 0 : i32
    %dma_wait3A_359 = arith.constant 0 : i32
    %dma_wait3A_360 = tpu.memref_slice %arg8[%dma_wait3A_358, %dma_wait3A_359] : memref<200x128xf32, #tpu.memory_space<vmem>> -> memref<40x128xf32, #tpu.memory_space<vmem>>
    %dma_wait3A_361 = arith.constant 0 : i32
    %dma_wait3A_362 = arith.constant 0 : i32
    %dma_wait3A_363 = tpu.memref_slice %dma_wait3A_360[%dma_wait3A_361, %dma_wait3A_362] : memref<40x128xf32, #tpu.memory_space<vmem>> -> memref<40x128xf32, #tpu.memory_space<vmem>>
    %dma_wait3A_364 = arith.constant 0 : i32
    %dma_wait3A_365 = tpu.memref_slice %arg9[%mul3A_357, %dma_wait3A_364] : memref<10240x128xf32, #tpu.memory_space<vmem_shared>> -> memref<40x128xf32, #tpu.memory_space<vmem_shared>>
    %dma_wait3A_366 = arith.constant 0 : i32
    %dma_wait3A_367 = tpu.memref_slice %arg9[%mul3A_357, %dma_wait3A_366] : memref<10240x128xf32, #tpu.memory_space<vmem_shared>> -> memref<40x128xf32, #tpu.memory_space<vmem_shared>>
    %dma_wait3A_368 = arith.constant 0 : i32
    %dma_wait3A_369 = arith.constant 0 : i32
    %dma_wait3A_370 = tpu.memref_slice %arg8[%dma_wait3A_368, %dma_wait3A_369] : memref<200x128xf32, #tpu.memory_space<vmem>> -> memref<40x128xf32, #tpu.memory_space<vmem>>
    %dma_wait3A_371 = arith.constant 0 : i32
    %dma_wait3A_372 = arith.constant 0 : i32
    %dma_wait3A_373 = tpu.memref_slice %dma_wait3A_370[%dma_wait3A_371, %dma_wait3A_372] : memref<40x128xf32, #tpu.memory_space<vmem>> -> memref<40x128xf32, #tpu.memory_space<vmem>>
    tpu.wait_dma2 semaphore(%arg15 : memref<!tpu.dma_semaphore, #tpu.memory_space<semaphore_mem>>) src(%dma_wait3A_373 : memref<40x128xf32, #tpu.memory_space<vmem>>) dst(%dma_wait3A_367 : memref<40x128xf32, #tpu.memory_space<vmem_shared>>)
    %mul3A_374 = arith.constant 640 : i32
    %mul3A_375 = arith.muli %arg1, %mul3A_374 : i32
    %dma_wait3A_376 = arith.constant 0 : i32
    %dma_wait3A_377 = arith.constant 0 : i32
    %dma_wait3A_378 = tpu.memref_slice %arg8[%dma_wait3A_376, %dma_wait3A_377] : memref<200x128xf32, #tpu.memory_space<vmem>> -> memref<40x128xf32, #tpu.memory_space<vmem>>
    %dma_wait3A_379 = arith.constant 0 : i32
    %dma_wait3A_380 = arith.constant 0 : i32
    %dma_wait3A_381 = tpu.memref_slice %dma_wait3A_378[%dma_wait3A_379, %dma_wait3A_380] : memref<40x128xf32, #tpu.memory_space<vmem>> -> memref<40x128xf32, #tpu.memory_space<vmem>>
    %dma_wait3A_382 = arith.constant 0 : i32
    %dma_wait3A_383 = tpu.memref_slice %arg9[%mul3A_375, %dma_wait3A_382] : memref<10240x128xf32, #tpu.memory_space<vmem_shared>> -> memref<40x128xf32, #tpu.memory_space<vmem_shared>>
    %dma_wait3A_384 = arith.constant 0 : i32
    %dma_wait3A_385 = tpu.memref_slice %arg9[%mul3A_375, %dma_wait3A_384] : memref<10240x128xf32, #tpu.memory_space<vmem_shared>> -> memref<40x128xf32, #tpu.memory_space<vmem_shared>>
    %dma_wait3A_386 = arith.constant 0 : i32
    %dma_wait3A_387 = arith.constant 0 : i32
    %dma_wait3A_388 = tpu.memref_slice %arg8[%dma_wait3A_386, %dma_wait3A_387] : memref<200x128xf32, #tpu.memory_space<vmem>> -> memref<40x128xf32, #tpu.memory_space<vmem>>
    %dma_wait3A_389 = arith.constant 0 : i32
    %dma_wait3A_390 = arith.constant 0 : i32
    %dma_wait3A_391 = tpu.memref_slice %dma_wait3A_388[%dma_wait3A_389, %dma_wait3A_390] : memref<40x128xf32, #tpu.memory_space<vmem>> -> memref<40x128xf32, #tpu.memory_space<vmem>>
    tpu.wait_dma2 semaphore(%arg15 : memref<!tpu.dma_semaphore, #tpu.memory_space<semaphore_mem>>) src(%dma_wait3A_391 : memref<40x128xf32, #tpu.memory_space<vmem>>) dst(%dma_wait3A_385 : memref<40x128xf32, #tpu.memory_space<vmem_shared>>)
    %mul3A_392 = arith.constant 640 : i32
    %mul3A_393 = arith.muli %arg1, %mul3A_392 : i32
    %dma_wait3A_394 = arith.constant 0 : i32
    %dma_wait3A_395 = arith.constant 0 : i32
    %dma_wait3A_396 = tpu.memref_slice %arg8[%dma_wait3A_394, %dma_wait3A_395] : memref<200x128xf32, #tpu.memory_space<vmem>> -> memref<40x128xf32, #tpu.memory_space<vmem>>
    %dma_wait3A_397 = arith.constant 0 : i32
    %dma_wait3A_398 = arith.constant 0 : i32
    %dma_wait3A_399 = tpu.memref_slice %dma_wait3A_396[%dma_wait3A_397, %dma_wait3A_398] : memref<40x128xf32, #tpu.memory_space<vmem>> -> memref<40x128xf32, #tpu.memory_space<vmem>>
    %dma_wait3A_400 = arith.constant 0 : i32
    %dma_wait3A_401 = tpu.memref_slice %arg9[%mul3A_393, %dma_wait3A_400] : memref<10240x128xf32, #tpu.memory_space<vmem_shared>> -> memref<40x128xf32, #tpu.memory_space<vmem_shared>>
    %dma_wait3A_402 = arith.constant 0 : i32
    %dma_wait3A_403 = tpu.memref_slice %arg9[%mul3A_393, %dma_wait3A_402] : memref<10240x128xf32, #tpu.memory_space<vmem_shared>> -> memref<40x128xf32, #tpu.memory_space<vmem_shared>>
    %dma_wait3A_404 = arith.constant 0 : i32
    %dma_wait3A_405 = arith.constant 0 : i32
    %dma_wait3A_406 = tpu.memref_slice %arg8[%dma_wait3A_404, %dma_wait3A_405] : memref<200x128xf32, #tpu.memory_space<vmem>> -> memref<40x128xf32, #tpu.memory_space<vmem>>
    %dma_wait3A_407 = arith.constant 0 : i32
    %dma_wait3A_408 = arith.constant 0 : i32
    %dma_wait3A_409 = tpu.memref_slice %dma_wait3A_406[%dma_wait3A_407, %dma_wait3A_408] : memref<40x128xf32, #tpu.memory_space<vmem>> -> memref<40x128xf32, #tpu.memory_space<vmem>>
    tpu.wait_dma2 semaphore(%arg15 : memref<!tpu.dma_semaphore, #tpu.memory_space<semaphore_mem>>) src(%dma_wait3A_409 : memref<40x128xf32, #tpu.memory_space<vmem>>) dst(%dma_wait3A_403 : memref<40x128xf32, #tpu.memory_space<vmem_shared>>)
    %mul3A_410 = arith.constant 640 : i32
    %mul3A_411 = arith.muli %arg1, %mul3A_410 : i32
    %dma_wait3A_412 = arith.constant 0 : i32
    %dma_wait3A_413 = arith.constant 0 : i32
    %dma_wait3A_414 = tpu.memref_slice %arg8[%dma_wait3A_412, %dma_wait3A_413] : memref<200x128xf32, #tpu.memory_space<vmem>> -> memref<40x128xf32, #tpu.memory_space<vmem>>
    %dma_wait3A_415 = arith.constant 0 : i32
    %dma_wait3A_416 = arith.constant 0 : i32
    %dma_wait3A_417 = tpu.memref_slice %dma_wait3A_414[%dma_wait3A_415, %dma_wait3A_416] : memref<40x128xf32, #tpu.memory_space<vmem>> -> memref<40x128xf32, #tpu.memory_space<vmem>>
    %dma_wait3A_418 = arith.constant 0 : i32
    %dma_wait3A_419 = tpu.memref_slice %arg9[%mul3A_411, %dma_wait3A_418] : memref<10240x128xf32, #tpu.memory_space<vmem_shared>> -> memref<40x128xf32, #tpu.memory_space<vmem_shared>>
    %dma_wait3A_420 = arith.constant 0 : i32
    %dma_wait3A_421 = tpu.memref_slice %arg9[%mul3A_411, %dma_wait3A_420] : memref<10240x128xf32, #tpu.memory_space<vmem_shared>> -> memref<40x128xf32, #tpu.memory_space<vmem_shared>>
    %dma_wait3A_422 = arith.constant 0 : i32
    %dma_wait3A_423 = arith.constant 0 : i32
    %dma_wait3A_424 = tpu.memref_slice %arg8[%dma_wait3A_422, %dma_wait3A_423] : memref<200x128xf32, #tpu.memory_space<vmem>> -> memref<40x128xf32, #tpu.memory_space<vmem>>
    %dma_wait3A_425 = arith.constant 0 : i32
    %dma_wait3A_426 = arith.constant 0 : i32
    %dma_wait3A_427 = tpu.memref_slice %dma_wait3A_424[%dma_wait3A_425, %dma_wait3A_426] : memref<40x128xf32, #tpu.memory_space<vmem>> -> memref<40x128xf32, #tpu.memory_space<vmem>>
    tpu.wait_dma2 semaphore(%arg15 : memref<!tpu.dma_semaphore, #tpu.memory_space<semaphore_mem>>) src(%dma_wait3A_427 : memref<40x128xf32, #tpu.memory_space<vmem>>) dst(%dma_wait3A_421 : memref<40x128xf32, #tpu.memory_space<vmem_shared>>)
    %mul3A_428 = arith.constant 640 : i32
    %mul3A_429 = arith.muli %arg1, %mul3A_428 : i32
    %dma_wait3A_430 = arith.constant 0 : i32
    %dma_wait3A_431 = arith.constant 0 : i32
    %dma_wait3A_432 = tpu.memref_slice %arg8[%dma_wait3A_430, %dma_wait3A_431] : memref<200x128xf32, #tpu.memory_space<vmem>> -> memref<40x128xf32, #tpu.memory_space<vmem>>
    %dma_wait3A_433 = arith.constant 0 : i32
    %dma_wait3A_434 = arith.constant 0 : i32
    %dma_wait3A_435 = tpu.memref_slice %dma_wait3A_432[%dma_wait3A_433, %dma_wait3A_434] : memref<40x128xf32, #tpu.memory_space<vmem>> -> memref<40x128xf32, #tpu.memory_space<vmem>>
    %dma_wait3A_436 = arith.constant 0 : i32
    %dma_wait3A_437 = tpu.memref_slice %arg9[%mul3A_429, %dma_wait3A_436] : memref<10240x128xf32, #tpu.memory_space<vmem_shared>> -> memref<40x128xf32, #tpu.memory_space<vmem_shared>>
    %dma_wait3A_438 = arith.constant 0 : i32
    %dma_wait3A_439 = tpu.memref_slice %arg9[%mul3A_429, %dma_wait3A_438] : memref<10240x128xf32, #tpu.memory_space<vmem_shared>> -> memref<40x128xf32, #tpu.memory_space<vmem_shared>>
    %dma_wait3A_440 = arith.constant 0 : i32
    %dma_wait3A_441 = arith.constant 0 : i32
    %dma_wait3A_442 = tpu.memref_slice %arg8[%dma_wait3A_440, %dma_wait3A_441] : memref<200x128xf32, #tpu.memory_space<vmem>> -> memref<40x128xf32, #tpu.memory_space<vmem>>
    %dma_wait3A_443 = arith.constant 0 : i32
    %dma_wait3A_444 = arith.constant 0 : i32
    %dma_wait3A_445 = tpu.memref_slice %dma_wait3A_442[%dma_wait3A_443, %dma_wait3A_444] : memref<40x128xf32, #tpu.memory_space<vmem>> -> memref<40x128xf32, #tpu.memory_space<vmem>>
    tpu.wait_dma2 semaphore(%arg15 : memref<!tpu.dma_semaphore, #tpu.memory_space<semaphore_mem>>) src(%dma_wait3A_445 : memref<40x128xf32, #tpu.memory_space<vmem>>) dst(%dma_wait3A_439 : memref<40x128xf32, #tpu.memory_space<vmem_shared>>)
    %mul3A_446 = arith.constant 640 : i32
    %mul3A_447 = arith.muli %arg1, %mul3A_446 : i32
    %dma_wait3A_448 = arith.constant 0 : i32
    %dma_wait3A_449 = arith.constant 0 : i32
    %dma_wait3A_450 = tpu.memref_slice %arg8[%dma_wait3A_448, %dma_wait3A_449] : memref<200x128xf32, #tpu.memory_space<vmem>> -> memref<40x128xf32, #tpu.memory_space<vmem>>
    %dma_wait3A_451 = arith.constant 0 : i32
    %dma_wait3A_452 = arith.constant 0 : i32
    %dma_wait3A_453 = tpu.memref_slice %dma_wait3A_450[%dma_wait3A_451, %dma_wait3A_452] : memref<40x128xf32, #tpu.memory_space<vmem>> -> memref<40x128xf32, #tpu.memory_space<vmem>>
    %dma_wait3A_454 = arith.constant 0 : i32
    %dma_wait3A_455 = tpu.memref_slice %arg9[%mul3A_447, %dma_wait3A_454] : memref<10240x128xf32, #tpu.memory_space<vmem_shared>> -> memref<40x128xf32, #tpu.memory_space<vmem_shared>>
    %dma_wait3A_456 = arith.constant 0 : i32
    %dma_wait3A_457 = tpu.memref_slice %arg9[%mul3A_447, %dma_wait3A_456] : memref<10240x128xf32, #tpu.memory_space<vmem_shared>> -> memref<40x128xf32, #tpu.memory_space<vmem_shared>>
    %dma_wait3A_458 = arith.constant 0 : i32
    %dma_wait3A_459 = arith.constant 0 : i32
    %dma_wait3A_460 = tpu.memref_slice %arg8[%dma_wait3A_458, %dma_wait3A_459] : memref<200x128xf32, #tpu.memory_space<vmem>> -> memref<40x128xf32, #tpu.memory_space<vmem>>
    %dma_wait3A_461 = arith.constant 0 : i32
    %dma_wait3A_462 = arith.constant 0 : i32
    %dma_wait3A_463 = tpu.memref_slice %dma_wait3A_460[%dma_wait3A_461, %dma_wait3A_462] : memref<40x128xf32, #tpu.memory_space<vmem>> -> memref<40x128xf32, #tpu.memory_space<vmem>>
    tpu.wait_dma2 semaphore(%arg15 : memref<!tpu.dma_semaphore, #tpu.memory_space<semaphore_mem>>) src(%dma_wait3A_463 : memref<40x128xf32, #tpu.memory_space<vmem>>) dst(%dma_wait3A_457 : memref<40x128xf32, #tpu.memory_space<vmem_shared>>)
    %mul3A_464 = arith.constant 640 : i32
    %mul3A_465 = arith.muli %arg1, %mul3A_464 : i32
    %dma_wait3A_466 = arith.constant 0 : i32
    %dma_wait3A_467 = arith.constant 0 : i32
    %dma_wait3A_468 = tpu.memref_slice %arg8[%dma_wait3A_466, %dma_wait3A_467] : memref<200x128xf32, #tpu.memory_space<vmem>> -> memref<40x128xf32, #tpu.memory_space<vmem>>
    %dma_wait3A_469 = arith.constant 0 : i32
    %dma_wait3A_470 = arith.constant 0 : i32
    %dma_wait3A_471 = tpu.memref_slice %dma_wait3A_468[%dma_wait3A_469, %dma_wait3A_470] : memref<40x128xf32, #tpu.memory_space<vmem>> -> memref<40x128xf32, #tpu.memory_space<vmem>>
    %dma_wait3A_472 = arith.constant 0 : i32
    %dma_wait3A_473 = tpu.memref_slice %arg9[%mul3A_465, %dma_wait3A_472] : memref<10240x128xf32, #tpu.memory_space<vmem_shared>> -> memref<40x128xf32, #tpu.memory_space<vmem_shared>>
    %dma_wait3A_474 = arith.constant 0 : i32
    %dma_wait3A_475 = tpu.memref_slice %arg9[%mul3A_465, %dma_wait3A_474] : memref<10240x128xf32, #tpu.memory_space<vmem_shared>> -> memref<40x128xf32, #tpu.memory_space<vmem_shared>>
    %dma_wait3A_476 = arith.constant 0 : i32
    %dma_wait3A_477 = arith.constant 0 : i32
    %dma_wait3A_478 = tpu.memref_slice %arg8[%dma_wait3A_476, %dma_wait3A_477] : memref<200x128xf32, #tpu.memory_space<vmem>> -> memref<40x128xf32, #tpu.memory_space<vmem>>
    %dma_wait3A_479 = arith.constant 0 : i32
    %dma_wait3A_480 = arith.constant 0 : i32
    %dma_wait3A_481 = tpu.memref_slice %dma_wait3A_478[%dma_wait3A_479, %dma_wait3A_480] : memref<40x128xf32, #tpu.memory_space<vmem>> -> memref<40x128xf32, #tpu.memory_space<vmem>>
    tpu.wait_dma2 semaphore(%arg15 : memref<!tpu.dma_semaphore, #tpu.memory_space<semaphore_mem>>) src(%dma_wait3A_481 : memref<40x128xf32, #tpu.memory_space<vmem>>) dst(%dma_wait3A_475 : memref<40x128xf32, #tpu.memory_space<vmem_shared>>)
    %mul3A_482 = arith.constant 640 : i32
    %mul3A_483 = arith.muli %arg1, %mul3A_482 : i32
    %dma_wait3A_484 = arith.constant 0 : i32
    %dma_wait3A_485 = arith.constant 0 : i32
    %dma_wait3A_486 = tpu.memref_slice %arg8[%dma_wait3A_484, %dma_wait3A_485] : memref<200x128xf32, #tpu.memory_space<vmem>> -> memref<40x128xf32, #tpu.memory_space<vmem>>
    %dma_wait3A_487 = arith.constant 0 : i32
    %dma_wait3A_488 = arith.constant 0 : i32
    %dma_wait3A_489 = tpu.memref_slice %dma_wait3A_486[%dma_wait3A_487, %dma_wait3A_488] : memref<40x128xf32, #tpu.memory_space<vmem>> -> memref<40x128xf32, #tpu.memory_space<vmem>>
    %dma_wait3A_490 = arith.constant 0 : i32
    %dma_wait3A_491 = tpu.memref_slice %arg9[%mul3A_483, %dma_wait3A_490] : memref<10240x128xf32, #tpu.memory_space<vmem_shared>> -> memref<40x128xf32, #tpu.memory_space<vmem_shared>>
    %dma_wait3A_492 = arith.constant 0 : i32
    %dma_wait3A_493 = tpu.memref_slice %arg9[%mul3A_483, %dma_wait3A_492] : memref<10240x128xf32, #tpu.memory_space<vmem_shared>> -> memref<40x128xf32, #tpu.memory_space<vmem_shared>>
    %dma_wait3A_494 = arith.constant 0 : i32
    %dma_wait3A_495 = arith.constant 0 : i32
    %dma_wait3A_496 = tpu.memref_slice %arg8[%dma_wait3A_494, %dma_wait3A_495] : memref<200x128xf32, #tpu.memory_space<vmem>> -> memref<40x128xf32, #tpu.memory_space<vmem>>
    %dma_wait3A_497 = arith.constant 0 : i32
    %dma_wait3A_498 = arith.constant 0 : i32
    %dma_wait3A_499 = tpu.memref_slice %dma_wait3A_496[%dma_wait3A_497, %dma_wait3A_498] : memref<40x128xf32, #tpu.memory_space<vmem>> -> memref<40x128xf32, #tpu.memory_space<vmem>>
    tpu.wait_dma2 semaphore(%arg15 : memref<!tpu.dma_semaphore, #tpu.memory_space<semaphore_mem>>) src(%dma_wait3A_499 : memref<40x128xf32, #tpu.memory_space<vmem>>) dst(%dma_wait3A_493 : memref<40x128xf32, #tpu.memory_space<vmem_shared>>)
    %mul3A_500 = arith.constant 640 : i32
    %mul3A_501 = arith.muli %arg1, %mul3A_500 : i32
    %dma_wait3A_502 = arith.constant 0 : i32
    %dma_wait3A_503 = arith.constant 0 : i32
    %dma_wait3A_504 = tpu.memref_slice %arg8[%dma_wait3A_502, %dma_wait3A_503] : memref<200x128xf32, #tpu.memory_space<vmem>> -> memref<40x128xf32, #tpu.memory_space<vmem>>
    %dma_wait3A_505 = arith.constant 0 : i32
    %dma_wait3A_506 = arith.constant 0 : i32
    %dma_wait3A_507 = tpu.memref_slice %dma_wait3A_504[%dma_wait3A_505, %dma_wait3A_506] : memref<40x128xf32, #tpu.memory_space<vmem>> -> memref<40x128xf32, #tpu.memory_space<vmem>>
    %dma_wait3A_508 = arith.constant 0 : i32
    %dma_wait3A_509 = tpu.memref_slice %arg9[%mul3A_501, %dma_wait3A_508] : memref<10240x128xf32, #tpu.memory_space<vmem_shared>> -> memref<40x128xf32, #tpu.memory_space<vmem_shared>>
    %dma_wait3A_510 = arith.constant 0 : i32
    %dma_wait3A_511 = tpu.memref_slice %arg9[%mul3A_501, %dma_wait3A_510] : memref<10240x128xf32, #tpu.memory_space<vmem_shared>> -> memref<40x128xf32, #tpu.memory_space<vmem_shared>>
    %dma_wait3A_512 = arith.constant 0 : i32
    %dma_wait3A_513 = arith.constant 0 : i32
    %dma_wait3A_514 = tpu.memref_slice %arg8[%dma_wait3A_512, %dma_wait3A_513] : memref<200x128xf32, #tpu.memory_space<vmem>> -> memref<40x128xf32, #tpu.memory_space<vmem>>
    %dma_wait3A_515 = arith.constant 0 : i32
    %dma_wait3A_516 = arith.constant 0 : i32
    %dma_wait3A_517 = tpu.memref_slice %dma_wait3A_514[%dma_wait3A_515, %dma_wait3A_516] : memref<40x128xf32, #tpu.memory_space<vmem>> -> memref<40x128xf32, #tpu.memory_space<vmem>>
    tpu.wait_dma2 semaphore(%arg15 : memref<!tpu.dma_semaphore, #tpu.memory_space<semaphore_mem>>) src(%dma_wait3A_517 : memref<40x128xf32, #tpu.memory_space<vmem>>) dst(%dma_wait3A_511 : memref<40x128xf32, #tpu.memory_space<vmem_shared>>)
    %mul3A_518 = arith.constant 640 : i32
    %mul3A_519 = arith.muli %arg1, %mul3A_518 : i32
    %dma_wait3A_520 = arith.constant 0 : i32
    %dma_wait3A_521 = arith.constant 0 : i32
    %dma_wait3A_522 = tpu.memref_slice %arg8[%dma_wait3A_520, %dma_wait3A_521] : memref<200x128xf32, #tpu.memory_space<vmem>> -> memref<40x128xf32, #tpu.memory_space<vmem>>
    %dma_wait3A_523 = arith.constant 0 : i32
    %dma_wait3A_524 = arith.constant 0 : i32
    %dma_wait3A_525 = tpu.memref_slice %dma_wait3A_522[%dma_wait3A_523, %dma_wait3A_524] : memref<40x128xf32, #tpu.memory_space<vmem>> -> memref<40x128xf32, #tpu.memory_space<vmem>>
    %dma_wait3A_526 = arith.constant 0 : i32
    %dma_wait3A_527 = tpu.memref_slice %arg9[%mul3A_519, %dma_wait3A_526] : memref<10240x128xf32, #tpu.memory_space<vmem_shared>> -> memref<40x128xf32, #tpu.memory_space<vmem_shared>>
    %dma_wait3A_528 = arith.constant 0 : i32
    %dma_wait3A_529 = tpu.memref_slice %arg9[%mul3A_519, %dma_wait3A_528] : memref<10240x128xf32, #tpu.memory_space<vmem_shared>> -> memref<40x128xf32, #tpu.memory_space<vmem_shared>>
    %dma_wait3A_530 = arith.constant 0 : i32
    %dma_wait3A_531 = arith.constant 0 : i32
    %dma_wait3A_532 = tpu.memref_slice %arg8[%dma_wait3A_530, %dma_wait3A_531] : memref<200x128xf32, #tpu.memory_space<vmem>> -> memref<40x128xf32, #tpu.memory_space<vmem>>
    %dma_wait3A_533 = arith.constant 0 : i32
    %dma_wait3A_534 = arith.constant 0 : i32
    %dma_wait3A_535 = tpu.memref_slice %dma_wait3A_532[%dma_wait3A_533, %dma_wait3A_534] : memref<40x128xf32, #tpu.memory_space<vmem>> -> memref<40x128xf32, #tpu.memory_space<vmem>>
    tpu.wait_dma2 semaphore(%arg15 : memref<!tpu.dma_semaphore, #tpu.memory_space<semaphore_mem>>) src(%dma_wait3A_535 : memref<40x128xf32, #tpu.memory_space<vmem>>) dst(%dma_wait3A_529 : memref<40x128xf32, #tpu.memory_space<vmem_shared>>)
    %mul3A_536 = arith.constant 640 : i32
    %mul3A_537 = arith.muli %arg1, %mul3A_536 : i32
    %dma_wait3A_538 = arith.constant 0 : i32
    %dma_wait3A_539 = arith.constant 0 : i32
    %dma_wait3A_540 = tpu.memref_slice %arg8[%dma_wait3A_538, %dma_wait3A_539] : memref<200x128xf32, #tpu.memory_space<vmem>> -> memref<40x128xf32, #tpu.memory_space<vmem>>
    %dma_wait3A_541 = arith.constant 0 : i32
    %dma_wait3A_542 = arith.constant 0 : i32
    %dma_wait3A_543 = tpu.memref_slice %dma_wait3A_540[%dma_wait3A_541, %dma_wait3A_542] : memref<40x128xf32, #tpu.memory_space<vmem>> -> memref<40x128xf32, #tpu.memory_space<vmem>>
    %dma_wait3A_544 = arith.constant 0 : i32
    %dma_wait3A_545 = tpu.memref_slice %arg9[%mul3A_537, %dma_wait3A_544] : memref<10240x128xf32, #tpu.memory_space<vmem_shared>> -> memref<40x128xf32, #tpu.memory_space<vmem_shared>>
    %dma_wait3A_546 = arith.constant 0 : i32
    %dma_wait3A_547 = tpu.memref_slice %arg9[%mul3A_537, %dma_wait3A_546] : memref<10240x128xf32, #tpu.memory_space<vmem_shared>> -> memref<40x128xf32, #tpu.memory_space<vmem_shared>>
    %dma_wait3A_548 = arith.constant 0 : i32
    %dma_wait3A_549 = arith.constant 0 : i32
    %dma_wait3A_550 = tpu.memref_slice %arg8[%dma_wait3A_548, %dma_wait3A_549] : memref<200x128xf32, #tpu.memory_space<vmem>> -> memref<40x128xf32, #tpu.memory_space<vmem>>
    %dma_wait3A_551 = arith.constant 0 : i32
    %dma_wait3A_552 = arith.constant 0 : i32
    %dma_wait3A_553 = tpu.memref_slice %dma_wait3A_550[%dma_wait3A_551, %dma_wait3A_552] : memref<40x128xf32, #tpu.memory_space<vmem>> -> memref<40x128xf32, #tpu.memory_space<vmem>>
    tpu.wait_dma2 semaphore(%arg15 : memref<!tpu.dma_semaphore, #tpu.memory_space<semaphore_mem>>) src(%dma_wait3A_553 : memref<40x128xf32, #tpu.memory_space<vmem>>) dst(%dma_wait3A_547 : memref<40x128xf32, #tpu.memory_space<vmem_shared>>)
    %mul3A_554 = arith.constant 640 : i32
    %mul3A_555 = arith.muli %arg1, %mul3A_554 : i32
    %dma_wait3A_556 = arith.constant 0 : i32
    %dma_wait3A_557 = arith.constant 0 : i32
    %dma_wait3A_558 = tpu.memref_slice %arg8[%dma_wait3A_556, %dma_wait3A_557] : memref<200x128xf32, #tpu.memory_space<vmem>> -> memref<40x128xf32, #tpu.memory_space<vmem>>
    %dma_wait3A_559 = arith.constant 0 : i32
    %dma_wait3A_560 = arith.constant 0 : i32
    %dma_wait3A_561 = tpu.memref_slice %dma_wait3A_558[%dma_wait3A_559, %dma_wait3A_560] : memref<40x128xf32, #tpu.memory_space<vmem>> -> memref<40x128xf32, #tpu.memory_space<vmem>>
    %dma_wait3A_562 = arith.constant 0 : i32
    %dma_wait3A_563 = tpu.memref_slice %arg9[%mul3A_555, %dma_wait3A_562] : memref<10240x128xf32, #tpu.memory_space<vmem_shared>> -> memref<40x128xf32, #tpu.memory_space<vmem_shared>>
    %dma_wait3A_564 = arith.constant 0 : i32
    %dma_wait3A_565 = tpu.memref_slice %arg9[%mul3A_555, %dma_wait3A_564] : memref<10240x128xf32, #tpu.memory_space<vmem_shared>> -> memref<40x128xf32, #tpu.memory_space<vmem_shared>>
    %dma_wait3A_566 = arith.constant 0 : i32
    %dma_wait3A_567 = arith.constant 0 : i32
    %dma_wait3A_568 = tpu.memref_slice %arg8[%dma_wait3A_566, %dma_wait3A_567] : memref<200x128xf32, #tpu.memory_space<vmem>> -> memref<40x128xf32, #tpu.memory_space<vmem>>
    %dma_wait3A_569 = arith.constant 0 : i32
    %dma_wait3A_570 = arith.constant 0 : i32
    %dma_wait3A_571 = tpu.memref_slice %dma_wait3A_568[%dma_wait3A_569, %dma_wait3A_570] : memref<40x128xf32, #tpu.memory_space<vmem>> -> memref<40x128xf32, #tpu.memory_space<vmem>>
    tpu.wait_dma2 semaphore(%arg15 : memref<!tpu.dma_semaphore, #tpu.memory_space<semaphore_mem>>) src(%dma_wait3A_571 : memref<40x128xf32, #tpu.memory_space<vmem>>) dst(%dma_wait3A_565 : memref<40x128xf32, #tpu.memory_space<vmem_shared>>)
    %mul3A_572 = arith.constant 640 : i32
    %mul3A_573 = arith.muli %arg1, %mul3A_572 : i32
    %dma_wait3A_574 = arith.constant 0 : i32
    %dma_wait3A_575 = arith.constant 0 : i32
    %dma_wait3A_576 = tpu.memref_slice %arg8[%dma_wait3A_574, %dma_wait3A_575] : memref<200x128xf32, #tpu.memory_space<vmem>> -> memref<40x128xf32, #tpu.memory_space<vmem>>
    %dma_wait3A_577 = arith.constant 0 : i32
    %dma_wait3A_578 = arith.constant 0 : i32
    %dma_wait3A_579 = tpu.memref_slice %dma_wait3A_576[%dma_wait3A_577, %dma_wait3A_578] : memref<40x128xf32, #tpu.memory_space<vmem>> -> memref<40x128xf32, #tpu.memory_space<vmem>>
    %dma_wait3A_580 = arith.constant 0 : i32
    %dma_wait3A_581 = tpu.memref_slice %arg9[%mul3A_573, %dma_wait3A_580] : memref<10240x128xf32, #tpu.memory_space<vmem_shared>> -> memref<40x128xf32, #tpu.memory_space<vmem_shared>>
    %dma_wait3A_582 = arith.constant 0 : i32
    %dma_wait3A_583 = tpu.memref_slice %arg9[%mul3A_573, %dma_wait3A_582] : memref<10240x128xf32, #tpu.memory_space<vmem_shared>> -> memref<40x128xf32, #tpu.memory_space<vmem_shared>>
    %dma_wait3A_584 = arith.constant 0 : i32
    %dma_wait3A_585 = arith.constant 0 : i32
    %dma_wait3A_586 = tpu.memref_slice %arg8[%dma_wait3A_584, %dma_wait3A_585] : memref<200x128xf32, #tpu.memory_space<vmem>> -> memref<40x128xf32, #tpu.memory_space<vmem>>
    %dma_wait3A_587 = arith.constant 0 : i32
    %dma_wait3A_588 = arith.constant 0 : i32
    %dma_wait3A_589 = tpu.memref_slice %dma_wait3A_586[%dma_wait3A_587, %dma_wait3A_588] : memref<40x128xf32, #tpu.memory_space<vmem>> -> memref<40x128xf32, #tpu.memory_space<vmem>>
    tpu.wait_dma2 semaphore(%arg15 : memref<!tpu.dma_semaphore, #tpu.memory_space<semaphore_mem>>) src(%dma_wait3A_589 : memref<40x128xf32, #tpu.memory_space<vmem>>) dst(%dma_wait3A_583 : memref<40x128xf32, #tpu.memory_space<vmem_shared>>)
    %mul3A_590 = arith.constant 640 : i32
    %mul3A_591 = arith.muli %arg1, %mul3A_590 : i32
    %dma_wait3A_592 = arith.constant 0 : i32
    %dma_wait3A_593 = arith.constant 0 : i32
    %dma_wait3A_594 = tpu.memref_slice %arg8[%dma_wait3A_592, %dma_wait3A_593] : memref<200x128xf32, #tpu.memory_space<vmem>> -> memref<40x128xf32, #tpu.memory_space<vmem>>
    %dma_wait3A_595 = arith.constant 0 : i32
    %dma_wait3A_596 = arith.constant 0 : i32
    %dma_wait3A_597 = tpu.memref_slice %dma_wait3A_594[%dma_wait3A_595, %dma_wait3A_596] : memref<40x128xf32, #tpu.memory_space<vmem>> -> memref<40x128xf32, #tpu.memory_space<vmem>>
    %dma_wait3A_598 = arith.constant 0 : i32
    %dma_wait3A_599 = tpu.memref_slice %arg9[%mul3A_591, %dma_wait3A_598] : memref<10240x128xf32, #tpu.memory_space<vmem_shared>> -> memref<40x128xf32, #tpu.memory_space<vmem_shared>>
    %dma_wait3A_600 = arith.constant 0 : i32
    %dma_wait3A_601 = tpu.memref_slice %arg9[%mul3A_591, %dma_wait3A_600] : memref<10240x128xf32, #tpu.memory_space<vmem_shared>> -> memref<40x128xf32, #tpu.memory_space<vmem_shared>>
    %dma_wait3A_602 = arith.constant 0 : i32
    %dma_wait3A_603 = arith.constant 0 : i32
    %dma_wait3A_604 = tpu.memref_slice %arg8[%dma_wait3A_602, %dma_wait3A_603] : memref<200x128xf32, #tpu.memory_space<vmem>> -> memref<40x128xf32, #tpu.memory_space<vmem>>
    %dma_wait3A_605 = arith.constant 0 : i32
    %dma_wait3A_606 = arith.constant 0 : i32
    %dma_wait3A_607 = tpu.memref_slice %dma_wait3A_604[%dma_wait3A_605, %dma_wait3A_606] : memref<40x128xf32, #tpu.memory_space<vmem>> -> memref<40x128xf32, #tpu.memory_space<vmem>>
    tpu.wait_dma2 semaphore(%arg15 : memref<!tpu.dma_semaphore, #tpu.memory_space<semaphore_mem>>) src(%dma_wait3A_607 : memref<40x128xf32, #tpu.memory_space<vmem>>) dst(%dma_wait3A_601 : memref<40x128xf32, #tpu.memory_space<vmem_shared>>)
    %mul3A_608 = arith.constant 640 : i32
    %mul3A_609 = arith.muli %arg1, %mul3A_608 : i32
    %dma_wait3A_610 = arith.constant 0 : i32
    %dma_wait3A_611 = arith.constant 0 : i32
    %dma_wait3A_612 = tpu.memref_slice %arg8[%dma_wait3A_610, %dma_wait3A_611] : memref<200x128xf32, #tpu.memory_space<vmem>> -> memref<40x128xf32, #tpu.memory_space<vmem>>
    %dma_wait3A_613 = arith.constant 0 : i32
    %dma_wait3A_614 = arith.constant 0 : i32
    %dma_wait3A_615 = tpu.memref_slice %dma_wait3A_612[%dma_wait3A_613, %dma_wait3A_614] : memref<40x128xf32, #tpu.memory_space<vmem>> -> memref<40x128xf32, #tpu.memory_space<vmem>>
    %dma_wait3A_616 = arith.constant 0 : i32
    %dma_wait3A_617 = tpu.memref_slice %arg9[%mul3A_609, %dma_wait3A_616] : memref<10240x128xf32, #tpu.memory_space<vmem_shared>> -> memref<40x128xf32, #tpu.memory_space<vmem_shared>>
    %dma_wait3A_618 = arith.constant 0 : i32
    %dma_wait3A_619 = tpu.memref_slice %arg9[%mul3A_609, %dma_wait3A_618] : memref<10240x128xf32, #tpu.memory_space<vmem_shared>> -> memref<40x128xf32, #tpu.memory_space<vmem_shared>>
    %dma_wait3A_620 = arith.constant 0 : i32
    %dma_wait3A_621 = arith.constant 0 : i32
    %dma_wait3A_622 = tpu.memref_slice %arg8[%dma_wait3A_620, %dma_wait3A_621] : memref<200x128xf32, #tpu.memory_space<vmem>> -> memref<40x128xf32, #tpu.memory_space<vmem>>
    %dma_wait3A_623 = arith.constant 0 : i32
    %dma_wait3A_624 = arith.constant 0 : i32
    %dma_wait3A_625 = tpu.memref_slice %dma_wait3A_622[%dma_wait3A_623, %dma_wait3A_624] : memref<40x128xf32, #tpu.memory_space<vmem>> -> memref<40x128xf32, #tpu.memory_space<vmem>>
    tpu.wait_dma2 semaphore(%arg15 : memref<!tpu.dma_semaphore, #tpu.memory_space<semaphore_mem>>) src(%dma_wait3A_625 : memref<40x128xf32, #tpu.memory_space<vmem>>) dst(%dma_wait3A_619 : memref<40x128xf32, #tpu.memory_space<vmem_shared>>)
    %mul3A_626 = arith.constant 640 : i32
    %mul3A_627 = arith.muli %arg1, %mul3A_626 : i32
    %dma_wait3A_628 = arith.constant 0 : i32
    %dma_wait3A_629 = arith.constant 0 : i32
    %dma_wait3A_630 = tpu.memref_slice %arg8[%dma_wait3A_628, %dma_wait3A_629] : memref<200x128xf32, #tpu.memory_space<vmem>> -> memref<40x128xf32, #tpu.memory_space<vmem>>
    %dma_wait3A_631 = arith.constant 0 : i32
    %dma_wait3A_632 = arith.constant 0 : i32
    %dma_wait3A_633 = tpu.memref_slice %dma_wait3A_630[%dma_wait3A_631, %dma_wait3A_632] : memref<40x128xf32, #tpu.memory_space<vmem>> -> memref<40x128xf32, #tpu.memory_space<vmem>>
    %dma_wait3A_634 = arith.constant 0 : i32
    %dma_wait3A_635 = tpu.memref_slice %arg9[%mul3A_627, %dma_wait3A_634] : memref<10240x128xf32, #tpu.memory_space<vmem_shared>> -> memref<40x128xf32, #tpu.memory_space<vmem_shared>>
    %dma_wait3A_636 = arith.constant 0 : i32
    %dma_wait3A_637 = tpu.memref_slice %arg9[%mul3A_627, %dma_wait3A_636] : memref<10240x128xf32, #tpu.memory_space<vmem_shared>> -> memref<40x128xf32, #tpu.memory_space<vmem_shared>>
    %dma_wait3A_638 = arith.constant 0 : i32
    %dma_wait3A_639 = arith.constant 0 : i32
    %dma_wait3A_640 = tpu.memref_slice %arg8[%dma_wait3A_638, %dma_wait3A_639] : memref<200x128xf32, #tpu.memory_space<vmem>> -> memref<40x128xf32, #tpu.memory_space<vmem>>
    %dma_wait3A_641 = arith.constant 0 : i32
    %dma_wait3A_642 = arith.constant 0 : i32
    %dma_wait3A_643 = tpu.memref_slice %dma_wait3A_640[%dma_wait3A_641, %dma_wait3A_642] : memref<40x128xf32, #tpu.memory_space<vmem>> -> memref<40x128xf32, #tpu.memory_space<vmem>>
    tpu.wait_dma2 semaphore(%arg15 : memref<!tpu.dma_semaphore, #tpu.memory_space<semaphore_mem>>) src(%dma_wait3A_643 : memref<40x128xf32, #tpu.memory_space<vmem>>) dst(%dma_wait3A_637 : memref<40x128xf32, #tpu.memory_space<vmem_shared>>)
    %barrier3A = arith.constant 0 : index
    tpu.barrier barrier_id(%barrier3A)
    %dma_start3A_644 = arith.constant 0 : i32
    %dma_start3A_645 = arith.constant 0 : i32
    %dma_start3A_646 = arith.constant 0 : i32
    %dma_start3A_647 = tpu.memref_slice %arg8[%dma_start3A_645, %dma_start3A_646] : memref<200x128xf32, #tpu.memory_space<vmem>> -> memref<40x128xf32, #tpu.memory_space<vmem>>
    %dma_start3A_648 = arith.constant 0 : i32
    %dma_start3A_649 = tpu.memref_slice %arg6[%dma_start3A_644, %dma_start3A_648] : memref<250x40xi32, #tpu.memory_space<vmem>> -> memref<1x40xi32, #tpu.memory_space<vmem>>
    %dma_start3A_650 = tpu.memref_squeeze %dma_start3A_649 : memref<1x40xi32, #tpu.memory_space<vmem>> -> memref<40xi32, #tpu.memory_space<vmem>>
    %dma_start3A_651 = arith.constant 0 : i32
    %dma_start3A_652 = arith.constant 0 : i32
    %dma_start3A_653 = tpu.memref_slice %arg2[%dma_start3A_651, %dma_start3A_652] : memref<10000x128xf32, #tpu.memory_space<hbm>> -> memref<10000x128xf32, #tpu.memory_space<hbm>>
    tpu.enqueue_indirect_dma source(%dma_start3A_653 : memref<10000x128xf32, #tpu.memory_space<hbm>>) target(%dma_start3A_647 : memref<40x128xf32, #tpu.memory_space<vmem>>) offsets(%dma_start3A_650 : memref<40xi32, #tpu.memory_space<vmem>>) semaphore(%arg10 : memref<!tpu.dma_semaphore, #tpu.memory_space<semaphore_mem>>)
    %dma_start3A_654 = arith.constant 1 : i32
    %dma_start3A_655 = arith.constant 40 : i32
    %dma_start3A_656 = arith.constant 0 : i32
    %dma_start3A_657 = tpu.memref_slice %arg8[%dma_start3A_655, %dma_start3A_656] : memref<200x128xf32, #tpu.memory_space<vmem>> -> memref<40x128xf32, #tpu.memory_space<vmem>>
    %dma_start3A_658 = arith.constant 0 : i32
    %dma_start3A_659 = tpu.memref_slice %arg6[%dma_start3A_654, %dma_start3A_658] : memref<250x40xi32, #tpu.memory_space<vmem>> -> memref<1x40xi32, #tpu.memory_space<vmem>>
    %dma_start3A_660 = tpu.memref_squeeze %dma_start3A_659 : memref<1x40xi32, #tpu.memory_space<vmem>> -> memref<40xi32, #tpu.memory_space<vmem>>
    %dma_start3A_661 = arith.constant 0 : i32
    %dma_start3A_662 = arith.constant 0 : i32
    %dma_start3A_663 = tpu.memref_slice %arg2[%dma_start3A_661, %dma_start3A_662] : memref<10000x128xf32, #tpu.memory_space<hbm>> -> memref<10000x128xf32, #tpu.memory_space<hbm>>
    tpu.enqueue_indirect_dma source(%dma_start3A_663 : memref<10000x128xf32, #tpu.memory_space<hbm>>) target(%dma_start3A_657 : memref<40x128xf32, #tpu.memory_space<vmem>>) offsets(%dma_start3A_660 : memref<40xi32, #tpu.memory_space<vmem>>) semaphore(%arg11 : memref<!tpu.dma_semaphore, #tpu.memory_space<semaphore_mem>>)
    %dma_start3A_664 = arith.constant 2 : i32
    %dma_start3A_665 = arith.constant 80 : i32
    %dma_start3A_666 = arith.constant 0 : i32
    %dma_start3A_667 = tpu.memref_slice %arg8[%dma_start3A_665, %dma_start3A_666] : memref<200x128xf32, #tpu.memory_space<vmem>> -> memref<40x128xf32, #tpu.memory_space<vmem>>
    %dma_start3A_668 = arith.constant 0 : i32
    %dma_start3A_669 = tpu.memref_slice %arg6[%dma_start3A_664, %dma_start3A_668] : memref<250x40xi32, #tpu.memory_space<vmem>> -> memref<1x40xi32, #tpu.memory_space<vmem>>
    %dma_start3A_670 = tpu.memref_squeeze %dma_start3A_669 : memref<1x40xi32, #tpu.memory_space<vmem>> -> memref<40xi32, #tpu.memory_space<vmem>>
    %dma_start3A_671 = arith.constant 0 : i32
    %dma_start3A_672 = arith.constant 0 : i32
    %dma_start3A_673 = tpu.memref_slice %arg2[%dma_start3A_671, %dma_start3A_672] : memref<10000x128xf32, #tpu.memory_space<hbm>> -> memref<10000x128xf32, #tpu.memory_space<hbm>>
    tpu.enqueue_indirect_dma source(%dma_start3A_673 : memref<10000x128xf32, #tpu.memory_space<hbm>>) target(%dma_start3A_667 : memref<40x128xf32, #tpu.memory_space<vmem>>) offsets(%dma_start3A_670 : memref<40xi32, #tpu.memory_space<vmem>>) semaphore(%arg12 : memref<!tpu.dma_semaphore, #tpu.memory_space<semaphore_mem>>)
    %dma_start3A_674 = arith.constant 3 : i32
    %dma_start3A_675 = arith.constant 120 : i32
    %dma_start3A_676 = arith.constant 0 : i32
    %dma_start3A_677 = tpu.memref_slice %arg8[%dma_start3A_675, %dma_start3A_676] : memref<200x128xf32, #tpu.memory_space<vmem>> -> memref<40x128xf32, #tpu.memory_space<vmem>>
    %dma_start3A_678 = arith.constant 0 : i32
    %dma_start3A_679 = tpu.memref_slice %arg6[%dma_start3A_674, %dma_start3A_678] : memref<250x40xi32, #tpu.memory_space<vmem>> -> memref<1x40xi32, #tpu.memory_space<vmem>>
    %dma_start3A_680 = tpu.memref_squeeze %dma_start3A_679 : memref<1x40xi32, #tpu.memory_space<vmem>> -> memref<40xi32, #tpu.memory_space<vmem>>
    %dma_start3A_681 = arith.constant 0 : i32
    %dma_start3A_682 = arith.constant 0 : i32
    %dma_start3A_683 = tpu.memref_slice %arg2[%dma_start3A_681, %dma_start3A_682] : memref<10000x128xf32, #tpu.memory_space<hbm>> -> memref<10000x128xf32, #tpu.memory_space<hbm>>
    tpu.enqueue_indirect_dma source(%dma_start3A_683 : memref<10000x128xf32, #tpu.memory_space<hbm>>) target(%dma_start3A_677 : memref<40x128xf32, #tpu.memory_space<vmem>>) offsets(%dma_start3A_680 : memref<40xi32, #tpu.memory_space<vmem>>) semaphore(%arg13 : memref<!tpu.dma_semaphore, #tpu.memory_space<semaphore_mem>>)
    %dma_start3A_684 = arith.constant 4 : i32
    %dma_start3A_685 = arith.constant 160 : i32
    %dma_start3A_686 = arith.constant 0 : i32
    %dma_start3A_687 = tpu.memref_slice %arg8[%dma_start3A_685, %dma_start3A_686] : memref<200x128xf32, #tpu.memory_space<vmem>> -> memref<40x128xf32, #tpu.memory_space<vmem>>
    %dma_start3A_688 = arith.constant 0 : i32
    %dma_start3A_689 = tpu.memref_slice %arg6[%dma_start3A_684, %dma_start3A_688] : memref<250x40xi32, #tpu.memory_space<vmem>> -> memref<1x40xi32, #tpu.memory_space<vmem>>
    %dma_start3A_690 = tpu.memref_squeeze %dma_start3A_689 : memref<1x40xi32, #tpu.memory_space<vmem>> -> memref<40xi32, #tpu.memory_space<vmem>>
    %dma_start3A_691 = arith.constant 0 : i32
    %dma_start3A_692 = arith.constant 0 : i32
    %dma_start3A_693 = tpu.memref_slice %arg2[%dma_start3A_691, %dma_start3A_692] : memref<10000x128xf32, #tpu.memory_space<hbm>> -> memref<10000x128xf32, #tpu.memory_space<hbm>>
    tpu.enqueue_indirect_dma source(%dma_start3A_693 : memref<10000x128xf32, #tpu.memory_space<hbm>>) target(%dma_start3A_687 : memref<40x128xf32, #tpu.memory_space<vmem>>) offsets(%dma_start3A_690 : memref<40xi32, #tpu.memory_space<vmem>>) semaphore(%arg14 : memref<!tpu.dma_semaphore, #tpu.memory_space<semaphore_mem>>)
    %scan3A_694 = arith.constant 0 : i32
    %scan3A_695 = arith.constant 0 : i32
    %scan3A_696 = arith.constant 50 : i32
    %scan3A_697 = arith.addi %scan3A_695, %scan3A_696 : i32
    %scan3A_698 = arith.constant 1 : i32
    scf.for %scan3A_705 = %scan3A_695 to %scan3A_697 step %scan3A_698  : i32 {
      %mul3A_706 = arith.constant 5 : i32
      %mul3A_707 = arith.muli %scan3A_705, %mul3A_706 : i32
      %add3A_708 = arith.constant 0 : i32
      %add3A_709 = arith.addi %mul3A_707, %add3A_708 : i32
      %dma_wait3A_710 = arith.constant 0 : i32
      %dma_wait3A_711 = arith.constant 0 : i32
      %dma_wait3A_712 = tpu.memref_slice %arg8[%dma_wait3A_710, %dma_wait3A_711] : memref<200x128xf32, #tpu.memory_space<vmem>> -> memref<40x128xf32, #tpu.memory_space<vmem>>
      %dma_wait3A_713 = arith.constant 0 : i32
      %dma_wait3A_714 = tpu.memref_slice %arg6[%add3A_709, %dma_wait3A_713] : memref<250x40xi32, #tpu.memory_space<vmem>> -> memref<1x40xi32, #tpu.memory_space<vmem>>
      %dma_wait3A_715 = tpu.memref_squeeze %dma_wait3A_714 : memref<1x40xi32, #tpu.memory_space<vmem>> -> memref<40xi32, #tpu.memory_space<vmem>>
      %dma_wait3A_716 = arith.constant 0 : i32
      %dma_wait3A_717 = arith.constant 0 : i32
      %dma_wait3A_718 = tpu.memref_slice %arg2[%dma_wait3A_716, %dma_wait3A_717] : memref<10000x128xf32, #tpu.memory_space<hbm>> -> memref<10000x128xf32, #tpu.memory_space<hbm>>
      tpu.wait_indirect_dma semaphore(%arg10 : memref<!tpu.dma_semaphore, #tpu.memory_space<semaphore_mem>>) src(%dma_wait3A_718 : memref<10000x128xf32, #tpu.memory_space<hbm>>) dst(%dma_wait3A_712 : memref<40x128xf32, #tpu.memory_space<vmem>>)
      "tpu.region"() ({
        %run_scoped3A = tpu.sem_alloc : memref<!tpu.dma_semaphore, #tpu.memory_space<semaphore_mem>>
        %dma_start3A_803 = arith.constant 0 : i32
        %dma_start3A_804 = arith.constant 0 : i32
        %dma_start3A_805 = tpu.memref_slice %arg8[%dma_start3A_803, %dma_start3A_804] : memref<200x128xf32, #tpu.memory_space<vmem>> -> memref<40x128xf32, #tpu.memory_space<vmem>>
        %dma_start3A_806 = arith.constant 0 : i32
        %dma_start3A_807 = tpu.memref_slice %arg7[%add3A_709, %dma_start3A_806] : memref<250x40xi32, #tpu.memory_space<vmem>> -> memref<1x40xi32, #tpu.memory_space<vmem>>
        %dma_start3A_808 = tpu.memref_squeeze %dma_start3A_807 : memref<1x40xi32, #tpu.memory_space<vmem>> -> memref<40xi32, #tpu.memory_space<vmem>>
        %dma_start3A_809 = arith.constant 0 : i32
        %dma_start3A_810 = arith.constant 0 : i32
        %dma_start3A_811 = tpu.memref_slice %arg9[%dma_start3A_809, %dma_start3A_810] : memref<10240x128xf32, #tpu.memory_space<vmem_shared>> -> memref<10240x128xf32, #tpu.memory_space<vmem_shared>>
        tpu.enqueue_indirect_dma source(%dma_start3A_805 : memref<40x128xf32, #tpu.memory_space<vmem>>) target(%dma_start3A_811 : memref<10240x128xf32, #tpu.memory_space<vmem_shared>>) offsets(%dma_start3A_808 : memref<40xi32, #tpu.memory_space<vmem>>) semaphore(%run_scoped3A : memref<!tpu.dma_semaphore, #tpu.memory_space<semaphore_mem>>) {add = true}
        %dma_wait3A_812 = arith.constant 0 : i32
        %dma_wait3A_813 = arith.constant 0 : i32
        %dma_wait3A_814 = tpu.memref_slice %arg8[%dma_wait3A_812, %dma_wait3A_813] : memref<200x128xf32, #tpu.memory_space<vmem>> -> memref<40x128xf32, #tpu.memory_space<vmem>>
        %dma_wait3A_815 = arith.constant 0 : i32
        %dma_wait3A_816 = tpu.memref_slice %arg7[%add3A_709, %dma_wait3A_815] : memref<250x40xi32, #tpu.memory_space<vmem>> -> memref<1x40xi32, #tpu.memory_space<vmem>>
        %dma_wait3A_817 = tpu.memref_squeeze %dma_wait3A_816 : memref<1x40xi32, #tpu.memory_space<vmem>> -> memref<40xi32, #tpu.memory_space<vmem>>
        %dma_wait3A_818 = arith.constant 0 : i32
        %dma_wait3A_819 = arith.constant 0 : i32
        %dma_wait3A_820 = tpu.memref_slice %arg9[%dma_wait3A_818, %dma_wait3A_819] : memref<10240x128xf32, #tpu.memory_space<vmem_shared>> -> memref<10240x128xf32, #tpu.memory_space<vmem_shared>>
        tpu.wait_indirect_dma semaphore(%run_scoped3A : memref<!tpu.dma_semaphore, #tpu.memory_space<semaphore_mem>>) src(%dma_wait3A_814 : memref<40x128xf32, #tpu.memory_space<vmem>>) dst(%dma_wait3A_820 : memref<10240x128xf32, #tpu.memory_space<vmem_shared>>)
        tpu.yield
      }) : () -> ()
      %add3A_719 = arith.constant 5 : i32
      %add3A_720 = arith.addi %add3A_709, %add3A_719 : i32
      %lt3A = arith.constant 250 : i32
      %lt3A_721 = arith.cmpi slt, %add3A_720, %lt3A : i32
      %convert_element_type3A = arith.extui %lt3A_721 : i1 to i32
      %cond3A = arith.constant 0 : i32
      %cond3A_722 = arith.cmpi ne, %convert_element_type3A, %cond3A : i32
      scf.if %cond3A_722 {
        %add3A_803 = arith.constant 5 : i32
        %add3A_804 = arith.addi %add3A_709, %add3A_803 : i32
        %dma_start3A_805 = arith.constant 0 : i32
        %dma_start3A_806 = arith.constant 0 : i32
        %dma_start3A_807 = tpu.memref_slice %arg8[%dma_start3A_805, %dma_start3A_806] : memref<200x128xf32, #tpu.memory_space<vmem>> -> memref<40x128xf32, #tpu.memory_space<vmem>>
        %dma_start3A_808 = arith.constant 0 : i32
        %dma_start3A_809 = tpu.memref_slice %arg6[%add3A_804, %dma_start3A_808] : memref<250x40xi32, #tpu.memory_space<vmem>> -> memref<1x40xi32, #tpu.memory_space<vmem>>
        %dma_start3A_810 = tpu.memref_squeeze %dma_start3A_809 : memref<1x40xi32, #tpu.memory_space<vmem>> -> memref<40xi32, #tpu.memory_space<vmem>>
        %dma_start3A_811 = arith.constant 0 : i32
        %dma_start3A_812 = arith.constant 0 : i32
        %dma_start3A_813 = tpu.memref_slice %arg2[%dma_start3A_811, %dma_start3A_812] : memref<10000x128xf32, #tpu.memory_space<hbm>> -> memref<10000x128xf32, #tpu.memory_space<hbm>>
        tpu.enqueue_indirect_dma source(%dma_start3A_813 : memref<10000x128xf32, #tpu.memory_space<hbm>>) target(%dma_start3A_807 : memref<40x128xf32, #tpu.memory_space<vmem>>) offsets(%dma_start3A_810 : memref<40xi32, #tpu.memory_space<vmem>>) semaphore(%arg10 : memref<!tpu.dma_semaphore, #tpu.memory_space<semaphore_mem>>)
      } else {
      }
      %mul3A_723 = arith.constant 5 : i32
      %mul3A_724 = arith.muli %scan3A_705, %mul3A_723 : i32
      %add3A_725 = arith.constant 1 : i32
      %add3A_726 = arith.addi %mul3A_724, %add3A_725 : i32
      %dma_wait3A_727 = arith.constant 40 : i32
      %dma_wait3A_728 = arith.constant 0 : i32
      %dma_wait3A_729 = tpu.memref_slice %arg8[%dma_wait3A_727, %dma_wait3A_728] : memref<200x128xf32, #tpu.memory_space<vmem>> -> memref<40x128xf32, #tpu.memory_space<vmem>>
      %dma_wait3A_730 = arith.constant 0 : i32
      %dma_wait3A_731 = tpu.memref_slice %arg6[%add3A_726, %dma_wait3A_730] : memref<250x40xi32, #tpu.memory_space<vmem>> -> memref<1x40xi32, #tpu.memory_space<vmem>>
      %dma_wait3A_732 = tpu.memref_squeeze %dma_wait3A_731 : memref<1x40xi32, #tpu.memory_space<vmem>> -> memref<40xi32, #tpu.memory_space<vmem>>
      %dma_wait3A_733 = arith.constant 0 : i32
      %dma_wait3A_734 = arith.constant 0 : i32
      %dma_wait3A_735 = tpu.memref_slice %arg2[%dma_wait3A_733, %dma_wait3A_734] : memref<10000x128xf32, #tpu.memory_space<hbm>> -> memref<10000x128xf32, #tpu.memory_space<hbm>>
      tpu.wait_indirect_dma semaphore(%arg11 : memref<!tpu.dma_semaphore, #tpu.memory_space<semaphore_mem>>) src(%dma_wait3A_735 : memref<10000x128xf32, #tpu.memory_space<hbm>>) dst(%dma_wait3A_729 : memref<40x128xf32, #tpu.memory_space<vmem>>)
      "tpu.region"() ({
        %run_scoped3A = tpu.sem_alloc : memref<!tpu.dma_semaphore, #tpu.memory_space<semaphore_mem>>
        %dma_start3A_803 = arith.constant 40 : i32
        %dma_start3A_804 = arith.constant 0 : i32
        %dma_start3A_805 = tpu.memref_slice %arg8[%dma_start3A_803, %dma_start3A_804] : memref<200x128xf32, #tpu.memory_space<vmem>> -> memref<40x128xf32, #tpu.memory_space<vmem>>
        %dma_start3A_806 = arith.constant 0 : i32
        %dma_start3A_807 = tpu.memref_slice %arg7[%add3A_726, %dma_start3A_806] : memref<250x40xi32, #tpu.memory_space<vmem>> -> memref<1x40xi32, #tpu.memory_space<vmem>>
        %dma_start3A_808 = tpu.memref_squeeze %dma_start3A_807 : memref<1x40xi32, #tpu.memory_space<vmem>> -> memref<40xi32, #tpu.memory_space<vmem>>
        %dma_start3A_809 = arith.constant 0 : i32
        %dma_start3A_810 = arith.constant 0 : i32
        %dma_start3A_811 = tpu.memref_slice %arg9[%dma_start3A_809, %dma_start3A_810] : memref<10240x128xf32, #tpu.memory_space<vmem_shared>> -> memref<10240x128xf32, #tpu.memory_space<vmem_shared>>
        tpu.enqueue_indirect_dma source(%dma_start3A_805 : memref<40x128xf32, #tpu.memory_space<vmem>>) target(%dma_start3A_811 : memref<10240x128xf32, #tpu.memory_space<vmem_shared>>) offsets(%dma_start3A_808 : memref<40xi32, #tpu.memory_space<vmem>>) semaphore(%run_scoped3A : memref<!tpu.dma_semaphore, #tpu.memory_space<semaphore_mem>>) {add = true}
        %dma_wait3A_812 = arith.constant 40 : i32
        %dma_wait3A_813 = arith.constant 0 : i32
        %dma_wait3A_814 = tpu.memref_slice %arg8[%dma_wait3A_812, %dma_wait3A_813] : memref<200x128xf32, #tpu.memory_space<vmem>> -> memref<40x128xf32, #tpu.memory_space<vmem>>
        %dma_wait3A_815 = arith.constant 0 : i32
        %dma_wait3A_816 = tpu.memref_slice %arg7[%add3A_726, %dma_wait3A_815] : memref<250x40xi32, #tpu.memory_space<vmem>> -> memref<1x40xi32, #tpu.memory_space<vmem>>
        %dma_wait3A_817 = tpu.memref_squeeze %dma_wait3A_816 : memref<1x40xi32, #tpu.memory_space<vmem>> -> memref<40xi32, #tpu.memory_space<vmem>>
        %dma_wait3A_818 = arith.constant 0 : i32
        %dma_wait3A_819 = arith.constant 0 : i32
        %dma_wait3A_820 = tpu.memref_slice %arg9[%dma_wait3A_818, %dma_wait3A_819] : memref<10240x128xf32, #tpu.memory_space<vmem_shared>> -> memref<10240x128xf32, #tpu.memory_space<vmem_shared>>
        tpu.wait_indirect_dma semaphore(%run_scoped3A : memref<!tpu.dma_semaphore, #tpu.memory_space<semaphore_mem>>) src(%dma_wait3A_814 : memref<40x128xf32, #tpu.memory_space<vmem>>) dst(%dma_wait3A_820 : memref<10240x128xf32, #tpu.memory_space<vmem_shared>>)
        tpu.yield
      }) : () -> ()
      %add3A_736 = arith.constant 5 : i32
      %add3A_737 = arith.addi %add3A_726, %add3A_736 : i32
      %lt3A_738 = arith.constant 250 : i32
      %lt3A_739 = arith.cmpi slt, %add3A_737, %lt3A_738 : i32
      %convert_element_type3A_740 = arith.extui %lt3A_739 : i1 to i32
      %cond3A_741 = arith.constant 0 : i32
      %cond3A_742 = arith.cmpi ne, %convert_element_type3A_740, %cond3A_741 : i32
      scf.if %cond3A_742 {
        %add3A_803 = arith.constant 5 : i32
        %add3A_804 = arith.addi %add3A_726, %add3A_803 : i32
        %dma_start3A_805 = arith.constant 40 : i32
        %dma_start3A_806 = arith.constant 0 : i32
        %dma_start3A_807 = tpu.memref_slice %arg8[%dma_start3A_805, %dma_start3A_806] : memref<200x128xf32, #tpu.memory_space<vmem>> -> memref<40x128xf32, #tpu.memory_space<vmem>>
        %dma_start3A_808 = arith.constant 0 : i32
        %dma_start3A_809 = tpu.memref_slice %arg6[%add3A_804, %dma_start3A_808] : memref<250x40xi32, #tpu.memory_space<vmem>> -> memref<1x40xi32, #tpu.memory_space<vmem>>
        %dma_start3A_810 = tpu.memref_squeeze %dma_start3A_809 : memref<1x40xi32, #tpu.memory_space<vmem>> -> memref<40xi32, #tpu.memory_space<vmem>>
        %dma_start3A_811 = arith.constant 0 : i32
        %dma_start3A_812 = arith.constant 0 : i32
        %dma_start3A_813 = tpu.memref_slice %arg2[%dma_start3A_811, %dma_start3A_812] : memref<10000x128xf32, #tpu.memory_space<hbm>> -> memref<10000x128xf32, #tpu.memory_space<hbm>>
        tpu.enqueue_indirect_dma source(%dma_start3A_813 : memref<10000x128xf32, #tpu.memory_space<hbm>>) target(%dma_start3A_807 : memref<40x128xf32, #tpu.memory_space<vmem>>) offsets(%dma_start3A_810 : memref<40xi32, #tpu.memory_space<vmem>>) semaphore(%arg11 : memref<!tpu.dma_semaphore, #tpu.memory_space<semaphore_mem>>)
      } else {
      }
      %mul3A_743 = arith.constant 5 : i32
      %mul3A_744 = arith.muli %scan3A_705, %mul3A_743 : i32
      %add3A_745 = arith.constant 2 : i32
      %add3A_746 = arith.addi %mul3A_744, %add3A_745 : i32
      %dma_wait3A_747 = arith.constant 80 : i32
      %dma_wait3A_748 = arith.constant 0 : i32
      %dma_wait3A_749 = tpu.memref_slice %arg8[%dma_wait3A_747, %dma_wait3A_748] : memref<200x128xf32, #tpu.memory_space<vmem>> -> memref<40x128xf32, #tpu.memory_space<vmem>>
      %dma_wait3A_750 = arith.constant 0 : i32
      %dma_wait3A_751 = tpu.memref_slice %arg6[%add3A_746, %dma_wait3A_750] : memref<250x40xi32, #tpu.memory_space<vmem>> -> memref<1x40xi32, #tpu.memory_space<vmem>>
      %dma_wait3A_752 = tpu.memref_squeeze %dma_wait3A_751 : memref<1x40xi32, #tpu.memory_space<vmem>> -> memref<40xi32, #tpu.memory_space<vmem>>
      %dma_wait3A_753 = arith.constant 0 : i32
      %dma_wait3A_754 = arith.constant 0 : i32
      %dma_wait3A_755 = tpu.memref_slice %arg2[%dma_wait3A_753, %dma_wait3A_754] : memref<10000x128xf32, #tpu.memory_space<hbm>> -> memref<10000x128xf32, #tpu.memory_space<hbm>>
      tpu.wait_indirect_dma semaphore(%arg12 : memref<!tpu.dma_semaphore, #tpu.memory_space<semaphore_mem>>) src(%dma_wait3A_755 : memref<10000x128xf32, #tpu.memory_space<hbm>>) dst(%dma_wait3A_749 : memref<40x128xf32, #tpu.memory_space<vmem>>)
      "tpu.region"() ({
        %run_scoped3A = tpu.sem_alloc : memref<!tpu.dma_semaphore, #tpu.memory_space<semaphore_mem>>
        %dma_start3A_803 = arith.constant 80 : i32
        %dma_start3A_804 = arith.constant 0 : i32
        %dma_start3A_805 = tpu.memref_slice %arg8[%dma_start3A_803, %dma_start3A_804] : memref<200x128xf32, #tpu.memory_space<vmem>> -> memref<40x128xf32, #tpu.memory_space<vmem>>
        %dma_start3A_806 = arith.constant 0 : i32
        %dma_start3A_807 = tpu.memref_slice %arg7[%add3A_746, %dma_start3A_806] : memref<250x40xi32, #tpu.memory_space<vmem>> -> memref<1x40xi32, #tpu.memory_space<vmem>>
        %dma_start3A_808 = tpu.memref_squeeze %dma_start3A_807 : memref<1x40xi32, #tpu.memory_space<vmem>> -> memref<40xi32, #tpu.memory_space<vmem>>
        %dma_start3A_809 = arith.constant 0 : i32
        %dma_start3A_810 = arith.constant 0 : i32
        %dma_start3A_811 = tpu.memref_slice %arg9[%dma_start3A_809, %dma_start3A_810] : memref<10240x128xf32, #tpu.memory_space<vmem_shared>> -> memref<10240x128xf32, #tpu.memory_space<vmem_shared>>
        tpu.enqueue_indirect_dma source(%dma_start3A_805 : memref<40x128xf32, #tpu.memory_space<vmem>>) target(%dma_start3A_811 : memref<10240x128xf32, #tpu.memory_space<vmem_shared>>) offsets(%dma_start3A_808 : memref<40xi32, #tpu.memory_space<vmem>>) semaphore(%run_scoped3A : memref<!tpu.dma_semaphore, #tpu.memory_space<semaphore_mem>>) {add = true}
        %dma_wait3A_812 = arith.constant 80 : i32
        %dma_wait3A_813 = arith.constant 0 : i32
        %dma_wait3A_814 = tpu.memref_slice %arg8[%dma_wait3A_812, %dma_wait3A_813] : memref<200x128xf32, #tpu.memory_space<vmem>> -> memref<40x128xf32, #tpu.memory_space<vmem>>
        %dma_wait3A_815 = arith.constant 0 : i32
        %dma_wait3A_816 = tpu.memref_slice %arg7[%add3A_746, %dma_wait3A_815] : memref<250x40xi32, #tpu.memory_space<vmem>> -> memref<1x40xi32, #tpu.memory_space<vmem>>
        %dma_wait3A_817 = tpu.memref_squeeze %dma_wait3A_816 : memref<1x40xi32, #tpu.memory_space<vmem>> -> memref<40xi32, #tpu.memory_space<vmem>>
        %dma_wait3A_818 = arith.constant 0 : i32
        %dma_wait3A_819 = arith.constant 0 : i32
        %dma_wait3A_820 = tpu.memref_slice %arg9[%dma_wait3A_818, %dma_wait3A_819] : memref<10240x128xf32, #tpu.memory_space<vmem_shared>> -> memref<10240x128xf32, #tpu.memory_space<vmem_shared>>
        tpu.wait_indirect_dma semaphore(%run_scoped3A : memref<!tpu.dma_semaphore, #tpu.memory_space<semaphore_mem>>) src(%dma_wait3A_814 : memref<40x128xf32, #tpu.memory_space<vmem>>) dst(%dma_wait3A_820 : memref<10240x128xf32, #tpu.memory_space<vmem_shared>>)
        tpu.yield
      }) : () -> ()
      %add3A_756 = arith.constant 5 : i32
      %add3A_757 = arith.addi %add3A_746, %add3A_756 : i32
      %lt3A_758 = arith.constant 250 : i32
      %lt3A_759 = arith.cmpi slt, %add3A_757, %lt3A_758 : i32
      %convert_element_type3A_760 = arith.extui %lt3A_759 : i1 to i32
      %cond3A_761 = arith.constant 0 : i32
      %cond3A_762 = arith.cmpi ne, %convert_element_type3A_760, %cond3A_761 : i32
      scf.if %cond3A_762 {
        %add3A_803 = arith.constant 5 : i32
        %add3A_804 = arith.addi %add3A_746, %add3A_803 : i32
        %dma_start3A_805 = arith.constant 80 : i32
        %dma_start3A_806 = arith.constant 0 : i32
        %dma_start3A_807 = tpu.memref_slice %arg8[%dma_start3A_805, %dma_start3A_806] : memref<200x128xf32, #tpu.memory_space<vmem>> -> memref<40x128xf32, #tpu.memory_space<vmem>>
        %dma_start3A_808 = arith.constant 0 : i32
        %dma_start3A_809 = tpu.memref_slice %arg6[%add3A_804, %dma_start3A_808] : memref<250x40xi32, #tpu.memory_space<vmem>> -> memref<1x40xi32, #tpu.memory_space<vmem>>
        %dma_start3A_810 = tpu.memref_squeeze %dma_start3A_809 : memref<1x40xi32, #tpu.memory_space<vmem>> -> memref<40xi32, #tpu.memory_space<vmem>>
        %dma_start3A_811 = arith.constant 0 : i32
        %dma_start3A_812 = arith.constant 0 : i32
        %dma_start3A_813 = tpu.memref_slice %arg2[%dma_start3A_811, %dma_start3A_812] : memref<10000x128xf32, #tpu.memory_space<hbm>> -> memref<10000x128xf32, #tpu.memory_space<hbm>>
        tpu.enqueue_indirect_dma source(%dma_start3A_813 : memref<10000x128xf32, #tpu.memory_space<hbm>>) target(%dma_start3A_807 : memref<40x128xf32, #tpu.memory_space<vmem>>) offsets(%dma_start3A_810 : memref<40xi32, #tpu.memory_space<vmem>>) semaphore(%arg12 : memref<!tpu.dma_semaphore, #tpu.memory_space<semaphore_mem>>)
      } else {
      }
      %mul3A_763 = arith.constant 5 : i32
      %mul3A_764 = arith.muli %scan3A_705, %mul3A_763 : i32
      %add3A_765 = arith.constant 3 : i32
      %add3A_766 = arith.addi %mul3A_764, %add3A_765 : i32
      %dma_wait3A_767 = arith.constant 120 : i32
      %dma_wait3A_768 = arith.constant 0 : i32
      %dma_wait3A_769 = tpu.memref_slice %arg8[%dma_wait3A_767, %dma_wait3A_768] : memref<200x128xf32, #tpu.memory_space<vmem>> -> memref<40x128xf32, #tpu.memory_space<vmem>>
      %dma_wait3A_770 = arith.constant 0 : i32
      %dma_wait3A_771 = tpu.memref_slice %arg6[%add3A_766, %dma_wait3A_770] : memref<250x40xi32, #tpu.memory_space<vmem>> -> memref<1x40xi32, #tpu.memory_space<vmem>>
      %dma_wait3A_772 = tpu.memref_squeeze %dma_wait3A_771 : memref<1x40xi32, #tpu.memory_space<vmem>> -> memref<40xi32, #tpu.memory_space<vmem>>
      %dma_wait3A_773 = arith.constant 0 : i32
      %dma_wait3A_774 = arith.constant 0 : i32
      %dma_wait3A_775 = tpu.memref_slice %arg2[%dma_wait3A_773, %dma_wait3A_774] : memref<10000x128xf32, #tpu.memory_space<hbm>> -> memref<10000x128xf32, #tpu.memory_space<hbm>>
      tpu.wait_indirect_dma semaphore(%arg13 : memref<!tpu.dma_semaphore, #tpu.memory_space<semaphore_mem>>) src(%dma_wait3A_775 : memref<10000x128xf32, #tpu.memory_space<hbm>>) dst(%dma_wait3A_769 : memref<40x128xf32, #tpu.memory_space<vmem>>)
      "tpu.region"() ({
        %run_scoped3A = tpu.sem_alloc : memref<!tpu.dma_semaphore, #tpu.memory_space<semaphore_mem>>
        %dma_start3A_803 = arith.constant 120 : i32
        %dma_start3A_804 = arith.constant 0 : i32
        %dma_start3A_805 = tpu.memref_slice %arg8[%dma_start3A_803, %dma_start3A_804] : memref<200x128xf32, #tpu.memory_space<vmem>> -> memref<40x128xf32, #tpu.memory_space<vmem>>
        %dma_start3A_806 = arith.constant 0 : i32
        %dma_start3A_807 = tpu.memref_slice %arg7[%add3A_766, %dma_start3A_806] : memref<250x40xi32, #tpu.memory_space<vmem>> -> memref<1x40xi32, #tpu.memory_space<vmem>>
        %dma_start3A_808 = tpu.memref_squeeze %dma_start3A_807 : memref<1x40xi32, #tpu.memory_space<vmem>> -> memref<40xi32, #tpu.memory_space<vmem>>
        %dma_start3A_809 = arith.constant 0 : i32
        %dma_start3A_810 = arith.constant 0 : i32
        %dma_start3A_811 = tpu.memref_slice %arg9[%dma_start3A_809, %dma_start3A_810] : memref<10240x128xf32, #tpu.memory_space<vmem_shared>> -> memref<10240x128xf32, #tpu.memory_space<vmem_shared>>
        tpu.enqueue_indirect_dma source(%dma_start3A_805 : memref<40x128xf32, #tpu.memory_space<vmem>>) target(%dma_start3A_811 : memref<10240x128xf32, #tpu.memory_space<vmem_shared>>) offsets(%dma_start3A_808 : memref<40xi32, #tpu.memory_space<vmem>>) semaphore(%run_scoped3A : memref<!tpu.dma_semaphore, #tpu.memory_space<semaphore_mem>>) {add = true}
        %dma_wait3A_812 = arith.constant 120 : i32
        %dma_wait3A_813 = arith.constant 0 : i32
        %dma_wait3A_814 = tpu.memref_slice %arg8[%dma_wait3A_812, %dma_wait3A_813] : memref<200x128xf32, #tpu.memory_space<vmem>> -> memref<40x128xf32, #tpu.memory_space<vmem>>
        %dma_wait3A_815 = arith.constant 0 : i32
        %dma_wait3A_816 = tpu.memref_slice %arg7[%add3A_766, %dma_wait3A_815] : memref<250x40xi32, #tpu.memory_space<vmem>> -> memref<1x40xi32, #tpu.memory_space<vmem>>
        %dma_wait3A_817 = tpu.memref_squeeze %dma_wait3A_816 : memref<1x40xi32, #tpu.memory_space<vmem>> -> memref<40xi32, #tpu.memory_space<vmem>>
        %dma_wait3A_818 = arith.constant 0 : i32
        %dma_wait3A_819 = arith.constant 0 : i32
        %dma_wait3A_820 = tpu.memref_slice %arg9[%dma_wait3A_818, %dma_wait3A_819] : memref<10240x128xf32, #tpu.memory_space<vmem_shared>> -> memref<10240x128xf32, #tpu.memory_space<vmem_shared>>
        tpu.wait_indirect_dma semaphore(%run_scoped3A : memref<!tpu.dma_semaphore, #tpu.memory_space<semaphore_mem>>) src(%dma_wait3A_814 : memref<40x128xf32, #tpu.memory_space<vmem>>) dst(%dma_wait3A_820 : memref<10240x128xf32, #tpu.memory_space<vmem_shared>>)
        tpu.yield
      }) : () -> ()
      %add3A_776 = arith.constant 5 : i32
      %add3A_777 = arith.addi %add3A_766, %add3A_776 : i32
      %lt3A_778 = arith.constant 250 : i32
      %lt3A_779 = arith.cmpi slt, %add3A_777, %lt3A_778 : i32
      %convert_element_type3A_780 = arith.extui %lt3A_779 : i1 to i32
      %cond3A_781 = arith.constant 0 : i32
      %cond3A_782 = arith.cmpi ne, %convert_element_type3A_780, %cond3A_781 : i32
      scf.if %cond3A_782 {
        %add3A_803 = arith.constant 5 : i32
        %add3A_804 = arith.addi %add3A_766, %add3A_803 : i32
        %dma_start3A_805 = arith.constant 120 : i32
        %dma_start3A_806 = arith.constant 0 : i32
        %dma_start3A_807 = tpu.memref_slice %arg8[%dma_start3A_805, %dma_start3A_806] : memref<200x128xf32, #tpu.memory_space<vmem>> -> memref<40x128xf32, #tpu.memory_space<vmem>>
        %dma_start3A_808 = arith.constant 0 : i32
        %dma_start3A_809 = tpu.memref_slice %arg6[%add3A_804, %dma_start3A_808] : memref<250x40xi32, #tpu.memory_space<vmem>> -> memref<1x40xi32, #tpu.memory_space<vmem>>
        %dma_start3A_810 = tpu.memref_squeeze %dma_start3A_809 : memref<1x40xi32, #tpu.memory_space<vmem>> -> memref<40xi32, #tpu.memory_space<vmem>>
        %dma_start3A_811 = arith.constant 0 : i32
        %dma_start3A_812 = arith.constant 0 : i32
        %dma_start3A_813 = tpu.memref_slice %arg2[%dma_start3A_811, %dma_start3A_812] : memref<10000x128xf32, #tpu.memory_space<hbm>> -> memref<10000x128xf32, #tpu.memory_space<hbm>>
        tpu.enqueue_indirect_dma source(%dma_start3A_813 : memref<10000x128xf32, #tpu.memory_space<hbm>>) target(%dma_start3A_807 : memref<40x128xf32, #tpu.memory_space<vmem>>) offsets(%dma_start3A_810 : memref<40xi32, #tpu.memory_space<vmem>>) semaphore(%arg13 : memref<!tpu.dma_semaphore, #tpu.memory_space<semaphore_mem>>)
      } else {
      }
      %mul3A_783 = arith.constant 5 : i32
      %mul3A_784 = arith.muli %scan3A_705, %mul3A_783 : i32
      %add3A_785 = arith.constant 4 : i32
      %add3A_786 = arith.addi %mul3A_784, %add3A_785 : i32
      %dma_wait3A_787 = arith.constant 160 : i32
      %dma_wait3A_788 = arith.constant 0 : i32
      %dma_wait3A_789 = tpu.memref_slice %arg8[%dma_wait3A_787, %dma_wait3A_788] : memref<200x128xf32, #tpu.memory_space<vmem>> -> memref<40x128xf32, #tpu.memory_space<vmem>>
      %dma_wait3A_790 = arith.constant 0 : i32
      %dma_wait3A_791 = tpu.memref_slice %arg6[%add3A_786, %dma_wait3A_790] : memref<250x40xi32, #tpu.memory_space<vmem>> -> memref<1x40xi32, #tpu.memory_space<vmem>>
      %dma_wait3A_792 = tpu.memref_squeeze %dma_wait3A_791 : memref<1x40xi32, #tpu.memory_space<vmem>> -> memref<40xi32, #tpu.memory_space<vmem>>
      %dma_wait3A_793 = arith.constant 0 : i32
      %dma_wait3A_794 = arith.constant 0 : i32
      %dma_wait3A_795 = tpu.memref_slice %arg2[%dma_wait3A_793, %dma_wait3A_794] : memref<10000x128xf32, #tpu.memory_space<hbm>> -> memref<10000x128xf32, #tpu.memory_space<hbm>>
      tpu.wait_indirect_dma semaphore(%arg14 : memref<!tpu.dma_semaphore, #tpu.memory_space<semaphore_mem>>) src(%dma_wait3A_795 : memref<10000x128xf32, #tpu.memory_space<hbm>>) dst(%dma_wait3A_789 : memref<40x128xf32, #tpu.memory_space<vmem>>)
      "tpu.region"() ({
        %run_scoped3A = tpu.sem_alloc : memref<!tpu.dma_semaphore, #tpu.memory_space<semaphore_mem>>
        %dma_start3A_803 = arith.constant 160 : i32
        %dma_start3A_804 = arith.constant 0 : i32
        %dma_start3A_805 = tpu.memref_slice %arg8[%dma_start3A_803, %dma_start3A_804] : memref<200x128xf32, #tpu.memory_space<vmem>> -> memref<40x128xf32, #tpu.memory_space<vmem>>
        %dma_start3A_806 = arith.constant 0 : i32
        %dma_start3A_807 = tpu.memref_slice %arg7[%add3A_786, %dma_start3A_806] : memref<250x40xi32, #tpu.memory_space<vmem>> -> memref<1x40xi32, #tpu.memory_space<vmem>>
        %dma_start3A_808 = tpu.memref_squeeze %dma_start3A_807 : memref<1x40xi32, #tpu.memory_space<vmem>> -> memref<40xi32, #tpu.memory_space<vmem>>
        %dma_start3A_809 = arith.constant 0 : i32
        %dma_start3A_810 = arith.constant 0 : i32
        %dma_start3A_811 = tpu.memref_slice %arg9[%dma_start3A_809, %dma_start3A_810] : memref<10240x128xf32, #tpu.memory_space<vmem_shared>> -> memref<10240x128xf32, #tpu.memory_space<vmem_shared>>
        tpu.enqueue_indirect_dma source(%dma_start3A_805 : memref<40x128xf32, #tpu.memory_space<vmem>>) target(%dma_start3A_811 : memref<10240x128xf32, #tpu.memory_space<vmem_shared>>) offsets(%dma_start3A_808 : memref<40xi32, #tpu.memory_space<vmem>>) semaphore(%run_scoped3A : memref<!tpu.dma_semaphore, #tpu.memory_space<semaphore_mem>>) {add = true}
        %dma_wait3A_812 = arith.constant 160 : i32
        %dma_wait3A_813 = arith.constant 0 : i32
        %dma_wait3A_814 = tpu.memref_slice %arg8[%dma_wait3A_812, %dma_wait3A_813] : memref<200x128xf32, #tpu.memory_space<vmem>> -> memref<40x128xf32, #tpu.memory_space<vmem>>
        %dma_wait3A_815 = arith.constant 0 : i32
        %dma_wait3A_816 = tpu.memref_slice %arg7[%add3A_786, %dma_wait3A_815] : memref<250x40xi32, #tpu.memory_space<vmem>> -> memref<1x40xi32, #tpu.memory_space<vmem>>
        %dma_wait3A_817 = tpu.memref_squeeze %dma_wait3A_816 : memref<1x40xi32, #tpu.memory_space<vmem>> -> memref<40xi32, #tpu.memory_space<vmem>>
        %dma_wait3A_818 = arith.constant 0 : i32
        %dma_wait3A_819 = arith.constant 0 : i32
        %dma_wait3A_820 = tpu.memref_slice %arg9[%dma_wait3A_818, %dma_wait3A_819] : memref<10240x128xf32, #tpu.memory_space<vmem_shared>> -> memref<10240x128xf32, #tpu.memory_space<vmem_shared>>
        tpu.wait_indirect_dma semaphore(%run_scoped3A : memref<!tpu.dma_semaphore, #tpu.memory_space<semaphore_mem>>) src(%dma_wait3A_814 : memref<40x128xf32, #tpu.memory_space<vmem>>) dst(%dma_wait3A_820 : memref<10240x128xf32, #tpu.memory_space<vmem_shared>>)
        tpu.yield
      }) : () -> ()
      %add3A_796 = arith.constant 5 : i32
      %add3A_797 = arith.addi %add3A_786, %add3A_796 : i32
      %lt3A_798 = arith.constant 250 : i32
      %lt3A_799 = arith.cmpi slt, %add3A_797, %lt3A_798 : i32
      %convert_element_type3A_800 = arith.extui %lt3A_799 : i1 to i32
      %cond3A_801 = arith.constant 0 : i32
      %cond3A_802 = arith.cmpi ne, %convert_element_type3A_800, %cond3A_801 : i32
      scf.if %cond3A_802 {
        %add3A_803 = arith.constant 5 : i32
        %add3A_804 = arith.addi %add3A_786, %add3A_803 : i32
        %dma_start3A_805 = arith.constant 160 : i32
        %dma_start3A_806 = arith.constant 0 : i32
        %dma_start3A_807 = tpu.memref_slice %arg8[%dma_start3A_805, %dma_start3A_806] : memref<200x128xf32, #tpu.memory_space<vmem>> -> memref<40x128xf32, #tpu.memory_space<vmem>>
        %dma_start3A_808 = arith.constant 0 : i32
        %dma_start3A_809 = tpu.memref_slice %arg6[%add3A_804, %dma_start3A_808] : memref<250x40xi32, #tpu.memory_space<vmem>> -> memref<1x40xi32, #tpu.memory_space<vmem>>
        %dma_start3A_810 = tpu.memref_squeeze %dma_start3A_809 : memref<1x40xi32, #tpu.memory_space<vmem>> -> memref<40xi32, #tpu.memory_space<vmem>>
        %dma_start3A_811 = arith.constant 0 : i32
        %dma_start3A_812 = arith.constant 0 : i32
        %dma_start3A_813 = tpu.memref_slice %arg2[%dma_start3A_811, %dma_start3A_812] : memref<10000x128xf32, #tpu.memory_space<hbm>> -> memref<10000x128xf32, #tpu.memory_space<hbm>>
        tpu.enqueue_indirect_dma source(%dma_start3A_813 : memref<10000x128xf32, #tpu.memory_space<hbm>>) target(%dma_start3A_807 : memref<40x128xf32, #tpu.memory_space<vmem>>) offsets(%dma_start3A_810 : memref<40xi32, #tpu.memory_space<vmem>>) semaphore(%arg14 : memref<!tpu.dma_semaphore, #tpu.memory_space<semaphore_mem>>)
      } else {
      }
    }
    %scan3A_699 = arith.constant 50 : i32
    %barrier3A_700 = arith.constant 0 : index
    tpu.barrier barrier_id(%barrier3A_700)
    %mul3A_701 = arith.constant 640 : i32
    %mul3A_702 = arith.muli %arg1, %mul3A_701 : i32
    %mul3A_703 = arith.constant 640 : i32
    %mul3A_704 = arith.muli %arg1, %mul3A_703 : i32
    "tpu.region"() ({
      %run_scoped3A = tpu.sem_alloc : memref<!tpu.dma_semaphore, #tpu.memory_space<semaphore_mem>>
      %dma_start3A_705 = arith.constant 0 : i32
      %dma_start3A_706 = tpu.memref_slice %arg5[%arg0, %mul3A_704, %dma_start3A_705] : memref<2x10240x128xf32, #tpu.memory_space<hbm>> -> memref<1x640x128xf32, #tpu.memory_space<hbm>>
      %dma_start3A_707 = tpu.memref_squeeze %dma_start3A_706 : memref<1x640x128xf32, #tpu.memory_space<hbm>> -> memref<640x128xf32, #tpu.memory_space<hbm>>
      %dma_start3A_708 = arith.constant 0 : i32
      %dma_start3A_709 = tpu.memref_slice %arg9[%mul3A_702, %dma_start3A_708] : memref<10240x128xf32, #tpu.memory_space<vmem_shared>> -> memref<640x128xf32, #tpu.memory_space<vmem_shared>>
      tpu.enqueue_dma source(%dma_start3A_709 : memref<640x128xf32, #tpu.memory_space<vmem_shared>>) target(%dma_start3A_707 : memref<640x128xf32, #tpu.memory_space<hbm>>) target_semaphore(%run_scoped3A : memref<!tpu.dma_semaphore, #tpu.memory_space<semaphore_mem>>)
      %dma_wait3A_710 = arith.constant 0 : i32
      %dma_wait3A_711 = tpu.memref_slice %arg5[%arg0, %mul3A_704, %dma_wait3A_710] : memref<2x10240x128xf32, #tpu.memory_space<hbm>> -> memref<1x640x128xf32, #tpu.memory_space<hbm>>
      %dma_wait3A_712 = tpu.memref_squeeze %dma_wait3A_711 : memref<1x640x128xf32, #tpu.memory_space<hbm>> -> memref<640x128xf32, #tpu.memory_space<hbm>>
      %dma_wait3A_713 = arith.constant 0 : i32
      %dma_wait3A_714 = tpu.memref_slice %arg9[%mul3A_702, %dma_wait3A_713] : memref<10240x128xf32, #tpu.memory_space<vmem_shared>> -> memref<640x128xf32, #tpu.memory_space<vmem_shared>>
      tpu.wait_dma2 semaphore(%run_scoped3A : memref<!tpu.dma_semaphore, #tpu.memory_space<semaphore_mem>>) src(%dma_wait3A_714 : memref<640x128xf32, #tpu.memory_space<vmem_shared>>) dst(%dma_wait3A_712 : memref<640x128xf32, #tpu.memory_space<hbm>>)
      tpu.yield
    }) : () -> ()
    return
  }
}

module attributes {stable_mosaic.version = 14 : i64} {
  func.func @_tc_block_body(%arg0: i32, %arg1: memref<2x1000x128xf32, #tpu.memory_space<vmem>>, %arg2: memref<2x1000x16xf32, #tpu.memory_space<vmem>>, %arg3: memref<1000x128xf32, #tpu.memory_space<vmem>>, %arg4: memref<128x128xf32, #tpu.memory_space<vmem>>, %arg5: memref<1x128xf32, #tpu.memory_space<vmem>>, %arg6: memref<1000x128xf32, #tpu.memory_space<vmem>>) attributes {dimension_semantics = [#tpu.dimension_semantics<arbitrary>], iteration_bounds = array<i64: 10>, scalar_prefetch = 0 : i64, scratch_operands = 0 : i64, tpu.core_type = #tpu.core_type<tc>, window_params = [{transform_indices = @transform_0, window_bounds = array<i64: 2, 1000, 128>}, {transform_indices = @transform_1, window_bounds = array<i64: 2, 1000, 16>}, {transform_indices = @transform_2, window_bounds = array<i64: 1000, 128>}, {pipeline_mode = #tpu.pipeline_mode<synchronous>, transform_indices = @transform_3, window_bounds = array<i64: 128, 128>}, {pipeline_mode = #tpu.pipeline_mode<synchronous>, transform_indices = @transform_4, window_bounds = array<i64: 1, 128>}, {transform_indices = @transform_5, window_bounds = array<i64: 1000, 128>}]} {
    %get3A = arith.constant 0 : index
    %get3A_0 = arith.constant 0 : index
    %get3A_1 = arith.constant 0 : index
    %get3A_2 = vector.load %arg2[%get3A, %get3A_0, %get3A_1] : memref<2x1000x16xf32, #tpu.memory_space<vmem>>, vector<1x1000x1xf32>
    %get3A_3 = vector.shape_cast %get3A_2 : vector<1x1000x1xf32> to vector<1000x1xf32>
    %get3A_4 = arith.constant 1 : index
    %get3A_5 = arith.constant 0 : index
    %get3A_6 = arith.constant 0 : index
    %get3A_7 = vector.load %arg2[%get3A_4, %get3A_5, %get3A_6] : memref<2x1000x16xf32, #tpu.memory_space<vmem>>, vector<1x1000x1xf32>
    %get3A_8 = vector.shape_cast %get3A_7 : vector<1x1000x1xf32> to vector<1000x1xf32>
    %add3A = arith.addf %get3A_3, %get3A_8 : vector<1000x1xf32>
    %get3A_9 = arith.constant 0 : index
    %get3A_10 = arith.constant 0 : index
    %get3A_11 = arith.constant 0 : index
    %get3A_12 = vector.load %arg1[%get3A_9, %get3A_10, %get3A_11] : memref<2x1000x128xf32, #tpu.memory_space<vmem>>, vector<1x1000x128xf32>
    %get3A_13 = vector.shape_cast %get3A_12 : vector<1x1000x128xf32> to vector<1000x128xf32>
    %get3A_14 = arith.constant 1 : index
    %get3A_15 = arith.constant 0 : index
    %get3A_16 = arith.constant 0 : index
    %get3A_17 = vector.load %arg1[%get3A_14, %get3A_15, %get3A_16] : memref<2x1000x128xf32, #tpu.memory_space<vmem>>, vector<1x1000x128xf32>
    %get3A_18 = vector.shape_cast %get3A_17 : vector<1x1000x128xf32> to vector<1000x128xf32>
    %add3A_19 = arith.addf %get3A_13, %get3A_18 : vector<1000x128xf32>
    %max3A = arith.constant 1.000000e+00 : f32
    %max3A_20 = vector.broadcast %max3A : f32 to vector<1000x1xf32>
    %max3A_21 = arith.maximumf %add3A, %max3A_20 : vector<1000x1xf32>
    %div3A = vector.broadcast %max3A_21 : vector<1000x1xf32> to vector<1000x128xf32>
    %div3A_22 = arith.divf %add3A_19, %div3A : vector<1000x128xf32>
    %get3A_23 = arith.constant 0 : index
    %get3A_24 = arith.constant 0 : index
    %get3A_25 = vector.load %arg4[%get3A_23, %get3A_24] : memref<128x128xf32, #tpu.memory_space<vmem>>, vector<128x128xf32>
    %dot_general3A = arith.constant dense<0.000000e+00> : vector<1000x128xf32>
    %dot_general3A_26 = tpu.matmul %div3A_22, %get3A_25, %dot_general3A {dimension_numbers = #tpu.dot_dimension_numbers<[1], [0], [0], [1], [0, 0, 1, 1], [], []>, transpose_lhs_hint = false} : vector<1000x128xf32>, vector<128x128xf32>, vector<1000x128xf32> -> vector<1000x128xf32>
    %get3A_27 = arith.constant 0 : index
    %get3A_28 = arith.constant 0 : index
    %get3A_29 = vector.load %arg5[%get3A_27, %get3A_28] : memref<1x128xf32, #tpu.memory_space<vmem>>, vector<1x128xf32>
    %add3A_30 = vector.broadcast %get3A_29 : vector<1x128xf32> to vector<1000x128xf32>
    %add3A_31 = arith.addf %dot_general3A_26, %add3A_30 : vector<1000x128xf32>
    %max3A_32 = arith.constant 0.000000e+00 : f32
    %max3A_33 = vector.broadcast %max3A_32 : f32 to vector<1000x128xf32>
    %max3A_34 = arith.maximumf %add3A_31, %max3A_33 : vector<1000x128xf32>
    %get3A_35 = arith.constant 0 : index
    %get3A_36 = arith.constant 0 : index
    %get3A_37 = vector.load %arg3[%get3A_35, %get3A_36] : memref<1000x128xf32, #tpu.memory_space<vmem>>, vector<1000x128xf32>
    %add3A_38 = arith.addf %max3A_34, %get3A_37 : vector<1000x128xf32>
    %swap3A = arith.constant 0 : index
    %swap3A_39 = arith.constant 0 : index
    %swap3A_40 = vector.load %arg6[%swap3A, %swap3A_39] : memref<1000x128xf32, #tpu.memory_space<vmem>>, vector<1000x128xf32>
    tpu.vector_store %arg6[%swap3A, %swap3A_39], %add3A_38 {strides = array<i32>} : memref<1000x128xf32, #tpu.memory_space<vmem>>, vector<1000x128xf32>,
    return
  }
  func.func @transform_0(%arg0: i32) -> (i32, i32, i32) {
    %c0_i32 = arith.constant 0 : i32
    %c0_i32_0 = arith.constant 0 : i32
    %c0_i32_1 = arith.constant 0 : i32
    return %c0_i32, %arg0, %c0_i32_0 : i32, i32, i32
  }
  func.func @transform_1(%arg0: i32) -> (i32, i32, i32) {
    %c0_i32 = arith.constant 0 : i32
    %c0_i32_0 = arith.constant 0 : i32
    %c0_i32_1 = arith.constant 0 : i32
    return %c0_i32, %arg0, %c0_i32_0 : i32, i32, i32
  }
  func.func @transform_2(%arg0: i32) -> (i32, i32) {
    %c0_i32 = arith.constant 0 : i32
    %c0_i32_0 = arith.constant 0 : i32
    return %arg0, %c0_i32 : i32, i32
  }
  func.func @transform_3(%arg0: i32) -> (i32, i32) {
    %c0_i32 = arith.constant 0 : i32
    %c0_i32_0 = arith.constant 0 : i32
    %c0_i32_1 = arith.constant 0 : i32
    return %c0_i32, %c0_i32_0 : i32, i32
  }
  func.func @transform_4(%arg0: i32) -> (i32, i32) {
    %c0_i32 = arith.constant 0 : i32
    %c0_i32_0 = arith.constant 0 : i32
    %c0_i32_1 = arith.constant 0 : i32
    return %c0_i32, %c0_i32_0 : i32, i32
  }
  func.func @transform_5(%arg0: i32) -> (i32, i32) {
    %c0_i32 = arith.constant 0 : i32
    %c0_i32_0 = arith.constant 0 : i32
    return %arg0, %c0_i32 : i32, i32
  }
}

module attributes {stable_mosaic.version = 14 : i64} {
  func.func @_tc_block_body(%arg0: i32, %arg1: memref<2x1000x128xf32, #tpu.memory_space<vmem>>, %arg2: memref<2x1000x16xf32, #tpu.memory_space<vmem>>, %arg3: memref<1000x128xf32, #tpu.memory_space<vmem>>, %arg4: memref<128x128xf32, #tpu.memory_space<vmem>>, %arg5: memref<1x128xf32, #tpu.memory_space<vmem>>, %arg6: memref<1000x128xf32, #tpu.memory_space<vmem>>) attributes {dimension_semantics = [#tpu.dimension_semantics<arbitrary>], iteration_bounds = array<i64: 10>, scalar_prefetch = 0 : i64, scratch_operands = 0 : i64, tpu.core_type = #tpu.core_type<tc>, window_params = [{transform_indices = @transform_0, window_bounds = array<i64: 2, 1000, 128>}, {transform_indices = @transform_1, window_bounds = array<i64: 2, 1000, 16>}, {transform_indices = @transform_2, window_bounds = array<i64: 1000, 128>}, {pipeline_mode = #tpu.pipeline_mode<synchronous>, transform_indices = @transform_3, window_bounds = array<i64: 128, 128>}, {pipeline_mode = #tpu.pipeline_mode<synchronous>, transform_indices = @transform_4, window_bounds = array<i64: 1, 128>}, {transform_indices = @transform_5, window_bounds = array<i64: 1000, 128>}]} {
    %get3A = arith.constant 0 : index
    %get3A_0 = arith.constant 0 : index
    %get3A_1 = arith.constant 0 : index
    %get3A_2 = vector.load %arg2[%get3A, %get3A_0, %get3A_1] : memref<2x1000x16xf32, #tpu.memory_space<vmem>>, vector<1x1000x1xf32>
    %get3A_3 = vector.shape_cast %get3A_2 : vector<1x1000x1xf32> to vector<1000x1xf32>
    %get3A_4 = arith.constant 1 : index
    %get3A_5 = arith.constant 0 : index
    %get3A_6 = arith.constant 0 : index
    %get3A_7 = vector.load %arg2[%get3A_4, %get3A_5, %get3A_6] : memref<2x1000x16xf32, #tpu.memory_space<vmem>>, vector<1x1000x1xf32>
    %get3A_8 = vector.shape_cast %get3A_7 : vector<1x1000x1xf32> to vector<1000x1xf32>
    %add3A = arith.addf %get3A_3, %get3A_8 : vector<1000x1xf32>
    %get3A_9 = arith.constant 0 : index
    %get3A_10 = arith.constant 0 : index
    %get3A_11 = arith.constant 0 : index
    %get3A_12 = vector.load %arg1[%get3A_9, %get3A_10, %get3A_11] : memref<2x1000x128xf32, #tpu.memory_space<vmem>>, vector<1x1000x128xf32>
    %get3A_13 = vector.shape_cast %get3A_12 : vector<1x1000x128xf32> to vector<1000x128xf32>
    %get3A_14 = arith.constant 1 : index
    %get3A_15 = arith.constant 0 : index
    %get3A_16 = arith.constant 0 : index
    %get3A_17 = vector.load %arg1[%get3A_14, %get3A_15, %get3A_16] : memref<2x1000x128xf32, #tpu.memory_space<vmem>>, vector<1x1000x128xf32>
    %get3A_18 = vector.shape_cast %get3A_17 : vector<1x1000x128xf32> to vector<1000x128xf32>
    %add3A_19 = arith.addf %get3A_13, %get3A_18 : vector<1000x128xf32>
    %max3A = arith.constant 1.000000e+00 : f32
    %max3A_20 = vector.broadcast %max3A : f32 to vector<1000x1xf32>
    %max3A_21 = arith.maximumf %add3A, %max3A_20 : vector<1000x1xf32>
    %div3A = vector.broadcast %max3A_21 : vector<1000x1xf32> to vector<1000x128xf32>
    %div3A_22 = arith.divf %add3A_19, %div3A : vector<1000x128xf32>
    %get3A_23 = arith.constant 0 : index
    %get3A_24 = arith.constant 0 : index
    %get3A_25 = vector.load %arg4[%get3A_23, %get3A_24] : memref<128x128xf32, #tpu.memory_space<vmem>>, vector<128x128xf32>
    %dot_general3A = arith.constant dense<0.000000e+00> : vector<1000x128xf32>
    %dot_general3A_26 = tpu.matmul %div3A_22, %get3A_25, %dot_general3A {dimension_numbers = #tpu.dot_dimension_numbers<[1], [0], [0], [1], [0, 0, 1, 1], [], []>, transpose_lhs_hint = false} : vector<1000x128xf32>, vector<128x128xf32>, vector<1000x128xf32> -> vector<1000x128xf32>
    %get3A_27 = arith.constant 0 : index
    %get3A_28 = arith.constant 0 : index
    %get3A_29 = vector.load %arg5[%get3A_27, %get3A_28] : memref<1x128xf32, #tpu.memory_space<vmem>>, vector<1x128xf32>
    %add3A_30 = vector.broadcast %get3A_29 : vector<1x128xf32> to vector<1000x128xf32>
    %add3A_31 = arith.addf %dot_general3A_26, %add3A_30 : vector<1000x128xf32>
    %max3A_32 = arith.constant 0.000000e+00 : f32
    %max3A_33 = vector.broadcast %max3A_32 : f32 to vector<1000x128xf32>
    %max3A_34 = arith.maximumf %add3A_31, %max3A_33 : vector<1000x128xf32>
    %swap3A = arith.constant 0 : index
    %swap3A_35 = arith.constant 0 : index
    %swap3A_36 = vector.load %arg6[%swap3A, %swap3A_35] : memref<1000x128xf32, #tpu.memory_space<vmem>>, vector<1000x128xf32>
    tpu.vector_store %arg6[%swap3A, %swap3A_35], %max3A_34 {strides = array<i32>} : memref<1000x128xf32, #tpu.memory_space<vmem>>, vector<1000x128xf32>,
    return
  }
  func.func @transform_0(%arg0: i32) -> (i32, i32, i32) {
    %c0_i32 = arith.constant 0 : i32
    %c0_i32_0 = arith.constant 0 : i32
    %c0_i32_1 = arith.constant 0 : i32
    return %c0_i32, %arg0, %c0_i32_0 : i32, i32, i32
  }
  func.func @transform_1(%arg0: i32) -> (i32, i32, i32) {
    %c0_i32 = arith.constant 0 : i32
    %c0_i32_0 = arith.constant 0 : i32
    %c0_i32_1 = arith.constant 0 : i32
    return %c0_i32, %arg0, %c0_i32_0 : i32, i32, i32
  }
  func.func @transform_2(%arg0: i32) -> (i32, i32) {
    %c0_i32 = arith.constant 0 : i32
    %c0_i32_0 = arith.constant 0 : i32
    return %arg0, %c0_i32 : i32, i32
  }
  func.func @transform_3(%arg0: i32) -> (i32, i32) {
    %c0_i32 = arith.constant 0 : i32
    %c0_i32_0 = arith.constant 0 : i32
    %c0_i32_1 = arith.constant 0 : i32
    return %c0_i32, %c0_i32_0 : i32, i32
  }
  func.func @transform_4(%arg0: i32) -> (i32, i32) {
    %c0_i32 = arith.constant 0 : i32
    %c0_i32_0 = arith.constant 0 : i32
    %c0_i32_1 = arith.constant 0 : i32
    return %c0_i32, %c0_i32_0 : i32, i32
  }
  func.func @transform_5(%arg0: i32) -> (i32, i32) {
    %c0_i32 = arith.constant 0 : i32
    %c0_i32_0 = arith.constant 0 : i32
    return %arg0, %c0_i32 : i32, i32
  }
}

</mosaic_0001>

<sc_bundles>
// kernel: kernel.12.cloned.1.call-start
scs
__scs_entry_jumppad:
0x0: {  	(pc) =	sbr.rel $0x88, $3  }
0x1: {  	(tag) =	ssettag $0x0;
	lr =	simm.s32 $0x1  }
0x2: {  	[smem:$0x3F99] =	sst lr;
	_ =	strace $0xD0000000  }
0x3: {  	_ = 	snop  }
0x4: {  	_ = 	snop  }
0x5: {  	_ = 	snop  }
0x6: {  	_ = 	snop  }
0x7: {  	_ = 	snop  }
__scs_overlays_trampoline_lowered:
0x8: {  	[smem:$0x3FA8] =	sst s0  }
0x9: {  	[smem:$0x3FA9] =	sst s1  }
0xa: {  	[smem:$0x3FAA] =	sst s2  }
0xb: {  	[smem:$0x3FAB] =	sst s3  }
0xc: {  	[smem:$0x3FAC] =	sst s4  }
0xd: {  	[smem:$0x3FAD] =	sst s5  }
0xe: {  	[smem:$0x3FAE] =	sst s6  }
0xf: {  	[smem:$0x3FAF] =	sst s7  }
0x10: {  	[smem:$0x3FB0] =	sst s8  }
0x11: {  	[smem:$0x3FB1] =	sst s9;
	s0 =	simm.s32 @!p0 $0x0  }
0x12: {  	s1 =	sld [smem:$0x3F97];
	s0 =	simm.s32 @p0 $0x1  }
0x13: {  	[smem:$0x3FB2] =	sst s0;
	s0 =	simm.s32 @!p1 $0x0  }
0x14: {  	s2 =	sld [smem:$0x3F96];
	s0 =	simm.s32 @p1 $0x1  }
0x15: {  	[smem:$0x3FB3] =	sst s0;
	s0 =	simm.s32 @!p2 $0x0  }
0x16: {  	s3 =	sld [smem:$0x3FDB];
	s0 =	simm.s32 @p2 $0x1  }
0x17: {  	s4 =	simm.s32 $0x1BF5;
	[smem:$0x3FB5] =	sst s0  }
0x18: {  	s0 =	sld [smem:$0x3F98];
	_ =	swait.ge [sflag:s4], $0x0  }
0x19: {  	s7 =	sld [smem:$0x3F99]  }
0x1a: {  	s8 =	sadd.s32 $0xFFFFE003, lr  }
0x1b: {  	s9 =	sadd.s32 $0xFFFFFEF7, lr;
	s5 =	simm.s32 $0xFFFFFFFF;
	p2 =	slt.u32 s8, $0xFFFFF086  }
0x1c: {  	p1 =	slt.u32 s9, $0xF7A;
	s5 =	simm.s32 @!p2 $0x0  }
0x1d: {  	s5 =	simm.s32 @p1 $0x1;
	p0 =	seq.s32 s7, s2  }
0x1e: {  	s7 =	smul.u32 @!p0 $0xF7A, s2;
	p2 =	seq.s32 @!p0 s5, $0x0  }
0x1f: {  	s9 =	smul.u32 $0xF7A, s1;
	s8 =	simm.s32 @!p0 $0x1BF5;
	p2 =	por !p2, p0  }
0x20: {  	[sflag:s8] =	ssyncset.s32 @!p0 $0xFFFFF086;
	s6 =	sadd.s32 @!p0 s3, s7;
	s7 =	simm.s32 @!p0 $0x108  }
0x21: {  	s3 =	sadd.s32 s3, s9;
	s6 =	sadd.s32 @!p0 $0x88, s6;
	s7 =	simm.s32 @p2 $0x1082  }
0x22: {  	[simem:s7], [sflag:s8] =	dma.local @!p0 [hbm:s6], $0xF7A  }
0x23: {  	s9 =	sor.u32 $0xD0000000, s2;
	s6 =	simm.s32 $0x108;
	_ =	swait.ge @!p0 [sflag:s8], $0x0  }
0x24: {  	s3 =	sadd.s32 $0x88, s3;
	s6 =	simm.s32 @!p1 $0x1082;
	[sflag:s4] =	ssyncset.s32 $0xFFFFF086  }
0x25: {  	[simem:s6], [sflag:s4] =	dma.local [hbm:s3], $0xF7A  }
0x26: {  	[smem:$0x3F99] =	sst s1;
	(tag) =	ssettag s2;
	_ =	strace s9  }
0x27: {  	s1 =	sld [smem:$0x3FA9]  }
0x28: {  	s2 =	sld [smem:$0x3FAA]  }
0x29: {  	s4 =	sld [smem:$0x3FAC]  }
0x2a: {  	p0 =	seq.s32 s5, $0x0;
	s5 =	sld [smem:$0x3FAD]  }
0x2b: {  	s6 =	sld [smem:$0x3FAE]  }
0x2c: {  	s7 =	sld [smem:$0x3FAF]  }
0x2d: {  	s3 =	simm.s32 $0x108;
	s8 =	sld [smem:$0x3FB0]  }
0x2e: {  	s3 =	simm.s32 @!p0 $0x1082;
	s9 =	sld [smem:$0x3FB1]  }
0x2f: {  	lr =	sadd.s32 s0, s3;
	s0 =	sld [smem:$0x3FA8]  }
0x30: {  	s3 =	sld [smem:$0x3FAB]  }
0x31: {  	[smem:$0x3FB4] =	sst s10  }
0x32: {  	s10 =	sld [smem:$0x3FB2];
	_ =	sdelay $0x3  }
0x33: {  	p0 =	seq.s32 s10, $0x1;
	s10 =	sld [smem:$0x3FB4];
	_ =	sdelay $0x3  }
0x34: {  	[smem:$0x3FB4] =	sst s10  }
0x35: {  	s10 =	sld [smem:$0x3FB3];
	_ =	sdelay $0x3  }
0x36: {  	p1 =	seq.s32 s10, $0x1;
	s10 =	sld [smem:$0x3FB4];
	_ =	sdelay $0x3  }
0x37: {  	[smem:$0x3FB4] =	sst s10  }
0x38: {  	s10 =	sld [smem:$0x3FB5]  }
0x39: {  	_ = 	snop;
	(pc) =	sbr.ind lr, $3  }
0x3a: {  	_ = 	snop  }
0x3b: {  	_ = 	snop  }
0x3c: {  	p2 =	seq.s32 s10, $0x1;
	s10 =	sld [smem:$0x3FB4]  }
0x3d: {  	_ =	shalt  }
0x3e: {  	_ =	shalt  }
0x3f: {  	_ =	shalt  }
0x40: {  	_ =	shalt  }
0x41: {  	_ =	shalt  }
0x42: {  	_ =	shalt  }
0x43: {  	_ =	shalt  }
0x44: {  	_ =	shalt  }
0x45: {  	_ =	shalt  }
0x46: {  	_ =	shalt  }
0x47: {  	_ =	shalt  }
0x48: {  	_ =	shalt  }
0x49: {  	_ =	shalt  }
0x4a: {  	_ =	shalt  }
0x4b: {  	_ =	shalt  }
0x4c: {  	_ =	shalt  }
0x4d: {  	_ =	shalt  }
0x4e: {  	_ =	shalt  }
0x4f: {  	_ =	shalt  }
0x50: {  	_ =	shalt  }
0x51: {  	_ =	shalt  }
0x52: {  	_ =	shalt  }
0x53: {  	_ =	shalt  }
0x54: {  	_ =	shalt  }
0x55: {  	_ =	shalt  }
0x56: {  	_ =	shalt  }
0x57: {  	_ =	shalt  }
0x58: {  	_ =	shalt  }
0x59: {  	_ =	shalt  }
0x5a: {  	_ =	shalt  }
0x5b: {  	_ =	shalt  }
0x5c: {  	_ =	shalt  }
0x5d: {  	_ =	shalt  }
0x5e: {  	_ =	shalt  }
0x5f: {  	_ =	shalt  }
0x60: {  	_ =	shalt  }
0x61: {  	_ =	shalt  }
0x62: {  	_ =	shalt  }
0x63: {  	_ =	shalt  }
0x64: {  	_ =	shalt  }
0x65: {  	_ =	shalt  }
0x66: {  	_ =	shalt  }
0x67: {  	_ =	shalt  }
0x68: {  	_ =	shalt  }
0x69: {  	_ =	shalt  }
0x6a: {  	_ =	shalt  }
0x6b: {  	_ =	shalt  }
0x6c: {  	_ =	shalt  }
0x6d: {  	_ =	shalt  }
0x6e: {  	_ =	shalt  }
0x6f: {  	_ =	shalt  }
0x70: {  	_ =	shalt  }
0x71: {  	_ =	shalt  }
0x72: {  	_ =	shalt  }
0x73: {  	_ =	shalt  }
0x74: {  	_ =	shalt  }
0x75: {  	_ =	shalt  }
0x76: {  	_ =	shalt  }
0x77: {  	_ =	shalt  }
0x78: {  	_ =	shalt  }
0x79: {  	_ =	shalt  }
0x7a: {  	_ =	shalt  }
0x7b: {  	_ =	shalt  }
0x7c: {  	_ =	shalt  }
0x7d: {  	_ =	shalt  }
0x7e: {  	_ =	shalt  }
0x7f: {  	_ =	shalt  }
0x80: {  	_ =	shalt  }
0x81: {  	_ =	shalt  }
0x82: {  	_ =	shalt  }
0x83: {  	_ =	shalt  }
0x84: {  	_ =	shalt  }
0x85: {  	_ =	shalt  }
0x86: {  	_ =	shalt  }
0x87: {  	_ =	shalt  }
.Lfunc_end0:
.L_simem_size_0:
called_computation.1_lowered:
.L_overlay_start_0:
0x88: {  	s2 =	sld [smem:$0x3FD9]  }
0x89: {  	s3 =	sld [smem:$0x3FFE];
	_ =	sdelay $0x1  }
0x8a: {  	s1 =	srdreg.scid  }
0x8b: {  	s0 =	sand.u32 $0x1, s1  }
0x8c: {  	s17 =	sshll.u32 s0, $0xA;
	s2 =	sadd.s32 s3, s2  }
0x8d: {  	s2 =	sadd.s32 s2, s17  }
0x8e: {  	[smem:$0x3FC0] =	sst s2  }
0x8f: {  	_ = 	snop  }
0x90: {  	s18 =	sld [smem:$0x3FC9];
	(tm) =	ssettm $0x1  }
0x91: {  	s19 =	sld [smem:$0x3FFB];
	_ =	sdelay $0x3  }
0x92: {  	_ =	strace s19  }
0x93: {  	s2 =	sld [smem:$0x3FFC];
	_ =	sdelay $0x3  }
0x94: {  	_ =	strace s2  }
0x95: {  	s2 =	sld [smem:$0x3FFD];
	_ =	sdelay $0x3  }
0x96: {  	_ =	strace s2  }
0x97: {  	_ =	strace $0x8FFFFFFF  }
0x98: {  	s20 =	sld [smem:$0x3FDB];
	_ =	sdelay $0x1  }
0x99: {  	s4 =	simm.s32 $_scs_section_size  }
0x9a: {  	s5 =	simm.s32 $_size__tile_overlayer_lowered;
	s6 =	simm.s32 $_tile_overlayer_lowered  }
0x9b: {  	s7 =	simm.s32 $0x1BFF;
	s21 =	sshll.u32 s6, $0x1;
	s4 =	sadd.s32 s4, s20  }
0x9c: {  	s22 =	simm.s32 $0x0;
	s5 =	sshll.u32 s5, $0x1;
	s6 =	sadd.s32 s21, s4  }
0x9d: {  	[timem:s22], [sflag:s7] =	dma.local [hbm:s6], s5  }
0x9e: {  	_ =	swait.ge [sflag:s7], s5  }
0x9f: {  	s5 =	ssub.s32 $0x0, s5;
	[sflag:s7] =	ssyncset.done $0x0  }
0xa0: {  	[sflag:s7] =	ssyncadd.s32 s5;
	_ =	sdelay $0x1  }
0xa1: {  	s23 =	simm.s32 $0x1B8B  }
0xa2: {  	_ =	swait.ge [sflag:s23], $0x1  }
0xa3: {  	[sflag:s23] =	ssyncset.done $0x0  }
0xa4: {  	[sflag:s23] =	ssyncadd.s32 $0xFFFFFFFF  }
0xa5: {  	s5 =	sld [smem:$0x0]  }
0xa6: {  	s6 =	sand.u32 $0xFFFFFFFE, s1  }
0xa7: {  	p0 =	sne.s32 s1, s6  }
0xa8: {  	s6 =	sshll.u32 @p0 s6, $0xE  }
0xa9: {  	s6 =	sadd.s32 @p0 $0x11B8D, s6;
	s7 =	sshll.u32 @p0 s5, $0x11  }
0xaa: {  	s6 =	sor.u32 @p0 s7, s6  }
0xab: {  	[sflag:s6] =	ssyncadd.remote.s32 @p0 $0x1;
	_ =	sdelay $0x1  }
0xac: {  	s6 =	simm.s32 @p0 $0x1B8D  }
0xad: {  	_ =	swait.eq @p0 [sflag:s6], $0x1  }
0xae: {  	[sflag:s6] =	ssyncadd.s32 @p0 $0xFFFFFFFF  }
0xaf: {  	s7 =	sshll.u32 @!p0 s1, $0xE  }
0xb0: {  	s7 =	sor.u32 @!p0 $0x4000, s7;
	s6 =	simm.s32 @!p0 $0x1B8D  }
0xb1: {  	s5 =	sshll.u32 @!p0 s5, $0x11;
	s7 =	sadd.s32 @!p0 $0x11B8D, s7;
	_ =	swait.eq @!p0 [sflag:s6], $0x1  }
0xb2: {  	s5 =	sor.u32 @!p0 s5, s7;
	[sflag:s6] =	ssyncadd.s32 @!p0 $0xFFFFFFFF  }
0xb3: {  	s25 =	simm.s32 $0x1B8E;
	s24 =	sld [smem:$0x3FFE];
	[sflag:s5] =	ssyncadd.remote.s32 @!p0 $0x1  }
0xb4: {  	s26 =	simm.s32 $execute0_lowered;
	[smem:$0x3FD2] =	sst s25  }
0xb5: {  	s6 =	sshll.u32 s26, $0x1;
	_ =	strace $0x80000049;
	[dreg:$0x1] =	wrdreg $0xFFFFFFFF  }
0xb6: {  	s28 =	simm.s32 $_size_execute0_lowered;
	s4 =	sadd.s32 s4, s6;
	[dreg:$0x0] =	wrdreg $0x0  }
0xb7: {  	s6 =	sshll.u32 s28, $0x1;
	[dreg:$0x2] =	wrdreg s4  }
0xb8: {  	[dreg:$0x3] =	wrdreg s6  }
0xb9: {  	[dreg:$0x4] =	wrdreg $0xC0  }
0xba: {  	_ =	task [dreg:s22], $0x5FFFF  }
0xbb: {  	[dreg:$0x1] =	wrdreg $0xFFFFFFFF  }
0xbc: {  	[dreg:$0x0] =	wrdreg $0x60  }
0xbd: {  	[dreg:$0x2] =	wrdreg s18  }
0xbe: {  	[dreg:$0x3] =	wrdreg s24  }
0xbf: {  	[dreg:$0x4] =	wrdreg $0xB2200  }
0xc0: {  	[dreg:$0x5] =	wrdreg $0xA  }
0xc1: {  	_ =	task.clear_ibuf [dreg:s22], $0x6FFFF;
	_ =	strace $0x90000049  }
0xc2: {  	s29 =	simm.s32 $0xA;
	_ =	strace $0x8000004B  }
0xc3: {  	_ =	swait.ge [sflag:s29], $0x1  }
0xc4: {  	[sflag:s29] =	ssyncadd.s32 $0xFFFFFFFF  }
0xc5: {  	_ =	strace $0x9000004B  }
0xc6: {  	_ =	sfence  }
0xc7: {  	s30 =	sld [smem:$0x0];
	_ =	sdelay $0x2  }
0xc8: {  	s31 =	sshll.u32 s1, $0xD;
	s1 =	sshrl.u32 s1, $0x2  }
0xc9: {  	s4 =	sand.u32 $0x4000, s31;
	s1 =	sadd.s32 s1, s30  }
0xca: {  	s0 =	sor.u32 s4, s0;
	s1 =	sshll.u32 s1, $0x11  }
0xcb: {  	s0 =	sor.u32 s1, s0  }
0xcc: {  	s0 =	sadd.s32 $0x8F2B, s0  }
0xcd: {  	[sflag:s0] =	ssyncadd.remote.s32 $0x1  }
0xce: {  	_ =	sfence.sel $0xFFFF  }
0xcf: {  	[dreg:$0x0] =	wrdreg $0xFFFFFFFF;
	(pc) =	sbr.abs _section_cstart, $3  }
0xd0: {  	[dreg:$0x1] =	wrdreg $0xFFFFFFFF  }
0xd1: {  	_ =	task.clear_ibuf [dreg:s22], $0x2FFFF;
	_ =	strace $0x9FFFFFFF  }
0xd2: {  	(tm) =	ssettm $0x7FFFFFFF  }
0xd3: {  	_ =	shalt  }
tec
execute0_lowered:
.L_overlay_start_1:
0x0: {  	(tag) =	ssettag $0x1  }
0x1: {  	s2 =	rddreg [dreg:$0x0]  }
0x2: {  	s0 =	rddreg [dreg:$0x1]  }
0x3: {  	s3 =	rddreg [dreg:$0x2]  }
0x4: {  	s1 =	srdreg.scid;
	s8 =	stileid.u32  }
0x5: {  	s4 =	simm.s32 $0x0;
	s28 =	simm.s32 $0x1;
	s29 =	simm.s32 $0x2  }
0x6: {  	s30 =	simm.s32 $0x6;
	s31 =	simm.s32 $0x28;
	s9 =	simm.s32 $0x4  }
0x7: {  	s10 =	simm.s32 $0x5;
	s1 =	sand.u32 $0x1, s1;
	s5 =	smul.u32 $0x14000, s8  }
0x8: {  	[smem:$0x7FF] =	sst s4;
	s6 =	sshll.u32 s1, $0x4;
	s7 =	smul.u32 $0x140000, s1  }
0x9: {  	s1 =	ssub.s32 $0x2, s1;
	s6 =	sor.u32 s8, s6;
	s8 =	smul.u32 $0x50000, s8  }
0xa: {  	s11 =	sshrl.u32 s1, $0x1;
	s6 =	smul.u32 $0x4E2, s6;
	s7 =	sadd.s32 s5, s7  }
0xb: {  	_ =	strace $0x8000004A;
	s1 =	ssub.s32 s1, s11;
	s7 =	sshrl.u32 s7, $0x3  }
0xc: {  	s8 =	sshrl.u32 s8, $0x2;
	s6 =	sadd.s32 s6, s0;
	s0 =	sadd.s32 s7, s0  }
0xd: {  	s7 =	sadd.s32 s5, s3;
	s13 =	sadd.s32 s8, s3;
	s12 =	sadd.s32 $0xD400, s6  }
0xe: {  	s5 =	simm.s32 $0x9E20;
	s6 =	sadd.s32 $0x3600, s6;
	[dreg:$0x4] =	wrdreg s12  }
0xf: {  	s8 =	simm.s32 $0x3;
	s21 =	sadd.s32 $0x1400, s13;
	[dreg:$0x5] =	wrdreg s6  }
0x10: {  	s22 =	sadd.s32 $0x2800, s13;
	s23 =	sadd.s32 $0x3C00, s13;
	[dreg:$0x6] =	wrdreg s21  }
0x11: {  	s24 =	sadd.s32 $0x5000, s13;
	s25 =	sadd.s32 $0x6400, s13;
	[dreg:$0x7] =	wrdreg s22  }
0x12: {  	s26 =	sadd.s32 $0x7800, s13;
	s14 =	sadd.s32 $0x8C00, s13;
	[dreg:$0x8] =	wrdreg s23  }
0x13: {  	s15 =	sadd.s32 $0xA000, s13;
	s16 =	sadd.s32 $0xB400, s13;
	[dreg:$0x9] =	wrdreg s24  }
0x14: {  	s17 =	sadd.s32 $0xC800, s13;
	s18 =	sadd.s32 $0xDC00, s13;
	[dreg:$0xa] =	wrdreg s25  }
0x15: {  	s19 =	sadd.s32 $0xF000, s13;
	s20 =	sadd.s32 $0x10400, s13;
	[dreg:$0xb] =	wrdreg s26  }
0x16: {  	s21 =	sadd.s32 $0x11800, s13;
	s22 =	sadd.s32 $0x12C00, s13;
	s23 =	sadd.s32 $0x17200, s0  }
0x17: {  	s24 =	smax.u32 s1, $0x1;
	s26 =	simm.s32 $0x4E20;
	s0 =	simm.s32 $0x6220  }
0x18: {  	v0 =	vimm.f32 $0.0e+00;
	s25 =	simm.s32 $0x7620;
	s1 =	simm.s32 $0x8A20;
	s6 =	simm.s32 $0x7  }
.LBB2_1:
0x19: {  	s11 =	simm.s32 $0x0;
	s12 =	simm.s32 $0x200  }
.LBB2_2:
0x1a: {  	p0 =	sne.s32 s12, $0x4E00;
	[tilespmem:s11+$0x4E90] =	vst v0  }
0x1b: {  	[tilespmem:s11+$0x4E20] =	vst v0  }
0x1c: {  	[tilespmem:s11+$0x4E30] =	vst v0  }
.Ltmp0:
0x1d: {  	[tilespmem:s11+$0x4E40] =	vst v0;
	(pc) =	sbr.rel @p0 .LBB2_2-.Ltmp0, $4  }
0x1e: {  	[tilespmem:s11+$0x4E50] =	vst v0  }
0x1f: {  	[tilespmem:s11+$0x4E60] =	vst v0  }
0x20: {  	[tilespmem:s11+$0x4E70] =	vst v0  }
0x21: {  	[tilespmem:s11+$0x4E80] =	vst v0;
	s11 =	sshra.s32 s12, $0x2;
	s12 =	sadd.s32 $0x200, s12  }
0x22: {  	[tilespmem:s11+$0x4E90] =	vst v0  }
0x23: {  	[tilespmem:s11+$0x4E20] =	vst v0  }
0x24: {  	[tilespmem:s11+$0x4E30] =	vst v0  }
0x25: {  	[tilespmem:s11+$0x4E40] =	vst v0  }
0x26: {  	[tilespmem:s11+$0x4E50] =	vst v0  }
0x27: {  	[tilespmem:s11+$0x4E60] =	vst v0  }
0x28: {  	[tilespmem:s11+$0x4E70] =	vst v0  }
0x29: {  	[tilespmem:s11+$0x4E80] =	vst v0;
	s11 =	simm.s32 $0x0;
	s12 =	rddreg [dreg:$0x4]  }
0x2a: {  	[tilespmem:s11], [sflag:$0x1] =	stream.linear.gather [hbm4b:s12+s11], $0x2710, $0x38;
	[tilespmem:$0x1F220] =	vst v63  }
0x2b: {  	s13 =	simm.s32 $0x2710;
	s12 =	rddreg [dreg:$0x5]  }
0x2c: {  	[tilespmem:s13], [sflag:$0x2] =	stream.linear.gather [hbm4b:s12+s11], $0x2710, $0x38;
	[tilespmem:$0x1F220] =	vst v63  }
0x2d: {  	_ = 	snop  }
0x2e: {  	[spmem:s7] =	stream.linear.scatter [tilespmem:s26], [sflag:$0x6], $0x1400, $0x38;
	[tilespmem:$0x1F220] =	vst v63  }
0x2f: {  	s13 =	rddreg [dreg:$0x6]  }
0x30: {  	[spmem:s13] =	stream.linear.scatter [tilespmem:s26], [sflag:$0x6], $0x1400, $0x38;
	[tilespmem:$0x1F220] =	vst v63  }
0x31: {  	s13 =	rddreg [dreg:$0x7]  }
0x32: {  	[spmem:s13] =	stream.linear.scatter [tilespmem:s26], [sflag:$0x6], $0x1400, $0x38;
	[tilespmem:$0x1F220] =	vst v63  }
0x33: {  	s13 =	rddreg [dreg:$0x8]  }
0x34: {  	[spmem:s13] =	stream.linear.scatter [tilespmem:s26], [sflag:$0x6], $0x1400, $0x38;
	[tilespmem:$0x1F220] =	vst v63  }
0x35: {  	s13 =	rddreg [dreg:$0x9]  }
0x36: {  	[spmem:s13] =	stream.linear.scatter [tilespmem:s26], [sflag:$0x6], $0x1400, $0x38;
	[tilespmem:$0x1F220] =	vst v63  }
0x37: {  	s13 =	rddreg [dreg:$0xa]  }
0x38: {  	[spmem:s13] =	stream.linear.scatter [tilespmem:s26], [sflag:$0x6], $0x1400, $0x38;
	[tilespmem:$0x1F220] =	vst v63  }
0x39: {  	s13 =	rddreg [dreg:$0xb]  }
0x3a: {  	[spmem:s13] =	stream.linear.scatter [tilespmem:s26], [sflag:$0x6], $0x1400, $0x38;
	[tilespmem:$0x1F220] =	vst v63  }
0x3b: {  	_ = 	snop  }
0x3c: {  	[spmem:s14] =	stream.linear.scatter [tilespmem:s26], [sflag:$0x6], $0x1400, $0x38;
	[tilespmem:$0x1F220] =	vst v63  }
0x3d: {  	_ = 	snop  }
0x3e: {  	[spmem:s15] =	stream.linear.scatter [tilespmem:s26], [sflag:$0x6], $0x1400, $0x38;
	[tilespmem:$0x1F220] =	vst v63  }
0x3f: {  	_ = 	snop  }
0x40: {  	[spmem:s16] =	stream.linear.scatter [tilespmem:s26], [sflag:$0x6], $0x1400, $0x38;
	[tilespmem:$0x1F220] =	vst v63  }
0x41: {  	_ = 	snop  }
0x42: {  	[spmem:s17] =	stream.linear.scatter [tilespmem:s26], [sflag:$0x6], $0x1400, $0x38;
	[tilespmem:$0x1F220] =	vst v63  }
0x43: {  	_ = 	snop  }
0x44: {  	[spmem:s18] =	stream.linear.scatter [tilespmem:s26], [sflag:$0x6], $0x1400, $0x38;
	[tilespmem:$0x1F220] =	vst v63  }
0x45: {  	_ = 	snop  }
0x46: {  	[spmem:s19] =	stream.linear.scatter [tilespmem:s26], [sflag:$0x6], $0x1400, $0x38;
	[tilespmem:$0x1F220] =	vst v63  }
0x47: {  	_ = 	snop  }
0x48: {  	[spmem:s20] =	stream.linear.scatter [tilespmem:s26], [sflag:$0x6], $0x1400, $0x38;
	[tilespmem:$0x1F220] =	vst v63  }
0x49: {  	_ = 	snop  }
0x4a: {  	[spmem:s21] =	stream.linear.scatter [tilespmem:s26], [sflag:$0x6], $0x1400, $0x38;
	[tilespmem:$0x1F220] =	vst v63  }
0x4b: {  	_ = 	snop  }
0x4c: {  	[spmem:s22] =	stream.linear.scatter [tilespmem:s26], [sflag:$0x6], $0x1400, $0x38;
	[tilespmem:$0x1F220] =	vst v63  }
0x4d: {  	_ =	swait.ge [sflag:s28], $0x2710  }
0x4e: {  	[sflag:s28] =	ssyncset.done $0x0  }
0x4f: {  	[sflag:s28] =	ssyncadd.s32 $0xFFFFD8F0  }
0x50: {  	_ =	swait.ge [sflag:s29], $0x2710  }
0x51: {  	[sflag:s29] =	ssyncset.done $0x0  }
0x52: {  	[sflag:s29] =	ssyncadd.s32 $0xFFFFD8F0  }
0x53: {  	_ =	swait.ge [sflag:s30], $0x1400  }
0x54: {  	[sflag:s30] =	ssyncset.done $0x0  }
0x55: {  	[sflag:s30] =	ssyncadd.s32 $0xFFFFEC00  }
0x56: {  	_ =	swait.ge [sflag:s30], $0x1400  }
0x57: {  	[sflag:s30] =	ssyncset.done $0x0  }
0x58: {  	[sflag:s30] =	ssyncadd.s32 $0xFFFFEC00  }
0x59: {  	_ =	swait.ge [sflag:s30], $0x1400  }
0x5a: {  	[sflag:s30] =	ssyncset.done $0x0  }
0x5b: {  	[sflag:s30] =	ssyncadd.s32 $0xFFFFEC00  }
0x5c: {  	_ =	swait.ge [sflag:s30], $0x1400  }
0x5d: {  	[sflag:s30] =	ssyncset.done $0x0  }
0x5e: {  	[sflag:s30] =	ssyncadd.s32 $0xFFFFEC00  }
0x5f: {  	_ =	swait.ge [sflag:s30], $0x1400  }
0x60: {  	[sflag:s30] =	ssyncset.done $0x0  }
0x61: {  	[sflag:s30] =	ssyncadd.s32 $0xFFFFEC00  }
0x62: {  	_ =	swait.ge [sflag:s30], $0x1400  }
0x63: {  	[sflag:s30] =	ssyncset.done $0x0  }
0x64: {  	[sflag:s30] =	ssyncadd.s32 $0xFFFFEC00  }
0x65: {  	_ =	swait.ge [sflag:s30], $0x1400  }
0x66: {  	[sflag:s30] =	ssyncset.done $0x0  }
0x67: {  	[sflag:s30] =	ssyncadd.s32 $0xFFFFEC00  }
0x68: {  	_ =	swait.ge [sflag:s30], $0x1400  }
0x69: {  	[sflag:s30] =	ssyncset.done $0x0  }
0x6a: {  	[sflag:s30] =	ssyncadd.s32 $0xFFFFEC00  }
0x6b: {  	_ =	swait.ge [sflag:s30], $0x1400  }
0x6c: {  	[sflag:s30] =	ssyncset.done $0x0  }
0x6d: {  	[sflag:s30] =	ssyncadd.s32 $0xFFFFEC00  }
0x6e: {  	_ =	swait.ge [sflag:s30], $0x1400  }
0x6f: {  	[sflag:s30] =	ssyncset.done $0x0  }
0x70: {  	[sflag:s30] =	ssyncadd.s32 $0xFFFFEC00  }
0x71: {  	_ =	swait.ge [sflag:s30], $0x1400  }
0x72: {  	[sflag:s30] =	ssyncset.done $0x0  }
0x73: {  	[sflag:s30] =	ssyncadd.s32 $0xFFFFEC00  }
0x74: {  	_ =	swait.ge [sflag:s30], $0x1400  }
0x75: {  	[sflag:s30] =	ssyncset.done $0x0  }
0x76: {  	[sflag:s30] =	ssyncadd.s32 $0xFFFFEC00  }
0x77: {  	_ =	swait.ge [sflag:s30], $0x1400  }
0x78: {  	[sflag:s30] =	ssyncset.done $0x0  }
0x79: {  	[sflag:s30] =	ssyncadd.s32 $0xFFFFEC00  }
0x7a: {  	_ =	swait.ge [sflag:s30], $0x1400  }
0x7b: {  	[sflag:s30] =	ssyncset.done $0x0  }
0x7c: {  	[sflag:s30] =	ssyncadd.s32 $0xFFFFEC00  }
0x7d: {  	_ =	swait.ge [sflag:s30], $0x1400  }
0x7e: {  	[sflag:s30] =	ssyncset.done $0x0  }
0x7f: {  	[sflag:s30] =	ssyncadd.s32 $0xFFFFEC00  }
0x80: {  	_ =	swait.ge [sflag:s30], $0x1400  }
0x81: {  	[sflag:s30] =	ssyncset.done $0x0  }
0x82: {  	[sflag:s30] =	ssyncadd.s32 $0xFFFFEC00  }
0x83: {  	[bflag:$0x0] =	sbarrier.arrive $0xFFFF  }
0x84: {  	[tilespmem:s26], [sflag:$0x1] =	stream.indirect.gather [hbm4b:s2+s31], $0x80, s11, s31, $0xb8;
	[tilespmem:$0x1F220] =	vst v63  }
0x85: {  	_ = 	snop  }
0x86: {  	[tilespmem:s0], [sflag:$0x2] =	stream.indirect.gather [hbm4b:s2+s31], $0x80, s31, s31, $0xb8;
	[tilespmem:$0x1F220] =	vst v63  }
0x87: {  	s12 =	simm.s32 $0x50  }
0x88: {  	[tilespmem:s25], [sflag:$0x3] =	stream.indirect.gather [hbm4b:s2+s31], $0x80, s12, s31, $0xb8;
	[tilespmem:$0x1F220] =	vst v63  }
0x89: {  	s13 =	simm.s32 $0x78  }
0x8a: {  	[tilespmem:s1], [sflag:$0x4] =	stream.indirect.gather [hbm4b:s2+s31], $0x80, s13, s31, $0xb8;
	[tilespmem:$0x1F220] =	vst v63  }
0x8b: {  	s12 =	simm.s32 $0xA0  }
0x8c: {  	[tilespmem:s5], [sflag:$0x5] =	stream.indirect.gather [hbm4b:s2+s31], $0x80, s12, s31, $0xb8;
	[tilespmem:$0x1F220] =	vst v63  }
0x8d: {  	_ =	swait.ge [sflag:s28], $0x1400  }
0x8e: {  	[sflag:s28] =	ssyncset.done $0x0  }
0x8f: {  	s13 =	simm.s32 $0x2710;
	[sflag:s28] =	ssyncadd.s32 $0xFFFFEC00  }
0x90: {  	[spmem:s3] =	stream.indirect.scatter.add.f32 [tilespmem:s26], [sflag:$0x7], $0x80, s13, s31, $0xb8;
	[tilespmem:$0x1F220] =	vst v63  }
0x91: {  	_ =	swait.ge [sflag:s6], $0x1400  }
0x92: {  	[sflag:s6] =	ssyncset.done $0x0  }
0x93: {  	s12 =	simm.s32 $0xC8;
	[sflag:s6] =	ssyncadd.s32 $0xFFFFEC00  }
0x94: {  	[tilespmem:s26], [sflag:$0x1] =	stream.indirect.gather [hbm4b:s2+s31], $0x80, s12, s31, $0xb8;
	[tilespmem:$0x1F220] =	vst v63  }
0x95: {  	_ =	swait.ge [sflag:s29], $0x1400  }
0x96: {  	[sflag:s29] =	ssyncset.done $0x0  }
0x97: {  	s13 =	simm.s32 $0x2738;
	[sflag:s29] =	ssyncadd.s32 $0xFFFFEC00  }
0x98: {  	[spmem:s3] =	stream.indirect.scatter.add.f32 [tilespmem:s0], [sflag:$0x7], $0x80, s13, s31, $0xb8;
	[tilespmem:$0x1F220] =	vst v63  }
0x99: {  	_ =	swait.ge [sflag:s6], $0x1400  }
0x9a: {  	[sflag:s6] =	ssyncset.done $0x0  }
0x9b: {  	s12 =	simm.s32 $0xF0;
	[sflag:s6] =	ssyncadd.s32 $0xFFFFEC00  }
0x9c: {  	[tilespmem:s0], [sflag:$0x2] =	stream.indirect.gather [hbm4b:s2+s31], $0x80, s12, s31, $0xb8;
	[tilespmem:$0x1F220] =	vst v63  }
0x9d: {  	_ =	swait.ge [sflag:s8], $0x1400  }
0x9e: {  	[sflag:s8] =	ssyncset.done $0x0  }
0x9f: {  	s13 =	simm.s32 $0x2760;
	[sflag:s8] =	ssyncadd.s32 $0xFFFFEC00  }
0xa0: {  	[spmem:s3] =	stream.indirect.scatter.add.f32 [tilespmem:s25], [sflag:$0x7], $0x80, s13, s31, $0xb8;
	[tilespmem:$0x1F220] =	vst v63  }
0xa1: {  	_ =	swait.ge [sflag:s6], $0x1400  }
0xa2: {  	[sflag:s6] =	ssyncset.done $0x0  }
0xa3: {  	s12 =	simm.s32 $0x118;
	[sflag:s6] =	ssyncadd.s32 $0xFFFFEC00  }
0xa4: {  	[tilespmem:s25], [sflag:$0x3] =	stream.indirect.gather [hbm4b:s2+s31], $0x80, s12, s31, $0xb8;
	[tilespmem:$0x1F220] =	vst v63  }
0xa5: {  	_ =	swait.ge [sflag:s9], $0x1400  }
0xa6: {  	[sflag:s9] =	ssyncset.done $0x0  }
0xa7: {  	s13 =	simm.s32 $0x2788;
	[sflag:s9] =	ssyncadd.s32 $0xFFFFEC00  }
0xa8: {  	[spmem:s3] =	stream.indirect.scatter.add.f32 [tilespmem:s1], [sflag:$0x7], $0x80, s13, s31, $0xb8;
	[tilespmem:$0x1F220] =	vst v63  }
0xa9: {  	_ =	swait.ge [sflag:s6], $0x1400  }
0xaa: {  	[sflag:s6] =	ssyncset.done $0x0  }
0xab: {  	s12 =	simm.s32 $0x140;
	[sflag:s6] =	ssyncadd.s32 $0xFFFFEC00  }
0xac: {  	[tilespmem:s1], [sflag:$0x4] =	stream.indirect.gather [hbm4b:s2+s31], $0x80, s12, s31, $0xb8;
	[tilespmem:$0x1F220] =	vst v63  }
0xad: {  	_ =	swait.ge [sflag:s10], $0x1400  }
0xae: {  	[sflag:s10] =	ssyncset.done $0x0  }
0xaf: {  	s13 =	simm.s32 $0x27B0;
	[sflag:s10] =	ssyncadd.s32 $0xFFFFEC00  }
0xb0: {  	[spmem:s3] =	stream.indirect.scatter.add.f32 [tilespmem:s5], [sflag:$0x7], $0x80, s13, s31, $0xb8;
	[tilespmem:$0x1F220] =	vst v63  }
0xb1: {  	_ =	swait.ge [sflag:s6], $0x1400  }
0xb2: {  	[sflag:s6] =	ssyncset.done $0x0  }
0xb3: {  	s11 =	simm.s32 $0x320;
	s12 =	simm.s32 $0x168;
	[sflag:s6] =	ssyncadd.s32 $0xFFFFEC00  }
.LBB2_4:
0xb4: {  	[tilespmem:s5], [sflag:$0x5] =	stream.indirect.gather [hbm4b:s2+s31], $0x80, s12, s31, $0xb8;
	[tilespmem:$0x1F220] =	vst v63  }
0xb5: {  	s12 =	smov.u32 s11  }
0xb6: {  	p0 =	sne.s32 s11, $0x9600;
	s11 =	sadd.s32 $0x320, s11;
	_ =	swait.ge [sflag:s28], $0x1400  }
0xb7: {  	s12 =	sshra.s32 s12, $0x2;
	[sflag:s28] =	ssyncset.done $0x0  }
0xb8: {  	s13 =	sadd.s32 $0x2710, s12;
	[sflag:s28] =	ssyncadd.s32 $0xFFFFEC00  }
0xb9: {  	[spmem:s3] =	stream.indirect.scatter.add.f32 [tilespmem:s26], [sflag:$0x7], $0x80, s13, s31, $0xb8;
	[tilespmem:$0x1F220] =	vst v63  }
0xba: {  	_ =	swait.ge [sflag:s6], $0x1400  }
0xbb: {  	[sflag:s6] =	ssyncset.done $0x0  }
0xbc: {  	s13 =	sadd.s32 $0xC8, s12;
	[sflag:s6] =	ssyncadd.s32 $0xFFFFEC00  }
0xbd: {  	[tilespmem:s26], [sflag:$0x1] =	stream.indirect.gather [hbm4b:s2+s31], $0x80, s13, s31, $0xb8;
	[tilespmem:$0x1F220] =	vst v63  }
0xbe: {  	_ =	swait.ge [sflag:s29], $0x1400  }
0xbf: {  	[sflag:s29] =	ssyncset.done $0x0  }
0xc0: {  	s13 =	sadd.s32 $0x2738, s12;
	[sflag:s29] =	ssyncadd.s32 $0xFFFFEC00  }
0xc1: {  	[spmem:s3] =	stream.indirect.scatter.add.f32 [tilespmem:s0], [sflag:$0x7], $0x80, s13, s31, $0xb8;
	[tilespmem:$0x1F220] =	vst v63  }
0xc2: {  	_ =	swait.ge [sflag:s6], $0x1400  }
0xc3: {  	[sflag:s6] =	ssyncset.done $0x0  }
0xc4: {  	s13 =	sadd.s32 $0xF0, s12;
	[sflag:s6] =	ssyncadd.s32 $0xFFFFEC00  }
0xc5: {  	[tilespmem:s0], [sflag:$0x2] =	stream.indirect.gather [hbm4b:s2+s31], $0x80, s13, s31, $0xb8;
	[tilespmem:$0x1F220] =	vst v63  }
0xc6: {  	_ =	swait.ge [sflag:s8], $0x1400  }
0xc7: {  	[sflag:s8] =	ssyncset.done $0x0  }
0xc8: {  	s13 =	sadd.s32 $0x2760, s12;
	[sflag:s8] =	ssyncadd.s32 $0xFFFFEC00  }
0xc9: {  	[spmem:s3] =	stream.indirect.scatter.add.f32 [tilespmem:s25], [sflag:$0x7], $0x80, s13, s31, $0xb8;
	[tilespmem:$0x1F220] =	vst v63  }
0xca: {  	_ =	swait.ge [sflag:s6], $0x1400  }
0xcb: {  	[sflag:s6] =	ssyncset.done $0x0  }
0xcc: {  	s13 =	sadd.s32 $0x118, s12;
	[sflag:s6] =	ssyncadd.s32 $0xFFFFEC00  }
0xcd: {  	[tilespmem:s25], [sflag:$0x3] =	stream.indirect.gather [hbm4b:s2+s31], $0x80, s13, s31, $0xb8;
	[tilespmem:$0x1F220] =	vst v63  }
0xce: {  	_ =	swait.ge [sflag:s9], $0x1400  }
0xcf: {  	[sflag:s9] =	ssyncset.done $0x0  }
0xd0: {  	s13 =	sadd.s32 $0x2788, s12;
	[sflag:s9] =	ssyncadd.s32 $0xFFFFEC00  }
0xd1: {  	[spmem:s3] =	stream.indirect.scatter.add.f32 [tilespmem:s1], [sflag:$0x7], $0x80, s13, s31, $0xb8;
	[tilespmem:$0x1F220] =	vst v63  }
0xd2: {  	_ =	swait.ge [sflag:s6], $0x1400  }
0xd3: {  	[sflag:s6] =	ssyncset.done $0x0  }
0xd4: {  	s13 =	sadd.s32 $0x140, s12;
	[sflag:s6] =	ssyncadd.s32 $0xFFFFEC00  }
0xd5: {  	[tilespmem:s1], [sflag:$0x4] =	stream.indirect.gather [hbm4b:s2+s31], $0x80, s13, s31, $0xb8;
	[tilespmem:$0x1F220] =	vst v63  }
0xd6: {  	_ =	swait.ge [sflag:s10], $0x1400  }
0xd7: {  	[sflag:s10] =	ssyncset.done $0x0  }
.Ltmp1:
0xd8: {  	s13 =	sadd.s32 $0x27B0, s12;
	[sflag:s10] =	ssyncadd.s32 $0xFFFFEC00;
	(pc) =	sbr.rel @p0 .LBB2_4-.Ltmp1, $4  }
0xd9: {  	[spmem:s3] =	stream.indirect.scatter.add.f32 [tilespmem:s5], [sflag:$0x7], $0x80, s13, s31, $0xb8;
	[tilespmem:$0x1F220] =	vst v63  }
0xda: {  	_ =	swait.ge [sflag:s6], $0x1400  }
0xdb: {  	[sflag:s6] =	ssyncset.done $0x0  }
0xdc: {  	s12 =	sadd.s32 $0x168, s12;
	[sflag:s6] =	ssyncadd.s32 $0xFFFFEC00  }
0xdd: {  	[tilespmem:s5], [sflag:$0x5] =	stream.indirect.gather [hbm4b:s2+s31], $0x80, s12, s31, $0xb8;
	[tilespmem:$0x1F220] =	vst v63  }
0xde: {  	_ =	swait.ge [sflag:s28], $0x1400  }
0xdf: {  	[sflag:s28] =	ssyncset.done $0x0  }
0xe0: {  	s11 =	simm.s32 $0x4D58;
	[sflag:s28] =	ssyncadd.s32 $0xFFFFEC00  }
0xe1: {  	[spmem:s3] =	stream.indirect.scatter.add.f32 [tilespmem:s26], [sflag:$0x7], $0x80, s11, s31, $0xb8;
	[tilespmem:$0x1F220] =	vst v63  }
0xe2: {  	_ =	swait.ge [sflag:s6], $0x1400  }
0xe3: {  	[sflag:s6] =	ssyncset.done $0x0  }
0xe4: {  	[sflag:s6] =	ssyncadd.s32 $0xFFFFEC00  }
0xe5: {  	_ =	swait.ge [sflag:s29], $0x1400  }
0xe6: {  	[sflag:s29] =	ssyncset.done $0x0  }
0xe7: {  	s12 =	simm.s32 $0x4D80;
	[sflag:s29] =	ssyncadd.s32 $0xFFFFEC00  }
0xe8: {  	[spmem:s3] =	stream.indirect.scatter.add.f32 [tilespmem:s0], [sflag:$0x7], $0x80, s12, s31, $0xb8;
	[tilespmem:$0x1F220] =	vst v63  }
0xe9: {  	_ =	swait.ge [sflag:s6], $0x1400  }
0xea: {  	[sflag:s6] =	ssyncset.done $0x0  }
0xeb: {  	[sflag:s6] =	ssyncadd.s32 $0xFFFFEC00  }
0xec: {  	_ =	swait.ge [sflag:s8], $0x1400  }
0xed: {  	[sflag:s8] =	ssyncset.done $0x0  }
0xee: {  	s13 =	simm.s32 $0x4DA8;
	[sflag:s8] =	ssyncadd.s32 $0xFFFFEC00  }
0xef: {  	[spmem:s3] =	stream.indirect.scatter.add.f32 [tilespmem:s25], [sflag:$0x7], $0x80, s13, s31, $0xb8;
	[tilespmem:$0x1F220] =	vst v63  }
0xf0: {  	_ =	swait.ge [sflag:s6], $0x1400  }
0xf1: {  	[sflag:s6] =	ssyncset.done $0x0  }
0xf2: {  	[sflag:s6] =	ssyncadd.s32 $0xFFFFEC00  }
0xf3: {  	_ =	swait.ge [sflag:s9], $0x1400  }
0xf4: {  	[sflag:s9] =	ssyncset.done $0x0  }
0xf5: {  	s12 =	simm.s32 $0x4DD0;
	[sflag:s9] =	ssyncadd.s32 $0xFFFFEC00  }
0xf6: {  	[spmem:s3] =	stream.indirect.scatter.add.f32 [tilespmem:s1], [sflag:$0x7], $0x80, s12, s31, $0xb8;
	[tilespmem:$0x1F220] =	vst v63  }
0xf7: {  	_ =	swait.ge [sflag:s6], $0x1400  }
0xf8: {  	[sflag:s6] =	ssyncset.done $0x0  }
0xf9: {  	[sflag:s6] =	ssyncadd.s32 $0xFFFFEC00  }
0xfa: {  	_ =	swait.ge [sflag:s10], $0x1400  }
0xfb: {  	[sflag:s10] =	ssyncset.done $0x0  }
0xfc: {  	s13 =	simm.s32 $0x4DF8;
	[sflag:s10] =	ssyncadd.s32 $0xFFFFEC00  }
0xfd: {  	[spmem:s3] =	stream.indirect.scatter.add.f32 [tilespmem:s5], [sflag:$0x7], $0x80, s13, s31, $0xb8;
	[tilespmem:$0x1F220] =	vst v63  }
0xfe: {  	s12 =	stileid.u32;
	_ =	swait.ge [sflag:s6], $0x1400  }
0xff: {  	s4 =	sadd.s32 $0x1, s4;
	s11 =	sshll.u32 s12, $0x6;
	[sflag:s6] =	ssyncset.done $0x0  }
0x100: {  	p0 =	sne.s32 s4, s24;
	s11 =	sor.u32 $0x1C07, s11;
	[sflag:s6] =	ssyncadd.s32 $0xFFFFEC00  }
.Ltmp2:
0x101: {  	s13 =	sshrl.u32 s7, $0x3;
	[bflag:$0x0] =	sbarrier.arrive $0xFFFF;
	(pc) =	sbr.rel @p0 .LBB2_1-.Ltmp2, $4  }
0x102: {  	[hbm:s23], [sflag:s11] =	dma.local [spmem:s13], $0x2800  }
0x103: {  	_ =	swait.ge [sflag:s6], $0x2800  }
0x104: {  	[sflag:s6] =	ssyncset.done $0x0  }
0x105: {  	[sflag:s6] =	ssyncadd.s32 $0xFFFFD800  }
0x106: {  	_ =	sfence.sel $0x180000  }
0x107: {  	[bflag:$0x0] =	sbarrier.arrive $0xFFFF  }
0x108: {  	_ =	strace $0x9000004A  }
0x109: {  	s0 =	stileid.u32;
	[bflag:$0x2] =	sbarrier.arrive $0xFFFF  }
0x10a: {  	p0 =	sne.s32 s0, $0x0;
	s0 =	rddreg [dreg:$0x3]  }
0x10b: {  	s0 =	sadd.s32 @!p0 $0x100000, s0  }
0x10c: {  	[sflag:s0] =	ssyncadd.tile.s32 @!p0 $0x1;
	_ =	shalt  }
.Lfunc_end2:
_tile_overlayer_lowered:
.L_overlay_start_2:
0x10d: {  	(tag) =	ssettag $0x2  }
0x10e: {  	s0 =	rddreg [dreg:$0x0];
	s2 =	stileid.u32  }
0x10f: {  	s1 =	rddreg [dreg:$0x1];
	p0 =	sne.s32 s2, $0x0  }
0x110: {  	s3 =	rddreg [dreg:$0x2];
	[bflag:$0x3] =	sbarrier.arrive $0xFFFF;
	s2 =	simm.s32 @!p0 $0x1C07  }
0x111: {  	[timem:s3], [sflag:s2] =	dma.local @!p0 [hbm:s0], s1  }
0x112: {  	s0 =	simm.s32 @!p0 $0x7  }
0x113: {  	_ =	swait.ge @!p0 [sflag:s0], s1  }
0x114: {  	s1 =	ssub.s32 @!p0 $0x0, s1;
	[sflag:s0] =	ssyncset.done @!p0 $0x0  }
0x115: {  	[sflag:s0] =	ssyncadd.s32 @!p0 s1  }
0x116: {  	[bflag:$0x3] =	sbarrier.arrive $0xFFFF  }
0x117: {  	_ =	shalt  }

// kernel: kernel.15.cloned.1.call-start
scs
__scs_entry_jumppad:
0x0: {  	(pc) =	sbr.rel $0x88, $3  }
0x1: {  	(tag) =	ssettag $0x0;
	lr =	simm.s32 $0x1  }
0x2: {  	[smem:$0x3F99] =	sst lr;
	_ =	strace $0xD0000000  }
0x3: {  	_ = 	snop  }
0x4: {  	_ = 	snop  }
0x5: {  	_ = 	snop  }
0x6: {  	_ = 	snop  }
0x7: {  	_ = 	snop  }
__scs_overlays_trampoline_lowered:
0x8: {  	[smem:$0x3FA8] =	sst s0  }
0x9: {  	[smem:$0x3FA9] =	sst s1  }
0xa: {  	[smem:$0x3FAA] =	sst s2  }
0xb: {  	[smem:$0x3FAB] =	sst s3  }
0xc: {  	[smem:$0x3FAC] =	sst s4  }
0xd: {  	[smem:$0x3FAD] =	sst s5  }
0xe: {  	[smem:$0x3FAE] =	sst s6  }
0xf: {  	[smem:$0x3FAF] =	sst s7  }
0x10: {  	[smem:$0x3FB0] =	sst s8  }
0x11: {  	[smem:$0x3FB1] =	sst s9;
	s0 =	simm.s32 @!p0 $0x0  }
0x12: {  	s1 =	sld [smem:$0x3F97];
	s0 =	simm.s32 @p0 $0x1  }
0x13: {  	[smem:$0x3FB2] =	sst s0;
	s0 =	simm.s32 @!p1 $0x0  }
0x14: {  	s2 =	sld [smem:$0x3F96];
	s0 =	simm.s32 @p1 $0x1  }
0x15: {  	[smem:$0x3FB3] =	sst s0;
	s0 =	simm.s32 @!p2 $0x0  }
0x16: {  	s3 =	sld [smem:$0x3FDB];
	s0 =	simm.s32 @p2 $0x1  }
0x17: {  	s4 =	simm.s32 $0x1BF5;
	[smem:$0x3FB5] =	sst s0  }
0x18: {  	s0 =	sld [smem:$0x3F98];
	_ =	swait.ge [sflag:s4], $0x0  }
0x19: {  	s7 =	sld [smem:$0x3F99]  }
0x1a: {  	s8 =	sadd.s32 $0xFFFFE003, lr  }
0x1b: {  	s9 =	sadd.s32 $0xFFFFFEF7, lr;
	s5 =	simm.s32 $0xFFFFFFFF;
	p2 =	slt.u32 s8, $0xFFFFF086  }
0x1c: {  	p1 =	slt.u32 s9, $0xF7A;
	s5 =	simm.s32 @!p2 $0x0  }
0x1d: {  	s5 =	simm.s32 @p1 $0x1;
	p0 =	seq.s32 s7, s2  }
0x1e: {  	s7 =	smul.u32 @!p0 $0xF7A, s2;
	p2 =	seq.s32 @!p0 s5, $0x0  }
0x1f: {  	s9 =	smul.u32 $0xF7A, s1;
	s8 =	simm.s32 @!p0 $0x1BF5;
	p2 =	por !p2, p0  }
0x20: {  	[sflag:s8] =	ssyncset.s32 @!p0 $0xFFFFF086;
	s6 =	sadd.s32 @!p0 s3, s7;
	s7 =	simm.s32 @!p0 $0x108  }
0x21: {  	s3 =	sadd.s32 s3, s9;
	s6 =	sadd.s32 @!p0 $0x88, s6;
	s7 =	simm.s32 @p2 $0x1082  }
0x22: {  	[simem:s7], [sflag:s8] =	dma.local @!p0 [hbm:s6], $0xF7A  }
0x23: {  	s9 =	sor.u32 $0xD0000000, s2;
	s6 =	simm.s32 $0x108;
	_ =	swait.ge @!p0 [sflag:s8], $0x0  }
0x24: {  	s3 =	sadd.s32 $0x88, s3;
	s6 =	simm.s32 @!p1 $0x1082;
	[sflag:s4] =	ssyncset.s32 $0xFFFFF086  }
0x25: {  	[simem:s6], [sflag:s4] =	dma.local [hbm:s3], $0xF7A  }
0x26: {  	[smem:$0x3F99] =	sst s1;
	(tag) =	ssettag s2;
	_ =	strace s9  }
0x27: {  	s1 =	sld [smem:$0x3FA9]  }
0x28: {  	s2 =	sld [smem:$0x3FAA]  }
0x29: {  	s4 =	sld [smem:$0x3FAC]  }
0x2a: {  	p0 =	seq.s32 s5, $0x0;
	s5 =	sld [smem:$0x3FAD]  }
0x2b: {  	s6 =	sld [smem:$0x3FAE]  }
0x2c: {  	s7 =	sld [smem:$0x3FAF]  }
0x2d: {  	s3 =	simm.s32 $0x108;
	s8 =	sld [smem:$0x3FB0]  }
0x2e: {  	s3 =	simm.s32 @!p0 $0x1082;
	s9 =	sld [smem:$0x3FB1]  }
0x2f: {  	lr =	sadd.s32 s0, s3;
	s0 =	sld [smem:$0x3FA8]  }
0x30: {  	s3 =	sld [smem:$0x3FAB]  }
0x31: {  	[smem:$0x3FB4] =	sst s10  }
0x32: {  	s10 =	sld [smem:$0x3FB2];
	_ =	sdelay $0x3  }
0x33: {  	p0 =	seq.s32 s10, $0x1;
	s10 =	sld [smem:$0x3FB4];
	_ =	sdelay $0x3  }
0x34: {  	[smem:$0x3FB4] =	sst s10  }
0x35: {  	s10 =	sld [smem:$0x3FB3];
	_ =	sdelay $0x3  }
0x36: {  	p1 =	seq.s32 s10, $0x1;
	s10 =	sld [smem:$0x3FB4];
	_ =	sdelay $0x3  }
0x37: {  	[smem:$0x3FB4] =	sst s10  }
0x38: {  	s10 =	sld [smem:$0x3FB5]  }
0x39: {  	_ = 	snop;
	(pc) =	sbr.ind lr, $3  }
0x3a: {  	_ = 	snop  }
0x3b: {  	_ = 	snop  }
0x3c: {  	p2 =	seq.s32 s10, $0x1;
	s10 =	sld [smem:$0x3FB4]  }
0x3d: {  	_ =	shalt  }
0x3e: {  	_ =	shalt  }
0x3f: {  	_ =	shalt  }
0x40: {  	_ =	shalt  }
0x41: {  	_ =	shalt  }
0x42: {  	_ =	shalt  }
0x43: {  	_ =	shalt  }
0x44: {  	_ =	shalt  }
0x45: {  	_ =	shalt  }
0x46: {  	_ =	shalt  }
0x47: {  	_ =	shalt  }
0x48: {  	_ =	shalt  }
0x49: {  	_ =	shalt  }
0x4a: {  	_ =	shalt  }
0x4b: {  	_ =	shalt  }
0x4c: {  	_ =	shalt  }
0x4d: {  	_ =	shalt  }
0x4e: {  	_ =	shalt  }
0x4f: {  	_ =	shalt  }
0x50: {  	_ =	shalt  }
0x51: {  	_ =	shalt  }
0x52: {  	_ =	shalt  }
0x53: {  	_ =	shalt  }
0x54: {  	_ =	shalt  }
0x55: {  	_ =	shalt  }
0x56: {  	_ =	shalt  }
0x57: {  	_ =	shalt  }
0x58: {  	_ =	shalt  }
0x59: {  	_ =	shalt  }
0x5a: {  	_ =	shalt  }
0x5b: {  	_ =	shalt  }
0x5c: {  	_ =	shalt  }
0x5d: {  	_ =	shalt  }
0x5e: {  	_ =	shalt  }
0x5f: {  	_ =	shalt  }
0x60: {  	_ =	shalt  }
0x61: {  	_ =	shalt  }
0x62: {  	_ =	shalt  }
0x63: {  	_ =	shalt  }
0x64: {  	_ =	shalt  }
0x65: {  	_ =	shalt  }
0x66: {  	_ =	shalt  }
0x67: {  	_ =	shalt  }
0x68: {  	_ =	shalt  }
0x69: {  	_ =	shalt  }
0x6a: {  	_ =	shalt  }
0x6b: {  	_ =	shalt  }
0x6c: {  	_ =	shalt  }
0x6d: {  	_ =	shalt  }
0x6e: {  	_ =	shalt  }
0x6f: {  	_ =	shalt  }
0x70: {  	_ =	shalt  }
0x71: {  	_ =	shalt  }
0x72: {  	_ =	shalt  }
0x73: {  	_ =	shalt  }
0x74: {  	_ =	shalt  }
0x75: {  	_ =	shalt  }
0x76: {  	_ =	shalt  }
0x77: {  	_ =	shalt  }
0x78: {  	_ =	shalt  }
0x79: {  	_ =	shalt  }
0x7a: {  	_ =	shalt  }
0x7b: {  	_ =	shalt  }
0x7c: {  	_ =	shalt  }
0x7d: {  	_ =	shalt  }
0x7e: {  	_ =	shalt  }
0x7f: {  	_ =	shalt  }
0x80: {  	_ =	shalt  }
0x81: {  	_ =	shalt  }
0x82: {  	_ =	shalt  }
0x83: {  	_ =	shalt  }
0x84: {  	_ =	shalt  }
0x85: {  	_ =	shalt  }
0x86: {  	_ =	shalt  }
0x87: {  	_ =	shalt  }
.Lfunc_end0:
.L_simem_size_0:
called_computation.2_lowered:
.L_overlay_start_0:
0x88: {  	s2 =	sld [smem:$0x3FD9]  }
0x89: {  	s3 =	sld [smem:$0x3FFE];
	_ =	sdelay $0x1  }
0x8a: {  	s1 =	srdreg.scid  }
0x8b: {  	s0 =	sand.u32 $0x1, s1  }
0x8c: {  	s17 =	sshll.u32 s0, $0xA;
	s2 =	sadd.s32 s3, s2  }
0x8d: {  	s2 =	sadd.s32 s2, s17  }
0x8e: {  	[smem:$0x3FC0] =	sst s2  }
0x8f: {  	_ = 	snop  }
0x90: {  	s2 =	sld [smem:$0x3FD0];
	(tm) =	ssettm $0x1  }
0x91: {  	s18 =	sld [smem:$0x3FFB];
	_ =	sdelay $0x3  }
0x92: {  	_ =	strace s18  }
0x93: {  	s3 =	sld [smem:$0x3FFC];
	_ =	sdelay $0x3  }
0x94: {  	_ =	strace s3  }
0x95: {  	s3 =	sld [smem:$0x3FFD];
	_ =	sdelay $0x3  }
0x96: {  	_ =	strace s3  }
0x97: {  	_ =	strace $0x8FFFFFFF  }
0x98: {  	s19 =	sld [smem:$0x3FDB];
	_ =	sdelay $0x1  }
0x99: {  	s4 =	simm.s32 $_scs_section_size  }
0x9a: {  	s5 =	simm.s32 $_size__tile_overlayer_lowered;
	s6 =	simm.s32 $_tile_overlayer_lowered  }
0x9b: {  	s22 =	simm.s32 $0x1BFF;
	s21 =	sshll.u32 s6, $0x1;
	s3 =	sadd.s32 s4, s19  }
0x9c: {  	s7 =	simm.s32 $0x0;
	s20 =	sshll.u32 s5, $0x1;
	s5 =	sadd.s32 s21, s3  }
0x9d: {  	[timem:s7], [sflag:s22] =	dma.local [hbm:s5], s20  }
0x9e: {  	_ =	swait.ge [sflag:s22], s20  }
0x9f: {  	s4 =	ssub.s32 $0x0, s20;
	[sflag:s22] =	ssyncset.done $0x0  }
0xa0: {  	[sflag:s22] =	ssyncadd.s32 s4;
	_ =	sdelay $0x1  }
0xa1: {  	s23 =	simm.s32 $0x1B8B  }
0xa2: {  	_ =	swait.ge [sflag:s23], $0x1  }
0xa3: {  	[sflag:s23] =	ssyncset.done $0x0  }
0xa4: {  	s25 =	simm.s32 $0x1B8E;
	s24 =	sld [smem:$0x3FFE];
	[sflag:s23] =	ssyncadd.s32 $0xFFFFFFFF  }
0xa5: {  	s26 =	simm.s32 $execute0_lowered;
	[smem:$0x3FD2] =	sst s25  }
0xa6: {  	s5 =	sshll.u32 s26, $0x1;
	_ =	strace $0x8000004C;
	[dreg:$0x1] =	wrdreg $0xFFFFFFFF  }
0xa7: {  	s28 =	simm.s32 $_size_execute0_lowered;
	s3 =	sadd.s32 s3, s5;
	[dreg:$0x0] =	wrdreg $0x0  }
0xa8: {  	s5 =	sshll.u32 s28, $0x1;
	[dreg:$0x2] =	wrdreg s3  }
0xa9: {  	[dreg:$0x3] =	wrdreg s5  }
0xaa: {  	[dreg:$0x4] =	wrdreg $0xC0  }
0xab: {  	_ =	task [dreg:s7], $0x5FFFF  }
0xac: {  	[dreg:$0x1] =	wrdreg $0xFFFFFFFF  }
0xad: {  	[dreg:$0x0] =	wrdreg $0x60  }
0xae: {  	[dreg:$0x2] =	wrdreg s2  }
0xaf: {  	[dreg:$0x3] =	wrdreg s24  }
0xb0: {  	[dreg:$0x4] =	wrdreg $0xB2200  }
0xb1: {  	[dreg:$0x5] =	wrdreg $0x9  }
0xb2: {  	_ =	task.clear_ibuf [dreg:s7], $0x6FFFF;
	_ =	strace $0x9000004C  }
0xb3: {  	s29 =	simm.s32 $0x9;
	_ =	strace $0x8000004E  }
0xb4: {  	_ =	swait.ge [sflag:s29], $0x1  }
0xb5: {  	[sflag:s29] =	ssyncadd.s32 $0xFFFFFFFF  }
0xb6: {  	_ =	strace $0x9000004E  }
0xb7: {  	_ =	sfence  }
0xb8: {  	s30 =	sld [smem:$0x0];
	_ =	sdelay $0x2  }
0xb9: {  	s31 =	sshll.u32 s1, $0xD;
	s1 =	sshrl.u32 s1, $0x2  }
0xba: {  	s3 =	sand.u32 $0x4000, s31;
	s1 =	sadd.s32 s1, s30  }
0xbb: {  	s0 =	sor.u32 s3, s0;
	s1 =	sshll.u32 s1, $0x11  }
0xbc: {  	s0 =	sor.u32 s1, s0  }
0xbd: {  	s0 =	sadd.s32 $0x8F2B, s0  }
0xbe: {  	[sflag:s0] =	ssyncadd.remote.s32 $0x1  }
0xbf: {  	_ =	sfence.sel $0xFFFF  }
0xc0: {  	[dreg:$0x0] =	wrdreg $0xFFFFFFFF;
	(pc) =	sbr.abs _section_cstart, $3  }
0xc1: {  	[dreg:$0x1] =	wrdreg $0xFFFFFFFF  }
0xc2: {  	_ =	task.clear_ibuf [dreg:s7], $0x2FFFF;
	_ =	strace $0x9FFFFFFF  }
0xc3: {  	(tm) =	ssettm $0x7FFFFFFF  }
tec
execute0_lowered:
.L_overlay_start_1:
0x0: {  	(tag) =	ssettag $0x1  }
0x1: {  	s2 =	rddreg [dreg:$0x0]  }
0x2: {  	s0 =	rddreg [dreg:$0x1]  }
0x3: {  	s3 =	rddreg [dreg:$0x2]  }
0x4: {  	s1 =	srdreg.scid;
	s8 =	stileid.u32  }
0x5: {  	s4 =	simm.s32 $0x0;
	s28 =	simm.s32 $0x1;
	s29 =	simm.s32 $0x2  }
0x6: {  	s30 =	simm.s32 $0x6;
	s31 =	simm.s32 $0x28;
	s9 =	simm.s32 $0x4  }
0x7: {  	s10 =	simm.s32 $0x5;
	s1 =	sand.u32 $0x1, s1;
	s5 =	smul.u32 $0x14000, s8  }
0x8: {  	[smem:$0x7FF] =	sst s4;
	s6 =	sshll.u32 s1, $0x4;
	s7 =	smul.u32 $0x140000, s1  }
0x9: {  	s1 =	ssub.s32 $0x2, s1;
	s6 =	sor.u32 s8, s6;
	s8 =	smul.u32 $0x50000, s8  }
0xa: {  	s11 =	sshrl.u32 s1, $0x1;
	s6 =	smul.u32 $0x4E2, s6;
	s7 =	sadd.s32 s5, s7  }
0xb: {  	_ =	strace $0x8000004D;
	s1 =	ssub.s32 s1, s11;
	s7 =	sshrl.u32 s7, $0x3  }
0xc: {  	s8 =	sshrl.u32 s8, $0x2;
	s6 =	sadd.s32 s6, s0;
	s0 =	sadd.s32 s7, s0  }
0xd: {  	s7 =	sadd.s32 s5, s3;
	s13 =	sadd.s32 s8, s3;
	s12 =	sadd.s32 $0xD400, s6  }
0xe: {  	s5 =	simm.s32 $0x9E20;
	s6 =	sadd.s32 $0x3600, s6;
	[dreg:$0x4] =	wrdreg s12  }
0xf: {  	s8 =	simm.s32 $0x3;
	s21 =	sadd.s32 $0x1400, s13;
	[dreg:$0x5] =	wrdreg s6  }
0x10: {  	s22 =	sadd.s32 $0x2800, s13;
	s23 =	sadd.s32 $0x3C00, s13;
	[dreg:$0x6] =	wrdreg s21  }
0x11: {  	s24 =	sadd.s32 $0x5000, s13;
	s25 =	sadd.s32 $0x6400, s13;
	[dreg:$0x7] =	wrdreg s22  }
0x12: {  	s26 =	sadd.s32 $0x7800, s13;
	s14 =	sadd.s32 $0x8C00, s13;
	[dreg:$0x8] =	wrdreg s23  }
0x13: {  	s15 =	sadd.s32 $0xA000, s13;
	s16 =	sadd.s32 $0xB400, s13;
	[dreg:$0x9] =	wrdreg s24  }
0x14: {  	s17 =	sadd.s32 $0xC800, s13;
	s18 =	sadd.s32 $0xDC00, s13;
	[dreg:$0xa] =	wrdreg s25  }
0x15: {  	s19 =	sadd.s32 $0xF000, s13;
	s20 =	sadd.s32 $0x10400, s13;
	[dreg:$0xb] =	wrdreg s26  }
0x16: {  	s21 =	sadd.s32 $0x11800, s13;
	s22 =	sadd.s32 $0x12C00, s13;
	s23 =	sadd.s32 $0x17200, s0  }
0x17: {  	s24 =	smax.u32 s1, $0x1;
	s26 =	simm.s32 $0x4E20;
	s0 =	simm.s32 $0x6220  }
0x18: {  	v0 =	vimm.f32 $0.0e+00;
	s25 =	simm.s32 $0x7620;
	s1 =	simm.s32 $0x8A20;
	s6 =	simm.s32 $0x7  }
.LBB2_1:
0x19: {  	s11 =	simm.s32 $0x0;
	s12 =	simm.s32 $0x200  }
.LBB2_2:
0x1a: {  	p0 =	sne.s32 s12, $0x4E00;
	[tilespmem:s11+$0x4E90] =	vst v0  }
0x1b: {  	[tilespmem:s11+$0x4E20] =	vst v0  }
0x1c: {  	[tilespmem:s11+$0x4E30] =	vst v0  }
.Ltmp0:
0x1d: {  	[tilespmem:s11+$0x4E40] =	vst v0;
	(pc) =	sbr.rel @p0 .LBB2_2-.Ltmp0, $4  }
0x1e: {  	[tilespmem:s11+$0x4E50] =	vst v0  }
0x1f: {  	[tilespmem:s11+$0x4E60] =	vst v0  }
0x20: {  	[tilespmem:s11+$0x4E70] =	vst v0  }
0x21: {  	[tilespmem:s11+$0x4E80] =	vst v0;
	s11 =	sshra.s32 s12, $0x2;
	s12 =	sadd.s32 $0x200, s12  }
0x22: {  	[tilespmem:s11+$0x4E90] =	vst v0  }
0x23: {  	[tilespmem:s11+$0x4E20] =	vst v0  }
0x24: {  	[tilespmem:s11+$0x4E30] =	vst v0  }
0x25: {  	[tilespmem:s11+$0x4E40] =	vst v0  }
0x26: {  	[tilespmem:s11+$0x4E50] =	vst v0  }
0x27: {  	[tilespmem:s11+$0x4E60] =	vst v0  }
0x28: {  	[tilespmem:s11+$0x4E70] =	vst v0  }
0x29: {  	[tilespmem:s11+$0x4E80] =	vst v0;
	s11 =	simm.s32 $0x0;
	s12 =	rddreg [dreg:$0x4]  }
0x2a: {  	[tilespmem:s11], [sflag:$0x1] =	stream.linear.gather [hbm4b:s12+s11], $0x2710, $0x38;
	[tilespmem:$0x1F220] =	vst v63  }
0x2b: {  	s13 =	simm.s32 $0x2710;
	s12 =	rddreg [dreg:$0x5]  }
0x2c: {  	[tilespmem:s13], [sflag:$0x2] =	stream.linear.gather [hbm4b:s12+s11], $0x2710, $0x38;
	[tilespmem:$0x1F220] =	vst v63  }
0x2d: {  	_ = 	snop  }
0x2e: {  	[spmem:s7] =	stream.linear.scatter [tilespmem:s26], [sflag:$0x6], $0x1400, $0x38;
	[tilespmem:$0x1F220] =	vst v63  }
0x2f: {  	s13 =	rddreg [dreg:$0x6]  }
0x30: {  	[spmem:s13] =	stream.linear.scatter [tilespmem:s26], [sflag:$0x6], $0x1400, $0x38;
	[tilespmem:$0x1F220] =	vst v63  }
0x31: {  	s13 =	rddreg [dreg:$0x7]  }
0x32: {  	[spmem:s13] =	stream.linear.scatter [tilespmem:s26], [sflag:$0x6], $0x1400, $0x38;
	[tilespmem:$0x1F220] =	vst v63  }
0x33: {  	s13 =	rddreg [dreg:$0x8]  }
0x34: {  	[spmem:s13] =	stream.linear.scatter [tilespmem:s26], [sflag:$0x6], $0x1400, $0x38;
	[tilespmem:$0x1F220] =	vst v63  }
0x35: {  	s13 =	rddreg [dreg:$0x9]  }
0x36: {  	[spmem:s13] =	stream.linear.scatter [tilespmem:s26], [sflag:$0x6], $0x1400, $0x38;
	[tilespmem:$0x1F220] =	vst v63  }
0x37: {  	s13 =	rddreg [dreg:$0xa]  }
0x38: {  	[spmem:s13] =	stream.linear.scatter [tilespmem:s26], [sflag:$0x6], $0x1400, $0x38;
	[tilespmem:$0x1F220] =	vst v63  }
0x39: {  	s13 =	rddreg [dreg:$0xb]  }
0x3a: {  	[spmem:s13] =	stream.linear.scatter [tilespmem:s26], [sflag:$0x6], $0x1400, $0x38;
	[tilespmem:$0x1F220] =	vst v63  }
0x3b: {  	_ = 	snop  }
0x3c: {  	[spmem:s14] =	stream.linear.scatter [tilespmem:s26], [sflag:$0x6], $0x1400, $0x38;
	[tilespmem:$0x1F220] =	vst v63  }
0x3d: {  	_ = 	snop  }
0x3e: {  	[spmem:s15] =	stream.linear.scatter [tilespmem:s26], [sflag:$0x6], $0x1400, $0x38;
	[tilespmem:$0x1F220] =	vst v63  }
0x3f: {  	_ = 	snop  }
0x40: {  	[spmem:s16] =	stream.linear.scatter [tilespmem:s26], [sflag:$0x6], $0x1400, $0x38;
	[tilespmem:$0x1F220] =	vst v63  }
0x41: {  	_ = 	snop  }
0x42: {  	[spmem:s17] =	stream.linear.scatter [tilespmem:s26], [sflag:$0x6], $0x1400, $0x38;
	[tilespmem:$0x1F220] =	vst v63  }
0x43: {  	_ = 	snop  }
0x44: {  	[spmem:s18] =	stream.linear.scatter [tilespmem:s26], [sflag:$0x6], $0x1400, $0x38;
	[tilespmem:$0x1F220] =	vst v63  }
0x45: {  	_ = 	snop  }
0x46: {  	[spmem:s19] =	stream.linear.scatter [tilespmem:s26], [sflag:$0x6], $0x1400, $0x38;
	[tilespmem:$0x1F220] =	vst v63  }
0x47: {  	_ = 	snop  }
0x48: {  	[spmem:s20] =	stream.linear.scatter [tilespmem:s26], [sflag:$0x6], $0x1400, $0x38;
	[tilespmem:$0x1F220] =	vst v63  }
0x49: {  	_ = 	snop  }
0x4a: {  	[spmem:s21] =	stream.linear.scatter [tilespmem:s26], [sflag:$0x6], $0x1400, $0x38;
	[tilespmem:$0x1F220] =	vst v63  }
0x4b: {  	_ = 	snop  }
0x4c: {  	[spmem:s22] =	stream.linear.scatter [tilespmem:s26], [sflag:$0x6], $0x1400, $0x38;
	[tilespmem:$0x1F220] =	vst v63  }
0x4d: {  	_ =	swait.ge [sflag:s28], $0x2710  }
0x4e: {  	[sflag:s28] =	ssyncset.done $0x0  }
0x4f: {  	[sflag:s28] =	ssyncadd.s32 $0xFFFFD8F0  }
0x50: {  	_ =	swait.ge [sflag:s29], $0x2710  }
0x51: {  	[sflag:s29] =	ssyncset.done $0x0  }
0x52: {  	[sflag:s29] =	ssyncadd.s32 $0xFFFFD8F0  }
0x53: {  	_ =	swait.ge [sflag:s30], $0x1400  }
0x54: {  	[sflag:s30] =	ssyncset.done $0x0  }
0x55: {  	[sflag:s30] =	ssyncadd.s32 $0xFFFFEC00  }
0x56: {  	_ =	swait.ge [sflag:s30], $0x1400  }
0x57: {  	[sflag:s30] =	ssyncset.done $0x0  }
0x58: {  	[sflag:s30] =	ssyncadd.s32 $0xFFFFEC00  }
0x59: {  	_ =	swait.ge [sflag:s30], $0x1400  }
0x5a: {  	[sflag:s30] =	ssyncset.done $0x0  }
0x5b: {  	[sflag:s30] =	ssyncadd.s32 $0xFFFFEC00  }
0x5c: {  	_ =	swait.ge [sflag:s30], $0x1400  }
0x5d: {  	[sflag:s30] =	ssyncset.done $0x0  }
0x5e: {  	[sflag:s30] =	ssyncadd.s32 $0xFFFFEC00  }
0x5f: {  	_ =	swait.ge [sflag:s30], $0x1400  }
0x60: {  	[sflag:s30] =	ssyncset.done $0x0  }
0x61: {  	[sflag:s30] =	ssyncadd.s32 $0xFFFFEC00  }
0x62: {  	_ =	swait.ge [sflag:s30], $0x1400  }
0x63: {  	[sflag:s30] =	ssyncset.done $0x0  }
0x64: {  	[sflag:s30] =	ssyncadd.s32 $0xFFFFEC00  }
0x65: {  	_ =	swait.ge [sflag:s30], $0x1400  }
0x66: {  	[sflag:s30] =	ssyncset.done $0x0  }
0x67: {  	[sflag:s30] =	ssyncadd.s32 $0xFFFFEC00  }
0x68: {  	_ =	swait.ge [sflag:s30], $0x1400  }
0x69: {  	[sflag:s30] =	ssyncset.done $0x0  }
0x6a: {  	[sflag:s30] =	ssyncadd.s32 $0xFFFFEC00  }
0x6b: {  	_ =	swait.ge [sflag:s30], $0x1400  }
0x6c: {  	[sflag:s30] =	ssyncset.done $0x0  }
0x6d: {  	[sflag:s30] =	ssyncadd.s32 $0xFFFFEC00  }
0x6e: {  	_ =	swait.ge [sflag:s30], $0x1400  }
0x6f: {  	[sflag:s30] =	ssyncset.done $0x0  }
0x70: {  	[sflag:s30] =	ssyncadd.s32 $0xFFFFEC00  }
0x71: {  	_ =	swait.ge [sflag:s30], $0x1400  }
0x72: {  	[sflag:s30] =	ssyncset.done $0x0  }
0x73: {  	[sflag:s30] =	ssyncadd.s32 $0xFFFFEC00  }
0x74: {  	_ =	swait.ge [sflag:s30], $0x1400  }
0x75: {  	[sflag:s30] =	ssyncset.done $0x0  }
0x76: {  	[sflag:s30] =	ssyncadd.s32 $0xFFFFEC00  }
0x77: {  	_ =	swait.ge [sflag:s30], $0x1400  }
0x78: {  	[sflag:s30] =	ssyncset.done $0x0  }
0x79: {  	[sflag:s30] =	ssyncadd.s32 $0xFFFFEC00  }
0x7a: {  	_ =	swait.ge [sflag:s30], $0x1400  }
0x7b: {  	[sflag:s30] =	ssyncset.done $0x0  }
0x7c: {  	[sflag:s30] =	ssyncadd.s32 $0xFFFFEC00  }
0x7d: {  	_ =	swait.ge [sflag:s30], $0x1400  }
0x7e: {  	[sflag:s30] =	ssyncset.done $0x0  }
0x7f: {  	[sflag:s30] =	ssyncadd.s32 $0xFFFFEC00  }
0x80: {  	_ =	swait.ge [sflag:s30], $0x1400  }
0x81: {  	[sflag:s30] =	ssyncset.done $0x0  }
0x82: {  	[sflag:s30] =	ssyncadd.s32 $0xFFFFEC00  }
0x83: {  	[bflag:$0x0] =	sbarrier.arrive $0xFFFF  }
0x84: {  	[tilespmem:s26], [sflag:$0x1] =	stream.indirect.gather [hbm4b:s2+s31], $0x80, s11, s31, $0xb8;
	[tilespmem:$0x1F220] =	vst v63  }
0x85: {  	_ = 	snop  }
0x86: {  	[tilespmem:s0], [sflag:$0x2] =	stream.indirect.gather [hbm4b:s2+s31], $0x80, s31, s31, $0xb8;
	[tilespmem:$0x1F220] =	vst v63  }
0x87: {  	s12 =	simm.s32 $0x50  }
0x88: {  	[tilespmem:s25], [sflag:$0x3] =	stream.indirect.gather [hbm4b:s2+s31], $0x80, s12, s31, $0xb8;
	[tilespmem:$0x1F220] =	vst v63  }
0x89: {  	s13 =	simm.s32 $0x78  }
0x8a: {  	[tilespmem:s1], [sflag:$0x4] =	stream.indirect.gather [hbm4b:s2+s31], $0x80, s13, s31, $0xb8;
	[tilespmem:$0x1F220] =	vst v63  }
0x8b: {  	s12 =	simm.s32 $0xA0  }
0x8c: {  	[tilespmem:s5], [sflag:$0x5] =	stream.indirect.gather [hbm4b:s2+s31], $0x80, s12, s31, $0xb8;
	[tilespmem:$0x1F220] =	vst v63  }
0x8d: {  	_ =	swait.ge [sflag:s28], $0x1400  }
0x8e: {  	[sflag:s28] =	ssyncset.done $0x0  }
0x8f: {  	s13 =	simm.s32 $0x2710;
	[sflag:s28] =	ssyncadd.s32 $0xFFFFEC00  }
0x90: {  	[spmem:s3] =	stream.indirect.scatter.add.f32 [tilespmem:s26], [sflag:$0x7], $0x80, s13, s31, $0xb8;
	[tilespmem:$0x1F220] =	vst v63  }
0x91: {  	_ =	swait.ge [sflag:s6], $0x1400  }
0x92: {  	[sflag:s6] =	ssyncset.done $0x0  }
0x93: {  	s12 =	simm.s32 $0xC8;
	[sflag:s6] =	ssyncadd.s32 $0xFFFFEC00  }
0x94: {  	[tilespmem:s26], [sflag:$0x1] =	stream.indirect.gather [hbm4b:s2+s31], $0x80, s12, s31, $0xb8;
	[tilespmem:$0x1F220] =	vst v63  }
0x95: {  	_ =	swait.ge [sflag:s29], $0x1400  }
0x96: {  	[sflag:s29] =	ssyncset.done $0x0  }
0x97: {  	s13 =	simm.s32 $0x2738;
	[sflag:s29] =	ssyncadd.s32 $0xFFFFEC00  }
0x98: {  	[spmem:s3] =	stream.indirect.scatter.add.f32 [tilespmem:s0], [sflag:$0x7], $0x80, s13, s31, $0xb8;
	[tilespmem:$0x1F220] =	vst v63  }
0x99: {  	_ =	swait.ge [sflag:s6], $0x1400  }
0x9a: {  	[sflag:s6] =	ssyncset.done $0x0  }
0x9b: {  	s12 =	simm.s32 $0xF0;
	[sflag:s6] =	ssyncadd.s32 $0xFFFFEC00  }
0x9c: {  	[tilespmem:s0], [sflag:$0x2] =	stream.indirect.gather [hbm4b:s2+s31], $0x80, s12, s31, $0xb8;
	[tilespmem:$0x1F220] =	vst v63  }
0x9d: {  	_ =	swait.ge [sflag:s8], $0x1400  }
0x9e: {  	[sflag:s8] =	ssyncset.done $0x0  }
0x9f: {  	s13 =	simm.s32 $0x2760;
	[sflag:s8] =	ssyncadd.s32 $0xFFFFEC00  }
0xa0: {  	[spmem:s3] =	stream.indirect.scatter.add.f32 [tilespmem:s25], [sflag:$0x7], $0x80, s13, s31, $0xb8;
	[tilespmem:$0x1F220] =	vst v63  }
0xa1: {  	_ =	swait.ge [sflag:s6], $0x1400  }
0xa2: {  	[sflag:s6] =	ssyncset.done $0x0  }
0xa3: {  	s12 =	simm.s32 $0x118;
	[sflag:s6] =	ssyncadd.s32 $0xFFFFEC00  }
0xa4: {  	[tilespmem:s25], [sflag:$0x3] =	stream.indirect.gather [hbm4b:s2+s31], $0x80, s12, s31, $0xb8;
	[tilespmem:$0x1F220] =	vst v63  }
0xa5: {  	_ =	swait.ge [sflag:s9], $0x1400  }
0xa6: {  	[sflag:s9] =	ssyncset.done $0x0  }
0xa7: {  	s13 =	simm.s32 $0x2788;
	[sflag:s9] =	ssyncadd.s32 $0xFFFFEC00  }
0xa8: {  	[spmem:s3] =	stream.indirect.scatter.add.f32 [tilespmem:s1], [sflag:$0x7], $0x80, s13, s31, $0xb8;
	[tilespmem:$0x1F220] =	vst v63  }
0xa9: {  	_ =	swait.ge [sflag:s6], $0x1400  }
0xaa: {  	[sflag:s6] =	ssyncset.done $0x0  }
0xab: {  	s12 =	simm.s32 $0x140;
	[sflag:s6] =	ssyncadd.s32 $0xFFFFEC00  }
0xac: {  	[tilespmem:s1], [sflag:$0x4] =	stream.indirect.gather [hbm4b:s2+s31], $0x80, s12, s31, $0xb8;
	[tilespmem:$0x1F220] =	vst v63  }
0xad: {  	_ =	swait.ge [sflag:s10], $0x1400  }
0xae: {  	[sflag:s10] =	ssyncset.done $0x0  }
0xaf: {  	s13 =	simm.s32 $0x27B0;
	[sflag:s10] =	ssyncadd.s32 $0xFFFFEC00  }
0xb0: {  	[spmem:s3] =	stream.indirect.scatter.add.f32 [tilespmem:s5], [sflag:$0x7], $0x80, s13, s31, $0xb8;
	[tilespmem:$0x1F220] =	vst v63  }
0xb1: {  	_ =	swait.ge [sflag:s6], $0x1400  }
0xb2: {  	[sflag:s6] =	ssyncset.done $0x0  }
0xb3: {  	s11 =	simm.s32 $0x320;
	s12 =	simm.s32 $0x168;
	[sflag:s6] =	ssyncadd.s32 $0xFFFFEC00  }
.LBB2_4:
0xb4: {  	[tilespmem:s5], [sflag:$0x5] =	stream.indirect.gather [hbm4b:s2+s31], $0x80, s12, s31, $0xb8;
	[tilespmem:$0x1F220] =	vst v63  }
0xb5: {  	s12 =	smov.u32 s11  }
0xb6: {  	p0 =	sne.s32 s11, $0x9600;
	s11 =	sadd.s32 $0x320, s11;
	_ =	swait.ge [sflag:s28], $0x1400  }
0xb7: {  	s12 =	sshra.s32 s12, $0x2;
	[sflag:s28] =	ssyncset.done $0x0  }
0xb8: {  	s13 =	sadd.s32 $0x2710, s12;
	[sflag:s28] =	ssyncadd.s32 $0xFFFFEC00  }
0xb9: {  	[spmem:s3] =	stream.indirect.scatter.add.f32 [tilespmem:s26], [sflag:$0x7], $0x80, s13, s31, $0xb8;
	[tilespmem:$0x1F220] =	vst v63  }
0xba: {  	_ =	swait.ge [sflag:s6], $0x1400  }
0xbb: {  	[sflag:s6] =	ssyncset.done $0x0  }
0xbc: {  	s13 =	sadd.s32 $0xC8, s12;
	[sflag:s6] =	ssyncadd.s32 $0xFFFFEC00  }
0xbd: {  	[tilespmem:s26], [sflag:$0x1] =	stream.indirect.gather [hbm4b:s2+s31], $0x80, s13, s31, $0xb8;
	[tilespmem:$0x1F220] =	vst v63  }
0xbe: {  	_ =	swait.ge [sflag:s29], $0x1400  }
0xbf: {  	[sflag:s29] =	ssyncset.done $0x0  }
0xc0: {  	s13 =	sadd.s32 $0x2738, s12;
	[sflag:s29] =	ssyncadd.s32 $0xFFFFEC00  }
0xc1: {  	[spmem:s3] =	stream.indirect.scatter.add.f32 [tilespmem:s0], [sflag:$0x7], $0x80, s13, s31, $0xb8;
	[tilespmem:$0x1F220] =	vst v63  }
0xc2: {  	_ =	swait.ge [sflag:s6], $0x1400  }
0xc3: {  	[sflag:s6] =	ssyncset.done $0x0  }
0xc4: {  	s13 =	sadd.s32 $0xF0, s12;
	[sflag:s6] =	ssyncadd.s32 $0xFFFFEC00  }
0xc5: {  	[tilespmem:s0], [sflag:$0x2] =	stream.indirect.gather [hbm4b:s2+s31], $0x80, s13, s31, $0xb8;
	[tilespmem:$0x1F220] =	vst v63  }
0xc6: {  	_ =	swait.ge [sflag:s8], $0x1400  }
0xc7: {  	[sflag:s8] =	ssyncset.done $0x0  }
0xc8: {  	s13 =	sadd.s32 $0x2760, s12;
	[sflag:s8] =	ssyncadd.s32 $0xFFFFEC00  }
0xc9: {  	[spmem:s3] =	stream.indirect.scatter.add.f32 [tilespmem:s25], [sflag:$0x7], $0x80, s13, s31, $0xb8;
	[tilespmem:$0x1F220] =	vst v63  }
0xca: {  	_ =	swait.ge [sflag:s6], $0x1400  }
0xcb: {  	[sflag:s6] =	ssyncset.done $0x0  }
0xcc: {  	s13 =	sadd.s32 $0x118, s12;
	[sflag:s6] =	ssyncadd.s32 $0xFFFFEC00  }
0xcd: {  	[tilespmem:s25], [sflag:$0x3] =	stream.indirect.gather [hbm4b:s2+s31], $0x80, s13, s31, $0xb8;
	[tilespmem:$0x1F220] =	vst v63  }
0xce: {  	_ =	swait.ge [sflag:s9], $0x1400  }
0xcf: {  	[sflag:s9] =	ssyncset.done $0x0  }
0xd0: {  	s13 =	sadd.s32 $0x2788, s12;
	[sflag:s9] =	ssyncadd.s32 $0xFFFFEC00  }
0xd1: {  	[spmem:s3] =	stream.indirect.scatter.add.f32 [tilespmem:s1], [sflag:$0x7], $0x80, s13, s31, $0xb8;
	[tilespmem:$0x1F220] =	vst v63  }
0xd2: {  	_ =	swait.ge [sflag:s6], $0x1400  }
0xd3: {  	[sflag:s6] =	ssyncset.done $0x0  }
0xd4: {  	s13 =	sadd.s32 $0x140, s12;
	[sflag:s6] =	ssyncadd.s32 $0xFFFFEC00  }
0xd5: {  	[tilespmem:s1], [sflag:$0x4] =	stream.indirect.gather [hbm4b:s2+s31], $0x80, s13, s31, $0xb8;
	[tilespmem:$0x1F220] =	vst v63  }
0xd6: {  	_ =	swait.ge [sflag:s10], $0x1400  }
0xd7: {  	[sflag:s10] =	ssyncset.done $0x0  }
.Ltmp1:
0xd8: {  	s13 =	sadd.s32 $0x27B0, s12;
	[sflag:s10] =	ssyncadd.s32 $0xFFFFEC00;
	(pc) =	sbr.rel @p0 .LBB2_4-.Ltmp1, $4  }
0xd9: {  	[spmem:s3] =	stream.indirect.scatter.add.f32 [tilespmem:s5], [sflag:$0x7], $0x80, s13, s31, $0xb8;
	[tilespmem:$0x1F220] =	vst v63  }
0xda: {  	_ =	swait.ge [sflag:s6], $0x1400  }
0xdb: {  	[sflag:s6] =	ssyncset.done $0x0  }
0xdc: {  	s12 =	sadd.s32 $0x168, s12;
	[sflag:s6] =	ssyncadd.s32 $0xFFFFEC00  }
0xdd: {  	[tilespmem:s5], [sflag:$0x5] =	stream.indirect.gather [hbm4b:s2+s31], $0x80, s12, s31, $0xb8;
	[tilespmem:$0x1F220] =	vst v63  }
0xde: {  	_ =	swait.ge [sflag:s28], $0x1400  }
0xdf: {  	[sflag:s28] =	ssyncset.done $0x0  }
0xe0: {  	s11 =	simm.s32 $0x4D58;
	[sflag:s28] =	ssyncadd.s32 $0xFFFFEC00  }
0xe1: {  	[spmem:s3] =	stream.indirect.scatter.add.f32 [tilespmem:s26], [sflag:$0x7], $0x80, s11, s31, $0xb8;
	[tilespmem:$0x1F220] =	vst v63  }
0xe2: {  	_ =	swait.ge [sflag:s6], $0x1400  }
0xe3: {  	[sflag:s6] =	ssyncset.done $0x0  }
0xe4: {  	[sflag:s6] =	ssyncadd.s32 $0xFFFFEC00  }
0xe5: {  	_ =	swait.ge [sflag:s29], $0x1400  }
0xe6: {  	[sflag:s29] =	ssyncset.done $0x0  }
0xe7: {  	s12 =	simm.s32 $0x4D80;
	[sflag:s29] =	ssyncadd.s32 $0xFFFFEC00  }
0xe8: {  	[spmem:s3] =	stream.indirect.scatter.add.f32 [tilespmem:s0], [sflag:$0x7], $0x80, s12, s31, $0xb8;
	[tilespmem:$0x1F220] =	vst v63  }
0xe9: {  	_ =	swait.ge [sflag:s6], $0x1400  }
0xea: {  	[sflag:s6] =	ssyncset.done $0x0  }
0xeb: {  	[sflag:s6] =	ssyncadd.s32 $0xFFFFEC00  }
0xec: {  	_ =	swait.ge [sflag:s8], $0x1400  }
0xed: {  	[sflag:s8] =	ssyncset.done $0x0  }
0xee: {  	s13 =	simm.s32 $0x4DA8;
	[sflag:s8] =	ssyncadd.s32 $0xFFFFEC00  }
0xef: {  	[spmem:s3] =	stream.indirect.scatter.add.f32 [tilespmem:s25], [sflag:$0x7], $0x80, s13, s31, $0xb8;
	[tilespmem:$0x1F220] =	vst v63  }
0xf0: {  	_ =	swait.ge [sflag:s6], $0x1400  }
0xf1: {  	[sflag:s6] =	ssyncset.done $0x0  }
0xf2: {  	[sflag:s6] =	ssyncadd.s32 $0xFFFFEC00  }
0xf3: {  	_ =	swait.ge [sflag:s9], $0x1400  }
0xf4: {  	[sflag:s9] =	ssyncset.done $0x0  }
0xf5: {  	s12 =	simm.s32 $0x4DD0;
	[sflag:s9] =	ssyncadd.s32 $0xFFFFEC00  }
0xf6: {  	[spmem:s3] =	stream.indirect.scatter.add.f32 [tilespmem:s1], [sflag:$0x7], $0x80, s12, s31, $0xb8;
	[tilespmem:$0x1F220] =	vst v63  }
0xf7: {  	_ =	swait.ge [sflag:s6], $0x1400  }
0xf8: {  	[sflag:s6] =	ssyncset.done $0x0  }
0xf9: {  	[sflag:s6] =	ssyncadd.s32 $0xFFFFEC00  }
0xfa: {  	_ =	swait.ge [sflag:s10], $0x1400  }
0xfb: {  	[sflag:s10] =	ssyncset.done $0x0  }
0xfc: {  	s13 =	simm.s32 $0x4DF8;
	[sflag:s10] =	ssyncadd.s32 $0xFFFFEC00  }
0xfd: {  	[spmem:s3] =	stream.indirect.scatter.add.f32 [tilespmem:s5], [sflag:$0x7], $0x80, s13, s31, $0xb8;
	[tilespmem:$0x1F220] =	vst v63  }
0xfe: {  	s12 =	stileid.u32;
	_ =	swait.ge [sflag:s6], $0x1400  }
0xff: {  	s4 =	sadd.s32 $0x1, s4;
	s11 =	sshll.u32 s12, $0x6;
	[sflag:s6] =	ssyncset.done $0x0  }
0x100: {  	p0 =	sne.s32 s4, s24;
	s11 =	sor.u32 $0x1C07, s11;
	[sflag:s6] =	ssyncadd.s32 $0xFFFFEC00  }
.Ltmp2:
0x101: {  	s13 =	sshrl.u32 s7, $0x3;
	[bflag:$0x0] =	sbarrier.arrive $0xFFFF;
	(pc) =	sbr.rel @p0 .LBB2_1-.Ltmp2, $4  }
0x102: {  	[hbm:s23], [sflag:s11] =	dma.local [spmem:s13], $0x2800  }
0x103: {  	_ =	swait.ge [sflag:s6], $0x2800  }
0x104: {  	[sflag:s6] =	ssyncset.done $0x0  }
0x105: {  	[sflag:s6] =	ssyncadd.s32 $0xFFFFD800  }
0x106: {  	_ =	sfence.sel $0x180000  }
0x107: {  	[bflag:$0x0] =	sbarrier.arrive $0xFFFF  }
0x108: {  	_ =	strace $0x9000004D  }
0x109: {  	s0 =	stileid.u32;
	[bflag:$0x2] =	sbarrier.arrive $0xFFFF  }
0x10a: {  	p0 =	sne.s32 s0, $0x0;
	s0 =	rddreg [dreg:$0x3]  }
0x10b: {  	s0 =	sadd.s32 @!p0 $0x100000, s0  }
0x10c: {  	[sflag:s0] =	ssyncadd.tile.s32 @!p0 $0x1;
	_ =	shalt  }
.Lfunc_end2:
_tile_overlayer_lowered:
.L_overlay_start_2:
0x10d: {  	(tag) =	ssettag $0x2  }
0x10e: {  	s0 =	rddreg [dreg:$0x0];
	s2 =	stileid.u32  }
0x10f: {  	s1 =	rddreg [dreg:$0x1];
	p0 =	sne.s32 s2, $0x0  }
0x110: {  	s3 =	rddreg [dreg:$0x2];
	[bflag:$0x3] =	sbarrier.arrive $0xFFFF;
	s2 =	simm.s32 @!p0 $0x1C07  }
0x111: {  	[timem:s3], [sflag:s2] =	dma.local @!p0 [hbm:s0], s1  }
0x112: {  	s0 =	simm.s32 @!p0 $0x7  }
0x113: {  	_ =	swait.ge @!p0 [sflag:s0], s1  }
0x114: {  	s1 =	ssub.s32 @!p0 $0x0, s1;
	[sflag:s0] =	ssyncset.done @!p0 $0x0  }
0x115: {  	[sflag:s0] =	ssyncadd.s32 @!p0 s1  }
0x116: {  	[bflag:$0x3] =	sbarrier.arrive $0xFFFF  }
0x117: {  	_ =	shalt  }

// kernel: kernel.18.cloned.1.call-start
scs
__scs_entry_jumppad:
0x0: {  	(pc) =	sbr.rel $0x88, $3  }
0x1: {  	(tag) =	ssettag $0x0;
	lr =	simm.s32 $0x1  }
0x2: {  	[smem:$0x3F99] =	sst lr;
	_ =	strace $0xD0000000  }
0x3: {  	_ = 	snop  }
0x4: {  	_ = 	snop  }
0x5: {  	_ = 	snop  }
0x6: {  	_ = 	snop  }
0x7: {  	_ = 	snop  }
__scs_overlays_trampoline_lowered:
0x8: {  	[smem:$0x3FA8] =	sst s0  }
0x9: {  	[smem:$0x3FA9] =	sst s1  }
0xa: {  	[smem:$0x3FAA] =	sst s2  }
0xb: {  	[smem:$0x3FAB] =	sst s3  }
0xc: {  	[smem:$0x3FAC] =	sst s4  }
0xd: {  	[smem:$0x3FAD] =	sst s5  }
0xe: {  	[smem:$0x3FAE] =	sst s6  }
0xf: {  	[smem:$0x3FAF] =	sst s7  }
0x10: {  	[smem:$0x3FB0] =	sst s8  }
0x11: {  	[smem:$0x3FB1] =	sst s9;
	s0 =	simm.s32 @!p0 $0x0  }
0x12: {  	s1 =	sld [smem:$0x3F97];
	s0 =	simm.s32 @p0 $0x1  }
0x13: {  	[smem:$0x3FB2] =	sst s0;
	s0 =	simm.s32 @!p1 $0x0  }
0x14: {  	s2 =	sld [smem:$0x3F96];
	s0 =	simm.s32 @p1 $0x1  }
0x15: {  	[smem:$0x3FB3] =	sst s0;
	s0 =	simm.s32 @!p2 $0x0  }
0x16: {  	s3 =	sld [smem:$0x3FDB];
	s0 =	simm.s32 @p2 $0x1  }
0x17: {  	s4 =	simm.s32 $0x1BF5;
	[smem:$0x3FB5] =	sst s0  }
0x18: {  	s0 =	sld [smem:$0x3F98];
	_ =	swait.ge [sflag:s4], $0x0  }
0x19: {  	s7 =	sld [smem:$0x3F99]  }
0x1a: {  	s8 =	sadd.s32 $0xFFFFE003, lr  }
0x1b: {  	s9 =	sadd.s32 $0xFFFFFEF7, lr;
	s5 =	simm.s32 $0xFFFFFFFF;
	p2 =	slt.u32 s8, $0xFFFFF086  }
0x1c: {  	p1 =	slt.u32 s9, $0xF7A;
	s5 =	simm.s32 @!p2 $0x0  }
0x1d: {  	s5 =	simm.s32 @p1 $0x1;
	p0 =	seq.s32 s7, s2  }
0x1e: {  	s7 =	smul.u32 @!p0 $0xF7A, s2;
	p2 =	seq.s32 @!p0 s5, $0x0  }
0x1f: {  	s9 =	smul.u32 $0xF7A, s1;
	s8 =	simm.s32 @!p0 $0x1BF5;
	p2 =	por !p2, p0  }
0x20: {  	[sflag:s8] =	ssyncset.s32 @!p0 $0xFFFFF086;
	s6 =	sadd.s32 @!p0 s3, s7;
	s7 =	simm.s32 @!p0 $0x108  }
0x21: {  	s3 =	sadd.s32 s3, s9;
	s6 =	sadd.s32 @!p0 $0x88, s6;
	s7 =	simm.s32 @p2 $0x1082  }
0x22: {  	[simem:s7], [sflag:s8] =	dma.local @!p0 [hbm:s6], $0xF7A  }
0x23: {  	s9 =	sor.u32 $0xD0000000, s2;
	s6 =	simm.s32 $0x108;
	_ =	swait.ge @!p0 [sflag:s8], $0x0  }
0x24: {  	s3 =	sadd.s32 $0x88, s3;
	s6 =	simm.s32 @!p1 $0x1082;
	[sflag:s4] =	ssyncset.s32 $0xFFFFF086  }
0x25: {  	[simem:s6], [sflag:s4] =	dma.local [hbm:s3], $0xF7A  }
0x26: {  	[smem:$0x3F99] =	sst s1;
	(tag) =	ssettag s2;
	_ =	strace s9  }
0x27: {  	s1 =	sld [smem:$0x3FA9]  }
0x28: {  	s2 =	sld [smem:$0x3FAA]  }
0x29: {  	s4 =	sld [smem:$0x3FAC]  }
0x2a: {  	p0 =	seq.s32 s5, $0x0;
	s5 =	sld [smem:$0x3FAD]  }
0x2b: {  	s6 =	sld [smem:$0x3FAE]  }
0x2c: {  	s7 =	sld [smem:$0x3FAF]  }
0x2d: {  	s3 =	simm.s32 $0x108;
	s8 =	sld [smem:$0x3FB0]  }
0x2e: {  	s3 =	simm.s32 @!p0 $0x1082;
	s9 =	sld [smem:$0x3FB1]  }
0x2f: {  	lr =	sadd.s32 s0, s3;
	s0 =	sld [smem:$0x3FA8]  }
0x30: {  	s3 =	sld [smem:$0x3FAB]  }
0x31: {  	[smem:$0x3FB4] =	sst s10  }
0x32: {  	s10 =	sld [smem:$0x3FB2];
	_ =	sdelay $0x3  }
0x33: {  	p0 =	seq.s32 s10, $0x1;
	s10 =	sld [smem:$0x3FB4];
	_ =	sdelay $0x3  }
0x34: {  	[smem:$0x3FB4] =	sst s10  }
0x35: {  	s10 =	sld [smem:$0x3FB3];
	_ =	sdelay $0x3  }
0x36: {  	p1 =	seq.s32 s10, $0x1;
	s10 =	sld [smem:$0x3FB4];
	_ =	sdelay $0x3  }
0x37: {  	[smem:$0x3FB4] =	sst s10  }
0x38: {  	s10 =	sld [smem:$0x3FB5]  }
0x39: {  	_ = 	snop;
	(pc) =	sbr.ind lr, $3  }
0x3a: {  	_ = 	snop  }
0x3b: {  	_ = 	snop  }
0x3c: {  	p2 =	seq.s32 s10, $0x1;
	s10 =	sld [smem:$0x3FB4]  }
0x3d: {  	_ =	shalt  }
0x3e: {  	_ =	shalt  }
0x3f: {  	_ =	shalt  }
0x40: {  	_ =	shalt  }
0x41: {  	_ =	shalt  }
0x42: {  	_ =	shalt  }
0x43: {  	_ =	shalt  }
0x44: {  	_ =	shalt  }
0x45: {  	_ =	shalt  }
0x46: {  	_ =	shalt  }
0x47: {  	_ =	shalt  }
0x48: {  	_ =	shalt  }
0x49: {  	_ =	shalt  }
0x4a: {  	_ =	shalt  }
0x4b: {  	_ =	shalt  }
0x4c: {  	_ =	shalt  }
0x4d: {  	_ =	shalt  }
0x4e: {  	_ =	shalt  }
0x4f: {  	_ =	shalt  }
0x50: {  	_ =	shalt  }
0x51: {  	_ =	shalt  }
0x52: {  	_ =	shalt  }
0x53: {  	_ =	shalt  }
0x54: {  	_ =	shalt  }
0x55: {  	_ =	shalt  }
0x56: {  	_ =	shalt  }
0x57: {  	_ =	shalt  }
0x58: {  	_ =	shalt  }
0x59: {  	_ =	shalt  }
0x5a: {  	_ =	shalt  }
0x5b: {  	_ =	shalt  }
0x5c: {  	_ =	shalt  }
0x5d: {  	_ =	shalt  }
0x5e: {  	_ =	shalt  }
0x5f: {  	_ =	shalt  }
0x60: {  	_ =	shalt  }
0x61: {  	_ =	shalt  }
0x62: {  	_ =	shalt  }
0x63: {  	_ =	shalt  }
0x64: {  	_ =	shalt  }
0x65: {  	_ =	shalt  }
0x66: {  	_ =	shalt  }
0x67: {  	_ =	shalt  }
0x68: {  	_ =	shalt  }
0x69: {  	_ =	shalt  }
0x6a: {  	_ =	shalt  }
0x6b: {  	_ =	shalt  }
0x6c: {  	_ =	shalt  }
0x6d: {  	_ =	shalt  }
0x6e: {  	_ =	shalt  }
0x6f: {  	_ =	shalt  }
0x70: {  	_ =	shalt  }
0x71: {  	_ =	shalt  }
0x72: {  	_ =	shalt  }
0x73: {  	_ =	shalt  }
0x74: {  	_ =	shalt  }
0x75: {  	_ =	shalt  }
0x76: {  	_ =	shalt  }
0x77: {  	_ =	shalt  }
0x78: {  	_ =	shalt  }
0x79: {  	_ =	shalt  }
0x7a: {  	_ =	shalt  }
0x7b: {  	_ =	shalt  }
0x7c: {  	_ =	shalt  }
0x7d: {  	_ =	shalt  }
0x7e: {  	_ =	shalt  }
0x7f: {  	_ =	shalt  }
0x80: {  	_ =	shalt  }
0x81: {  	_ =	shalt  }
0x82: {  	_ =	shalt  }
0x83: {  	_ =	shalt  }
0x84: {  	_ =	shalt  }
0x85: {  	_ =	shalt  }
0x86: {  	_ =	shalt  }
0x87: {  	_ =	shalt  }
.Lfunc_end0:
.L_simem_size_0:
called_computation.3_lowered:
.L_overlay_start_0:
0x88: {  	s2 =	sld [smem:$0x3FD9]  }
0x89: {  	s3 =	sld [smem:$0x3FFE];
	_ =	sdelay $0x1  }
0x8a: {  	s1 =	srdreg.scid  }
0x8b: {  	s0 =	sand.u32 $0x1, s1  }
0x8c: {  	s17 =	sshll.u32 s0, $0xA;
	s2 =	sadd.s32 s3, s2  }
0x8d: {  	s2 =	sadd.s32 s2, s17  }
0x8e: {  	[smem:$0x3FC0] =	sst s2  }
0x8f: {  	_ = 	snop  }
0x90: {  	s2 =	sld [smem:$0x3FD0];
	(tm) =	ssettm $0x1  }
0x91: {  	s18 =	sld [smem:$0x3FFB];
	_ =	sdelay $0x3  }
0x92: {  	_ =	strace s18  }
0x93: {  	s3 =	sld [smem:$0x3FFC];
	_ =	sdelay $0x3  }
0x94: {  	_ =	strace s3  }
0x95: {  	s3 =	sld [smem:$0x3FFD];
	_ =	sdelay $0x3  }
0x96: {  	_ =	strace s3  }
0x97: {  	_ =	strace $0x8FFFFFFF  }
0x98: {  	s19 =	sld [smem:$0x3FDB];
	_ =	sdelay $0x1  }
0x99: {  	s4 =	simm.s32 $_scs_section_size  }
0x9a: {  	s5 =	simm.s32 $_size__tile_overlayer_lowered;
	s6 =	simm.s32 $_tile_overlayer_lowered  }
0x9b: {  	s22 =	simm.s32 $0x1BFF;
	s21 =	sshll.u32 s6, $0x1;
	s3 =	sadd.s32 s4, s19  }
0x9c: {  	s7 =	simm.s32 $0x0;
	s20 =	sshll.u32 s5, $0x1;
	s5 =	sadd.s32 s21, s3  }
0x9d: {  	[timem:s7], [sflag:s22] =	dma.local [hbm:s5], s20  }
0x9e: {  	_ =	swait.ge [sflag:s22], s20  }
0x9f: {  	s4 =	ssub.s32 $0x0, s20;
	[sflag:s22] =	ssyncset.done $0x0  }
0xa0: {  	[sflag:s22] =	ssyncadd.s32 s4;
	_ =	sdelay $0x1  }
0xa1: {  	s23 =	simm.s32 $0x1B8B  }
0xa2: {  	_ =	swait.ge [sflag:s23], $0x1  }
0xa3: {  	[sflag:s23] =	ssyncset.done $0x0  }
0xa4: {  	s25 =	simm.s32 $0x1B8E;
	s24 =	sld [smem:$0x3FFE];
	[sflag:s23] =	ssyncadd.s32 $0xFFFFFFFF  }
0xa5: {  	s26 =	simm.s32 $execute0_lowered;
	[smem:$0x3FD2] =	sst s25  }
0xa6: {  	s5 =	sshll.u32 s26, $0x1;
	_ =	strace $0x8000004F;
	[dreg:$0x1] =	wrdreg $0xFFFFFFFF  }
0xa7: {  	s28 =	simm.s32 $_size_execute0_lowered;
	s3 =	sadd.s32 s3, s5;
	[dreg:$0x0] =	wrdreg $0x0  }
0xa8: {  	s5 =	sshll.u32 s28, $0x1;
	[dreg:$0x2] =	wrdreg s3  }
0xa9: {  	[dreg:$0x3] =	wrdreg s5  }
0xaa: {  	[dreg:$0x4] =	wrdreg $0xC0  }
0xab: {  	_ =	task [dreg:s7], $0x5FFFF  }
0xac: {  	[dreg:$0x1] =	wrdreg $0xFFFFFFFF  }
0xad: {  	[dreg:$0x0] =	wrdreg $0x60  }
0xae: {  	[dreg:$0x2] =	wrdreg s2  }
0xaf: {  	[dreg:$0x3] =	wrdreg s24  }
0xb0: {  	[dreg:$0x4] =	wrdreg $0xB2200  }
0xb1: {  	[dreg:$0x5] =	wrdreg $0x9  }
0xb2: {  	_ =	task.clear_ibuf [dreg:s7], $0x6FFFF;
	_ =	strace $0x9000004F  }
0xb3: {  	s29 =	simm.s32 $0x9;
	_ =	strace $0x80000051  }
0xb4: {  	_ =	swait.ge [sflag:s29], $0x1  }
0xb5: {  	[sflag:s29] =	ssyncadd.s32 $0xFFFFFFFF  }
0xb6: {  	_ =	strace $0x90000051  }
0xb7: {  	_ =	sfence  }
0xb8: {  	s30 =	sld [smem:$0x0];
	_ =	sdelay $0x2  }
0xb9: {  	s31 =	sshll.u32 s1, $0xD;
	s1 =	sshrl.u32 s1, $0x2  }
0xba: {  	s3 =	sand.u32 $0x4000, s31;
	s1 =	sadd.s32 s1, s30  }
0xbb: {  	s0 =	sor.u32 s3, s0;
	s1 =	sshll.u32 s1, $0x11  }
0xbc: {  	s0 =	sor.u32 s1, s0  }
0xbd: {  	s0 =	sadd.s32 $0x8F2B, s0  }
0xbe: {  	[sflag:s0] =	ssyncadd.remote.s32 $0x1  }
0xbf: {  	_ =	sfence.sel $0xFFFF  }
0xc0: {  	[dreg:$0x0] =	wrdreg $0xFFFFFFFF;
	(pc) =	sbr.abs _section_cstart, $3  }
0xc1: {  	[dreg:$0x1] =	wrdreg $0xFFFFFFFF  }
0xc2: {  	_ =	task.clear_ibuf [dreg:s7], $0x2FFFF;
	_ =	strace $0x9FFFFFFF  }
0xc3: {  	(tm) =	ssettm $0x7FFFFFFF  }
tec
execute0_lowered:
.L_overlay_start_1:
0x0: {  	(tag) =	ssettag $0x1  }
0x1: {  	s2 =	rddreg [dreg:$0x0]  }
0x2: {  	s0 =	rddreg [dreg:$0x1]  }
0x3: {  	s3 =	rddreg [dreg:$0x2]  }
0x4: {  	s1 =	srdreg.scid;
	s8 =	stileid.u32  }
0x5: {  	s4 =	simm.s32 $0x0;
	s28 =	simm.s32 $0x1;
	s29 =	simm.s32 $0x2  }
0x6: {  	s30 =	simm.s32 $0x6;
	s31 =	simm.s32 $0x28;
	s9 =	simm.s32 $0x4  }
0x7: {  	s10 =	simm.s32 $0x5;
	s1 =	sand.u32 $0x1, s1;
	s5 =	smul.u32 $0x14000, s8  }
0x8: {  	[smem:$0x7FF] =	sst s4;
	s6 =	sshll.u32 s1, $0x4;
	s7 =	smul.u32 $0x140000, s1  }
0x9: {  	s1 =	ssub.s32 $0x2, s1;
	s6 =	sor.u32 s8, s6;
	s8 =	smul.u32 $0x50000, s8  }
0xa: {  	s11 =	sshrl.u32 s1, $0x1;
	s6 =	smul.u32 $0x4E2, s6;
	s7 =	sadd.s32 s5, s7  }
0xb: {  	_ =	strace $0x80000050;
	s1 =	ssub.s32 s1, s11;
	s7 =	sshrl.u32 s7, $0x3  }
0xc: {  	s8 =	sshrl.u32 s8, $0x2;
	s6 =	sadd.s32 s6, s0;
	s0 =	sadd.s32 s7, s0  }
0xd: {  	s7 =	sadd.s32 s5, s3;
	s13 =	sadd.s32 s8, s3;
	s12 =	sadd.s32 $0xD400, s6  }
0xe: {  	s5 =	simm.s32 $0x9E20;
	s6 =	sadd.s32 $0x3600, s6;
	[dreg:$0x4] =	wrdreg s12  }
0xf: {  	s8 =	simm.s32 $0x3;
	s21 =	sadd.s32 $0x1400, s13;
	[dreg:$0x5] =	wrdreg s6  }
0x10: {  	s22 =	sadd.s32 $0x2800, s13;
	s23 =	sadd.s32 $0x3C00, s13;
	[dreg:$0x6] =	wrdreg s21  }
0x11: {  	s24 =	sadd.s32 $0x5000, s13;
	s25 =	sadd.s32 $0x6400, s13;
	[dreg:$0x7] =	wrdreg s22  }
0x12: {  	s26 =	sadd.s32 $0x7800, s13;
	s14 =	sadd.s32 $0x8C00, s13;
	[dreg:$0x8] =	wrdreg s23  }
0x13: {  	s15 =	sadd.s32 $0xA000, s13;
	s16 =	sadd.s32 $0xB400, s13;
	[dreg:$0x9] =	wrdreg s24  }
0x14: {  	s17 =	sadd.s32 $0xC800, s13;
	s18 =	sadd.s32 $0xDC00, s13;
	[dreg:$0xa] =	wrdreg s25  }
0x15: {  	s19 =	sadd.s32 $0xF000, s13;
	s20 =	sadd.s32 $0x10400, s13;
	[dreg:$0xb] =	wrdreg s26  }
0x16: {  	s21 =	sadd.s32 $0x11800, s13;
	s22 =	sadd.s32 $0x12C00, s13;
	s23 =	sadd.s32 $0x17200, s0  }
0x17: {  	s24 =	smax.u32 s1, $0x1;
	s26 =	simm.s32 $0x4E20;
	s0 =	simm.s32 $0x6220  }
0x18: {  	v0 =	vimm.f32 $0.0e+00;
	s25 =	simm.s32 $0x7620;
	s1 =	simm.s32 $0x8A20;
	s6 =	simm.s32 $0x7  }
.LBB2_1:
0x19: {  	s11 =	simm.s32 $0x0;
	s12 =	simm.s32 $0x200  }
.LBB2_2:
0x1a: {  	p0 =	sne.s32 s12, $0x4E00;
	[tilespmem:s11+$0x4E90] =	vst v0  }
0x1b: {  	[tilespmem:s11+$0x4E20] =	vst v0  }
0x1c: {  	[tilespmem:s11+$0x4E30] =	vst v0  }
.Ltmp0:
0x1d: {  	[tilespmem:s11+$0x4E40] =	vst v0;
	(pc) =	sbr.rel @p0 .LBB2_2-.Ltmp0, $4  }
0x1e: {  	[tilespmem:s11+$0x4E50] =	vst v0  }
0x1f: {  	[tilespmem:s11+$0x4E60] =	vst v0  }
0x20: {  	[tilespmem:s11+$0x4E70] =	vst v0  }
0x21: {  	[tilespmem:s11+$0x4E80] =	vst v0;
	s11 =	sshra.s32 s12, $0x2;
	s12 =	sadd.s32 $0x200, s12  }
0x22: {  	[tilespmem:s11+$0x4E90] =	vst v0  }
0x23: {  	[tilespmem:s11+$0x4E20] =	vst v0  }
0x24: {  	[tilespmem:s11+$0x4E30] =	vst v0  }
0x25: {  	[tilespmem:s11+$0x4E40] =	vst v0  }
0x26: {  	[tilespmem:s11+$0x4E50] =	vst v0  }
0x27: {  	[tilespmem:s11+$0x4E60] =	vst v0  }
0x28: {  	[tilespmem:s11+$0x4E70] =	vst v0  }
0x29: {  	[tilespmem:s11+$0x4E80] =	vst v0;
	s11 =	simm.s32 $0x0;
	s12 =	rddreg [dreg:$0x4]  }
0x2a: {  	[tilespmem:s11], [sflag:$0x1] =	stream.linear.gather [hbm4b:s12+s11], $0x2710, $0x38;
	[tilespmem:$0x1F220] =	vst v63  }
0x2b: {  	s13 =	simm.s32 $0x2710;
	s12 =	rddreg [dreg:$0x5]  }
0x2c: {  	[tilespmem:s13], [sflag:$0x2] =	stream.linear.gather [hbm4b:s12+s11], $0x2710, $0x38;
	[tilespmem:$0x1F220] =	vst v63  }
0x2d: {  	_ = 	snop  }
0x2e: {  	[spmem:s7] =	stream.linear.scatter [tilespmem:s26], [sflag:$0x6], $0x1400, $0x38;
	[tilespmem:$0x1F220] =	vst v63  }
0x2f: {  	s13 =	rddreg [dreg:$0x6]  }
0x30: {  	[spmem:s13] =	stream.linear.scatter [tilespmem:s26], [sflag:$0x6], $0x1400, $0x38;
	[tilespmem:$0x1F220] =	vst v63  }
0x31: {  	s13 =	rddreg [dreg:$0x7]  }
0x32: {  	[spmem:s13] =	stream.linear.scatter [tilespmem:s26], [sflag:$0x6], $0x1400, $0x38;
	[tilespmem:$0x1F220] =	vst v63  }
0x33: {  	s13 =	rddreg [dreg:$0x8]  }
0x34: {  	[spmem:s13] =	stream.linear.scatter [tilespmem:s26], [sflag:$0x6], $0x1400, $0x38;
	[tilespmem:$0x1F220] =	vst v63  }
0x35: {  	s13 =	rddreg [dreg:$0x9]  }
0x36: {  	[spmem:s13] =	stream.linear.scatter [tilespmem:s26], [sflag:$0x6], $0x1400, $0x38;
	[tilespmem:$0x1F220] =	vst v63  }
0x37: {  	s13 =	rddreg [dreg:$0xa]  }
0x38: {  	[spmem:s13] =	stream.linear.scatter [tilespmem:s26], [sflag:$0x6], $0x1400, $0x38;
	[tilespmem:$0x1F220] =	vst v63  }
0x39: {  	s13 =	rddreg [dreg:$0xb]  }
0x3a: {  	[spmem:s13] =	stream.linear.scatter [tilespmem:s26], [sflag:$0x6], $0x1400, $0x38;
	[tilespmem:$0x1F220] =	vst v63  }
0x3b: {  	_ = 	snop  }
0x3c: {  	[spmem:s14] =	stream.linear.scatter [tilespmem:s26], [sflag:$0x6], $0x1400, $0x38;
	[tilespmem:$0x1F220] =	vst v63  }
0x3d: {  	_ = 	snop  }
0x3e: {  	[spmem:s15] =	stream.linear.scatter [tilespmem:s26], [sflag:$0x6], $0x1400, $0x38;
	[tilespmem:$0x1F220] =	vst v63  }
0x3f: {  	_ = 	snop  }
0x40: {  	[spmem:s16] =	stream.linear.scatter [tilespmem:s26], [sflag:$0x6], $0x1400, $0x38;
	[tilespmem:$0x1F220] =	vst v63  }
0x41: {  	_ = 	snop  }
0x42: {  	[spmem:s17] =	stream.linear.scatter [tilespmem:s26], [sflag:$0x6], $0x1400, $0x38;
	[tilespmem:$0x1F220] =	vst v63  }
0x43: {  	_ = 	snop  }
0x44: {  	[spmem:s18] =	stream.linear.scatter [tilespmem:s26], [sflag:$0x6], $0x1400, $0x38;
	[tilespmem:$0x1F220] =	vst v63  }
0x45: {  	_ = 	snop  }
0x46: {  	[spmem:s19] =	stream.linear.scatter [tilespmem:s26], [sflag:$0x6], $0x1400, $0x38;
	[tilespmem:$0x1F220] =	vst v63  }
0x47: {  	_ = 	snop  }
0x48: {  	[spmem:s20] =	stream.linear.scatter [tilespmem:s26], [sflag:$0x6], $0x1400, $0x38;
	[tilespmem:$0x1F220] =	vst v63  }
0x49: {  	_ = 	snop  }
0x4a: {  	[spmem:s21] =	stream.linear.scatter [tilespmem:s26], [sflag:$0x6], $0x1400, $0x38;
	[tilespmem:$0x1F220] =	vst v63  }
0x4b: {  	_ = 	snop  }
0x4c: {  	[spmem:s22] =	stream.linear.scatter [tilespmem:s26], [sflag:$0x6], $0x1400, $0x38;
	[tilespmem:$0x1F220] =	vst v63  }
0x4d: {  	_ =	swait.ge [sflag:s28], $0x2710  }
0x4e: {  	[sflag:s28] =	ssyncset.done $0x0  }
0x4f: {  	[sflag:s28] =	ssyncadd.s32 $0xFFFFD8F0  }
0x50: {  	_ =	swait.ge [sflag:s29], $0x2710  }
0x51: {  	[sflag:s29] =	ssyncset.done $0x0  }
0x52: {  	[sflag:s29] =	ssyncadd.s32 $0xFFFFD8F0  }
0x53: {  	_ =	swait.ge [sflag:s30], $0x1400  }
0x54: {  	[sflag:s30] =	ssyncset.done $0x0  }
0x55: {  	[sflag:s30] =	ssyncadd.s32 $0xFFFFEC00  }
0x56: {  	_ =	swait.ge [sflag:s30], $0x1400  }
0x57: {  	[sflag:s30] =	ssyncset.done $0x0  }
0x58: {  	[sflag:s30] =	ssyncadd.s32 $0xFFFFEC00  }
0x59: {  	_ =	swait.ge [sflag:s30], $0x1400  }
0x5a: {  	[sflag:s30] =	ssyncset.done $0x0  }
0x5b: {  	[sflag:s30] =	ssyncadd.s32 $0xFFFFEC00  }
0x5c: {  	_ =	swait.ge [sflag:s30], $0x1400  }
0x5d: {  	[sflag:s30] =	ssyncset.done $0x0  }
0x5e: {  	[sflag:s30] =	ssyncadd.s32 $0xFFFFEC00  }
0x5f: {  	_ =	swait.ge [sflag:s30], $0x1400  }
0x60: {  	[sflag:s30] =	ssyncset.done $0x0  }
0x61: {  	[sflag:s30] =	ssyncadd.s32 $0xFFFFEC00  }
0x62: {  	_ =	swait.ge [sflag:s30], $0x1400  }
0x63: {  	[sflag:s30] =	ssyncset.done $0x0  }
0x64: {  	[sflag:s30] =	ssyncadd.s32 $0xFFFFEC00  }
0x65: {  	_ =	swait.ge [sflag:s30], $0x1400  }
0x66: {  	[sflag:s30] =	ssyncset.done $0x0  }
0x67: {  	[sflag:s30] =	ssyncadd.s32 $0xFFFFEC00  }
0x68: {  	_ =	swait.ge [sflag:s30], $0x1400  }
0x69: {  	[sflag:s30] =	ssyncset.done $0x0  }
0x6a: {  	[sflag:s30] =	ssyncadd.s32 $0xFFFFEC00  }
0x6b: {  	_ =	swait.ge [sflag:s30], $0x1400  }
0x6c: {  	[sflag:s30] =	ssyncset.done $0x0  }
0x6d: {  	[sflag:s30] =	ssyncadd.s32 $0xFFFFEC00  }
0x6e: {  	_ =	swait.ge [sflag:s30], $0x1400  }
0x6f: {  	[sflag:s30] =	ssyncset.done $0x0  }
0x70: {  	[sflag:s30] =	ssyncadd.s32 $0xFFFFEC00  }
0x71: {  	_ =	swait.ge [sflag:s30], $0x1400  }
0x72: {  	[sflag:s30] =	ssyncset.done $0x0  }
0x73: {  	[sflag:s30] =	ssyncadd.s32 $0xFFFFEC00  }
0x74: {  	_ =	swait.ge [sflag:s30], $0x1400  }
0x75: {  	[sflag:s30] =	ssyncset.done $0x0  }
0x76: {  	[sflag:s30] =	ssyncadd.s32 $0xFFFFEC00  }
0x77: {  	_ =	swait.ge [sflag:s30], $0x1400  }
0x78: {  	[sflag:s30] =	ssyncset.done $0x0  }
0x79: {  	[sflag:s30] =	ssyncadd.s32 $0xFFFFEC00  }
0x7a: {  	_ =	swait.ge [sflag:s30], $0x1400  }
0x7b: {  	[sflag:s30] =	ssyncset.done $0x0  }
0x7c: {  	[sflag:s30] =	ssyncadd.s32 $0xFFFFEC00  }
0x7d: {  	_ =	swait.ge [sflag:s30], $0x1400  }
0x7e: {  	[sflag:s30] =	ssyncset.done $0x0  }
0x7f: {  	[sflag:s30] =	ssyncadd.s32 $0xFFFFEC00  }
0x80: {  	_ =	swait.ge [sflag:s30], $0x1400  }
0x81: {  	[sflag:s30] =	ssyncset.done $0x0  }
0x82: {  	[sflag:s30] =	ssyncadd.s32 $0xFFFFEC00  }
0x83: {  	[bflag:$0x0] =	sbarrier.arrive $0xFFFF  }
0x84: {  	[tilespmem:s26], [sflag:$0x1] =	stream.indirect.gather [hbm4b:s2+s31], $0x80, s11, s31, $0xb8;
	[tilespmem:$0x1F220] =	vst v63  }
0x85: {  	_ = 	snop  }
0x86: {  	[tilespmem:s0], [sflag:$0x2] =	stream.indirect.gather [hbm4b:s2+s31], $0x80, s31, s31, $0xb8;
	[tilespmem:$0x1F220] =	vst v63  }
0x87: {  	s12 =	simm.s32 $0x50  }
0x88: {  	[tilespmem:s25], [sflag:$0x3] =	stream.indirect.gather [hbm4b:s2+s31], $0x80, s12, s31, $0xb8;
	[tilespmem:$0x1F220] =	vst v63  }
0x89: {  	s13 =	simm.s32 $0x78  }
0x8a: {  	[tilespmem:s1], [sflag:$0x4] =	stream.indirect.gather [hbm4b:s2+s31], $0x80, s13, s31, $0xb8;
	[tilespmem:$0x1F220] =	vst v63  }
0x8b: {  	s12 =	simm.s32 $0xA0  }
0x8c: {  	[tilespmem:s5], [sflag:$0x5] =	stream.indirect.gather [hbm4b:s2+s31], $0x80, s12, s31, $0xb8;
	[tilespmem:$0x1F220] =	vst v63  }
0x8d: {  	_ =	swait.ge [sflag:s28], $0x1400  }
0x8e: {  	[sflag:s28] =	ssyncset.done $0x0  }
0x8f: {  	s13 =	simm.s32 $0x2710;
	[sflag:s28] =	ssyncadd.s32 $0xFFFFEC00  }
0x90: {  	[spmem:s3] =	stream.indirect.scatter.add.f32 [tilespmem:s26], [sflag:$0x7], $0x80, s13, s31, $0xb8;
	[tilespmem:$0x1F220] =	vst v63  }
0x91: {  	_ =	swait.ge [sflag:s6], $0x1400  }
0x92: {  	[sflag:s6] =	ssyncset.done $0x0  }
0x93: {  	s12 =	simm.s32 $0xC8;
	[sflag:s6] =	ssyncadd.s32 $0xFFFFEC00  }
0x94: {  	[tilespmem:s26], [sflag:$0x1] =	stream.indirect.gather [hbm4b:s2+s31], $0x80, s12, s31, $0xb8;
	[tilespmem:$0x1F220] =	vst v63  }
0x95: {  	_ =	swait.ge [sflag:s29], $0x1400  }
0x96: {  	[sflag:s29] =	ssyncset.done $0x0  }
0x97: {  	s13 =	simm.s32 $0x2738;
	[sflag:s29] =	ssyncadd.s32 $0xFFFFEC00  }
0x98: {  	[spmem:s3] =	stream.indirect.scatter.add.f32 [tilespmem:s0], [sflag:$0x7], $0x80, s13, s31, $0xb8;
	[tilespmem:$0x1F220] =	vst v63  }
0x99: {  	_ =	swait.ge [sflag:s6], $0x1400  }
0x9a: {  	[sflag:s6] =	ssyncset.done $0x0  }
0x9b: {  	s12 =	simm.s32 $0xF0;
	[sflag:s6] =	ssyncadd.s32 $0xFFFFEC00  }
0x9c: {  	[tilespmem:s0], [sflag:$0x2] =	stream.indirect.gather [hbm4b:s2+s31], $0x80, s12, s31, $0xb8;
	[tilespmem:$0x1F220] =	vst v63  }
0x9d: {  	_ =	swait.ge [sflag:s8], $0x1400  }
0x9e: {  	[sflag:s8] =	ssyncset.done $0x0  }
0x9f: {  	s13 =	simm.s32 $0x2760;
	[sflag:s8] =	ssyncadd.s32 $0xFFFFEC00  }
0xa0: {  	[spmem:s3] =	stream.indirect.scatter.add.f32 [tilespmem:s25], [sflag:$0x7], $0x80, s13, s31, $0xb8;
	[tilespmem:$0x1F220] =	vst v63  }
0xa1: {  	_ =	swait.ge [sflag:s6], $0x1400  }
0xa2: {  	[sflag:s6] =	ssyncset.done $0x0  }
0xa3: {  	s12 =	simm.s32 $0x118;
	[sflag:s6] =	ssyncadd.s32 $0xFFFFEC00  }
0xa4: {  	[tilespmem:s25], [sflag:$0x3] =	stream.indirect.gather [hbm4b:s2+s31], $0x80, s12, s31, $0xb8;
	[tilespmem:$0x1F220] =	vst v63  }
0xa5: {  	_ =	swait.ge [sflag:s9], $0x1400  }
0xa6: {  	[sflag:s9] =	ssyncset.done $0x0  }
0xa7: {  	s13 =	simm.s32 $0x2788;
	[sflag:s9] =	ssyncadd.s32 $0xFFFFEC00  }
0xa8: {  	[spmem:s3] =	stream.indirect.scatter.add.f32 [tilespmem:s1], [sflag:$0x7], $0x80, s13, s31, $0xb8;
	[tilespmem:$0x1F220] =	vst v63  }
0xa9: {  	_ =	swait.ge [sflag:s6], $0x1400  }
0xaa: {  	[sflag:s6] =	ssyncset.done $0x0  }
0xab: {  	s12 =	simm.s32 $0x140;
	[sflag:s6] =	ssyncadd.s32 $0xFFFFEC00  }
0xac: {  	[tilespmem:s1], [sflag:$0x4] =	stream.indirect.gather [hbm4b:s2+s31], $0x80, s12, s31, $0xb8;
	[tilespmem:$0x1F220] =	vst v63  }
0xad: {  	_ =	swait.ge [sflag:s10], $0x1400  }
0xae: {  	[sflag:s10] =	ssyncset.done $0x0  }
0xaf: {  	s13 =	simm.s32 $0x27B0;
	[sflag:s10] =	ssyncadd.s32 $0xFFFFEC00  }
0xb0: {  	[spmem:s3] =	stream.indirect.scatter.add.f32 [tilespmem:s5], [sflag:$0x7], $0x80, s13, s31, $0xb8;
	[tilespmem:$0x1F220] =	vst v63  }
0xb1: {  	_ =	swait.ge [sflag:s6], $0x1400  }
0xb2: {  	[sflag:s6] =	ssyncset.done $0x0  }
0xb3: {  	s11 =	simm.s32 $0x320;
	s12 =	simm.s32 $0x168;
	[sflag:s6] =	ssyncadd.s32 $0xFFFFEC00  }
.LBB2_4:
0xb4: {  	[tilespmem:s5], [sflag:$0x5] =	stream.indirect.gather [hbm4b:s2+s31], $0x80, s12, s31, $0xb8;
	[tilespmem:$0x1F220] =	vst v63  }
0xb5: {  	s12 =	smov.u32 s11  }
0xb6: {  	p0 =	sne.s32 s11, $0x9600;
	s11 =	sadd.s32 $0x320, s11;
	_ =	swait.ge [sflag:s28], $0x1400  }
0xb7: {  	s12 =	sshra.s32 s12, $0x2;
	[sflag:s28] =	ssyncset.done $0x0  }
0xb8: {  	s13 =	sadd.s32 $0x2710, s12;
	[sflag:s28] =	ssyncadd.s32 $0xFFFFEC00  }
0xb9: {  	[spmem:s3] =	stream.indirect.scatter.add.f32 [tilespmem:s26], [sflag:$0x7], $0x80, s13, s31, $0xb8;
	[tilespmem:$0x1F220] =	vst v63  }
0xba: {  	_ =	swait.ge [sflag:s6], $0x1400  }
0xbb: {  	[sflag:s6] =	ssyncset.done $0x0  }
0xbc: {  	s13 =	sadd.s32 $0xC8, s12;
	[sflag:s6] =	ssyncadd.s32 $0xFFFFEC00  }
0xbd: {  	[tilespmem:s26], [sflag:$0x1] =	stream.indirect.gather [hbm4b:s2+s31], $0x80, s13, s31, $0xb8;
	[tilespmem:$0x1F220] =	vst v63  }
0xbe: {  	_ =	swait.ge [sflag:s29], $0x1400  }
0xbf: {  	[sflag:s29] =	ssyncset.done $0x0  }
0xc0: {  	s13 =	sadd.s32 $0x2738, s12;
	[sflag:s29] =	ssyncadd.s32 $0xFFFFEC00  }
0xc1: {  	[spmem:s3] =	stream.indirect.scatter.add.f32 [tilespmem:s0], [sflag:$0x7], $0x80, s13, s31, $0xb8;
	[tilespmem:$0x1F220] =	vst v63  }
0xc2: {  	_ =	swait.ge [sflag:s6], $0x1400  }
0xc3: {  	[sflag:s6] =	ssyncset.done $0x0  }
0xc4: {  	s13 =	sadd.s32 $0xF0, s12;
	[sflag:s6] =	ssyncadd.s32 $0xFFFFEC00  }
0xc5: {  	[tilespmem:s0], [sflag:$0x2] =	stream.indirect.gather [hbm4b:s2+s31], $0x80, s13, s31, $0xb8;
	[tilespmem:$0x1F220] =	vst v63  }
0xc6: {  	_ =	swait.ge [sflag:s8], $0x1400  }
0xc7: {  	[sflag:s8] =	ssyncset.done $0x0  }
0xc8: {  	s13 =	sadd.s32 $0x2760, s12;
	[sflag:s8] =	ssyncadd.s32 $0xFFFFEC00  }
0xc9: {  	[spmem:s3] =	stream.indirect.scatter.add.f32 [tilespmem:s25], [sflag:$0x7], $0x80, s13, s31, $0xb8;
	[tilespmem:$0x1F220] =	vst v63  }
0xca: {  	_ =	swait.ge [sflag:s6], $0x1400  }
0xcb: {  	[sflag:s6] =	ssyncset.done $0x0  }
0xcc: {  	s13 =	sadd.s32 $0x118, s12;
	[sflag:s6] =	ssyncadd.s32 $0xFFFFEC00  }
0xcd: {  	[tilespmem:s25], [sflag:$0x3] =	stream.indirect.gather [hbm4b:s2+s31], $0x80, s13, s31, $0xb8;
	[tilespmem:$0x1F220] =	vst v63  }
0xce: {  	_ =	swait.ge [sflag:s9], $0x1400  }
0xcf: {  	[sflag:s9] =	ssyncset.done $0x0  }
0xd0: {  	s13 =	sadd.s32 $0x2788, s12;
	[sflag:s9] =	ssyncadd.s32 $0xFFFFEC00  }
0xd1: {  	[spmem:s3] =	stream.indirect.scatter.add.f32 [tilespmem:s1], [sflag:$0x7], $0x80, s13, s31, $0xb8;
	[tilespmem:$0x1F220] =	vst v63  }
0xd2: {  	_ =	swait.ge [sflag:s6], $0x1400  }
0xd3: {  	[sflag:s6] =	ssyncset.done $0x0  }
0xd4: {  	s13 =	sadd.s32 $0x140, s12;
	[sflag:s6] =	ssyncadd.s32 $0xFFFFEC00  }
0xd5: {  	[tilespmem:s1], [sflag:$0x4] =	stream.indirect.gather [hbm4b:s2+s31], $0x80, s13, s31, $0xb8;
	[tilespmem:$0x1F220] =	vst v63  }
0xd6: {  	_ =	swait.ge [sflag:s10], $0x1400  }
0xd7: {  	[sflag:s10] =	ssyncset.done $0x0  }
.Ltmp1:
0xd8: {  	s13 =	sadd.s32 $0x27B0, s12;
	[sflag:s10] =	ssyncadd.s32 $0xFFFFEC00;
	(pc) =	sbr.rel @p0 .LBB2_4-.Ltmp1, $4  }
0xd9: {  	[spmem:s3] =	stream.indirect.scatter.add.f32 [tilespmem:s5], [sflag:$0x7], $0x80, s13, s31, $0xb8;
	[tilespmem:$0x1F220] =	vst v63  }
0xda: {  	_ =	swait.ge [sflag:s6], $0x1400  }
0xdb: {  	[sflag:s6] =	ssyncset.done $0x0  }
0xdc: {  	s12 =	sadd.s32 $0x168, s12;
	[sflag:s6] =	ssyncadd.s32 $0xFFFFEC00  }
0xdd: {  	[tilespmem:s5], [sflag:$0x5] =	stream.indirect.gather [hbm4b:s2+s31], $0x80, s12, s31, $0xb8;
	[tilespmem:$0x1F220] =	vst v63  }
0xde: {  	_ =	swait.ge [sflag:s28], $0x1400  }
0xdf: {  	[sflag:s28] =	ssyncset.done $0x0  }
0xe0: {  	s11 =	simm.s32 $0x4D58;
	[sflag:s28] =	ssyncadd.s32 $0xFFFFEC00  }
0xe1: {  	[spmem:s3] =	stream.indirect.scatter.add.f32 [tilespmem:s26], [sflag:$0x7], $0x80, s11, s31, $0xb8;
	[tilespmem:$0x1F220] =	vst v63  }
0xe2: {  	_ =	swait.ge [sflag:s6], $0x1400  }
0xe3: {  	[sflag:s6] =	ssyncset.done $0x0  }
0xe4: {  	[sflag:s6] =	ssyncadd.s32 $0xFFFFEC00  }
0xe5: {  	_ =	swait.ge [sflag:s29], $0x1400  }
0xe6: {  	[sflag:s29] =	ssyncset.done $0x0  }
0xe7: {  	s12 =	simm.s32 $0x4D80;
	[sflag:s29] =	ssyncadd.s32 $0xFFFFEC00  }
0xe8: {  	[spmem:s3] =	stream.indirect.scatter.add.f32 [tilespmem:s0], [sflag:$0x7], $0x80, s12, s31, $0xb8;
	[tilespmem:$0x1F220] =	vst v63  }
0xe9: {  	_ =	swait.ge [sflag:s6], $0x1400  }
0xea: {  	[sflag:s6] =	ssyncset.done $0x0  }
0xeb: {  	[sflag:s6] =	ssyncadd.s32 $0xFFFFEC00  }
0xec: {  	_ =	swait.ge [sflag:s8], $0x1400  }
0xed: {  	[sflag:s8] =	ssyncset.done $0x0  }
0xee: {  	s13 =	simm.s32 $0x4DA8;
	[sflag:s8] =	ssyncadd.s32 $0xFFFFEC00  }
0xef: {  	[spmem:s3] =	stream.indirect.scatter.add.f32 [tilespmem:s25], [sflag:$0x7], $0x80, s13, s31, $0xb8;
	[tilespmem:$0x1F220] =	vst v63  }
0xf0: {  	_ =	swait.ge [sflag:s6], $0x1400  }
0xf1: {  	[sflag:s6] =	ssyncset.done $0x0  }
0xf2: {  	[sflag:s6] =	ssyncadd.s32 $0xFFFFEC00  }
0xf3: {  	_ =	swait.ge [sflag:s9], $0x1400  }
0xf4: {  	[sflag:s9] =	ssyncset.done $0x0  }
0xf5: {  	s12 =	simm.s32 $0x4DD0;
	[sflag:s9] =	ssyncadd.s32 $0xFFFFEC00  }
0xf6: {  	[spmem:s3] =	stream.indirect.scatter.add.f32 [tilespmem:s1], [sflag:$0x7], $0x80, s12, s31, $0xb8;
	[tilespmem:$0x1F220] =	vst v63  }
0xf7: {  	_ =	swait.ge [sflag:s6], $0x1400  }
0xf8: {  	[sflag:s6] =	ssyncset.done $0x0  }
0xf9: {  	[sflag:s6] =	ssyncadd.s32 $0xFFFFEC00  }
0xfa: {  	_ =	swait.ge [sflag:s10], $0x1400  }
0xfb: {  	[sflag:s10] =	ssyncset.done $0x0  }
0xfc: {  	s13 =	simm.s32 $0x4DF8;
	[sflag:s10] =	ssyncadd.s32 $0xFFFFEC00  }
0xfd: {  	[spmem:s3] =	stream.indirect.scatter.add.f32 [tilespmem:s5], [sflag:$0x7], $0x80, s13, s31, $0xb8;
	[tilespmem:$0x1F220] =	vst v63  }
0xfe: {  	s12 =	stileid.u32;
	_ =	swait.ge [sflag:s6], $0x1400  }
0xff: {  	s4 =	sadd.s32 $0x1, s4;
	s11 =	sshll.u32 s12, $0x6;
	[sflag:s6] =	ssyncset.done $0x0  }
0x100: {  	p0 =	sne.s32 s4, s24;
	s11 =	sor.u32 $0x1C07, s11;
	[sflag:s6] =	ssyncadd.s32 $0xFFFFEC00  }
.Ltmp2:
0x101: {  	s13 =	sshrl.u32 s7, $0x3;
	[bflag:$0x0] =	sbarrier.arrive $0xFFFF;
	(pc) =	sbr.rel @p0 .LBB2_1-.Ltmp2, $4  }
0x102: {  	[hbm:s23], [sflag:s11] =	dma.local [spmem:s13], $0x2800  }
0x103: {  	_ =	swait.ge [sflag:s6], $0x2800  }
0x104: {  	[sflag:s6] =	ssyncset.done $0x0  }
0x105: {  	[sflag:s6] =	ssyncadd.s32 $0xFFFFD800  }
0x106: {  	_ =	sfence.sel $0x180000  }
0x107: {  	[bflag:$0x0] =	sbarrier.arrive $0xFFFF  }
0x108: {  	_ =	strace $0x90000050  }
0x109: {  	s0 =	stileid.u32;
	[bflag:$0x2] =	sbarrier.arrive $0xFFFF  }
0x10a: {  	p0 =	sne.s32 s0, $0x0;
	s0 =	rddreg [dreg:$0x3]  }
0x10b: {  	s0 =	sadd.s32 @!p0 $0x100000, s0  }
0x10c: {  	[sflag:s0] =	ssyncadd.tile.s32 @!p0 $0x1;
	_ =	shalt  }
.Lfunc_end2:
_tile_overlayer_lowered:
.L_overlay_start_2:
0x10d: {  	(tag) =	ssettag $0x2  }
0x10e: {  	s0 =	rddreg [dreg:$0x0];
	s2 =	stileid.u32  }
0x10f: {  	s1 =	rddreg [dreg:$0x1];
	p0 =	sne.s32 s2, $0x0  }
0x110: {  	s3 =	rddreg [dreg:$0x2];
	[bflag:$0x3] =	sbarrier.arrive $0xFFFF;
	s2 =	simm.s32 @!p0 $0x1C07  }
0x111: {  	[timem:s3], [sflag:s2] =	dma.local @!p0 [hbm:s0], s1  }
0x112: {  	s0 =	simm.s32 @!p0 $0x7  }
0x113: {  	_ =	swait.ge @!p0 [sflag:s0], s1  }
0x114: {  	s1 =	ssub.s32 @!p0 $0x0, s1;
	[sflag:s0] =	ssyncset.done @!p0 $0x0  }
0x115: {  	[sflag:s0] =	ssyncadd.s32 @!p0 s1  }
0x116: {  	[bflag:$0x3] =	sbarrier.arrive $0xFFFF  }
0x117: {  	_ =	shalt  }

// kernel: kernel.9.cloned.1.call-start
scs
__scs_entry_jumppad:
0x0: {  	(pc) =	sbr.rel $0x88, $3  }
0x1: {  	(tag) =	ssettag $0x0;
	lr =	simm.s32 $0x1  }
0x2: {  	[smem:$0x3F99] =	sst lr;
	_ =	strace $0xD0000000  }
0x3: {  	_ = 	snop  }
0x4: {  	_ = 	snop  }
0x5: {  	_ = 	snop  }
0x6: {  	_ = 	snop  }
0x7: {  	_ = 	snop  }
__scs_overlays_trampoline_lowered:
0x8: {  	[smem:$0x3FA8] =	sst s0  }
0x9: {  	[smem:$0x3FA9] =	sst s1  }
0xa: {  	[smem:$0x3FAA] =	sst s2  }
0xb: {  	[smem:$0x3FAB] =	sst s3  }
0xc: {  	[smem:$0x3FAC] =	sst s4  }
0xd: {  	[smem:$0x3FAD] =	sst s5  }
0xe: {  	[smem:$0x3FAE] =	sst s6  }
0xf: {  	[smem:$0x3FAF] =	sst s7  }
0x10: {  	[smem:$0x3FB0] =	sst s8  }
0x11: {  	[smem:$0x3FB1] =	sst s9;
	s0 =	simm.s32 @!p0 $0x0  }
0x12: {  	s1 =	sld [smem:$0x3F97];
	s0 =	simm.s32 @p0 $0x1  }
0x13: {  	[smem:$0x3FB2] =	sst s0;
	s0 =	simm.s32 @!p1 $0x0  }
0x14: {  	s2 =	sld [smem:$0x3F96];
	s0 =	simm.s32 @p1 $0x1  }
0x15: {  	[smem:$0x3FB3] =	sst s0;
	s0 =	simm.s32 @!p2 $0x0  }
0x16: {  	s3 =	sld [smem:$0x3FDB];
	s0 =	simm.s32 @p2 $0x1  }
0x17: {  	s4 =	simm.s32 $0x1BF5;
	[smem:$0x3FB5] =	sst s0  }
0x18: {  	s0 =	sld [smem:$0x3F98];
	_ =	swait.ge [sflag:s4], $0x0  }
0x19: {  	s7 =	sld [smem:$0x3F99]  }
0x1a: {  	s8 =	sadd.s32 $0xFFFFE003, lr  }
0x1b: {  	s9 =	sadd.s32 $0xFFFFFEF7, lr;
	s5 =	simm.s32 $0xFFFFFFFF;
	p2 =	slt.u32 s8, $0xFFFFF086  }
0x1c: {  	p1 =	slt.u32 s9, $0xF7A;
	s5 =	simm.s32 @!p2 $0x0  }
0x1d: {  	s5 =	simm.s32 @p1 $0x1;
	p0 =	seq.s32 s7, s2  }
0x1e: {  	s7 =	smul.u32 @!p0 $0xF7A, s2;
	p2 =	seq.s32 @!p0 s5, $0x0  }
0x1f: {  	s9 =	smul.u32 $0xF7A, s1;
	s8 =	simm.s32 @!p0 $0x1BF5;
	p2 =	por !p2, p0  }
0x20: {  	[sflag:s8] =	ssyncset.s32 @!p0 $0xFFFFF086;
	s6 =	sadd.s32 @!p0 s3, s7;
	s7 =	simm.s32 @!p0 $0x108  }
0x21: {  	s3 =	sadd.s32 s3, s9;
	s6 =	sadd.s32 @!p0 $0x88, s6;
	s7 =	simm.s32 @p2 $0x1082  }
0x22: {  	[simem:s7], [sflag:s8] =	dma.local @!p0 [hbm:s6], $0xF7A  }
0x23: {  	s9 =	sor.u32 $0xD0000000, s2;
	s6 =	simm.s32 $0x108;
	_ =	swait.ge @!p0 [sflag:s8], $0x0  }
0x24: {  	s3 =	sadd.s32 $0x88, s3;
	s6 =	simm.s32 @!p1 $0x1082;
	[sflag:s4] =	ssyncset.s32 $0xFFFFF086  }
0x25: {  	[simem:s6], [sflag:s4] =	dma.local [hbm:s3], $0xF7A  }
0x26: {  	[smem:$0x3F99] =	sst s1;
	(tag) =	ssettag s2;
	_ =	strace s9  }
0x27: {  	s1 =	sld [smem:$0x3FA9]  }
0x28: {  	s2 =	sld [smem:$0x3FAA]  }
0x29: {  	s4 =	sld [smem:$0x3FAC]  }
0x2a: {  	p0 =	seq.s32 s5, $0x0;
	s5 =	sld [smem:$0x3FAD]  }
0x2b: {  	s6 =	sld [smem:$0x3FAE]  }
0x2c: {  	s7 =	sld [smem:$0x3FAF]  }
0x2d: {  	s3 =	simm.s32 $0x108;
	s8 =	sld [smem:$0x3FB0]  }
0x2e: {  	s3 =	simm.s32 @!p0 $0x1082;
	s9 =	sld [smem:$0x3FB1]  }
0x2f: {  	lr =	sadd.s32 s0, s3;
	s0 =	sld [smem:$0x3FA8]  }
0x30: {  	s3 =	sld [smem:$0x3FAB]  }
0x31: {  	[smem:$0x3FB4] =	sst s10  }
0x32: {  	s10 =	sld [smem:$0x3FB2];
	_ =	sdelay $0x3  }
0x33: {  	p0 =	seq.s32 s10, $0x1;
	s10 =	sld [smem:$0x3FB4];
	_ =	sdelay $0x3  }
0x34: {  	[smem:$0x3FB4] =	sst s10  }
0x35: {  	s10 =	sld [smem:$0x3FB3];
	_ =	sdelay $0x3  }
0x36: {  	p1 =	seq.s32 s10, $0x1;
	s10 =	sld [smem:$0x3FB4];
	_ =	sdelay $0x3  }
0x37: {  	[smem:$0x3FB4] =	sst s10  }
0x38: {  	s10 =	sld [smem:$0x3FB5]  }
0x39: {  	_ = 	snop;
	(pc) =	sbr.ind lr, $3  }
0x3a: {  	_ = 	snop  }
0x3b: {  	_ = 	snop  }
0x3c: {  	p2 =	seq.s32 s10, $0x1;
	s10 =	sld [smem:$0x3FB4]  }
0x3d: {  	_ =	shalt  }
0x3e: {  	_ =	shalt  }
0x3f: {  	_ =	shalt  }
0x40: {  	_ =	shalt  }
0x41: {  	_ =	shalt  }
0x42: {  	_ =	shalt  }
0x43: {  	_ =	shalt  }
0x44: {  	_ =	shalt  }
0x45: {  	_ =	shalt  }
0x46: {  	_ =	shalt  }
0x47: {  	_ =	shalt  }
0x48: {  	_ =	shalt  }
0x49: {  	_ =	shalt  }
0x4a: {  	_ =	shalt  }
0x4b: {  	_ =	shalt  }
0x4c: {  	_ =	shalt  }
0x4d: {  	_ =	shalt  }
0x4e: {  	_ =	shalt  }
0x4f: {  	_ =	shalt  }
0x50: {  	_ =	shalt  }
0x51: {  	_ =	shalt  }
0x52: {  	_ =	shalt  }
0x53: {  	_ =	shalt  }
0x54: {  	_ =	shalt  }
0x55: {  	_ =	shalt  }
0x56: {  	_ =	shalt  }
0x57: {  	_ =	shalt  }
0x58: {  	_ =	shalt  }
0x59: {  	_ =	shalt  }
0x5a: {  	_ =	shalt  }
0x5b: {  	_ =	shalt  }
0x5c: {  	_ =	shalt  }
0x5d: {  	_ =	shalt  }
0x5e: {  	_ =	shalt  }
0x5f: {  	_ =	shalt  }
0x60: {  	_ =	shalt  }
0x61: {  	_ =	shalt  }
0x62: {  	_ =	shalt  }
0x63: {  	_ =	shalt  }
0x64: {  	_ =	shalt  }
0x65: {  	_ =	shalt  }
0x66: {  	_ =	shalt  }
0x67: {  	_ =	shalt  }
0x68: {  	_ =	shalt  }
0x69: {  	_ =	shalt  }
0x6a: {  	_ =	shalt  }
0x6b: {  	_ =	shalt  }
0x6c: {  	_ =	shalt  }
0x6d: {  	_ =	shalt  }
0x6e: {  	_ =	shalt  }
0x6f: {  	_ =	shalt  }
0x70: {  	_ =	shalt  }
0x71: {  	_ =	shalt  }
0x72: {  	_ =	shalt  }
0x73: {  	_ =	shalt  }
0x74: {  	_ =	shalt  }
0x75: {  	_ =	shalt  }
0x76: {  	_ =	shalt  }
0x77: {  	_ =	shalt  }
0x78: {  	_ =	shalt  }
0x79: {  	_ =	shalt  }
0x7a: {  	_ =	shalt  }
0x7b: {  	_ =	shalt  }
0x7c: {  	_ =	shalt  }
0x7d: {  	_ =	shalt  }
0x7e: {  	_ =	shalt  }
0x7f: {  	_ =	shalt  }
0x80: {  	_ =	shalt  }
0x81: {  	_ =	shalt  }
0x82: {  	_ =	shalt  }
0x83: {  	_ =	shalt  }
0x84: {  	_ =	shalt  }
0x85: {  	_ =	shalt  }
0x86: {  	_ =	shalt  }
0x87: {  	_ =	shalt  }
.Lfunc_end0:
.L_simem_size_0:
called_computation_lowered:
.L_overlay_start_0:
0x88: {  	s2 =	sld [smem:$0x3FD9]  }
0x89: {  	s3 =	sld [smem:$0x3FFE];
	_ =	sdelay $0x1  }
0x8a: {  	s1 =	srdreg.scid  }
0x8b: {  	s0 =	sand.u32 $0x1, s1  }
0x8c: {  	s17 =	sshll.u32 s0, $0xA;
	s2 =	sadd.s32 s3, s2  }
0x8d: {  	s2 =	sadd.s32 s2, s17  }
0x8e: {  	[smem:$0x3FC0] =	sst s2  }
0x8f: {  	_ = 	snop  }
0x90: {  	s2 =	sld [smem:$0x3FD0];
	(tm) =	ssettm $0x1  }
0x91: {  	s18 =	sld [smem:$0x3FFB];
	_ =	sdelay $0x3  }
0x92: {  	_ =	strace s18  }
0x93: {  	s3 =	sld [smem:$0x3FFC];
	_ =	sdelay $0x3  }
0x94: {  	_ =	strace s3  }
0x95: {  	s3 =	sld [smem:$0x3FFD];
	_ =	sdelay $0x3  }
0x96: {  	_ =	strace s3  }
0x97: {  	_ =	strace $0x8FFFFFFF  }
0x98: {  	s19 =	sld [smem:$0x3FDB];
	_ =	sdelay $0x1  }
0x99: {  	s4 =	simm.s32 $_scs_section_size  }
0x9a: {  	s5 =	simm.s32 $_size__tile_overlayer_lowered;
	s6 =	simm.s32 $_tile_overlayer_lowered  }
0x9b: {  	s22 =	simm.s32 $0x1BFF;
	s21 =	sshll.u32 s6, $0x1;
	s3 =	sadd.s32 s4, s19  }
0x9c: {  	s7 =	simm.s32 $0x0;
	s20 =	sshll.u32 s5, $0x1;
	s5 =	sadd.s32 s21, s3  }
0x9d: {  	[timem:s7], [sflag:s22] =	dma.local [hbm:s5], s20  }
0x9e: {  	_ =	swait.ge [sflag:s22], s20  }
0x9f: {  	s4 =	ssub.s32 $0x0, s20;
	[sflag:s22] =	ssyncset.done $0x0  }
0xa0: {  	[sflag:s22] =	ssyncadd.s32 s4;
	_ =	sdelay $0x1  }
0xa1: {  	s23 =	simm.s32 $0x1B8B  }
0xa2: {  	_ =	swait.ge [sflag:s23], $0x1  }
0xa3: {  	[sflag:s23] =	ssyncset.done $0x0  }
0xa4: {  	s25 =	simm.s32 $0x1B8E;
	s24 =	sld [smem:$0x3FFE];
	[sflag:s23] =	ssyncadd.s32 $0xFFFFFFFF  }
0xa5: {  	s26 =	simm.s32 $execute0_lowered;
	[smem:$0x3FD2] =	sst s25  }
0xa6: {  	s5 =	sshll.u32 s26, $0x1;
	_ =	strace $0x80000046;
	[dreg:$0x1] =	wrdreg $0xFFFFFFFF  }
0xa7: {  	s28 =	simm.s32 $_size_execute0_lowered;
	s3 =	sadd.s32 s3, s5;
	[dreg:$0x0] =	wrdreg $0x0  }
0xa8: {  	s5 =	sshll.u32 s28, $0x1;
	[dreg:$0x2] =	wrdreg s3  }
0xa9: {  	[dreg:$0x3] =	wrdreg s5  }
0xaa: {  	[dreg:$0x4] =	wrdreg $0xC0  }
0xab: {  	_ =	task [dreg:s7], $0x5FFFF  }
0xac: {  	[dreg:$0x1] =	wrdreg $0xFFFFFFFF  }
0xad: {  	[dreg:$0x0] =	wrdreg $0x60  }
0xae: {  	[dreg:$0x2] =	wrdreg s24  }
0xaf: {  	[dreg:$0x3] =	wrdreg s2  }
0xb0: {  	[dreg:$0x4] =	wrdreg $0x2C100  }
0xb1: {  	[dreg:$0x5] =	wrdreg $0x9  }
0xb2: {  	_ =	task.clear_ibuf [dreg:s7], $0x6FFFF;
	_ =	strace $0x90000046  }
0xb3: {  	s29 =	simm.s32 $0x9;
	_ =	strace $0x80000048  }
0xb4: {  	_ =	swait.ge [sflag:s29], $0x1  }
0xb5: {  	[sflag:s29] =	ssyncadd.s32 $0xFFFFFFFF  }
0xb6: {  	_ =	strace $0x90000048  }
0xb7: {  	_ =	sfence  }
0xb8: {  	s30 =	sld [smem:$0x0];
	_ =	sdelay $0x2  }
0xb9: {  	s31 =	sshll.u32 s1, $0xD;
	s1 =	sshrl.u32 s1, $0x2  }
0xba: {  	s3 =	sand.u32 $0x4000, s31;
	s1 =	sadd.s32 s1, s30  }
0xbb: {  	s0 =	sor.u32 s3, s0;
	s1 =	sshll.u32 s1, $0x11  }
0xbc: {  	s0 =	sor.u32 s1, s0  }
0xbd: {  	s0 =	sadd.s32 $0x8F2B, s0  }
0xbe: {  	[sflag:s0] =	ssyncadd.remote.s32 $0x1  }
0xbf: {  	_ =	sfence.sel $0xFFFF  }
0xc0: {  	[dreg:$0x0] =	wrdreg $0xFFFFFFFF;
	(pc) =	sbr.abs _section_cstart, $3  }
0xc1: {  	[dreg:$0x1] =	wrdreg $0xFFFFFFFF  }
0xc2: {  	_ =	task.clear_ibuf [dreg:s7], $0x2FFFF;
	_ =	strace $0x9FFFFFFF  }
0xc3: {  	(tm) =	ssettm $0x7FFFFFFF  }
tec
execute0_lowered:
.L_overlay_start_1:
0x0: {  	(tag) =	ssettag $0x1  }
0x1: {  	s4 =	rddreg [dreg:$0x0]  }
0x2: {  	s13 =	rddreg [dreg:$0x1]  }
0x3: {  	s0 =	srdreg.scid;
	s2 =	rddreg [dreg:$0x2]  }
0x4: {  	s3 =	simm.s32 $0x0;
	s16 =	simm.s32 $0x2710;
	s17 =	simm.s32 $0x50  }
0x5: {  	s18 =	simm.s32 $0x1;
	s5 =	sand.u32 $0x1, s0;
	s0 =	stileid.u32  }
0x6: {  	s21 =	simm.s32 $0x0;
	[smem:$0x7FF] =	sst s3;
	s7 =	smul.u32 $0xA000, s0  }
0x7: {  	s1 =	sshll.u32 s5, $0x4;
	s31 =	ssub.s32 $0x2, s5;
	s9 =	smul.u32 $0x2800, s0  }
0x8: {  	s10 =	smul.u32 $0x28000, s5;
	s19 =	sshll.u32 s0, $0x6;
	s6 =	sor.u32 s0, s1  }
0x9: {  	s1 =	rddreg [dreg:$0x3];
	_ =	strace $0x80000047;
	s8 =	sshrl.u32 s31, $0x1  }
0xa: {  	s19 =	sor.u32 $0x1C02, s19;
	s6 =	smul.u32 $0x4E2, s6;
	s7 =	sshrl.u32 s7, $0x2  }
0xb: {  	s14 =	ssub.s32 s31, s8;
	s5 =	sadd.s32 s9, s2;
	s11 =	sadd.s32 s9, s10  }
0xc: {  	s12 =	sadd.s32 s7, s2;
	s15 =	sshrl.u32 s11, $0x3;
	s14 =	smax.u32 s14, $0x1  }
0xd: {  	s20 =	sshrl.u32 s5, $0x3;
	s4 =	sadd.s32 s6, s4;
	s6 =	sadd.s32 $0x500, s12  }
0xe: {  	s7 =	sadd.s32 $0xA00, s12;
	s8 =	sadd.s32 $0xF00, s12;
	s9 =	sadd.s32 $0x1400, s12  }
0xf: {  	s10 =	sadd.s32 $0x1900, s12;
	s11 =	sadd.s32 $0x1E00, s12;
	s12 =	sadd.s32 $0x2300, s12  }
0x10: {  	v0 =	vimm.f32 $0.0e+00;
	v1 =	vimm.f32 $1.000000000e+00;
	s13 =	sadd.s32 s13, s15;
	s15 =	simm.s32 $0x2;
	s4 =	sadd.s32 $0x3600, s4  }
.LBB2_1:
0x11: {  	[tilespmem:s3], [sflag:$0x2] =	stream.linear.gather [hbm4b:s4+s3], $0x2710, $0x38;
	[tilespmem:$0x5410] =	vst v63  }
0x12: {  	_ =	swait.ge [sflag:s15], $0x2710  }
0x13: {  	[sflag:s15] =	ssyncset.done $0x0  }
0x14: {  	s22 =	simm.s32 $0x40;
	s23 =	simm.s32 $0x0;
	[sflag:s15] =	ssyncadd.s32 $0xFFFFD8F0  }
.LBB2_2:
0x15: {  	p0 =	sne.s32 s22, $0x13C0;
	[tilespmem:s23+$0x2710] =	vst v0;
	s23 =	smov.u32 s22;
	s22 =	sadd.s32 $0x40, s22  }
.Ltmp0:
0x16: {  	(pc) =	sbr.rel @p0 .LBB2_2-.Ltmp0, $2  }
0x17: {  	_ =	sdelay $0x2  }
0x18: {  	s23 =	sshra.s32 s23, $0x2  }
0x19: {  	[tilespmem:s23+$0x2710] =	vst v0  }
0x1a: {  	[spmem:s5] =	stream.linear.scatter [tilespmem:s16], [sflag:$0x2], $0x500, $0x38;
	[tilespmem:$0x5410] =	vst v63  }
0x1b: {  	_ =	swait.ge [sflag:s15], $0x500  }
0x1c: {  	[sflag:s15] =	ssyncset.done $0x0  }
0x1d: {  	[sflag:s15] =	ssyncadd.s32 $0xFFFFFB00  }
0x1e: {  	[spmem:s6] =	stream.linear.scatter [tilespmem:s16], [sflag:$0x2], $0x500, $0x38;
	[tilespmem:$0x5410] =	vst v63  }
0x1f: {  	_ =	swait.ge [sflag:s15], $0x500  }
0x20: {  	[sflag:s15] =	ssyncset.done $0x0  }
0x21: {  	[sflag:s15] =	ssyncadd.s32 $0xFFFFFB00  }
0x22: {  	[spmem:s7] =	stream.linear.scatter [tilespmem:s16], [sflag:$0x2], $0x500, $0x38;
	[tilespmem:$0x5410] =	vst v63  }
0x23: {  	_ =	swait.ge [sflag:s15], $0x500  }
0x24: {  	[sflag:s15] =	ssyncset.done $0x0  }
0x25: {  	[sflag:s15] =	ssyncadd.s32 $0xFFFFFB00  }
0x26: {  	[spmem:s8] =	stream.linear.scatter [tilespmem:s16], [sflag:$0x2], $0x500, $0x38;
	[tilespmem:$0x5410] =	vst v63  }
0x27: {  	_ =	swait.ge [sflag:s15], $0x500  }
0x28: {  	[sflag:s15] =	ssyncset.done $0x0  }
0x29: {  	[sflag:s15] =	ssyncadd.s32 $0xFFFFFB00  }
0x2a: {  	[spmem:s9] =	stream.linear.scatter [tilespmem:s16], [sflag:$0x2], $0x500, $0x38;
	[tilespmem:$0x5410] =	vst v63  }
0x2b: {  	_ =	swait.ge [sflag:s15], $0x500  }
0x2c: {  	[sflag:s15] =	ssyncset.done $0x0  }
0x2d: {  	[sflag:s15] =	ssyncadd.s32 $0xFFFFFB00  }
0x2e: {  	[spmem:s10] =	stream.linear.scatter [tilespmem:s16], [sflag:$0x2], $0x500, $0x38;
	[tilespmem:$0x5410] =	vst v63  }
0x2f: {  	_ =	swait.ge [sflag:s15], $0x500  }
0x30: {  	[sflag:s15] =	ssyncset.done $0x0  }
0x31: {  	[sflag:s15] =	ssyncadd.s32 $0xFFFFFB00  }
0x32: {  	[spmem:s11] =	stream.linear.scatter [tilespmem:s16], [sflag:$0x2], $0x500, $0x38;
	[tilespmem:$0x5410] =	vst v63  }
0x33: {  	_ =	swait.ge [sflag:s15], $0x500  }
0x34: {  	[sflag:s15] =	ssyncset.done $0x0  }
0x35: {  	[sflag:s15] =	ssyncadd.s32 $0xFFFFFB00  }
0x36: {  	[spmem:s12] =	stream.linear.scatter [tilespmem:s16], [sflag:$0x2], $0x500, $0x38;
	[tilespmem:$0x5410] =	vst v63  }
0x37: {  	_ =	swait.ge [sflag:s15], $0x500  }
0x38: {  	[sflag:s15] =	ssyncset.done $0x0  }
0x39: {  	s22 =	simm.s32 $0x40;
	s23 =	simm.s32 $0x0;
	[sflag:s15] =	ssyncadd.s32 $0xFFFFFB00  }
.LBB2_4:
0x3a: {  	p0 =	sne.s32 s22, $0x13C0;
	[tilespmem:s23+$0x2710] =	vst v1;
	s23 =	smov.u32 s22;
	s22 =	sadd.s32 $0x40, s22  }
.Ltmp1:
0x3b: {  	(pc) =	sbr.rel @p0 .LBB2_4-.Ltmp1, $2  }
0x3c: {  	_ =	sdelay $0x2  }
0x3d: {  	s23 =	sshra.s32 s23, $0x2  }
0x3e: {  	[tilespmem:s23+$0x2710] =	vst v1  }
0x3f: {  	s22 =	simm.s32 $0x0;
	[bflag:$0x0] =	sbarrier.arrive $0xFFFF  }
.LBB2_6:
0x40: {  	p0 =	sne.s32 s22, $0x9B00  }
.Ltmp2:
0x41: {  	_ = 	snop;
	(pc) =	sbr.rel @p0 .LBB2_6-.Ltmp2, $3  }
0x42: {  	_ =	sdelay $0x1  }
0x43: {  	s23 =	sshra.s32 s22, $0x2;
	s22 =	sadd.s32 $0x140, s22  }
0x44: {  	[spmem:s2] =	stream.indirect.scatter.add.f32 [tilespmem:s16], [sflag:$0x1], $0x10, s23, s17, $0xb8;
	[tilespmem:$0x5410] =	vst v63  }
0x45: {  	_ =	swait.ge [sflag:s18], $0x500  }
0x46: {  	s22 =	simm.s32 $0x7C;
	[sflag:s18] =	ssyncset.done $0x0  }
.LBB2_8:
0x47: {  	p0 =	sne.s32 s22, $0x1;
	s22 =	sadd.s32 $0xFFFFFFFF, s22;
	[sflag:s18] =	ssyncadd.s32 $0xFFFFFB00  }
.Ltmp3:
0x48: {  	(pc) =	sbr.rel @p0 .LBB2_8-.Ltmp3, $3  }
0x49: {  	_ =	sdelay $0x1  }
0x4a: {  	_ =	swait.ge [sflag:s18], $0x500  }
0x4b: {  	[sflag:s18] =	ssyncset.done $0x0  }
0x4c: {  	s21 =	sadd.s32 $0x1, s21  }
0x4d: {  	[sflag:s18] =	ssyncadd.s32 $0xFFFFFB00;
	p0 =	sne.s32 s21, s14  }
.Ltmp4:
0x4e: {  	[bflag:$0x0] =	sbarrier.arrive $0xFFFF;
	(pc) =	sbr.rel @p0 .LBB2_1-.Ltmp4, $4  }
0x4f: {  	[hbm:s13], [sflag:s19] =	dma.local [spmem:s20], $0x500  }
0x50: {  	_ =	swait.ge [sflag:s15], $0x500  }
0x51: {  	[sflag:s15] =	ssyncset.done $0x0  }
0x52: {  	[sflag:s15] =	ssyncadd.s32 $0xFFFFFB00  }
0x53: {  	_ =	sfence.sel $0x180000  }
0x54: {  	[bflag:$0x0] =	sbarrier.arrive $0xFFFF  }
0x55: {  	p0 =	sne.s32 s0, $0x0;
	_ =	strace $0x90000047  }
0x56: {  	s0 =	sadd.s32 @!p0 $0x100000, s1;
	[bflag:$0x2] =	sbarrier.arrive $0xFFFF  }
0x57: {  	[sflag:s0] =	ssyncadd.tile.s32 @!p0 $0x1;
	_ =	shalt  }
.Lfunc_end2:
_tile_overlayer_lowered:
.L_overlay_start_2:
0x58: {  	(tag) =	ssettag $0x2  }
0x59: {  	s0 =	rddreg [dreg:$0x0];
	s2 =	stileid.u32  }
0x5a: {  	s1 =	rddreg [dreg:$0x1];
	p0 =	sne.s32 s2, $0x0  }
0x5b: {  	s3 =	rddreg [dreg:$0x2];
	[bflag:$0x3] =	sbarrier.arrive $0xFFFF;
	s2 =	simm.s32 @!p0 $0x1C02  }
0x5c: {  	[timem:s3], [sflag:s2] =	dma.local @!p0 [hbm:s0], s1  }
0x5d: {  	s0 =	simm.s32 @!p0 $0x2  }
0x5e: {  	_ =	swait.ge @!p0 [sflag:s0], s1  }
0x5f: {  	s1 =	ssub.s32 @!p0 $0x0, s1;
	[sflag:s0] =	ssyncset.done @!p0 $0x0  }
0x60: {  	[sflag:s0] =	ssyncadd.s32 @!p0 s1  }
0x61: {  	[bflag:$0x3] =	sbarrier.arrive $0xFFFF  }
0x62: {  	_ =	shalt  }

</sc_bundles>
